<compile_context>
chip_gen: v7x
topology: tpu7x:2x2x1
jax: 0.10.2.dev20260603
libtpu: 0.0.44.dev20260713+nightly
codegen_flags: <defaults>
</compile_context>

<pallas_src>
import jax
import jax.numpy as jnp
from jax import lax
from jax.experimental import pallas as pl
from jax.experimental.pallas import tpu as pltpu
from jax.experimental.pallas import tpu_sc as plsc

EPS_ = 1e-12

N_ROWS = 4096
N_COLS = 1000
NC = 2
NS = 16
NW = NC * NS
ROWS_PER_W = N_ROWS // NW
GROUPS = ROWS_PER_W // 16
NSTRIPE = 8
STRIPE = N_COLS // NSTRIPE
PITCH = 1009


def _insert3(t1, t2, t3, v):
    lo = jnp.minimum(t1, v)
    t1 = jnp.maximum(t1, v)
    lo2 = jnp.minimum(t2, lo)
    t2 = jnp.maximum(t2, lo)
    t3 = jnp.maximum(t3, lo2)
    return t1, t2, t3


def _redlr_body(x_hbm, y_hbm, out_hbm, xb0, xb1, yv, ov, sem0, sem1):
    wid = lax.axis_index("s") * NC + lax.axis_index("c")
    base = wid * ROWS_PER_W

    pltpu.sync_copy(y_hbm.at[pl.ds(base, ROWS_PER_W)], yv)

    bufs = [xb0, xb1]
    sems = [sem0, sem1]
    cps = [None, None]
    cps[0] = pltpu.async_copy(x_hbm.at[pl.ds(base, 16), :],
                              xb0.at[:, pl.ds(0, N_COLS)], sem0)

    row_iota = lax.iota(jnp.int32, 16)
    zero16 = jnp.zeros((16,), jnp.int32)
    neg = jnp.full((16,), -jnp.inf, jnp.float32)

    for g in range(GROUPS):
        b = g % 2
        if g + 1 < GROUPS:
            nb = (g + 1) % 2
            cps[nb] = pltpu.async_copy(
                x_hbm.at[pl.ds(base + (g + 1) * 16, 16), :],
                bufs[nb].at[:, pl.ds(0, N_COLS)], sems[nb])
        cps[b].wait()
        xb = bufs[b]

        def col_body(c, carry, xb=xb):
            ts = list(carry[:-1])
            colv = carry[-1]
            for k in range(NSTRIPE):
                idx = colv + jnp.int32(k * STRIPE) if k else colv
                v = plsc.load_gather(xb, [row_iota, idx])
                i0 = 3 * k
                ts[i0], ts[i0 + 1], ts[i0 + 2] = _insert3(
                    ts[i0], ts[i0 + 1], ts[i0 + 2], v)
            return (*ts, colv + jnp.int32(1))

        init = tuple([neg] * (3 * NSTRIPE)) + (zero16,)
        res = lax.fori_loop(0, STRIPE, col_body, init)

        t1, t2, t3 = res[0], res[1], res[2]
        for k in range(1, NSTRIPE):
            for j in range(3):
                t1, t2, t3 = _insert3(t1, t2, t3, res[3 * k + j])

        ylane = yv[pl.ds(g * 16, 16)]
        xy = plsc.load_gather(xb, [row_iota, ylane])
        indf = jnp.where(xy == t1, jnp.float32(1.0), jnp.float32(0.0))
        out = -(xy - t2) / (t1 - t3 + jnp.float32(EPS_)) * indf
        ov[pl.ds(g * 16, 16)] = out

    pltpu.sync_copy(ov, out_hbm.at[pl.ds(base, ROWS_PER_W)])


@jax.jit
def _redlr(x, y):
    mesh = plsc.VectorSubcoreMesh(core_axis_name="c", subcore_axis_name="s")
    return pl.kernel(
        _redlr_body,
        mesh=mesh,
        compiler_params=pltpu.CompilerParams(
            use_tc_tiling_on_sc=False, needs_layout_passes=False),
        out_type=jax.ShapeDtypeStruct((N_ROWS,), jnp.float32),
        scratch_types=[
            pltpu.VMEM((16, PITCH), jnp.float32),
            pltpu.VMEM((16, PITCH), jnp.float32),
            pltpu.VMEM((ROWS_PER_W,), jnp.int32),
            pltpu.VMEM((ROWS_PER_W,), jnp.float32),
            pltpu.SemaphoreType.DMA,
            pltpu.SemaphoreType.DMA,
        ],
    )(x, y)


def kernel(x, y):
    return _redlr(x, y.astype(jnp.int32))

# --- scband reference (transcript-rebuilt; emitter-appended) ---
"""Pipeline reference for scband-re-dlr-63196148793505 (READ-ONLY COPY).

The authoritative reference and input builder live on the scoring server;
editing this copy changes nothing except your own understanding.
"""

import jax, jax.numpy as jnp
import numpy as np

EPS = 1e-12

def setup_inputs(seed: int = 0) -> dict:
    key = jax.random.key(seed)
    k1, k2 = jax.random.split(key)
    x = jax.random.normal(k1, (4096, 1000), dtype=jnp.float32)
    y = jax.random.randint(k2, (4096,), 0, 1000, dtype=jnp.int64 if jax.config.jax_enable_x64 else jnp.int32)
    return {"x": x, "y": y}

def reference(x, y):
    # ReDLR loss: relative difference of logit rankings
    ind_sorted = jnp.argsort(x, axis=1)
    x_sorted = jnp.take_along_axis(x, ind_sorted, axis=1)
    ind = (ind_sorted[:, -1] == y).astype(x.dtype)
    u = jnp.arange(x.shape[0])
    return -(x[u, y] - x_sorted[:, -2]) / (x_sorted[:, -1] - x_sorted[:, -3] + EPS) * ind

if __name__ == "__main__":
    import jax
    _d = setup_inputs()
    print(jax.jit(kernel)(*tuple(_d.values())))

</pallas_src>

<mosaic_0001>
#map = affine_map<(d0, d1) -> (0, 0)>
#map1 = affine_map<(d0, d1) -> (0)>
module attributes {stable_mosaic.version = 14 : i64} {
  func.func @_redlr_body(%arg0: i32, %arg1: i32, %arg2: memref<4096x1000xf32, #tpu.memory_space<hbm>>, %arg3: memref<4096xi32, #tpu.memory_space<hbm>>, %arg4: memref<4096xf32, #tpu.memory_space<hbm>>, %arg5: memref<16x1009xf32, #tpu.memory_space<vmem>>, %arg6: memref<16x1009xf32, #tpu.memory_space<vmem>>, %arg7: memref<128xi32, #tpu.memory_space<vmem>>, %arg8: memref<128xf32, #tpu.memory_space<vmem>>, %arg9: memref<!tpu.dma_semaphore, #tpu.memory_space<semaphore_mem>>, %arg10: memref<!tpu.dma_semaphore, #tpu.memory_space<semaphore_mem>>) attributes {dimension_semantics = [#tpu.dimension_semantics<core_parallel>, #tpu.dimension_semantics<subcore_parallel>], iteration_bounds = array<i64: 2, 16>, scalar_prefetch = 0 : i64, scratch_operands = 6 : i64, tpu.core_type = #tpu.core_type<sc_vector_subcore>, window_params = [{transform_indices = #map}, {transform_indices = #map1}, {transform_indices = #map1}]} {
    %mul3A = arith.constant 2 : i32
    %mul3A_0 = arith.muli %arg1, %mul3A : i32
    %add3A = arith.addi %mul3A_0, %arg0 : i32
    %mul3A_1 = arith.constant 128 : i32
    %mul3A_2 = arith.muli %add3A, %mul3A_1 : i32
    "tpu.region"() ({
      %run_scoped3A = tpu.sem_alloc : memref<!tpu.dma_semaphore, #tpu.memory_space<semaphore_mem>>
      %dma_start3A_1222 = tpu.memref_slice %arg3[%mul3A_2] : memref<4096xi32, #tpu.memory_space<hbm>> -> memref<128xi32, #tpu.memory_space<hbm>>
      %dma_start3A_1223 = tpu.memref_slice %arg3[%mul3A_2] : memref<4096xi32, #tpu.memory_space<hbm>> -> memref<128xi32, #tpu.memory_space<hbm>>
      tpu.enqueue_dma source(%dma_start3A_1223 : memref<128xi32, #tpu.memory_space<hbm>>) target(%arg7 : memref<128xi32, #tpu.memory_space<vmem>>) target_semaphore(%run_scoped3A : memref<!tpu.dma_semaphore, #tpu.memory_space<semaphore_mem>>)
      %dma_wait3A_1224 = tpu.memref_slice %arg3[%mul3A_2] : memref<4096xi32, #tpu.memory_space<hbm>> -> memref<128xi32, #tpu.memory_space<hbm>>
      %dma_wait3A_1225 = tpu.memref_slice %arg3[%mul3A_2] : memref<4096xi32, #tpu.memory_space<hbm>> -> memref<128xi32, #tpu.memory_space<hbm>>
      tpu.wait_dma2 semaphore(%run_scoped3A : memref<!tpu.dma_semaphore, #tpu.memory_space<semaphore_mem>>) src(%dma_wait3A_1225 : memref<128xi32, #tpu.memory_space<hbm>>) dst(%arg7 : memref<128xi32, #tpu.memory_space<vmem>>)
      tpu.yield
    }) : () -> ()
    %dma_start3A = arith.constant 0 : i32
    %dma_start3A_3 = arith.constant 0 : i32
    %dma_start3A_4 = tpu.memref_slice %arg5[%dma_start3A, %dma_start3A_3] : memref<16x1009xf32, #tpu.memory_space<vmem>> -> memref<16x1000xf32, #tpu.memory_space<vmem>>
    %dma_start3A_5 = arith.constant 0 : i32
    %dma_start3A_6 = tpu.memref_slice %arg2[%mul3A_2, %dma_start3A_5] : memref<4096x1000xf32, #tpu.memory_space<hbm>> -> memref<16x1000xf32, #tpu.memory_space<hbm>>
    %dma_start3A_7 = arith.constant 0 : i32
    %dma_start3A_8 = arith.constant 0 : i32
    %dma_start3A_9 = tpu.memref_slice %arg5[%dma_start3A_7, %dma_start3A_8] : memref<16x1009xf32, #tpu.memory_space<vmem>> -> memref<16x1000xf32, #tpu.memory_space<vmem>>
    %dma_start3A_10 = arith.constant 0 : i32
    %dma_start3A_11 = tpu.memref_slice %arg2[%mul3A_2, %dma_start3A_10] : memref<4096x1000xf32, #tpu.memory_space<hbm>> -> memref<16x1000xf32, #tpu.memory_space<hbm>>
    tpu.enqueue_dma source(%dma_start3A_11 : memref<16x1000xf32, #tpu.memory_space<hbm>>) target(%dma_start3A_9 : memref<16x1000xf32, #tpu.memory_space<vmem>>) target_semaphore(%arg9 : memref<!tpu.dma_semaphore, #tpu.memory_space<semaphore_mem>>)
    %iota3A = tpu.iota {dimensions = array<i32: 0>} : vector<16xi32>
    %broadcast_in_dim3A = arith.constant 0 : i32
    %broadcast_in_dim3A_12 = vector.broadcast %broadcast_in_dim3A : i32 to vector<16xi32>
    %broadcast_in_dim3A_13 = arith.constant 0xFF800000 : f32
    %broadcast_in_dim3A_14 = vector.broadcast %broadcast_in_dim3A_13 : f32 to vector<16xf32>
    %add3A_15 = arith.constant 16 : i32
    %add3A_16 = arith.addi %mul3A_2, %add3A_15 : i32
    %dma_start3A_17 = arith.constant 0 : i32
    %dma_start3A_18 = arith.constant 0 : i32
    %dma_start3A_19 = tpu.memref_slice %arg6[%dma_start3A_17, %dma_start3A_18] : memref<16x1009xf32, #tpu.memory_space<vmem>> -> memref<16x1000xf32, #tpu.memory_space<vmem>>
    %dma_start3A_20 = arith.constant 0 : i32
    %dma_start3A_21 = tpu.memref_slice %arg2[%add3A_16, %dma_start3A_20] : memref<4096x1000xf32, #tpu.memory_space<hbm>> -> memref<16x1000xf32, #tpu.memory_space<hbm>>
    %dma_start3A_22 = arith.constant 0 : i32
    %dma_start3A_23 = arith.constant 0 : i32
    %dma_start3A_24 = tpu.memref_slice %arg6[%dma_start3A_22, %dma_start3A_23] : memref<16x1009xf32, #tpu.memory_space<vmem>> -> memref<16x1000xf32, #tpu.memory_space<vmem>>
    %dma_start3A_25 = arith.constant 0 : i32
    %dma_start3A_26 = tpu.memref_slice %arg2[%add3A_16, %dma_start3A_25] : memref<4096x1000xf32, #tpu.memory_space<hbm>> -> memref<16x1000xf32, #tpu.memory_space<hbm>>
    tpu.enqueue_dma source(%dma_start3A_26 : memref<16x1000xf32, #tpu.memory_space<hbm>>) target(%dma_start3A_24 : memref<16x1000xf32, #tpu.memory_space<vmem>>) target_semaphore(%arg10 : memref<!tpu.dma_semaphore, #tpu.memory_space<semaphore_mem>>)
    %dma_wait3A = arith.constant 0 : i32
    %dma_wait3A_27 = arith.constant 0 : i32
    %dma_wait3A_28 = tpu.memref_slice %arg5[%dma_wait3A, %dma_wait3A_27] : memref<16x1009xf32, #tpu.memory_space<vmem>> -> memref<16x1000xf32, #tpu.memory_space<vmem>>
    %dma_wait3A_29 = arith.constant 0 : i32
    %dma_wait3A_30 = tpu.memref_slice %arg2[%mul3A_2, %dma_wait3A_29] : memref<4096x1000xf32, #tpu.memory_space<hbm>> -> memref<16x1000xf32, #tpu.memory_space<hbm>>
    %dma_wait3A_31 = arith.constant 0 : i32
    %dma_wait3A_32 = arith.constant 0 : i32
    %dma_wait3A_33 = tpu.memref_slice %arg5[%dma_wait3A_31, %dma_wait3A_32] : memref<16x1009xf32, #tpu.memory_space<vmem>> -> memref<16x1000xf32, #tpu.memory_space<vmem>>
    %dma_wait3A_34 = arith.constant 0 : i32
    %dma_wait3A_35 = tpu.memref_slice %arg2[%mul3A_2, %dma_wait3A_34] : memref<4096x1000xf32, #tpu.memory_space<hbm>> -> memref<16x1000xf32, #tpu.memory_space<hbm>>
    tpu.wait_dma2 semaphore(%arg9 : memref<!tpu.dma_semaphore, #tpu.memory_space<semaphore_mem>>) src(%dma_wait3A_35 : memref<16x1000xf32, #tpu.memory_space<hbm>>) dst(%dma_wait3A_33 : memref<16x1000xf32, #tpu.memory_space<vmem>>)
    %scan3A = arith.constant 0 : i32
    %scan3A_36 = arith.constant 125 : i32
    %scan3A_37 = arith.addi %scan3A, %scan3A_36 : i32
    %scan3A_38 = arith.constant 1 : i32
    %scan3A_39:25 = scf.for %scan3A_1222 = %scan3A to %scan3A_37 step %scan3A_38 iter_args(%scan3A_1223 = %broadcast_in_dim3A_14, %scan3A_1224 = %broadcast_in_dim3A_14, %scan3A_1225 = %broadcast_in_dim3A_14, %scan3A_1226 = %broadcast_in_dim3A_14, %scan3A_1227 = %broadcast_in_dim3A_14, %scan3A_1228 = %broadcast_in_dim3A_14, %scan3A_1229 = %broadcast_in_dim3A_14, %scan3A_1230 = %broadcast_in_dim3A_14, %scan3A_1231 = %broadcast_in_dim3A_14, %scan3A_1232 = %broadcast_in_dim3A_14, %scan3A_1233 = %broadcast_in_dim3A_14, %scan3A_1234 = %broadcast_in_dim3A_14, %scan3A_1235 = %broadcast_in_dim3A_14, %scan3A_1236 = %broadcast_in_dim3A_14, %scan3A_1237 = %broadcast_in_dim3A_14, %scan3A_1238 = %broadcast_in_dim3A_14, %scan3A_1239 = %broadcast_in_dim3A_14, %scan3A_1240 = %broadcast_in_dim3A_14, %scan3A_1241 = %broadcast_in_dim3A_14, %scan3A_1242 = %broadcast_in_dim3A_14, %scan3A_1243 = %broadcast_in_dim3A_14, %scan3A_1244 = %broadcast_in_dim3A_14, %scan3A_1245 = %broadcast_in_dim3A_14, %scan3A_1246 = %broadcast_in_dim3A_14, %scan3A_1247 = %broadcast_in_dim3A_12) -> (vector<16xf32>, vector<16xf32>, vector<16xf32>, vector<16xf32>, vector<16xf32>, vector<16xf32>, vector<16xf32>, vector<16xf32>, vector<16xf32>, vector<16xf32>, vector<16xf32>, vector<16xf32>, vector<16xf32>, vector<16xf32>, vector<16xf32>, vector<16xf32>, vector<16xf32>, vector<16xf32>, vector<16xf32>, vector<16xf32>, vector<16xf32>, vector<16xf32>, vector<16xf32>, vector<16xf32>, vector<16xi32>)  : i32 {
      %gather3A_1248 = tpu.vector_load_idx %arg5[%iota3A, %scan3A_1247] : memref<16x1009xf32, #tpu.memory_space<vmem>>[vector<16xi32>, vector<16xi32>], vector<16xf32>,
      %min3A_1249 = arith.minimumf %scan3A_1223, %gather3A_1248 : vector<16xf32>
      %max3A_1250 = arith.maximumf %scan3A_1223, %gather3A_1248 : vector<16xf32>
      %min3A_1251 = arith.minimumf %scan3A_1224, %min3A_1249 : vector<16xf32>
      %max3A_1252 = arith.maximumf %scan3A_1224, %min3A_1249 : vector<16xf32>
      %max3A_1253 = arith.maximumf %scan3A_1225, %min3A_1251 : vector<16xf32>
      %add3A_1254 = arith.constant 125 : i32
      %add3A_1255 = vector.broadcast %add3A_1254 : i32 to vector<16xi32>
      %add3A_1256 = arith.addi %scan3A_1247, %add3A_1255 : vector<16xi32>
      %gather3A_1257 = tpu.vector_load_idx %arg5[%iota3A, %add3A_1256] : memref<16x1009xf32, #tpu.memory_space<vmem>>[vector<16xi32>, vector<16xi32>], vector<16xf32>,
      %min3A_1258 = arith.minimumf %scan3A_1226, %gather3A_1257 : vector<16xf32>
      %max3A_1259 = arith.maximumf %scan3A_1226, %gather3A_1257 : vector<16xf32>
      %min3A_1260 = arith.minimumf %scan3A_1227, %min3A_1258 : vector<16xf32>
      %max3A_1261 = arith.maximumf %scan3A_1227, %min3A_1258 : vector<16xf32>
      %max3A_1262 = arith.maximumf %scan3A_1228, %min3A_1260 : vector<16xf32>
      %add3A_1263 = arith.constant 250 : i32
      %add3A_1264 = vector.broadcast %add3A_1263 : i32 to vector<16xi32>
      %add3A_1265 = arith.addi %scan3A_1247, %add3A_1264 : vector<16xi32>
      %gather3A_1266 = tpu.vector_load_idx %arg5[%iota3A, %add3A_1265] : memref<16x1009xf32, #tpu.memory_space<vmem>>[vector<16xi32>, vector<16xi32>], vector<16xf32>,
      %min3A_1267 = arith.minimumf %scan3A_1229, %gather3A_1266 : vector<16xf32>
      %max3A_1268 = arith.maximumf %scan3A_1229, %gather3A_1266 : vector<16xf32>
      %min3A_1269 = arith.minimumf %scan3A_1230, %min3A_1267 : vector<16xf32>
      %max3A_1270 = arith.maximumf %scan3A_1230, %min3A_1267 : vector<16xf32>
      %max3A_1271 = arith.maximumf %scan3A_1231, %min3A_1269 : vector<16xf32>
      %add3A_1272 = arith.constant 375 : i32
      %add3A_1273 = vector.broadcast %add3A_1272 : i32 to vector<16xi32>
      %add3A_1274 = arith.addi %scan3A_1247, %add3A_1273 : vector<16xi32>
      %gather3A_1275 = tpu.vector_load_idx %arg5[%iota3A, %add3A_1274] : memref<16x1009xf32, #tpu.memory_space<vmem>>[vector<16xi32>, vector<16xi32>], vector<16xf32>,
      %min3A_1276 = arith.minimumf %scan3A_1232, %gather3A_1275 : vector<16xf32>
      %max3A_1277 = arith.maximumf %scan3A_1232, %gather3A_1275 : vector<16xf32>
      %min3A_1278 = arith.minimumf %scan3A_1233, %min3A_1276 : vector<16xf32>
      %max3A_1279 = arith.maximumf %scan3A_1233, %min3A_1276 : vector<16xf32>
      %max3A_1280 = arith.maximumf %scan3A_1234, %min3A_1278 : vector<16xf32>
      %add3A_1281 = arith.constant 500 : i32
      %add3A_1282 = vector.broadcast %add3A_1281 : i32 to vector<16xi32>
      %add3A_1283 = arith.addi %scan3A_1247, %add3A_1282 : vector<16xi32>
      %gather3A_1284 = tpu.vector_load_idx %arg5[%iota3A, %add3A_1283] : memref<16x1009xf32, #tpu.memory_space<vmem>>[vector<16xi32>, vector<16xi32>], vector<16xf32>,
      %min3A_1285 = arith.minimumf %scan3A_1235, %gather3A_1284 : vector<16xf32>
      %max3A_1286 = arith.maximumf %scan3A_1235, %gather3A_1284 : vector<16xf32>
      %min3A_1287 = arith.minimumf %scan3A_1236, %min3A_1285 : vector<16xf32>
      %max3A_1288 = arith.maximumf %scan3A_1236, %min3A_1285 : vector<16xf32>
      %max3A_1289 = arith.maximumf %scan3A_1237, %min3A_1287 : vector<16xf32>
      %add3A_1290 = arith.constant 625 : i32
      %add3A_1291 = vector.broadcast %add3A_1290 : i32 to vector<16xi32>
      %add3A_1292 = arith.addi %scan3A_1247, %add3A_1291 : vector<16xi32>
      %gather3A_1293 = tpu.vector_load_idx %arg5[%iota3A, %add3A_1292] : memref<16x1009xf32, #tpu.memory_space<vmem>>[vector<16xi32>, vector<16xi32>], vector<16xf32>,
      %min3A_1294 = arith.minimumf %scan3A_1238, %gather3A_1293 : vector<16xf32>
      %max3A_1295 = arith.maximumf %scan3A_1238, %gather3A_1293 : vector<16xf32>
      %min3A_1296 = arith.minimumf %scan3A_1239, %min3A_1294 : vector<16xf32>
      %max3A_1297 = arith.maximumf %scan3A_1239, %min3A_1294 : vector<16xf32>
      %max3A_1298 = arith.maximumf %scan3A_1240, %min3A_1296 : vector<16xf32>
      %add3A_1299 = arith.constant 750 : i32
      %add3A_1300 = vector.broadcast %add3A_1299 : i32 to vector<16xi32>
      %add3A_1301 = arith.addi %scan3A_1247, %add3A_1300 : vector<16xi32>
      %gather3A_1302 = tpu.vector_load_idx %arg5[%iota3A, %add3A_1301] : memref<16x1009xf32, #tpu.memory_space<vmem>>[vector<16xi32>, vector<16xi32>], vector<16xf32>,
      %min3A_1303 = arith.minimumf %scan3A_1241, %gather3A_1302 : vector<16xf32>
      %max3A_1304 = arith.maximumf %scan3A_1241, %gather3A_1302 : vector<16xf32>
      %min3A_1305 = arith.minimumf %scan3A_1242, %min3A_1303 : vector<16xf32>
      %max3A_1306 = arith.maximumf %scan3A_1242, %min3A_1303 : vector<16xf32>
      %max3A_1307 = arith.maximumf %scan3A_1243, %min3A_1305 : vector<16xf32>
      %add3A_1308 = arith.constant 875 : i32
      %add3A_1309 = vector.broadcast %add3A_1308 : i32 to vector<16xi32>
      %add3A_1310 = arith.addi %scan3A_1247, %add3A_1309 : vector<16xi32>
      %gather3A_1311 = tpu.vector_load_idx %arg5[%iota3A, %add3A_1310] : memref<16x1009xf32, #tpu.memory_space<vmem>>[vector<16xi32>, vector<16xi32>], vector<16xf32>,
      %min3A_1312 = arith.minimumf %scan3A_1244, %gather3A_1311 : vector<16xf32>
      %max3A_1313 = arith.maximumf %scan3A_1244, %gather3A_1311 : vector<16xf32>
      %min3A_1314 = arith.minimumf %scan3A_1245, %min3A_1312 : vector<16xf32>
      %max3A_1315 = arith.maximumf %scan3A_1245, %min3A_1312 : vector<16xf32>
      %max3A_1316 = arith.maximumf %scan3A_1246, %min3A_1314 : vector<16xf32>
      %add3A_1317 = arith.constant 1 : i32
      %add3A_1318 = vector.broadcast %add3A_1317 : i32 to vector<16xi32>
      %add3A_1319 = arith.addi %scan3A_1247, %add3A_1318 : vector<16xi32>
      scf.yield %max3A_1250, %max3A_1252, %max3A_1253, %max3A_1259, %max3A_1261, %max3A_1262, %max3A_1268, %max3A_1270, %max3A_1271, %max3A_1277, %max3A_1279, %max3A_1280, %max3A_1286, %max3A_1288, %max3A_1289, %max3A_1295, %max3A_1297, %max3A_1298, %max3A_1304, %max3A_1306, %max3A_1307, %max3A_1313, %max3A_1315, %max3A_1316, %add3A_1319 : vector<16xf32>, vector<16xf32>, vector<16xf32>, vector<16xf32>, vector<16xf32>, vector<16xf32>, vector<16xf32>, vector<16xf32>, vector<16xf32>, vector<16xf32>, vector<16xf32>, vector<16xf32>, vector<16xf32>, vector<16xf32>, vector<16xf32>, vector<16xf32>, vector<16xf32>, vector<16xf32>, vector<16xf32>, vector<16xf32>, vector<16xf32>, vector<16xf32>, vector<16xf32>, vector<16xf32>, vector<16xi32>
    }
    %scan3A_40 = arith.constant 125 : i32
    %min3A = arith.minimumf %scan3A_39#0, %scan3A_39#3 : vector<16xf32>
    %max3A = arith.maximumf %scan3A_39#0, %scan3A_39#3 : vector<16xf32>
    %min3A_41 = arith.minimumf %scan3A_39#1, %min3A : vector<16xf32>
    %max3A_42 = arith.maximumf %scan3A_39#1, %min3A : vector<16xf32>
    %max3A_43 = arith.maximumf %scan3A_39#2, %min3A_41 : vector<16xf32>
    %min3A_44 = arith.minimumf %max3A, %scan3A_39#4 : vector<16xf32>
    %max3A_45 = arith.maximumf %max3A, %scan3A_39#4 : vector<16xf32>
    %min3A_46 = arith.minimumf %max3A_42, %min3A_44 : vector<16xf32>
    %max3A_47 = arith.maximumf %max3A_42, %min3A_44 : vector<16xf32>
    %max3A_48 = arith.maximumf %max3A_43, %min3A_46 : vector<16xf32>
    %min3A_49 = arith.minimumf %max3A_45, %scan3A_39#5 : vector<16xf32>
    %max3A_50 = arith.maximumf %max3A_45, %scan3A_39#5 : vector<16xf32>
    %min3A_51 = arith.minimumf %max3A_47, %min3A_49 : vector<16xf32>
    %max3A_52 = arith.maximumf %max3A_47, %min3A_49 : vector<16xf32>
    %max3A_53 = arith.maximumf %max3A_48, %min3A_51 : vector<16xf32>
    %min3A_54 = arith.minimumf %max3A_50, %scan3A_39#6 : vector<16xf32>
    %max3A_55 = arith.maximumf %max3A_50, %scan3A_39#6 : vector<16xf32>
    %min3A_56 = arith.minimumf %max3A_52, %min3A_54 : vector<16xf32>
    %max3A_57 = arith.maximumf %max3A_52, %min3A_54 : vector<16xf32>
    %max3A_58 = arith.maximumf %max3A_53, %min3A_56 : vector<16xf32>
    %min3A_59 = arith.minimumf %max3A_55, %scan3A_39#7 : vector<16xf32>
    %max3A_60 = arith.maximumf %max3A_55, %scan3A_39#7 : vector<16xf32>
    %min3A_61 = arith.minimumf %max3A_57, %min3A_59 : vector<16xf32>
    %max3A_62 = arith.maximumf %max3A_57, %min3A_59 : vector<16xf32>
    %max3A_63 = arith.maximumf %max3A_58, %min3A_61 : vector<16xf32>
    %min3A_64 = arith.minimumf %max3A_60, %scan3A_39#8 : vector<16xf32>
    %max3A_65 = arith.maximumf %max3A_60, %scan3A_39#8 : vector<16xf32>
    %min3A_66 = arith.minimumf %max3A_62, %min3A_64 : vector<16xf32>
    %max3A_67 = arith.maximumf %max3A_62, %min3A_64 : vector<16xf32>
    %max3A_68 = arith.maximumf %max3A_63, %min3A_66 : vector<16xf32>
    %min3A_69 = arith.minimumf %max3A_65, %scan3A_39#9 : vector<16xf32>
    %max3A_70 = arith.maximumf %max3A_65, %scan3A_39#9 : vector<16xf32>
    %min3A_71 = arith.minimumf %max3A_67, %min3A_69 : vector<16xf32>
    %max3A_72 = arith.maximumf %max3A_67, %min3A_69 : vector<16xf32>
    %max3A_73 = arith.maximumf %max3A_68, %min3A_71 : vector<16xf32>
    %min3A_74 = arith.minimumf %max3A_70, %scan3A_39#10 : vector<16xf32>
    %max3A_75 = arith.maximumf %max3A_70, %scan3A_39#10 : vector<16xf32>
    %min3A_76 = arith.minimumf %max3A_72, %min3A_74 : vector<16xf32>
    %max3A_77 = arith.maximumf %max3A_72, %min3A_74 : vector<16xf32>
    %max3A_78 = arith.maximumf %max3A_73, %min3A_76 : vector<16xf32>
    %min3A_79 = arith.minimumf %max3A_75, %scan3A_39#11 : vector<16xf32>
    %max3A_80 = arith.maximumf %max3A_75, %scan3A_39#11 : vector<16xf32>
    %min3A_81 = arith.minimumf %max3A_77, %min3A_79 : vector<16xf32>
    %max3A_82 = arith.maximumf %max3A_77, %min3A_79 : vector<16xf32>
    %max3A_83 = arith.maximumf %max3A_78, %min3A_81 : vector<16xf32>
    %min3A_84 = arith.minimumf %max3A_80, %scan3A_39#12 : vector<16xf32>
    %max3A_85 = arith.maximumf %max3A_80, %scan3A_39#12 : vector<16xf32>
    %min3A_86 = arith.minimumf %max3A_82, %min3A_84 : vector<16xf32>
    %max3A_87 = arith.maximumf %max3A_82, %min3A_84 : vector<16xf32>
    %max3A_88 = arith.maximumf %max3A_83, %min3A_86 : vector<16xf32>
    %min3A_89 = arith.minimumf %max3A_85, %scan3A_39#13 : vector<16xf32>
    %max3A_90 = arith.maximumf %max3A_85, %scan3A_39#13 : vector<16xf32>
    %min3A_91 = arith.minimumf %max3A_87, %min3A_89 : vector<16xf32>
    %max3A_92 = arith.maximumf %max3A_87, %min3A_89 : vector<16xf32>
    %max3A_93 = arith.maximumf %max3A_88, %min3A_91 : vector<16xf32>
    %min3A_94 = arith.minimumf %max3A_90, %scan3A_39#14 : vector<16xf32>
    %max3A_95 = arith.maximumf %max3A_90, %scan3A_39#14 : vector<16xf32>
    %min3A_96 = arith.minimumf %max3A_92, %min3A_94 : vector<16xf32>
    %max3A_97 = arith.maximumf %max3A_92, %min3A_94 : vector<16xf32>
    %max3A_98 = arith.maximumf %max3A_93, %min3A_96 : vector<16xf32>
    %min3A_99 = arith.minimumf %max3A_95, %scan3A_39#15 : vector<16xf32>
    %max3A_100 = arith.maximumf %max3A_95, %scan3A_39#15 : vector<16xf32>
    %min3A_101 = arith.minimumf %max3A_97, %min3A_99 : vector<16xf32>
    %max3A_102 = arith.maximumf %max3A_97, %min3A_99 : vector<16xf32>
    %max3A_103 = arith.maximumf %max3A_98, %min3A_101 : vector<16xf32>
    %min3A_104 = arith.minimumf %max3A_100, %scan3A_39#16 : vector<16xf32>
    %max3A_105 = arith.maximumf %max3A_100, %scan3A_39#16 : vector<16xf32>
    %min3A_106 = arith.minimumf %max3A_102, %min3A_104 : vector<16xf32>
    %max3A_107 = arith.maximumf %max3A_102, %min3A_104 : vector<16xf32>
    %max3A_108 = arith.maximumf %max3A_103, %min3A_106 : vector<16xf32>
    %min3A_109 = arith.minimumf %max3A_105, %scan3A_39#17 : vector<16xf32>
    %max3A_110 = arith.maximumf %max3A_105, %scan3A_39#17 : vector<16xf32>
    %min3A_111 = arith.minimumf %max3A_107, %min3A_109 : vector<16xf32>
    %max3A_112 = arith.maximumf %max3A_107, %min3A_109 : vector<16xf32>
    %max3A_113 = arith.maximumf %max3A_108, %min3A_111 : vector<16xf32>
    %min3A_114 = arith.minimumf %max3A_110, %scan3A_39#18 : vector<16xf32>
    %max3A_115 = arith.maximumf %max3A_110, %scan3A_39#18 : vector<16xf32>
    %min3A_116 = arith.minimumf %max3A_112, %min3A_114 : vector<16xf32>
    %max3A_117 = arith.maximumf %max3A_112, %min3A_114 : vector<16xf32>
    %max3A_118 = arith.maximumf %max3A_113, %min3A_116 : vector<16xf32>
    %min3A_119 = arith.minimumf %max3A_115, %scan3A_39#19 : vector<16xf32>
    %max3A_120 = arith.maximumf %max3A_115, %scan3A_39#19 : vector<16xf32>
    %min3A_121 = arith.minimumf %max3A_117, %min3A_119 : vector<16xf32>
    %max3A_122 = arith.maximumf %max3A_117, %min3A_119 : vector<16xf32>
    %max3A_123 = arith.maximumf %max3A_118, %min3A_121 : vector<16xf32>
    %min3A_124 = arith.minimumf %max3A_120, %scan3A_39#20 : vector<16xf32>
    %max3A_125 = arith.maximumf %max3A_120, %scan3A_39#20 : vector<16xf32>
    %min3A_126 = arith.minimumf %max3A_122, %min3A_124 : vector<16xf32>
    %max3A_127 = arith.maximumf %max3A_122, %min3A_124 : vector<16xf32>
    %max3A_128 = arith.maximumf %max3A_123, %min3A_126 : vector<16xf32>
    %min3A_129 = arith.minimumf %max3A_125, %scan3A_39#21 : vector<16xf32>
    %max3A_130 = arith.maximumf %max3A_125, %scan3A_39#21 : vector<16xf32>
    %min3A_131 = arith.minimumf %max3A_127, %min3A_129 : vector<16xf32>
    %max3A_132 = arith.maximumf %max3A_127, %min3A_129 : vector<16xf32>
    %max3A_133 = arith.maximumf %max3A_128, %min3A_131 : vector<16xf32>
    %min3A_134 = arith.minimumf %max3A_130, %scan3A_39#22 : vector<16xf32>
    %max3A_135 = arith.maximumf %max3A_130, %scan3A_39#22 : vector<16xf32>
    %min3A_136 = arith.minimumf %max3A_132, %min3A_134 : vector<16xf32>
    %max3A_137 = arith.maximumf %max3A_132, %min3A_134 : vector<16xf32>
    %max3A_138 = arith.maximumf %max3A_133, %min3A_136 : vector<16xf32>
    %min3A_139 = arith.minimumf %max3A_135, %scan3A_39#23 : vector<16xf32>
    %max3A_140 = arith.maximumf %max3A_135, %scan3A_39#23 : vector<16xf32>
    %min3A_141 = arith.minimumf %max3A_137, %min3A_139 : vector<16xf32>
    %max3A_142 = arith.maximumf %max3A_137, %min3A_139 : vector<16xf32>
    %max3A_143 = arith.maximumf %max3A_138, %min3A_141 : vector<16xf32>
    %get3A = arith.constant 0 : index
    %get3A_144 = tpu.vector_load %arg7[%get3A] {strides = array<i32>} : memref<128xi32, #tpu.memory_space<vmem>>, vector<16xi32>,
    %gather3A = tpu.vector_load_idx %arg5[%iota3A, %get3A_144] : memref<16x1009xf32, #tpu.memory_space<vmem>>[vector<16xi32>, vector<16xi32>], vector<16xf32>,
    %eq3A = arith.cmpf oeq, %gather3A, %max3A_140 : vector<16xf32>
    %jit3A = arith.constant 1.000000e+00 : f32
    %jit3A_145 = arith.constant 0.000000e+00 : f32
    %broadcast_in_dim3A_146 = vector.broadcast %jit3A : f32 to vector<16xf32>
    %broadcast_in_dim3A_147 = vector.broadcast %jit3A_145 : f32 to vector<16xf32>
    %select_n3A = arith.select %eq3A, %broadcast_in_dim3A_146, %broadcast_in_dim3A_147 : vector<16xi1>, vector<16xf32>
    %sub3A = arith.subf %gather3A, %max3A_142 : vector<16xf32>
    %neg3A = arith.constant 0.000000e+00 : f32
    %neg3A_148 = vector.broadcast %neg3A : f32 to vector<16xf32>
    %neg3A_149 = arith.subf %neg3A_148, %sub3A : vector<16xf32>
    %sub3A_150 = arith.subf %max3A_140, %max3A_143 : vector<16xf32>
    %add3A_151 = arith.constant 9.99999996E-13 : f32
    %add3A_152 = vector.broadcast %add3A_151 : f32 to vector<16xf32>
    %add3A_153 = arith.addf %sub3A_150, %add3A_152 : vector<16xf32>
    %div3A = arith.divf %neg3A_149, %add3A_153 : vector<16xf32>
    %mul3A_154 = arith.mulf %div3A, %select_n3A : vector<16xf32>
    %swap3A = arith.constant 0 : index
    %swap3A_155 = tpu.vector_load %arg8[%swap3A] {strides = array<i32>} : memref<128xf32, #tpu.memory_space<vmem>>, vector<16xf32>,
    tpu.vector_store %arg8[%swap3A], %mul3A_154 {strides = array<i32>} : memref<128xf32, #tpu.memory_space<vmem>>, vector<16xf32>,
    %add3A_156 = arith.constant 32 : i32
    %add3A_157 = arith.addi %mul3A_2, %add3A_156 : i32
    %dma_start3A_158 = arith.constant 0 : i32
    %dma_start3A_159 = arith.constant 0 : i32
    %dma_start3A_160 = tpu.memref_slice %arg5[%dma_start3A_158, %dma_start3A_159] : memref<16x1009xf32, #tpu.memory_space<vmem>> -> memref<16x1000xf32, #tpu.memory_space<vmem>>
    %dma_start3A_161 = arith.constant 0 : i32
    %dma_start3A_162 = tpu.memref_slice %arg2[%add3A_157, %dma_start3A_161] : memref<4096x1000xf32, #tpu.memory_space<hbm>> -> memref<16x1000xf32, #tpu.memory_space<hbm>>
    %dma_start3A_163 = arith.constant 0 : i32
    %dma_start3A_164 = arith.constant 0 : i32
    %dma_start3A_165 = tpu.memref_slice %arg5[%dma_start3A_163, %dma_start3A_164] : memref<16x1009xf32, #tpu.memory_space<vmem>> -> memref<16x1000xf32, #tpu.memory_space<vmem>>
    %dma_start3A_166 = arith.constant 0 : i32
    %dma_start3A_167 = tpu.memref_slice %arg2[%add3A_157, %dma_start3A_166] : memref<4096x1000xf32, #tpu.memory_space<hbm>> -> memref<16x1000xf32, #tpu.memory_space<hbm>>
    tpu.enqueue_dma source(%dma_start3A_167 : memref<16x1000xf32, #tpu.memory_space<hbm>>) target(%dma_start3A_165 : memref<16x1000xf32, #tpu.memory_space<vmem>>) target_semaphore(%arg9 : memref<!tpu.dma_semaphore, #tpu.memory_space<semaphore_mem>>)
    %dma_wait3A_168 = arith.constant 0 : i32
    %dma_wait3A_169 = arith.constant 0 : i32
    %dma_wait3A_170 = tpu.memref_slice %arg6[%dma_wait3A_168, %dma_wait3A_169] : memref<16x1009xf32, #tpu.memory_space<vmem>> -> memref<16x1000xf32, #tpu.memory_space<vmem>>
    %dma_wait3A_171 = arith.constant 0 : i32
    %dma_wait3A_172 = tpu.memref_slice %arg2[%add3A_16, %dma_wait3A_171] : memref<4096x1000xf32, #tpu.memory_space<hbm>> -> memref<16x1000xf32, #tpu.memory_space<hbm>>
    %dma_wait3A_173 = arith.constant 0 : i32
    %dma_wait3A_174 = arith.constant 0 : i32
    %dma_wait3A_175 = tpu.memref_slice %arg6[%dma_wait3A_173, %dma_wait3A_174] : memref<16x1009xf32, #tpu.memory_space<vmem>> -> memref<16x1000xf32, #tpu.memory_space<vmem>>
    %dma_wait3A_176 = arith.constant 0 : i32
    %dma_wait3A_177 = tpu.memref_slice %arg2[%add3A_16, %dma_wait3A_176] : memref<4096x1000xf32, #tpu.memory_space<hbm>> -> memref<16x1000xf32, #tpu.memory_space<hbm>>
    tpu.wait_dma2 semaphore(%arg10 : memref<!tpu.dma_semaphore, #tpu.memory_space<semaphore_mem>>) src(%dma_wait3A_177 : memref<16x1000xf32, #tpu.memory_space<hbm>>) dst(%dma_wait3A_175 : memref<16x1000xf32, #tpu.memory_space<vmem>>)
    %scan3A_178 = arith.constant 0 : i32
    %scan3A_179 = arith.constant 125 : i32
    %scan3A_180 = arith.addi %scan3A_178, %scan3A_179 : i32
    %scan3A_181 = arith.constant 1 : i32
    %scan3A_182:25 = scf.for %scan3A_1222 = %scan3A_178 to %scan3A_180 step %scan3A_181 iter_args(%scan3A_1223 = %broadcast_in_dim3A_14, %scan3A_1224 = %broadcast_in_dim3A_14, %scan3A_1225 = %broadcast_in_dim3A_14, %scan3A_1226 = %broadcast_in_dim3A_14, %scan3A_1227 = %broadcast_in_dim3A_14, %scan3A_1228 = %broadcast_in_dim3A_14, %scan3A_1229 = %broadcast_in_dim3A_14, %scan3A_1230 = %broadcast_in_dim3A_14, %scan3A_1231 = %broadcast_in_dim3A_14, %scan3A_1232 = %broadcast_in_dim3A_14, %scan3A_1233 = %broadcast_in_dim3A_14, %scan3A_1234 = %broadcast_in_dim3A_14, %scan3A_1235 = %broadcast_in_dim3A_14, %scan3A_1236 = %broadcast_in_dim3A_14, %scan3A_1237 = %broadcast_in_dim3A_14, %scan3A_1238 = %broadcast_in_dim3A_14, %scan3A_1239 = %broadcast_in_dim3A_14, %scan3A_1240 = %broadcast_in_dim3A_14, %scan3A_1241 = %broadcast_in_dim3A_14, %scan3A_1242 = %broadcast_in_dim3A_14, %scan3A_1243 = %broadcast_in_dim3A_14, %scan3A_1244 = %broadcast_in_dim3A_14, %scan3A_1245 = %broadcast_in_dim3A_14, %scan3A_1246 = %broadcast_in_dim3A_14, %scan3A_1247 = %broadcast_in_dim3A_12) -> (vector<16xf32>, vector<16xf32>, vector<16xf32>, vector<16xf32>, vector<16xf32>, vector<16xf32>, vector<16xf32>, vector<16xf32>, vector<16xf32>, vector<16xf32>, vector<16xf32>, vector<16xf32>, vector<16xf32>, vector<16xf32>, vector<16xf32>, vector<16xf32>, vector<16xf32>, vector<16xf32>, vector<16xf32>, vector<16xf32>, vector<16xf32>, vector<16xf32>, vector<16xf32>, vector<16xf32>, vector<16xi32>)  : i32 {
      %gather3A_1248 = tpu.vector_load_idx %arg6[%iota3A, %scan3A_1247] : memref<16x1009xf32, #tpu.memory_space<vmem>>[vector<16xi32>, vector<16xi32>], vector<16xf32>,
      %min3A_1249 = arith.minimumf %scan3A_1223, %gather3A_1248 : vector<16xf32>
      %max3A_1250 = arith.maximumf %scan3A_1223, %gather3A_1248 : vector<16xf32>
      %min3A_1251 = arith.minimumf %scan3A_1224, %min3A_1249 : vector<16xf32>
      %max3A_1252 = arith.maximumf %scan3A_1224, %min3A_1249 : vector<16xf32>
      %max3A_1253 = arith.maximumf %scan3A_1225, %min3A_1251 : vector<16xf32>
      %add3A_1254 = arith.constant 125 : i32
      %add3A_1255 = vector.broadcast %add3A_1254 : i32 to vector<16xi32>
      %add3A_1256 = arith.addi %scan3A_1247, %add3A_1255 : vector<16xi32>
      %gather3A_1257 = tpu.vector_load_idx %arg6[%iota3A, %add3A_1256] : memref<16x1009xf32, #tpu.memory_space<vmem>>[vector<16xi32>, vector<16xi32>], vector<16xf32>,
      %min3A_1258 = arith.minimumf %scan3A_1226, %gather3A_1257 : vector<16xf32>
      %max3A_1259 = arith.maximumf %scan3A_1226, %gather3A_1257 : vector<16xf32>
      %min3A_1260 = arith.minimumf %scan3A_1227, %min3A_1258 : vector<16xf32>
      %max3A_1261 = arith.maximumf %scan3A_1227, %min3A_1258 : vector<16xf32>
      %max3A_1262 = arith.maximumf %scan3A_1228, %min3A_1260 : vector<16xf32>
      %add3A_1263 = arith.constant 250 : i32
      %add3A_1264 = vector.broadcast %add3A_1263 : i32 to vector<16xi32>
      %add3A_1265 = arith.addi %scan3A_1247, %add3A_1264 : vector<16xi32>
      %gather3A_1266 = tpu.vector_load_idx %arg6[%iota3A, %add3A_1265] : memref<16x1009xf32, #tpu.memory_space<vmem>>[vector<16xi32>, vector<16xi32>], vector<16xf32>,
      %min3A_1267 = arith.minimumf %scan3A_1229, %gather3A_1266 : vector<16xf32>
      %max3A_1268 = arith.maximumf %scan3A_1229, %gather3A_1266 : vector<16xf32>
      %min3A_1269 = arith.minimumf %scan3A_1230, %min3A_1267 : vector<16xf32>
      %max3A_1270 = arith.maximumf %scan3A_1230, %min3A_1267 : vector<16xf32>
      %max3A_1271 = arith.maximumf %scan3A_1231, %min3A_1269 : vector<16xf32>
      %add3A_1272 = arith.constant 375 : i32
      %add3A_1273 = vector.broadcast %add3A_1272 : i32 to vector<16xi32>
      %add3A_1274 = arith.addi %scan3A_1247, %add3A_1273 : vector<16xi32>
      %gather3A_1275 = tpu.vector_load_idx %arg6[%iota3A, %add3A_1274] : memref<16x1009xf32, #tpu.memory_space<vmem>>[vector<16xi32>, vector<16xi32>], vector<16xf32>,
      %min3A_1276 = arith.minimumf %scan3A_1232, %gather3A_1275 : vector<16xf32>
      %max3A_1277 = arith.maximumf %scan3A_1232, %gather3A_1275 : vector<16xf32>
      %min3A_1278 = arith.minimumf %scan3A_1233, %min3A_1276 : vector<16xf32>
      %max3A_1279 = arith.maximumf %scan3A_1233, %min3A_1276 : vector<16xf32>
      %max3A_1280 = arith.maximumf %scan3A_1234, %min3A_1278 : vector<16xf32>
      %add3A_1281 = arith.constant 500 : i32
      %add3A_1282 = vector.broadcast %add3A_1281 : i32 to vector<16xi32>
      %add3A_1283 = arith.addi %scan3A_1247, %add3A_1282 : vector<16xi32>
      %gather3A_1284 = tpu.vector_load_idx %arg6[%iota3A, %add3A_1283] : memref<16x1009xf32, #tpu.memory_space<vmem>>[vector<16xi32>, vector<16xi32>], vector<16xf32>,
      %min3A_1285 = arith.minimumf %scan3A_1235, %gather3A_1284 : vector<16xf32>
      %max3A_1286 = arith.maximumf %scan3A_1235, %gather3A_1284 : vector<16xf32>
      %min3A_1287 = arith.minimumf %scan3A_1236, %min3A_1285 : vector<16xf32>
      %max3A_1288 = arith.maximumf %scan3A_1236, %min3A_1285 : vector<16xf32>
      %max3A_1289 = arith.maximumf %scan3A_1237, %min3A_1287 : vector<16xf32>
      %add3A_1290 = arith.constant 625 : i32
      %add3A_1291 = vector.broadcast %add3A_1290 : i32 to vector<16xi32>
      %add3A_1292 = arith.addi %scan3A_1247, %add3A_1291 : vector<16xi32>
      %gather3A_1293 = tpu.vector_load_idx %arg6[%iota3A, %add3A_1292] : memref<16x1009xf32, #tpu.memory_space<vmem>>[vector<16xi32>, vector<16xi32>], vector<16xf32>,
      %min3A_1294 = arith.minimumf %scan3A_1238, %gather3A_1293 : vector<16xf32>
      %max3A_1295 = arith.maximumf %scan3A_1238, %gather3A_1293 : vector<16xf32>
      %min3A_1296 = arith.minimumf %scan3A_1239, %min3A_1294 : vector<16xf32>
      %max3A_1297 = arith.maximumf %scan3A_1239, %min3A_1294 : vector<16xf32>
      %max3A_1298 = arith.maximumf %scan3A_1240, %min3A_1296 : vector<16xf32>
      %add3A_1299 = arith.constant 750 : i32
      %add3A_1300 = vector.broadcast %add3A_1299 : i32 to vector<16xi32>
      %add3A_1301 = arith.addi %scan3A_1247, %add3A_1300 : vector<16xi32>
      %gather3A_1302 = tpu.vector_load_idx %arg6[%iota3A, %add3A_1301] : memref<16x1009xf32, #tpu.memory_space<vmem>>[vector<16xi32>, vector<16xi32>], vector<16xf32>,
      %min3A_1303 = arith.minimumf %scan3A_1241, %gather3A_1302 : vector<16xf32>
      %max3A_1304 = arith.maximumf %scan3A_1241, %gather3A_1302 : vector<16xf32>
      %min3A_1305 = arith.minimumf %scan3A_1242, %min3A_1303 : vector<16xf32>
      %max3A_1306 = arith.maximumf %scan3A_1242, %min3A_1303 : vector<16xf32>
      %max3A_1307 = arith.maximumf %scan3A_1243, %min3A_1305 : vector<16xf32>
      %add3A_1308 = arith.constant 875 : i32
      %add3A_1309 = vector.broadcast %add3A_1308 : i32 to vector<16xi32>
      %add3A_1310 = arith.addi %scan3A_1247, %add3A_1309 : vector<16xi32>
      %gather3A_1311 = tpu.vector_load_idx %arg6[%iota3A, %add3A_1310] : memref<16x1009xf32, #tpu.memory_space<vmem>>[vector<16xi32>, vector<16xi32>], vector<16xf32>,
      %min3A_1312 = arith.minimumf %scan3A_1244, %gather3A_1311 : vector<16xf32>
      %max3A_1313 = arith.maximumf %scan3A_1244, %gather3A_1311 : vector<16xf32>
      %min3A_1314 = arith.minimumf %scan3A_1245, %min3A_1312 : vector<16xf32>
      %max3A_1315 = arith.maximumf %scan3A_1245, %min3A_1312 : vector<16xf32>
      %max3A_1316 = arith.maximumf %scan3A_1246, %min3A_1314 : vector<16xf32>
      %add3A_1317 = arith.constant 1 : i32
      %add3A_1318 = vector.broadcast %add3A_1317 : i32 to vector<16xi32>
      %add3A_1319 = arith.addi %scan3A_1247, %add3A_1318 : vector<16xi32>
      scf.yield %max3A_1250, %max3A_1252, %max3A_1253, %max3A_1259, %max3A_1261, %max3A_1262, %max3A_1268, %max3A_1270, %max3A_1271, %max3A_1277, %max3A_1279, %max3A_1280, %max3A_1286, %max3A_1288, %max3A_1289, %max3A_1295, %max3A_1297, %max3A_1298, %max3A_1304, %max3A_1306, %max3A_1307, %max3A_1313, %max3A_1315, %max3A_1316, %add3A_1319 : vector<16xf32>, vector<16xf32>, vector<16xf32>, vector<16xf32>, vector<16xf32>, vector<16xf32>, vector<16xf32>, vector<16xf32>, vector<16xf32>, vector<16xf32>, vector<16xf32>, vector<16xf32>, vector<16xf32>, vector<16xf32>, vector<16xf32>, vector<16xf32>, vector<16xf32>, vector<16xf32>, vector<16xf32>, vector<16xf32>, vector<16xf32>, vector<16xf32>, vector<16xf32>, vector<16xf32>, vector<16xi32>
    }
    %scan3A_183 = arith.constant 125 : i32
    %min3A_184 = arith.minimumf %scan3A_182#0, %scan3A_182#3 : vector<16xf32>
    %max3A_185 = arith.maximumf %scan3A_182#0, %scan3A_182#3 : vector<16xf32>
    %min3A_186 = arith.minimumf %scan3A_182#1, %min3A_184 : vector<16xf32>
    %max3A_187 = arith.maximumf %scan3A_182#1, %min3A_184 : vector<16xf32>
    %max3A_188 = arith.maximumf %scan3A_182#2, %min3A_186 : vector<16xf32>
    %min3A_189 = arith.minimumf %max3A_185, %scan3A_182#4 : vector<16xf32>
    %max3A_190 = arith.maximumf %max3A_185, %scan3A_182#4 : vector<16xf32>
    %min3A_191 = arith.minimumf %max3A_187, %min3A_189 : vector<16xf32>
    %max3A_192 = arith.maximumf %max3A_187, %min3A_189 : vector<16xf32>
    %max3A_193 = arith.maximumf %max3A_188, %min3A_191 : vector<16xf32>
    %min3A_194 = arith.minimumf %max3A_190, %scan3A_182#5 : vector<16xf32>
    %max3A_195 = arith.maximumf %max3A_190, %scan3A_182#5 : vector<16xf32>
    %min3A_196 = arith.minimumf %max3A_192, %min3A_194 : vector<16xf32>
    %max3A_197 = arith.maximumf %max3A_192, %min3A_194 : vector<16xf32>
    %max3A_198 = arith.maximumf %max3A_193, %min3A_196 : vector<16xf32>
    %min3A_199 = arith.minimumf %max3A_195, %scan3A_182#6 : vector<16xf32>
    %max3A_200 = arith.maximumf %max3A_195, %scan3A_182#6 : vector<16xf32>
    %min3A_201 = arith.minimumf %max3A_197, %min3A_199 : vector<16xf32>
    %max3A_202 = arith.maximumf %max3A_197, %min3A_199 : vector<16xf32>
    %max3A_203 = arith.maximumf %max3A_198, %min3A_201 : vector<16xf32>
    %min3A_204 = arith.minimumf %max3A_200, %scan3A_182#7 : vector<16xf32>
    %max3A_205 = arith.maximumf %max3A_200, %scan3A_182#7 : vector<16xf32>
    %min3A_206 = arith.minimumf %max3A_202, %min3A_204 : vector<16xf32>
    %max3A_207 = arith.maximumf %max3A_202, %min3A_204 : vector<16xf32>
    %max3A_208 = arith.maximumf %max3A_203, %min3A_206 : vector<16xf32>
    %min3A_209 = arith.minimumf %max3A_205, %scan3A_182#8 : vector<16xf32>
    %max3A_210 = arith.maximumf %max3A_205, %scan3A_182#8 : vector<16xf32>
    %min3A_211 = arith.minimumf %max3A_207, %min3A_209 : vector<16xf32>
    %max3A_212 = arith.maximumf %max3A_207, %min3A_209 : vector<16xf32>
    %max3A_213 = arith.maximumf %max3A_208, %min3A_211 : vector<16xf32>
    %min3A_214 = arith.minimumf %max3A_210, %scan3A_182#9 : vector<16xf32>
    %max3A_215 = arith.maximumf %max3A_210, %scan3A_182#9 : vector<16xf32>
    %min3A_216 = arith.minimumf %max3A_212, %min3A_214 : vector<16xf32>
    %max3A_217 = arith.maximumf %max3A_212, %min3A_214 : vector<16xf32>
    %max3A_218 = arith.maximumf %max3A_213, %min3A_216 : vector<16xf32>
    %min3A_219 = arith.minimumf %max3A_215, %scan3A_182#10 : vector<16xf32>
    %max3A_220 = arith.maximumf %max3A_215, %scan3A_182#10 : vector<16xf32>
    %min3A_221 = arith.minimumf %max3A_217, %min3A_219 : vector<16xf32>
    %max3A_222 = arith.maximumf %max3A_217, %min3A_219 : vector<16xf32>
    %max3A_223 = arith.maximumf %max3A_218, %min3A_221 : vector<16xf32>
    %min3A_224 = arith.minimumf %max3A_220, %scan3A_182#11 : vector<16xf32>
    %max3A_225 = arith.maximumf %max3A_220, %scan3A_182#11 : vector<16xf32>
    %min3A_226 = arith.minimumf %max3A_222, %min3A_224 : vector<16xf32>
    %max3A_227 = arith.maximumf %max3A_222, %min3A_224 : vector<16xf32>
    %max3A_228 = arith.maximumf %max3A_223, %min3A_226 : vector<16xf32>
    %min3A_229 = arith.minimumf %max3A_225, %scan3A_182#12 : vector<16xf32>
    %max3A_230 = arith.maximumf %max3A_225, %scan3A_182#12 : vector<16xf32>
    %min3A_231 = arith.minimumf %max3A_227, %min3A_229 : vector<16xf32>
    %max3A_232 = arith.maximumf %max3A_227, %min3A_229 : vector<16xf32>
    %max3A_233 = arith.maximumf %max3A_228, %min3A_231 : vector<16xf32>
    %min3A_234 = arith.minimumf %max3A_230, %scan3A_182#13 : vector<16xf32>
    %max3A_235 = arith.maximumf %max3A_230, %scan3A_182#13 : vector<16xf32>
    %min3A_236 = arith.minimumf %max3A_232, %min3A_234 : vector<16xf32>
    %max3A_237 = arith.maximumf %max3A_232, %min3A_234 : vector<16xf32>
    %max3A_238 = arith.maximumf %max3A_233, %min3A_236 : vector<16xf32>
    %min3A_239 = arith.minimumf %max3A_235, %scan3A_182#14 : vector<16xf32>
    %max3A_240 = arith.maximumf %max3A_235, %scan3A_182#14 : vector<16xf32>
    %min3A_241 = arith.minimumf %max3A_237, %min3A_239 : vector<16xf32>
    %max3A_242 = arith.maximumf %max3A_237, %min3A_239 : vector<16xf32>
    %max3A_243 = arith.maximumf %max3A_238, %min3A_241 : vector<16xf32>
    %min3A_244 = arith.minimumf %max3A_240, %scan3A_182#15 : vector<16xf32>
    %max3A_245 = arith.maximumf %max3A_240, %scan3A_182#15 : vector<16xf32>
    %min3A_246 = arith.minimumf %max3A_242, %min3A_244 : vector<16xf32>
    %max3A_247 = arith.maximumf %max3A_242, %min3A_244 : vector<16xf32>
    %max3A_248 = arith.maximumf %max3A_243, %min3A_246 : vector<16xf32>
    %min3A_249 = arith.minimumf %max3A_245, %scan3A_182#16 : vector<16xf32>
    %max3A_250 = arith.maximumf %max3A_245, %scan3A_182#16 : vector<16xf32>
    %min3A_251 = arith.minimumf %max3A_247, %min3A_249 : vector<16xf32>
    %max3A_252 = arith.maximumf %max3A_247, %min3A_249 : vector<16xf32>
    %max3A_253 = arith.maximumf %max3A_248, %min3A_251 : vector<16xf32>
    %min3A_254 = arith.minimumf %max3A_250, %scan3A_182#17 : vector<16xf32>
    %max3A_255 = arith.maximumf %max3A_250, %scan3A_182#17 : vector<16xf32>
    %min3A_256 = arith.minimumf %max3A_252, %min3A_254 : vector<16xf32>
    %max3A_257 = arith.maximumf %max3A_252, %min3A_254 : vector<16xf32>
    %max3A_258 = arith.maximumf %max3A_253, %min3A_256 : vector<16xf32>
    %min3A_259 = arith.minimumf %max3A_255, %scan3A_182#18 : vector<16xf32>
    %max3A_260 = arith.maximumf %max3A_255, %scan3A_182#18 : vector<16xf32>
    %min3A_261 = arith.minimumf %max3A_257, %min3A_259 : vector<16xf32>
    %max3A_262 = arith.maximumf %max3A_257, %min3A_259 : vector<16xf32>
    %max3A_263 = arith.maximumf %max3A_258, %min3A_261 : vector<16xf32>
    %min3A_264 = arith.minimumf %max3A_260, %scan3A_182#19 : vector<16xf32>
    %max3A_265 = arith.maximumf %max3A_260, %scan3A_182#19 : vector<16xf32>
    %min3A_266 = arith.minimumf %max3A_262, %min3A_264 : vector<16xf32>
    %max3A_267 = arith.maximumf %max3A_262, %min3A_264 : vector<16xf32>
    %max3A_268 = arith.maximumf %max3A_263, %min3A_266 : vector<16xf32>
    %min3A_269 = arith.minimumf %max3A_265, %scan3A_182#20 : vector<16xf32>
    %max3A_270 = arith.maximumf %max3A_265, %scan3A_182#20 : vector<16xf32>
    %min3A_271 = arith.minimumf %max3A_267, %min3A_269 : vector<16xf32>
    %max3A_272 = arith.maximumf %max3A_267, %min3A_269 : vector<16xf32>
    %max3A_273 = arith.maximumf %max3A_268, %min3A_271 : vector<16xf32>
    %min3A_274 = arith.minimumf %max3A_270, %scan3A_182#21 : vector<16xf32>
    %max3A_275 = arith.maximumf %max3A_270, %scan3A_182#21 : vector<16xf32>
    %min3A_276 = arith.minimumf %max3A_272, %min3A_274 : vector<16xf32>
    %max3A_277 = arith.maximumf %max3A_272, %min3A_274 : vector<16xf32>
    %max3A_278 = arith.maximumf %max3A_273, %min3A_276 : vector<16xf32>
    %min3A_279 = arith.minimumf %max3A_275, %scan3A_182#22 : vector<16xf32>
    %max3A_280 = arith.maximumf %max3A_275, %scan3A_182#22 : vector<16xf32>
    %min3A_281 = arith.minimumf %max3A_277, %min3A_279 : vector<16xf32>
    %max3A_282 = arith.maximumf %max3A_277, %min3A_279 : vector<16xf32>
    %max3A_283 = arith.maximumf %max3A_278, %min3A_281 : vector<16xf32>
    %min3A_284 = arith.minimumf %max3A_280, %scan3A_182#23 : vector<16xf32>
    %max3A_285 = arith.maximumf %max3A_280, %scan3A_182#23 : vector<16xf32>
    %min3A_286 = arith.minimumf %max3A_282, %min3A_284 : vector<16xf32>
    %max3A_287 = arith.maximumf %max3A_282, %min3A_284 : vector<16xf32>
    %max3A_288 = arith.maximumf %max3A_283, %min3A_286 : vector<16xf32>
    %get3A_289 = arith.constant 16 : index
    %get3A_290 = tpu.vector_load %arg7[%get3A_289] {strides = array<i32>} : memref<128xi32, #tpu.memory_space<vmem>>, vector<16xi32>,
    %gather3A_291 = tpu.vector_load_idx %arg6[%iota3A, %get3A_290] : memref<16x1009xf32, #tpu.memory_space<vmem>>[vector<16xi32>, vector<16xi32>], vector<16xf32>,
    %eq3A_292 = arith.cmpf oeq, %gather3A_291, %max3A_285 : vector<16xf32>
    %jit3A_293 = arith.constant 1.000000e+00 : f32
    %jit3A_294 = arith.constant 0.000000e+00 : f32
    %broadcast_in_dim3A_295 = vector.broadcast %jit3A_293 : f32 to vector<16xf32>
    %broadcast_in_dim3A_296 = vector.broadcast %jit3A_294 : f32 to vector<16xf32>
    %select_n3A_297 = arith.select %eq3A_292, %broadcast_in_dim3A_295, %broadcast_in_dim3A_296 : vector<16xi1>, vector<16xf32>
    %sub3A_298 = arith.subf %gather3A_291, %max3A_287 : vector<16xf32>
    %neg3A_299 = arith.constant 0.000000e+00 : f32
    %neg3A_300 = vector.broadcast %neg3A_299 : f32 to vector<16xf32>
    %neg3A_301 = arith.subf %neg3A_300, %sub3A_298 : vector<16xf32>
    %sub3A_302 = arith.subf %max3A_285, %max3A_288 : vector<16xf32>
    %add3A_303 = arith.constant 9.99999996E-13 : f32
    %add3A_304 = vector.broadcast %add3A_303 : f32 to vector<16xf32>
    %add3A_305 = arith.addf %sub3A_302, %add3A_304 : vector<16xf32>
    %div3A_306 = arith.divf %neg3A_301, %add3A_305 : vector<16xf32>
    %mul3A_307 = arith.mulf %div3A_306, %select_n3A_297 : vector<16xf32>
    %swap3A_308 = arith.constant 16 : index
    %swap3A_309 = tpu.vector_load %arg8[%swap3A_308] {strides = array<i32>} : memref<128xf32, #tpu.memory_space<vmem>>, vector<16xf32>,
    tpu.vector_store %arg8[%swap3A_308], %mul3A_307 {strides = array<i32>} : memref<128xf32, #tpu.memory_space<vmem>>, vector<16xf32>,
    %add3A_310 = arith.constant 48 : i32
    %add3A_311 = arith.addi %mul3A_2, %add3A_310 : i32
    %dma_start3A_312 = arith.constant 0 : i32
    %dma_start3A_313 = arith.constant 0 : i32
    %dma_start3A_314 = tpu.memref_slice %arg6[%dma_start3A_312, %dma_start3A_313] : memref<16x1009xf32, #tpu.memory_space<vmem>> -> memref<16x1000xf32, #tpu.memory_space<vmem>>
    %dma_start3A_315 = arith.constant 0 : i32
    %dma_start3A_316 = tpu.memref_slice %arg2[%add3A_311, %dma_start3A_315] : memref<4096x1000xf32, #tpu.memory_space<hbm>> -> memref<16x1000xf32, #tpu.memory_space<hbm>>
    %dma_start3A_317 = arith.constant 0 : i32
    %dma_start3A_318 = arith.constant 0 : i32
    %dma_start3A_319 = tpu.memref_slice %arg6[%dma_start3A_317, %dma_start3A_318] : memref<16x1009xf32, #tpu.memory_space<vmem>> -> memref<16x1000xf32, #tpu.memory_space<vmem>>
    %dma_start3A_320 = arith.constant 0 : i32
    %dma_start3A_321 = tpu.memref_slice %arg2[%add3A_311, %dma_start3A_320] : memref<4096x1000xf32, #tpu.memory_space<hbm>> -> memref<16x1000xf32, #tpu.memory_space<hbm>>
    tpu.enqueue_dma source(%dma_start3A_321 : memref<16x1000xf32, #tpu.memory_space<hbm>>) target(%dma_start3A_319 : memref<16x1000xf32, #tpu.memory_space<vmem>>) target_semaphore(%arg10 : memref<!tpu.dma_semaphore, #tpu.memory_space<semaphore_mem>>)
    %dma_wait3A_322 = arith.constant 0 : i32
    %dma_wait3A_323 = arith.constant 0 : i32
    %dma_wait3A_324 = tpu.memref_slice %arg5[%dma_wait3A_322, %dma_wait3A_323] : memref<16x1009xf32, #tpu.memory_space<vmem>> -> memref<16x1000xf32, #tpu.memory_space<vmem>>
    %dma_wait3A_325 = arith.constant 0 : i32
    %dma_wait3A_326 = tpu.memref_slice %arg2[%add3A_157, %dma_wait3A_325] : memref<4096x1000xf32, #tpu.memory_space<hbm>> -> memref<16x1000xf32, #tpu.memory_space<hbm>>
    %dma_wait3A_327 = arith.constant 0 : i32
    %dma_wait3A_328 = arith.constant 0 : i32
    %dma_wait3A_329 = tpu.memref_slice %arg5[%dma_wait3A_327, %dma_wait3A_328] : memref<16x1009xf32, #tpu.memory_space<vmem>> -> memref<16x1000xf32, #tpu.memory_space<vmem>>
    %dma_wait3A_330 = arith.constant 0 : i32
    %dma_wait3A_331 = tpu.memref_slice %arg2[%add3A_157, %dma_wait3A_330] : memref<4096x1000xf32, #tpu.memory_space<hbm>> -> memref<16x1000xf32, #tpu.memory_space<hbm>>
    tpu.wait_dma2 semaphore(%arg9 : memref<!tpu.dma_semaphore, #tpu.memory_space<semaphore_mem>>) src(%dma_wait3A_331 : memref<16x1000xf32, #tpu.memory_space<hbm>>) dst(%dma_wait3A_329 : memref<16x1000xf32, #tpu.memory_space<vmem>>)
    %scan3A_332 = arith.constant 0 : i32
    %scan3A_333 = arith.constant 125 : i32
    %scan3A_334 = arith.addi %scan3A_332, %scan3A_333 : i32
    %scan3A_335 = arith.constant 1 : i32
    %scan3A_336:25 = scf.for %scan3A_1222 = %scan3A_332 to %scan3A_334 step %scan3A_335 iter_args(%scan3A_1223 = %broadcast_in_dim3A_14, %scan3A_1224 = %broadcast_in_dim3A_14, %scan3A_1225 = %broadcast_in_dim3A_14, %scan3A_1226 = %broadcast_in_dim3A_14, %scan3A_1227 = %broadcast_in_dim3A_14, %scan3A_1228 = %broadcast_in_dim3A_14, %scan3A_1229 = %broadcast_in_dim3A_14, %scan3A_1230 = %broadcast_in_dim3A_14, %scan3A_1231 = %broadcast_in_dim3A_14, %scan3A_1232 = %broadcast_in_dim3A_14, %scan3A_1233 = %broadcast_in_dim3A_14, %scan3A_1234 = %broadcast_in_dim3A_14, %scan3A_1235 = %broadcast_in_dim3A_14, %scan3A_1236 = %broadcast_in_dim3A_14, %scan3A_1237 = %broadcast_in_dim3A_14, %scan3A_1238 = %broadcast_in_dim3A_14, %scan3A_1239 = %broadcast_in_dim3A_14, %scan3A_1240 = %broadcast_in_dim3A_14, %scan3A_1241 = %broadcast_in_dim3A_14, %scan3A_1242 = %broadcast_in_dim3A_14, %scan3A_1243 = %broadcast_in_dim3A_14, %scan3A_1244 = %broadcast_in_dim3A_14, %scan3A_1245 = %broadcast_in_dim3A_14, %scan3A_1246 = %broadcast_in_dim3A_14, %scan3A_1247 = %broadcast_in_dim3A_12) -> (vector<16xf32>, vector<16xf32>, vector<16xf32>, vector<16xf32>, vector<16xf32>, vector<16xf32>, vector<16xf32>, vector<16xf32>, vector<16xf32>, vector<16xf32>, vector<16xf32>, vector<16xf32>, vector<16xf32>, vector<16xf32>, vector<16xf32>, vector<16xf32>, vector<16xf32>, vector<16xf32>, vector<16xf32>, vector<16xf32>, vector<16xf32>, vector<16xf32>, vector<16xf32>, vector<16xf32>, vector<16xi32>)  : i32 {
      %gather3A_1248 = tpu.vector_load_idx %arg5[%iota3A, %scan3A_1247] : memref<16x1009xf32, #tpu.memory_space<vmem>>[vector<16xi32>, vector<16xi32>], vector<16xf32>,
      %min3A_1249 = arith.minimumf %scan3A_1223, %gather3A_1248 : vector<16xf32>
      %max3A_1250 = arith.maximumf %scan3A_1223, %gather3A_1248 : vector<16xf32>
      %min3A_1251 = arith.minimumf %scan3A_1224, %min3A_1249 : vector<16xf32>
      %max3A_1252 = arith.maximumf %scan3A_1224, %min3A_1249 : vector<16xf32>
      %max3A_1253 = arith.maximumf %scan3A_1225, %min3A_1251 : vector<16xf32>
      %add3A_1254 = arith.constant 125 : i32
      %add3A_1255 = vector.broadcast %add3A_1254 : i32 to vector<16xi32>
      %add3A_1256 = arith.addi %scan3A_1247, %add3A_1255 : vector<16xi32>
      %gather3A_1257 = tpu.vector_load_idx %arg5[%iota3A, %add3A_1256] : memref<16x1009xf32, #tpu.memory_space<vmem>>[vector<16xi32>, vector<16xi32>], vector<16xf32>,
      %min3A_1258 = arith.minimumf %scan3A_1226, %gather3A_1257 : vector<16xf32>
      %max3A_1259 = arith.maximumf %scan3A_1226, %gather3A_1257 : vector<16xf32>
      %min3A_1260 = arith.minimumf %scan3A_1227, %min3A_1258 : vector<16xf32>
      %max3A_1261 = arith.maximumf %scan3A_1227, %min3A_1258 : vector<16xf32>
      %max3A_1262 = arith.maximumf %scan3A_1228, %min3A_1260 : vector<16xf32>
      %add3A_1263 = arith.constant 250 : i32
      %add3A_1264 = vector.broadcast %add3A_1263 : i32 to vector<16xi32>
      %add3A_1265 = arith.addi %scan3A_1247, %add3A_1264 : vector<16xi32>
      %gather3A_1266 = tpu.vector_load_idx %arg5[%iota3A, %add3A_1265] : memref<16x1009xf32, #tpu.memory_space<vmem>>[vector<16xi32>, vector<16xi32>], vector<16xf32>,
      %min3A_1267 = arith.minimumf %scan3A_1229, %gather3A_1266 : vector<16xf32>
      %max3A_1268 = arith.maximumf %scan3A_1229, %gather3A_1266 : vector<16xf32>
      %min3A_1269 = arith.minimumf %scan3A_1230, %min3A_1267 : vector<16xf32>
      %max3A_1270 = arith.maximumf %scan3A_1230, %min3A_1267 : vector<16xf32>
      %max3A_1271 = arith.maximumf %scan3A_1231, %min3A_1269 : vector<16xf32>
      %add3A_1272 = arith.constant 375 : i32
      %add3A_1273 = vector.broadcast %add3A_1272 : i32 to vector<16xi32>
      %add3A_1274 = arith.addi %scan3A_1247, %add3A_1273 : vector<16xi32>
      %gather3A_1275 = tpu.vector_load_idx %arg5[%iota3A, %add3A_1274] : memref<16x1009xf32, #tpu.memory_space<vmem>>[vector<16xi32>, vector<16xi32>], vector<16xf32>,
      %min3A_1276 = arith.minimumf %scan3A_1232, %gather3A_1275 : vector<16xf32>
      %max3A_1277 = arith.maximumf %scan3A_1232, %gather3A_1275 : vector<16xf32>
      %min3A_1278 = arith.minimumf %scan3A_1233, %min3A_1276 : vector<16xf32>
      %max3A_1279 = arith.maximumf %scan3A_1233, %min3A_1276 : vector<16xf32>
      %max3A_1280 = arith.maximumf %scan3A_1234, %min3A_1278 : vector<16xf32>
      %add3A_1281 = arith.constant 500 : i32
      %add3A_1282 = vector.broadcast %add3A_1281 : i32 to vector<16xi32>
      %add3A_1283 = arith.addi %scan3A_1247, %add3A_1282 : vector<16xi32>
      %gather3A_1284 = tpu.vector_load_idx %arg5[%iota3A, %add3A_1283] : memref<16x1009xf32, #tpu.memory_space<vmem>>[vector<16xi32>, vector<16xi32>], vector<16xf32>,
      %min3A_1285 = arith.minimumf %scan3A_1235, %gather3A_1284 : vector<16xf32>
      %max3A_1286 = arith.maximumf %scan3A_1235, %gather3A_1284 : vector<16xf32>
      %min3A_1287 = arith.minimumf %scan3A_1236, %min3A_1285 : vector<16xf32>
      %max3A_1288 = arith.maximumf %scan3A_1236, %min3A_1285 : vector<16xf32>
      %max3A_1289 = arith.maximumf %scan3A_1237, %min3A_1287 : vector<16xf32>
      %add3A_1290 = arith.constant 625 : i32
      %add3A_1291 = vector.broadcast %add3A_1290 : i32 to vector<16xi32>
      %add3A_1292 = arith.addi %scan3A_1247, %add3A_1291 : vector<16xi32>
      %gather3A_1293 = tpu.vector_load_idx %arg5[%iota3A, %add3A_1292] : memref<16x1009xf32, #tpu.memory_space<vmem>>[vector<16xi32>, vector<16xi32>], vector<16xf32>,
      %min3A_1294 = arith.minimumf %scan3A_1238, %gather3A_1293 : vector<16xf32>
      %max3A_1295 = arith.maximumf %scan3A_1238, %gather3A_1293 : vector<16xf32>
      %min3A_1296 = arith.minimumf %scan3A_1239, %min3A_1294 : vector<16xf32>
      %max3A_1297 = arith.maximumf %scan3A_1239, %min3A_1294 : vector<16xf32>
      %max3A_1298 = arith.maximumf %scan3A_1240, %min3A_1296 : vector<16xf32>
      %add3A_1299 = arith.constant 750 : i32
      %add3A_1300 = vector.broadcast %add3A_1299 : i32 to vector<16xi32>
      %add3A_1301 = arith.addi %scan3A_1247, %add3A_1300 : vector<16xi32>
      %gather3A_1302 = tpu.vector_load_idx %arg5[%iota3A, %add3A_1301] : memref<16x1009xf32, #tpu.memory_space<vmem>>[vector<16xi32>, vector<16xi32>], vector<16xf32>,
      %min3A_1303 = arith.minimumf %scan3A_1241, %gather3A_1302 : vector<16xf32>
      %max3A_1304 = arith.maximumf %scan3A_1241, %gather3A_1302 : vector<16xf32>
      %min3A_1305 = arith.minimumf %scan3A_1242, %min3A_1303 : vector<16xf32>
      %max3A_1306 = arith.maximumf %scan3A_1242, %min3A_1303 : vector<16xf32>
      %max3A_1307 = arith.maximumf %scan3A_1243, %min3A_1305 : vector<16xf32>
      %add3A_1308 = arith.constant 875 : i32
      %add3A_1309 = vector.broadcast %add3A_1308 : i32 to vector<16xi32>
      %add3A_1310 = arith.addi %scan3A_1247, %add3A_1309 : vector<16xi32>
      %gather3A_1311 = tpu.vector_load_idx %arg5[%iota3A, %add3A_1310] : memref<16x1009xf32, #tpu.memory_space<vmem>>[vector<16xi32>, vector<16xi32>], vector<16xf32>,
      %min3A_1312 = arith.minimumf %scan3A_1244, %gather3A_1311 : vector<16xf32>
      %max3A_1313 = arith.maximumf %scan3A_1244, %gather3A_1311 : vector<16xf32>
      %min3A_1314 = arith.minimumf %scan3A_1245, %min3A_1312 : vector<16xf32>
      %max3A_1315 = arith.maximumf %scan3A_1245, %min3A_1312 : vector<16xf32>
      %max3A_1316 = arith.maximumf %scan3A_1246, %min3A_1314 : vector<16xf32>
      %add3A_1317 = arith.constant 1 : i32
      %add3A_1318 = vector.broadcast %add3A_1317 : i32 to vector<16xi32>
      %add3A_1319 = arith.addi %scan3A_1247, %add3A_1318 : vector<16xi32>
      scf.yield %max3A_1250, %max3A_1252, %max3A_1253, %max3A_1259, %max3A_1261, %max3A_1262, %max3A_1268, %max3A_1270, %max3A_1271, %max3A_1277, %max3A_1279, %max3A_1280, %max3A_1286, %max3A_1288, %max3A_1289, %max3A_1295, %max3A_1297, %max3A_1298, %max3A_1304, %max3A_1306, %max3A_1307, %max3A_1313, %max3A_1315, %max3A_1316, %add3A_1319 : vector<16xf32>, vector<16xf32>, vector<16xf32>, vector<16xf32>, vector<16xf32>, vector<16xf32>, vector<16xf32>, vector<16xf32>, vector<16xf32>, vector<16xf32>, vector<16xf32>, vector<16xf32>, vector<16xf32>, vector<16xf32>, vector<16xf32>, vector<16xf32>, vector<16xf32>, vector<16xf32>, vector<16xf32>, vector<16xf32>, vector<16xf32>, vector<16xf32>, vector<16xf32>, vector<16xf32>, vector<16xi32>
    }
    %scan3A_337 = arith.constant 125 : i32
    %min3A_338 = arith.minimumf %scan3A_336#0, %scan3A_336#3 : vector<16xf32>
    %max3A_339 = arith.maximumf %scan3A_336#0, %scan3A_336#3 : vector<16xf32>
    %min3A_340 = arith.minimumf %scan3A_336#1, %min3A_338 : vector<16xf32>
    %max3A_341 = arith.maximumf %scan3A_336#1, %min3A_338 : vector<16xf32>
    %max3A_342 = arith.maximumf %scan3A_336#2, %min3A_340 : vector<16xf32>
    %min3A_343 = arith.minimumf %max3A_339, %scan3A_336#4 : vector<16xf32>
    %max3A_344 = arith.maximumf %max3A_339, %scan3A_336#4 : vector<16xf32>
    %min3A_345 = arith.minimumf %max3A_341, %min3A_343 : vector<16xf32>
    %max3A_346 = arith.maximumf %max3A_341, %min3A_343 : vector<16xf32>
    %max3A_347 = arith.maximumf %max3A_342, %min3A_345 : vector<16xf32>
    %min3A_348 = arith.minimumf %max3A_344, %scan3A_336#5 : vector<16xf32>
    %max3A_349 = arith.maximumf %max3A_344, %scan3A_336#5 : vector<16xf32>
    %min3A_350 = arith.minimumf %max3A_346, %min3A_348 : vector<16xf32>
    %max3A_351 = arith.maximumf %max3A_346, %min3A_348 : vector<16xf32>
    %max3A_352 = arith.maximumf %max3A_347, %min3A_350 : vector<16xf32>
    %min3A_353 = arith.minimumf %max3A_349, %scan3A_336#6 : vector<16xf32>
    %max3A_354 = arith.maximumf %max3A_349, %scan3A_336#6 : vector<16xf32>
    %min3A_355 = arith.minimumf %max3A_351, %min3A_353 : vector<16xf32>
    %max3A_356 = arith.maximumf %max3A_351, %min3A_353 : vector<16xf32>
    %max3A_357 = arith.maximumf %max3A_352, %min3A_355 : vector<16xf32>
    %min3A_358 = arith.minimumf %max3A_354, %scan3A_336#7 : vector<16xf32>
    %max3A_359 = arith.maximumf %max3A_354, %scan3A_336#7 : vector<16xf32>
    %min3A_360 = arith.minimumf %max3A_356, %min3A_358 : vector<16xf32>
    %max3A_361 = arith.maximumf %max3A_356, %min3A_358 : vector<16xf32>
    %max3A_362 = arith.maximumf %max3A_357, %min3A_360 : vector<16xf32>
    %min3A_363 = arith.minimumf %max3A_359, %scan3A_336#8 : vector<16xf32>
    %max3A_364 = arith.maximumf %max3A_359, %scan3A_336#8 : vector<16xf32>
    %min3A_365 = arith.minimumf %max3A_361, %min3A_363 : vector<16xf32>
    %max3A_366 = arith.maximumf %max3A_361, %min3A_363 : vector<16xf32>
    %max3A_367 = arith.maximumf %max3A_362, %min3A_365 : vector<16xf32>
    %min3A_368 = arith.minimumf %max3A_364, %scan3A_336#9 : vector<16xf32>
    %max3A_369 = arith.maximumf %max3A_364, %scan3A_336#9 : vector<16xf32>
    %min3A_370 = arith.minimumf %max3A_366, %min3A_368 : vector<16xf32>
    %max3A_371 = arith.maximumf %max3A_366, %min3A_368 : vector<16xf32>
    %max3A_372 = arith.maximumf %max3A_367, %min3A_370 : vector<16xf32>
    %min3A_373 = arith.minimumf %max3A_369, %scan3A_336#10 : vector<16xf32>
    %max3A_374 = arith.maximumf %max3A_369, %scan3A_336#10 : vector<16xf32>
    %min3A_375 = arith.minimumf %max3A_371, %min3A_373 : vector<16xf32>
    %max3A_376 = arith.maximumf %max3A_371, %min3A_373 : vector<16xf32>
    %max3A_377 = arith.maximumf %max3A_372, %min3A_375 : vector<16xf32>
    %min3A_378 = arith.minimumf %max3A_374, %scan3A_336#11 : vector<16xf32>
    %max3A_379 = arith.maximumf %max3A_374, %scan3A_336#11 : vector<16xf32>
    %min3A_380 = arith.minimumf %max3A_376, %min3A_378 : vector<16xf32>
    %max3A_381 = arith.maximumf %max3A_376, %min3A_378 : vector<16xf32>
    %max3A_382 = arith.maximumf %max3A_377, %min3A_380 : vector<16xf32>
    %min3A_383 = arith.minimumf %max3A_379, %scan3A_336#12 : vector<16xf32>
    %max3A_384 = arith.maximumf %max3A_379, %scan3A_336#12 : vector<16xf32>
    %min3A_385 = arith.minimumf %max3A_381, %min3A_383 : vector<16xf32>
    %max3A_386 = arith.maximumf %max3A_381, %min3A_383 : vector<16xf32>
    %max3A_387 = arith.maximumf %max3A_382, %min3A_385 : vector<16xf32>
    %min3A_388 = arith.minimumf %max3A_384, %scan3A_336#13 : vector<16xf32>
    %max3A_389 = arith.maximumf %max3A_384, %scan3A_336#13 : vector<16xf32>
    %min3A_390 = arith.minimumf %max3A_386, %min3A_388 : vector<16xf32>
    %max3A_391 = arith.maximumf %max3A_386, %min3A_388 : vector<16xf32>
    %max3A_392 = arith.maximumf %max3A_387, %min3A_390 : vector<16xf32>
    %min3A_393 = arith.minimumf %max3A_389, %scan3A_336#14 : vector<16xf32>
    %max3A_394 = arith.maximumf %max3A_389, %scan3A_336#14 : vector<16xf32>
    %min3A_395 = arith.minimumf %max3A_391, %min3A_393 : vector<16xf32>
    %max3A_396 = arith.maximumf %max3A_391, %min3A_393 : vector<16xf32>
    %max3A_397 = arith.maximumf %max3A_392, %min3A_395 : vector<16xf32>
    %min3A_398 = arith.minimumf %max3A_394, %scan3A_336#15 : vector<16xf32>
    %max3A_399 = arith.maximumf %max3A_394, %scan3A_336#15 : vector<16xf32>
    %min3A_400 = arith.minimumf %max3A_396, %min3A_398 : vector<16xf32>
    %max3A_401 = arith.maximumf %max3A_396, %min3A_398 : vector<16xf32>
    %max3A_402 = arith.maximumf %max3A_397, %min3A_400 : vector<16xf32>
    %min3A_403 = arith.minimumf %max3A_399, %scan3A_336#16 : vector<16xf32>
    %max3A_404 = arith.maximumf %max3A_399, %scan3A_336#16 : vector<16xf32>
    %min3A_405 = arith.minimumf %max3A_401, %min3A_403 : vector<16xf32>
    %max3A_406 = arith.maximumf %max3A_401, %min3A_403 : vector<16xf32>
    %max3A_407 = arith.maximumf %max3A_402, %min3A_405 : vector<16xf32>
    %min3A_408 = arith.minimumf %max3A_404, %scan3A_336#17 : vector<16xf32>
    %max3A_409 = arith.maximumf %max3A_404, %scan3A_336#17 : vector<16xf32>
    %min3A_410 = arith.minimumf %max3A_406, %min3A_408 : vector<16xf32>
    %max3A_411 = arith.maximumf %max3A_406, %min3A_408 : vector<16xf32>
    %max3A_412 = arith.maximumf %max3A_407, %min3A_410 : vector<16xf32>
    %min3A_413 = arith.minimumf %max3A_409, %scan3A_336#18 : vector<16xf32>
    %max3A_414 = arith.maximumf %max3A_409, %scan3A_336#18 : vector<16xf32>
    %min3A_415 = arith.minimumf %max3A_411, %min3A_413 : vector<16xf32>
    %max3A_416 = arith.maximumf %max3A_411, %min3A_413 : vector<16xf32>
    %max3A_417 = arith.maximumf %max3A_412, %min3A_415 : vector<16xf32>
    %min3A_418 = arith.minimumf %max3A_414, %scan3A_336#19 : vector<16xf32>
    %max3A_419 = arith.maximumf %max3A_414, %scan3A_336#19 : vector<16xf32>
    %min3A_420 = arith.minimumf %max3A_416, %min3A_418 : vector<16xf32>
    %max3A_421 = arith.maximumf %max3A_416, %min3A_418 : vector<16xf32>
    %max3A_422 = arith.maximumf %max3A_417, %min3A_420 : vector<16xf32>
    %min3A_423 = arith.minimumf %max3A_419, %scan3A_336#20 : vector<16xf32>
    %max3A_424 = arith.maximumf %max3A_419, %scan3A_336#20 : vector<16xf32>
    %min3A_425 = arith.minimumf %max3A_421, %min3A_423 : vector<16xf32>
    %max3A_426 = arith.maximumf %max3A_421, %min3A_423 : vector<16xf32>
    %max3A_427 = arith.maximumf %max3A_422, %min3A_425 : vector<16xf32>
    %min3A_428 = arith.minimumf %max3A_424, %scan3A_336#21 : vector<16xf32>
    %max3A_429 = arith.maximumf %max3A_424, %scan3A_336#21 : vector<16xf32>
    %min3A_430 = arith.minimumf %max3A_426, %min3A_428 : vector<16xf32>
    %max3A_431 = arith.maximumf %max3A_426, %min3A_428 : vector<16xf32>
    %max3A_432 = arith.maximumf %max3A_427, %min3A_430 : vector<16xf32>
    %min3A_433 = arith.minimumf %max3A_429, %scan3A_336#22 : vector<16xf32>
    %max3A_434 = arith.maximumf %max3A_429, %scan3A_336#22 : vector<16xf32>
    %min3A_435 = arith.minimumf %max3A_431, %min3A_433 : vector<16xf32>
    %max3A_436 = arith.maximumf %max3A_431, %min3A_433 : vector<16xf32>
    %max3A_437 = arith.maximumf %max3A_432, %min3A_435 : vector<16xf32>
    %min3A_438 = arith.minimumf %max3A_434, %scan3A_336#23 : vector<16xf32>
    %max3A_439 = arith.maximumf %max3A_434, %scan3A_336#23 : vector<16xf32>
    %min3A_440 = arith.minimumf %max3A_436, %min3A_438 : vector<16xf32>
    %max3A_441 = arith.maximumf %max3A_436, %min3A_438 : vector<16xf32>
    %max3A_442 = arith.maximumf %max3A_437, %min3A_440 : vector<16xf32>
    %get3A_443 = arith.constant 32 : index
    %get3A_444 = tpu.vector_load %arg7[%get3A_443] {strides = array<i32>} : memref<128xi32, #tpu.memory_space<vmem>>, vector<16xi32>,
    %gather3A_445 = tpu.vector_load_idx %arg5[%iota3A, %get3A_444] : memref<16x1009xf32, #tpu.memory_space<vmem>>[vector<16xi32>, vector<16xi32>], vector<16xf32>,
    %eq3A_446 = arith.cmpf oeq, %gather3A_445, %max3A_439 : vector<16xf32>
    %jit3A_447 = arith.constant 1.000000e+00 : f32
    %jit3A_448 = arith.constant 0.000000e+00 : f32
    %broadcast_in_dim3A_449 = vector.broadcast %jit3A_447 : f32 to vector<16xf32>
    %broadcast_in_dim3A_450 = vector.broadcast %jit3A_448 : f32 to vector<16xf32>
    %select_n3A_451 = arith.select %eq3A_446, %broadcast_in_dim3A_449, %broadcast_in_dim3A_450 : vector<16xi1>, vector<16xf32>
    %sub3A_452 = arith.subf %gather3A_445, %max3A_441 : vector<16xf32>
    %neg3A_453 = arith.constant 0.000000e+00 : f32
    %neg3A_454 = vector.broadcast %neg3A_453 : f32 to vector<16xf32>
    %neg3A_455 = arith.subf %neg3A_454, %sub3A_452 : vector<16xf32>
    %sub3A_456 = arith.subf %max3A_439, %max3A_442 : vector<16xf32>
    %add3A_457 = arith.constant 9.99999996E-13 : f32
    %add3A_458 = vector.broadcast %add3A_457 : f32 to vector<16xf32>
    %add3A_459 = arith.addf %sub3A_456, %add3A_458 : vector<16xf32>
    %div3A_460 = arith.divf %neg3A_455, %add3A_459 : vector<16xf32>
    %mul3A_461 = arith.mulf %div3A_460, %select_n3A_451 : vector<16xf32>
    %swap3A_462 = arith.constant 32 : index
    %swap3A_463 = tpu.vector_load %arg8[%swap3A_462] {strides = array<i32>} : memref<128xf32, #tpu.memory_space<vmem>>, vector<16xf32>,
    tpu.vector_store %arg8[%swap3A_462], %mul3A_461 {strides = array<i32>} : memref<128xf32, #tpu.memory_space<vmem>>, vector<16xf32>,
    %add3A_464 = arith.constant 64 : i32
    %add3A_465 = arith.addi %mul3A_2, %add3A_464 : i32
    %dma_start3A_466 = arith.constant 0 : i32
    %dma_start3A_467 = arith.constant 0 : i32
    %dma_start3A_468 = tpu.memref_slice %arg5[%dma_start3A_466, %dma_start3A_467] : memref<16x1009xf32, #tpu.memory_space<vmem>> -> memref<16x1000xf32, #tpu.memory_space<vmem>>
    %dma_start3A_469 = arith.constant 0 : i32
    %dma_start3A_470 = tpu.memref_slice %arg2[%add3A_465, %dma_start3A_469] : memref<4096x1000xf32, #tpu.memory_space<hbm>> -> memref<16x1000xf32, #tpu.memory_space<hbm>>
    %dma_start3A_471 = arith.constant 0 : i32
    %dma_start3A_472 = arith.constant 0 : i32
    %dma_start3A_473 = tpu.memref_slice %arg5[%dma_start3A_471, %dma_start3A_472] : memref<16x1009xf32, #tpu.memory_space<vmem>> -> memref<16x1000xf32, #tpu.memory_space<vmem>>
    %dma_start3A_474 = arith.constant 0 : i32
    %dma_start3A_475 = tpu.memref_slice %arg2[%add3A_465, %dma_start3A_474] : memref<4096x1000xf32, #tpu.memory_space<hbm>> -> memref<16x1000xf32, #tpu.memory_space<hbm>>
    tpu.enqueue_dma source(%dma_start3A_475 : memref<16x1000xf32, #tpu.memory_space<hbm>>) target(%dma_start3A_473 : memref<16x1000xf32, #tpu.memory_space<vmem>>) target_semaphore(%arg9 : memref<!tpu.dma_semaphore, #tpu.memory_space<semaphore_mem>>)
    %dma_wait3A_476 = arith.constant 0 : i32
    %dma_wait3A_477 = arith.constant 0 : i32
    %dma_wait3A_478 = tpu.memref_slice %arg6[%dma_wait3A_476, %dma_wait3A_477] : memref<16x1009xf32, #tpu.memory_space<vmem>> -> memref<16x1000xf32, #tpu.memory_space<vmem>>
    %dma_wait3A_479 = arith.constant 0 : i32
    %dma_wait3A_480 = tpu.memref_slice %arg2[%add3A_311, %dma_wait3A_479] : memref<4096x1000xf32, #tpu.memory_space<hbm>> -> memref<16x1000xf32, #tpu.memory_space<hbm>>
    %dma_wait3A_481 = arith.constant 0 : i32
    %dma_wait3A_482 = arith.constant 0 : i32
    %dma_wait3A_483 = tpu.memref_slice %arg6[%dma_wait3A_481, %dma_wait3A_482] : memref<16x1009xf32, #tpu.memory_space<vmem>> -> memref<16x1000xf32, #tpu.memory_space<vmem>>
    %dma_wait3A_484 = arith.constant 0 : i32
    %dma_wait3A_485 = tpu.memref_slice %arg2[%add3A_311, %dma_wait3A_484] : memref<4096x1000xf32, #tpu.memory_space<hbm>> -> memref<16x1000xf32, #tpu.memory_space<hbm>>
    tpu.wait_dma2 semaphore(%arg10 : memref<!tpu.dma_semaphore, #tpu.memory_space<semaphore_mem>>) src(%dma_wait3A_485 : memref<16x1000xf32, #tpu.memory_space<hbm>>) dst(%dma_wait3A_483 : memref<16x1000xf32, #tpu.memory_space<vmem>>)
    %scan3A_486 = arith.constant 0 : i32
    %scan3A_487 = arith.constant 125 : i32
    %scan3A_488 = arith.addi %scan3A_486, %scan3A_487 : i32
    %scan3A_489 = arith.constant 1 : i32
    %scan3A_490:25 = scf.for %scan3A_1222 = %scan3A_486 to %scan3A_488 step %scan3A_489 iter_args(%scan3A_1223 = %broadcast_in_dim3A_14, %scan3A_1224 = %broadcast_in_dim3A_14, %scan3A_1225 = %broadcast_in_dim3A_14, %scan3A_1226 = %broadcast_in_dim3A_14, %scan3A_1227 = %broadcast_in_dim3A_14, %scan3A_1228 = %broadcast_in_dim3A_14, %scan3A_1229 = %broadcast_in_dim3A_14, %scan3A_1230 = %broadcast_in_dim3A_14, %scan3A_1231 = %broadcast_in_dim3A_14, %scan3A_1232 = %broadcast_in_dim3A_14, %scan3A_1233 = %broadcast_in_dim3A_14, %scan3A_1234 = %broadcast_in_dim3A_14, %scan3A_1235 = %broadcast_in_dim3A_14, %scan3A_1236 = %broadcast_in_dim3A_14, %scan3A_1237 = %broadcast_in_dim3A_14, %scan3A_1238 = %broadcast_in_dim3A_14, %scan3A_1239 = %broadcast_in_dim3A_14, %scan3A_1240 = %broadcast_in_dim3A_14, %scan3A_1241 = %broadcast_in_dim3A_14, %scan3A_1242 = %broadcast_in_dim3A_14, %scan3A_1243 = %broadcast_in_dim3A_14, %scan3A_1244 = %broadcast_in_dim3A_14, %scan3A_1245 = %broadcast_in_dim3A_14, %scan3A_1246 = %broadcast_in_dim3A_14, %scan3A_1247 = %broadcast_in_dim3A_12) -> (vector<16xf32>, vector<16xf32>, vector<16xf32>, vector<16xf32>, vector<16xf32>, vector<16xf32>, vector<16xf32>, vector<16xf32>, vector<16xf32>, vector<16xf32>, vector<16xf32>, vector<16xf32>, vector<16xf32>, vector<16xf32>, vector<16xf32>, vector<16xf32>, vector<16xf32>, vector<16xf32>, vector<16xf32>, vector<16xf32>, vector<16xf32>, vector<16xf32>, vector<16xf32>, vector<16xf32>, vector<16xi32>)  : i32 {
      %gather3A_1248 = tpu.vector_load_idx %arg6[%iota3A, %scan3A_1247] : memref<16x1009xf32, #tpu.memory_space<vmem>>[vector<16xi32>, vector<16xi32>], vector<16xf32>,
      %min3A_1249 = arith.minimumf %scan3A_1223, %gather3A_1248 : vector<16xf32>
      %max3A_1250 = arith.maximumf %scan3A_1223, %gather3A_1248 : vector<16xf32>
      %min3A_1251 = arith.minimumf %scan3A_1224, %min3A_1249 : vector<16xf32>
      %max3A_1252 = arith.maximumf %scan3A_1224, %min3A_1249 : vector<16xf32>
      %max3A_1253 = arith.maximumf %scan3A_1225, %min3A_1251 : vector<16xf32>
      %add3A_1254 = arith.constant 125 : i32
      %add3A_1255 = vector.broadcast %add3A_1254 : i32 to vector<16xi32>
      %add3A_1256 = arith.addi %scan3A_1247, %add3A_1255 : vector<16xi32>
      %gather3A_1257 = tpu.vector_load_idx %arg6[%iota3A, %add3A_1256] : memref<16x1009xf32, #tpu.memory_space<vmem>>[vector<16xi32>, vector<16xi32>], vector<16xf32>,
      %min3A_1258 = arith.minimumf %scan3A_1226, %gather3A_1257 : vector<16xf32>
      %max3A_1259 = arith.maximumf %scan3A_1226, %gather3A_1257 : vector<16xf32>
      %min3A_1260 = arith.minimumf %scan3A_1227, %min3A_1258 : vector<16xf32>
      %max3A_1261 = arith.maximumf %scan3A_1227, %min3A_1258 : vector<16xf32>
      %max3A_1262 = arith.maximumf %scan3A_1228, %min3A_1260 : vector<16xf32>
      %add3A_1263 = arith.constant 250 : i32
      %add3A_1264 = vector.broadcast %add3A_1263 : i32 to vector<16xi32>
      %add3A_1265 = arith.addi %scan3A_1247, %add3A_1264 : vector<16xi32>
      %gather3A_1266 = tpu.vector_load_idx %arg6[%iota3A, %add3A_1265] : memref<16x1009xf32, #tpu.memory_space<vmem>>[vector<16xi32>, vector<16xi32>], vector<16xf32>,
      %min3A_1267 = arith.minimumf %scan3A_1229, %gather3A_1266 : vector<16xf32>
      %max3A_1268 = arith.maximumf %scan3A_1229, %gather3A_1266 : vector<16xf32>
      %min3A_1269 = arith.minimumf %scan3A_1230, %min3A_1267 : vector<16xf32>
      %max3A_1270 = arith.maximumf %scan3A_1230, %min3A_1267 : vector<16xf32>
      %max3A_1271 = arith.maximumf %scan3A_1231, %min3A_1269 : vector<16xf32>
      %add3A_1272 = arith.constant 375 : i32
      %add3A_1273 = vector.broadcast %add3A_1272 : i32 to vector<16xi32>
      %add3A_1274 = arith.addi %scan3A_1247, %add3A_1273 : vector<16xi32>
      %gather3A_1275 = tpu.vector_load_idx %arg6[%iota3A, %add3A_1274] : memref<16x1009xf32, #tpu.memory_space<vmem>>[vector<16xi32>, vector<16xi32>], vector<16xf32>,
      %min3A_1276 = arith.minimumf %scan3A_1232, %gather3A_1275 : vector<16xf32>
      %max3A_1277 = arith.maximumf %scan3A_1232, %gather3A_1275 : vector<16xf32>
      %min3A_1278 = arith.minimumf %scan3A_1233, %min3A_1276 : vector<16xf32>
      %max3A_1279 = arith.maximumf %scan3A_1233, %min3A_1276 : vector<16xf32>
      %max3A_1280 = arith.maximumf %scan3A_1234, %min3A_1278 : vector<16xf32>
      %add3A_1281 = arith.constant 500 : i32
      %add3A_1282 = vector.broadcast %add3A_1281 : i32 to vector<16xi32>
      %add3A_1283 = arith.addi %scan3A_1247, %add3A_1282 : vector<16xi32>
      %gather3A_1284 = tpu.vector_load_idx %arg6[%iota3A, %add3A_1283] : memref<16x1009xf32, #tpu.memory_space<vmem>>[vector<16xi32>, vector<16xi32>], vector<16xf32>,
      %min3A_1285 = arith.minimumf %scan3A_1235, %gather3A_1284 : vector<16xf32>
      %max3A_1286 = arith.maximumf %scan3A_1235, %gather3A_1284 : vector<16xf32>
      %min3A_1287 = arith.minimumf %scan3A_1236, %min3A_1285 : vector<16xf32>
      %max3A_1288 = arith.maximumf %scan3A_1236, %min3A_1285 : vector<16xf32>
      %max3A_1289 = arith.maximumf %scan3A_1237, %min3A_1287 : vector<16xf32>
      %add3A_1290 = arith.constant 625 : i32
      %add3A_1291 = vector.broadcast %add3A_1290 : i32 to vector<16xi32>
      %add3A_1292 = arith.addi %scan3A_1247, %add3A_1291 : vector<16xi32>
      %gather3A_1293 = tpu.vector_load_idx %arg6[%iota3A, %add3A_1292] : memref<16x1009xf32, #tpu.memory_space<vmem>>[vector<16xi32>, vector<16xi32>], vector<16xf32>,
      %min3A_1294 = arith.minimumf %scan3A_1238, %gather3A_1293 : vector<16xf32>
      %max3A_1295 = arith.maximumf %scan3A_1238, %gather3A_1293 : vector<16xf32>
      %min3A_1296 = arith.minimumf %scan3A_1239, %min3A_1294 : vector<16xf32>
      %max3A_1297 = arith.maximumf %scan3A_1239, %min3A_1294 : vector<16xf32>
      %max3A_1298 = arith.maximumf %scan3A_1240, %min3A_1296 : vector<16xf32>
      %add3A_1299 = arith.constant 750 : i32
      %add3A_1300 = vector.broadcast %add3A_1299 : i32 to vector<16xi32>
      %add3A_1301 = arith.addi %scan3A_1247, %add3A_1300 : vector<16xi32>
      %gather3A_1302 = tpu.vector_load_idx %arg6[%iota3A, %add3A_1301] : memref<16x1009xf32, #tpu.memory_space<vmem>>[vector<16xi32>, vector<16xi32>], vector<16xf32>,
      %min3A_1303 = arith.minimumf %scan3A_1241, %gather3A_1302 : vector<16xf32>
      %max3A_1304 = arith.maximumf %scan3A_1241, %gather3A_1302 : vector<16xf32>
      %min3A_1305 = arith.minimumf %scan3A_1242, %min3A_1303 : vector<16xf32>
      %max3A_1306 = arith.maximumf %scan3A_1242, %min3A_1303 : vector<16xf32>
      %max3A_1307 = arith.maximumf %scan3A_1243, %min3A_1305 : vector<16xf32>
      %add3A_1308 = arith.constant 875 : i32
      %add3A_1309 = vector.broadcast %add3A_1308 : i32 to vector<16xi32>
      %add3A_1310 = arith.addi %scan3A_1247, %add3A_1309 : vector<16xi32>
      %gather3A_1311 = tpu.vector_load_idx %arg6[%iota3A, %add3A_1310] : memref<16x1009xf32, #tpu.memory_space<vmem>>[vector<16xi32>, vector<16xi32>], vector<16xf32>,
      %min3A_1312 = arith.minimumf %scan3A_1244, %gather3A_1311 : vector<16xf32>
      %max3A_1313 = arith.maximumf %scan3A_1244, %gather3A_1311 : vector<16xf32>
      %min3A_1314 = arith.minimumf %scan3A_1245, %min3A_1312 : vector<16xf32>
      %max3A_1315 = arith.maximumf %scan3A_1245, %min3A_1312 : vector<16xf32>
      %max3A_1316 = arith.maximumf %scan3A_1246, %min3A_1314 : vector<16xf32>
      %add3A_1317 = arith.constant 1 : i32
      %add3A_1318 = vector.broadcast %add3A_1317 : i32 to vector<16xi32>
      %add3A_1319 = arith.addi %scan3A_1247, %add3A_1318 : vector<16xi32>
      scf.yield %max3A_1250, %max3A_1252, %max3A_1253, %max3A_1259, %max3A_1261, %max3A_1262, %max3A_1268, %max3A_1270, %max3A_1271, %max3A_1277, %max3A_1279, %max3A_1280, %max3A_1286, %max3A_1288, %max3A_1289, %max3A_1295, %max3A_1297, %max3A_1298, %max3A_1304, %max3A_1306, %max3A_1307, %max3A_1313, %max3A_1315, %max3A_1316, %add3A_1319 : vector<16xf32>, vector<16xf32>, vector<16xf32>, vector<16xf32>, vector<16xf32>, vector<16xf32>, vector<16xf32>, vector<16xf32>, vector<16xf32>, vector<16xf32>, vector<16xf32>, vector<16xf32>, vector<16xf32>, vector<16xf32>, vector<16xf32>, vector<16xf32>, vector<16xf32>, vector<16xf32>, vector<16xf32>, vector<16xf32>, vector<16xf32>, vector<16xf32>, vector<16xf32>, vector<16xf32>, vector<16xi32>
    }
    %scan3A_491 = arith.constant 125 : i32
    %min3A_492 = arith.minimumf %scan3A_490#0, %scan3A_490#3 : vector<16xf32>
    %max3A_493 = arith.maximumf %scan3A_490#0, %scan3A_490#3 : vector<16xf32>
    %min3A_494 = arith.minimumf %scan3A_490#1, %min3A_492 : vector<16xf32>
    %max3A_495 = arith.maximumf %scan3A_490#1, %min3A_492 : vector<16xf32>
    %max3A_496 = arith.maximumf %scan3A_490#2, %min3A_494 : vector<16xf32>
    %min3A_497 = arith.minimumf %max3A_493, %scan3A_490#4 : vector<16xf32>
    %max3A_498 = arith.maximumf %max3A_493, %scan3A_490#4 : vector<16xf32>
    %min3A_499 = arith.minimumf %max3A_495, %min3A_497 : vector<16xf32>
    %max3A_500 = arith.maximumf %max3A_495, %min3A_497 : vector<16xf32>
    %max3A_501 = arith.maximumf %max3A_496, %min3A_499 : vector<16xf32>
    %min3A_502 = arith.minimumf %max3A_498, %scan3A_490#5 : vector<16xf32>
    %max3A_503 = arith.maximumf %max3A_498, %scan3A_490#5 : vector<16xf32>
    %min3A_504 = arith.minimumf %max3A_500, %min3A_502 : vector<16xf32>
    %max3A_505 = arith.maximumf %max3A_500, %min3A_502 : vector<16xf32>
    %max3A_506 = arith.maximumf %max3A_501, %min3A_504 : vector<16xf32>
    %min3A_507 = arith.minimumf %max3A_503, %scan3A_490#6 : vector<16xf32>
    %max3A_508 = arith.maximumf %max3A_503, %scan3A_490#6 : vector<16xf32>
    %min3A_509 = arith.minimumf %max3A_505, %min3A_507 : vector<16xf32>
    %max3A_510 = arith.maximumf %max3A_505, %min3A_507 : vector<16xf32>
    %max3A_511 = arith.maximumf %max3A_506, %min3A_509 : vector<16xf32>
    %min3A_512 = arith.minimumf %max3A_508, %scan3A_490#7 : vector<16xf32>
    %max3A_513 = arith.maximumf %max3A_508, %scan3A_490#7 : vector<16xf32>
    %min3A_514 = arith.minimumf %max3A_510, %min3A_512 : vector<16xf32>
    %max3A_515 = arith.maximumf %max3A_510, %min3A_512 : vector<16xf32>
    %max3A_516 = arith.maximumf %max3A_511, %min3A_514 : vector<16xf32>
    %min3A_517 = arith.minimumf %max3A_513, %scan3A_490#8 : vector<16xf32>
    %max3A_518 = arith.maximumf %max3A_513, %scan3A_490#8 : vector<16xf32>
    %min3A_519 = arith.minimumf %max3A_515, %min3A_517 : vector<16xf32>
    %max3A_520 = arith.maximumf %max3A_515, %min3A_517 : vector<16xf32>
    %max3A_521 = arith.maximumf %max3A_516, %min3A_519 : vector<16xf32>
    %min3A_522 = arith.minimumf %max3A_518, %scan3A_490#9 : vector<16xf32>
    %max3A_523 = arith.maximumf %max3A_518, %scan3A_490#9 : vector<16xf32>
    %min3A_524 = arith.minimumf %max3A_520, %min3A_522 : vector<16xf32>
    %max3A_525 = arith.maximumf %max3A_520, %min3A_522 : vector<16xf32>
    %max3A_526 = arith.maximumf %max3A_521, %min3A_524 : vector<16xf32>
    %min3A_527 = arith.minimumf %max3A_523, %scan3A_490#10 : vector<16xf32>
    %max3A_528 = arith.maximumf %max3A_523, %scan3A_490#10 : vector<16xf32>
    %min3A_529 = arith.minimumf %max3A_525, %min3A_527 : vector<16xf32>
    %max3A_530 = arith.maximumf %max3A_525, %min3A_527 : vector<16xf32>
    %max3A_531 = arith.maximumf %max3A_526, %min3A_529 : vector<16xf32>
    %min3A_532 = arith.minimumf %max3A_528, %scan3A_490#11 : vector<16xf32>
    %max3A_533 = arith.maximumf %max3A_528, %scan3A_490#11 : vector<16xf32>
    %min3A_534 = arith.minimumf %max3A_530, %min3A_532 : vector<16xf32>
    %max3A_535 = arith.maximumf %max3A_530, %min3A_532 : vector<16xf32>
    %max3A_536 = arith.maximumf %max3A_531, %min3A_534 : vector<16xf32>
    %min3A_537 = arith.minimumf %max3A_533, %scan3A_490#12 : vector<16xf32>
    %max3A_538 = arith.maximumf %max3A_533, %scan3A_490#12 : vector<16xf32>
    %min3A_539 = arith.minimumf %max3A_535, %min3A_537 : vector<16xf32>
    %max3A_540 = arith.maximumf %max3A_535, %min3A_537 : vector<16xf32>
    %max3A_541 = arith.maximumf %max3A_536, %min3A_539 : vector<16xf32>
    %min3A_542 = arith.minimumf %max3A_538, %scan3A_490#13 : vector<16xf32>
    %max3A_543 = arith.maximumf %max3A_538, %scan3A_490#13 : vector<16xf32>
    %min3A_544 = arith.minimumf %max3A_540, %min3A_542 : vector<16xf32>
    %max3A_545 = arith.maximumf %max3A_540, %min3A_542 : vector<16xf32>
    %max3A_546 = arith.maximumf %max3A_541, %min3A_544 : vector<16xf32>
    %min3A_547 = arith.minimumf %max3A_543, %scan3A_490#14 : vector<16xf32>
    %max3A_548 = arith.maximumf %max3A_543, %scan3A_490#14 : vector<16xf32>
    %min3A_549 = arith.minimumf %max3A_545, %min3A_547 : vector<16xf32>
    %max3A_550 = arith.maximumf %max3A_545, %min3A_547 : vector<16xf32>
    %max3A_551 = arith.maximumf %max3A_546, %min3A_549 : vector<16xf32>
    %min3A_552 = arith.minimumf %max3A_548, %scan3A_490#15 : vector<16xf32>
    %max3A_553 = arith.maximumf %max3A_548, %scan3A_490#15 : vector<16xf32>
    %min3A_554 = arith.minimumf %max3A_550, %min3A_552 : vector<16xf32>
    %max3A_555 = arith.maximumf %max3A_550, %min3A_552 : vector<16xf32>
    %max3A_556 = arith.maximumf %max3A_551, %min3A_554 : vector<16xf32>
    %min3A_557 = arith.minimumf %max3A_553, %scan3A_490#16 : vector<16xf32>
    %max3A_558 = arith.maximumf %max3A_553, %scan3A_490#16 : vector<16xf32>
    %min3A_559 = arith.minimumf %max3A_555, %min3A_557 : vector<16xf32>
    %max3A_560 = arith.maximumf %max3A_555, %min3A_557 : vector<16xf32>
    %max3A_561 = arith.maximumf %max3A_556, %min3A_559 : vector<16xf32>
    %min3A_562 = arith.minimumf %max3A_558, %scan3A_490#17 : vector<16xf32>
    %max3A_563 = arith.maximumf %max3A_558, %scan3A_490#17 : vector<16xf32>
    %min3A_564 = arith.minimumf %max3A_560, %min3A_562 : vector<16xf32>
    %max3A_565 = arith.maximumf %max3A_560, %min3A_562 : vector<16xf32>
    %max3A_566 = arith.maximumf %max3A_561, %min3A_564 : vector<16xf32>
    %min3A_567 = arith.minimumf %max3A_563, %scan3A_490#18 : vector<16xf32>
    %max3A_568 = arith.maximumf %max3A_563, %scan3A_490#18 : vector<16xf32>
    %min3A_569 = arith.minimumf %max3A_565, %min3A_567 : vector<16xf32>
    %max3A_570 = arith.maximumf %max3A_565, %min3A_567 : vector<16xf32>
    %max3A_571 = arith.maximumf %max3A_566, %min3A_569 : vector<16xf32>
    %min3A_572 = arith.minimumf %max3A_568, %scan3A_490#19 : vector<16xf32>
    %max3A_573 = arith.maximumf %max3A_568, %scan3A_490#19 : vector<16xf32>
    %min3A_574 = arith.minimumf %max3A_570, %min3A_572 : vector<16xf32>
    %max3A_575 = arith.maximumf %max3A_570, %min3A_572 : vector<16xf32>
    %max3A_576 = arith.maximumf %max3A_571, %min3A_574 : vector<16xf32>
    %min3A_577 = arith.minimumf %max3A_573, %scan3A_490#20 : vector<16xf32>
    %max3A_578 = arith.maximumf %max3A_573, %scan3A_490#20 : vector<16xf32>
    %min3A_579 = arith.minimumf %max3A_575, %min3A_577 : vector<16xf32>
    %max3A_580 = arith.maximumf %max3A_575, %min3A_577 : vector<16xf32>
    %max3A_581 = arith.maximumf %max3A_576, %min3A_579 : vector<16xf32>
    %min3A_582 = arith.minimumf %max3A_578, %scan3A_490#21 : vector<16xf32>
    %max3A_583 = arith.maximumf %max3A_578, %scan3A_490#21 : vector<16xf32>
    %min3A_584 = arith.minimumf %max3A_580, %min3A_582 : vector<16xf32>
    %max3A_585 = arith.maximumf %max3A_580, %min3A_582 : vector<16xf32>
    %max3A_586 = arith.maximumf %max3A_581, %min3A_584 : vector<16xf32>
    %min3A_587 = arith.minimumf %max3A_583, %scan3A_490#22 : vector<16xf32>
    %max3A_588 = arith.maximumf %max3A_583, %scan3A_490#22 : vector<16xf32>
    %min3A_589 = arith.minimumf %max3A_585, %min3A_587 : vector<16xf32>
    %max3A_590 = arith.maximumf %max3A_585, %min3A_587 : vector<16xf32>
    %max3A_591 = arith.maximumf %max3A_586, %min3A_589 : vector<16xf32>
    %min3A_592 = arith.minimumf %max3A_588, %scan3A_490#23 : vector<16xf32>
    %max3A_593 = arith.maximumf %max3A_588, %scan3A_490#23 : vector<16xf32>
    %min3A_594 = arith.minimumf %max3A_590, %min3A_592 : vector<16xf32>
    %max3A_595 = arith.maximumf %max3A_590, %min3A_592 : vector<16xf32>
    %max3A_596 = arith.maximumf %max3A_591, %min3A_594 : vector<16xf32>
    %get3A_597 = arith.constant 48 : index
    %get3A_598 = tpu.vector_load %arg7[%get3A_597] {strides = array<i32>} : memref<128xi32, #tpu.memory_space<vmem>>, vector<16xi32>,
    %gather3A_599 = tpu.vector_load_idx %arg6[%iota3A, %get3A_598] : memref<16x1009xf32, #tpu.memory_space<vmem>>[vector<16xi32>, vector<16xi32>], vector<16xf32>,
    %eq3A_600 = arith.cmpf oeq, %gather3A_599, %max3A_593 : vector<16xf32>
    %jit3A_601 = arith.constant 1.000000e+00 : f32
    %jit3A_602 = arith.constant 0.000000e+00 : f32
    %broadcast_in_dim3A_603 = vector.broadcast %jit3A_601 : f32 to vector<16xf32>
    %broadcast_in_dim3A_604 = vector.broadcast %jit3A_602 : f32 to vector<16xf32>
    %select_n3A_605 = arith.select %eq3A_600, %broadcast_in_dim3A_603, %broadcast_in_dim3A_604 : vector<16xi1>, vector<16xf32>
    %sub3A_606 = arith.subf %gather3A_599, %max3A_595 : vector<16xf32>
    %neg3A_607 = arith.constant 0.000000e+00 : f32
    %neg3A_608 = vector.broadcast %neg3A_607 : f32 to vector<16xf32>
    %neg3A_609 = arith.subf %neg3A_608, %sub3A_606 : vector<16xf32>
    %sub3A_610 = arith.subf %max3A_593, %max3A_596 : vector<16xf32>
    %add3A_611 = arith.constant 9.99999996E-13 : f32
    %add3A_612 = vector.broadcast %add3A_611 : f32 to vector<16xf32>
    %add3A_613 = arith.addf %sub3A_610, %add3A_612 : vector<16xf32>
    %div3A_614 = arith.divf %neg3A_609, %add3A_613 : vector<16xf32>
    %mul3A_615 = arith.mulf %div3A_614, %select_n3A_605 : vector<16xf32>
    %swap3A_616 = arith.constant 48 : index
    %swap3A_617 = tpu.vector_load %arg8[%swap3A_616] {strides = array<i32>} : memref<128xf32, #tpu.memory_space<vmem>>, vector<16xf32>,
    tpu.vector_store %arg8[%swap3A_616], %mul3A_615 {strides = array<i32>} : memref<128xf32, #tpu.memory_space<vmem>>, vector<16xf32>,
    %add3A_618 = arith.constant 80 : i32
    %add3A_619 = arith.addi %mul3A_2, %add3A_618 : i32
    %dma_start3A_620 = arith.constant 0 : i32
    %dma_start3A_621 = arith.constant 0 : i32
    %dma_start3A_622 = tpu.memref_slice %arg6[%dma_start3A_620, %dma_start3A_621] : memref<16x1009xf32, #tpu.memory_space<vmem>> -> memref<16x1000xf32, #tpu.memory_space<vmem>>
    %dma_start3A_623 = arith.constant 0 : i32
    %dma_start3A_624 = tpu.memref_slice %arg2[%add3A_619, %dma_start3A_623] : memref<4096x1000xf32, #tpu.memory_space<hbm>> -> memref<16x1000xf32, #tpu.memory_space<hbm>>
    %dma_start3A_625 = arith.constant 0 : i32
    %dma_start3A_626 = arith.constant 0 : i32
    %dma_start3A_627 = tpu.memref_slice %arg6[%dma_start3A_625, %dma_start3A_626] : memref<16x1009xf32, #tpu.memory_space<vmem>> -> memref<16x1000xf32, #tpu.memory_space<vmem>>
    %dma_start3A_628 = arith.constant 0 : i32
    %dma_start3A_629 = tpu.memref_slice %arg2[%add3A_619, %dma_start3A_628] : memref<4096x1000xf32, #tpu.memory_space<hbm>> -> memref<16x1000xf32, #tpu.memory_space<hbm>>
    tpu.enqueue_dma source(%dma_start3A_629 : memref<16x1000xf32, #tpu.memory_space<hbm>>) target(%dma_start3A_627 : memref<16x1000xf32, #tpu.memory_space<vmem>>) target_semaphore(%arg10 : memref<!tpu.dma_semaphore, #tpu.memory_space<semaphore_mem>>)
    %dma_wait3A_630 = arith.constant 0 : i32
    %dma_wait3A_631 = arith.constant 0 : i32
    %dma_wait3A_632 = tpu.memref_slice %arg5[%dma_wait3A_630, %dma_wait3A_631] : memref<16x1009xf32, #tpu.memory_space<vmem>> -> memref<16x1000xf32, #tpu.memory_space<vmem>>
    %dma_wait3A_633 = arith.constant 0 : i32
    %dma_wait3A_634 = tpu.memref_slice %arg2[%add3A_465, %dma_wait3A_633] : memref<4096x1000xf32, #tpu.memory_space<hbm>> -> memref<16x1000xf32, #tpu.memory_space<hbm>>
    %dma_wait3A_635 = arith.constant 0 : i32
    %dma_wait3A_636 = arith.constant 0 : i32
    %dma_wait3A_637 = tpu.memref_slice %arg5[%dma_wait3A_635, %dma_wait3A_636] : memref<16x1009xf32, #tpu.memory_space<vmem>> -> memref<16x1000xf32, #tpu.memory_space<vmem>>
    %dma_wait3A_638 = arith.constant 0 : i32
    %dma_wait3A_639 = tpu.memref_slice %arg2[%add3A_465, %dma_wait3A_638] : memref<4096x1000xf32, #tpu.memory_space<hbm>> -> memref<16x1000xf32, #tpu.memory_space<hbm>>
    tpu.wait_dma2 semaphore(%arg9 : memref<!tpu.dma_semaphore, #tpu.memory_space<semaphore_mem>>) src(%dma_wait3A_639 : memref<16x1000xf32, #tpu.memory_space<hbm>>) dst(%dma_wait3A_637 : memref<16x1000xf32, #tpu.memory_space<vmem>>)
    %scan3A_640 = arith.constant 0 : i32
    %scan3A_641 = arith.constant 125 : i32
    %scan3A_642 = arith.addi %scan3A_640, %scan3A_641 : i32
    %scan3A_643 = arith.constant 1 : i32
    %scan3A_644:25 = scf.for %scan3A_1222 = %scan3A_640 to %scan3A_642 step %scan3A_643 iter_args(%scan3A_1223 = %broadcast_in_dim3A_14, %scan3A_1224 = %broadcast_in_dim3A_14, %scan3A_1225 = %broadcast_in_dim3A_14, %scan3A_1226 = %broadcast_in_dim3A_14, %scan3A_1227 = %broadcast_in_dim3A_14, %scan3A_1228 = %broadcast_in_dim3A_14, %scan3A_1229 = %broadcast_in_dim3A_14, %scan3A_1230 = %broadcast_in_dim3A_14, %scan3A_1231 = %broadcast_in_dim3A_14, %scan3A_1232 = %broadcast_in_dim3A_14, %scan3A_1233 = %broadcast_in_dim3A_14, %scan3A_1234 = %broadcast_in_dim3A_14, %scan3A_1235 = %broadcast_in_dim3A_14, %scan3A_1236 = %broadcast_in_dim3A_14, %scan3A_1237 = %broadcast_in_dim3A_14, %scan3A_1238 = %broadcast_in_dim3A_14, %scan3A_1239 = %broadcast_in_dim3A_14, %scan3A_1240 = %broadcast_in_dim3A_14, %scan3A_1241 = %broadcast_in_dim3A_14, %scan3A_1242 = %broadcast_in_dim3A_14, %scan3A_1243 = %broadcast_in_dim3A_14, %scan3A_1244 = %broadcast_in_dim3A_14, %scan3A_1245 = %broadcast_in_dim3A_14, %scan3A_1246 = %broadcast_in_dim3A_14, %scan3A_1247 = %broadcast_in_dim3A_12) -> (vector<16xf32>, vector<16xf32>, vector<16xf32>, vector<16xf32>, vector<16xf32>, vector<16xf32>, vector<16xf32>, vector<16xf32>, vector<16xf32>, vector<16xf32>, vector<16xf32>, vector<16xf32>, vector<16xf32>, vector<16xf32>, vector<16xf32>, vector<16xf32>, vector<16xf32>, vector<16xf32>, vector<16xf32>, vector<16xf32>, vector<16xf32>, vector<16xf32>, vector<16xf32>, vector<16xf32>, vector<16xi32>)  : i32 {
      %gather3A_1248 = tpu.vector_load_idx %arg5[%iota3A, %scan3A_1247] : memref<16x1009xf32, #tpu.memory_space<vmem>>[vector<16xi32>, vector<16xi32>], vector<16xf32>,
      %min3A_1249 = arith.minimumf %scan3A_1223, %gather3A_1248 : vector<16xf32>
      %max3A_1250 = arith.maximumf %scan3A_1223, %gather3A_1248 : vector<16xf32>
      %min3A_1251 = arith.minimumf %scan3A_1224, %min3A_1249 : vector<16xf32>
      %max3A_1252 = arith.maximumf %scan3A_1224, %min3A_1249 : vector<16xf32>
      %max3A_1253 = arith.maximumf %scan3A_1225, %min3A_1251 : vector<16xf32>
      %add3A_1254 = arith.constant 125 : i32
      %add3A_1255 = vector.broadcast %add3A_1254 : i32 to vector<16xi32>
      %add3A_1256 = arith.addi %scan3A_1247, %add3A_1255 : vector<16xi32>
      %gather3A_1257 = tpu.vector_load_idx %arg5[%iota3A, %add3A_1256] : memref<16x1009xf32, #tpu.memory_space<vmem>>[vector<16xi32>, vector<16xi32>], vector<16xf32>,
      %min3A_1258 = arith.minimumf %scan3A_1226, %gather3A_1257 : vector<16xf32>
      %max3A_1259 = arith.maximumf %scan3A_1226, %gather3A_1257 : vector<16xf32>
      %min3A_1260 = arith.minimumf %scan3A_1227, %min3A_1258 : vector<16xf32>
      %max3A_1261 = arith.maximumf %scan3A_1227, %min3A_1258 : vector<16xf32>
      %max3A_1262 = arith.maximumf %scan3A_1228, %min3A_1260 : vector<16xf32>
      %add3A_1263 = arith.constant 250 : i32
      %add3A_1264 = vector.broadcast %add3A_1263 : i32 to vector<16xi32>
      %add3A_1265 = arith.addi %scan3A_1247, %add3A_1264 : vector<16xi32>
      %gather3A_1266 = tpu.vector_load_idx %arg5[%iota3A, %add3A_1265] : memref<16x1009xf32, #tpu.memory_space<vmem>>[vector<16xi32>, vector<16xi32>], vector<16xf32>,
      %min3A_1267 = arith.minimumf %scan3A_1229, %gather3A_1266 : vector<16xf32>
      %max3A_1268 = arith.maximumf %scan3A_1229, %gather3A_1266 : vector<16xf32>
      %min3A_1269 = arith.minimumf %scan3A_1230, %min3A_1267 : vector<16xf32>
      %max3A_1270 = arith.maximumf %scan3A_1230, %min3A_1267 : vector<16xf32>
      %max3A_1271 = arith.maximumf %scan3A_1231, %min3A_1269 : vector<16xf32>
      %add3A_1272 = arith.constant 375 : i32
      %add3A_1273 = vector.broadcast %add3A_1272 : i32 to vector<16xi32>
      %add3A_1274 = arith.addi %scan3A_1247, %add3A_1273 : vector<16xi32>
      %gather3A_1275 = tpu.vector_load_idx %arg5[%iota3A, %add3A_1274] : memref<16x1009xf32, #tpu.memory_space<vmem>>[vector<16xi32>, vector<16xi32>], vector<16xf32>,
      %min3A_1276 = arith.minimumf %scan3A_1232, %gather3A_1275 : vector<16xf32>
      %max3A_1277 = arith.maximumf %scan3A_1232, %gather3A_1275 : vector<16xf32>
      %min3A_1278 = arith.minimumf %scan3A_1233, %min3A_1276 : vector<16xf32>
      %max3A_1279 = arith.maximumf %scan3A_1233, %min3A_1276 : vector<16xf32>
      %max3A_1280 = arith.maximumf %scan3A_1234, %min3A_1278 : vector<16xf32>
      %add3A_1281 = arith.constant 500 : i32
      %add3A_1282 = vector.broadcast %add3A_1281 : i32 to vector<16xi32>
      %add3A_1283 = arith.addi %scan3A_1247, %add3A_1282 : vector<16xi32>
      %gather3A_1284 = tpu.vector_load_idx %arg5[%iota3A, %add3A_1283] : memref<16x1009xf32, #tpu.memory_space<vmem>>[vector<16xi32>, vector<16xi32>], vector<16xf32>,
      %min3A_1285 = arith.minimumf %scan3A_1235, %gather3A_1284 : vector<16xf32>
      %max3A_1286 = arith.maximumf %scan3A_1235, %gather3A_1284 : vector<16xf32>
      %min3A_1287 = arith.minimumf %scan3A_1236, %min3A_1285 : vector<16xf32>
      %max3A_1288 = arith.maximumf %scan3A_1236, %min3A_1285 : vector<16xf32>
      %max3A_1289 = arith.maximumf %scan3A_1237, %min3A_1287 : vector<16xf32>
      %add3A_1290 = arith.constant 625 : i32
      %add3A_1291 = vector.broadcast %add3A_1290 : i32 to vector<16xi32>
      %add3A_1292 = arith.addi %scan3A_1247, %add3A_1291 : vector<16xi32>
      %gather3A_1293 = tpu.vector_load_idx %arg5[%iota3A, %add3A_1292] : memref<16x1009xf32, #tpu.memory_space<vmem>>[vector<16xi32>, vector<16xi32>], vector<16xf32>,
      %min3A_1294 = arith.minimumf %scan3A_1238, %gather3A_1293 : vector<16xf32>
      %max3A_1295 = arith.maximumf %scan3A_1238, %gather3A_1293 : vector<16xf32>
      %min3A_1296 = arith.minimumf %scan3A_1239, %min3A_1294 : vector<16xf32>
      %max3A_1297 = arith.maximumf %scan3A_1239, %min3A_1294 : vector<16xf32>
      %max3A_1298 = arith.maximumf %scan3A_1240, %min3A_1296 : vector<16xf32>
      %add3A_1299 = arith.constant 750 : i32
      %add3A_1300 = vector.broadcast %add3A_1299 : i32 to vector<16xi32>
      %add3A_1301 = arith.addi %scan3A_1247, %add3A_1300 : vector<16xi32>
      %gather3A_1302 = tpu.vector_load_idx %arg5[%iota3A, %add3A_1301] : memref<16x1009xf32, #tpu.memory_space<vmem>>[vector<16xi32>, vector<16xi32>], vector<16xf32>,
      %min3A_1303 = arith.minimumf %scan3A_1241, %gather3A_1302 : vector<16xf32>
      %max3A_1304 = arith.maximumf %scan3A_1241, %gather3A_1302 : vector<16xf32>
      %min3A_1305 = arith.minimumf %scan3A_1242, %min3A_1303 : vector<16xf32>
      %max3A_1306 = arith.maximumf %scan3A_1242, %min3A_1303 : vector<16xf32>
      %max3A_1307 = arith.maximumf %scan3A_1243, %min3A_1305 : vector<16xf32>
      %add3A_1308 = arith.constant 875 : i32
      %add3A_1309 = vector.broadcast %add3A_1308 : i32 to vector<16xi32>
      %add3A_1310 = arith.addi %scan3A_1247, %add3A_1309 : vector<16xi32>
      %gather3A_1311 = tpu.vector_load_idx %arg5[%iota3A, %add3A_1310] : memref<16x1009xf32, #tpu.memory_space<vmem>>[vector<16xi32>, vector<16xi32>], vector<16xf32>,
      %min3A_1312 = arith.minimumf %scan3A_1244, %gather3A_1311 : vector<16xf32>
      %max3A_1313 = arith.maximumf %scan3A_1244, %gather3A_1311 : vector<16xf32>
      %min3A_1314 = arith.minimumf %scan3A_1245, %min3A_1312 : vector<16xf32>
      %max3A_1315 = arith.maximumf %scan3A_1245, %min3A_1312 : vector<16xf32>
      %max3A_1316 = arith.maximumf %scan3A_1246, %min3A_1314 : vector<16xf32>
      %add3A_1317 = arith.constant 1 : i32
      %add3A_1318 = vector.broadcast %add3A_1317 : i32 to vector<16xi32>
      %add3A_1319 = arith.addi %scan3A_1247, %add3A_1318 : vector<16xi32>
      scf.yield %max3A_1250, %max3A_1252, %max3A_1253, %max3A_1259, %max3A_1261, %max3A_1262, %max3A_1268, %max3A_1270, %max3A_1271, %max3A_1277, %max3A_1279, %max3A_1280, %max3A_1286, %max3A_1288, %max3A_1289, %max3A_1295, %max3A_1297, %max3A_1298, %max3A_1304, %max3A_1306, %max3A_1307, %max3A_1313, %max3A_1315, %max3A_1316, %add3A_1319 : vector<16xf32>, vector<16xf32>, vector<16xf32>, vector<16xf32>, vector<16xf32>, vector<16xf32>, vector<16xf32>, vector<16xf32>, vector<16xf32>, vector<16xf32>, vector<16xf32>, vector<16xf32>, vector<16xf32>, vector<16xf32>, vector<16xf32>, vector<16xf32>, vector<16xf32>, vector<16xf32>, vector<16xf32>, vector<16xf32>, vector<16xf32>, vector<16xf32>, vector<16xf32>, vector<16xf32>, vector<16xi32>
    }
    %scan3A_645 = arith.constant 125 : i32
    %min3A_646 = arith.minimumf %scan3A_644#0, %scan3A_644#3 : vector<16xf32>
    %max3A_647 = arith.maximumf %scan3A_644#0, %scan3A_644#3 : vector<16xf32>
    %min3A_648 = arith.minimumf %scan3A_644#1, %min3A_646 : vector<16xf32>
    %max3A_649 = arith.maximumf %scan3A_644#1, %min3A_646 : vector<16xf32>
    %max3A_650 = arith.maximumf %scan3A_644#2, %min3A_648 : vector<16xf32>
    %min3A_651 = arith.minimumf %max3A_647, %scan3A_644#4 : vector<16xf32>
    %max3A_652 = arith.maximumf %max3A_647, %scan3A_644#4 : vector<16xf32>
    %min3A_653 = arith.minimumf %max3A_649, %min3A_651 : vector<16xf32>
    %max3A_654 = arith.maximumf %max3A_649, %min3A_651 : vector<16xf32>
    %max3A_655 = arith.maximumf %max3A_650, %min3A_653 : vector<16xf32>
    %min3A_656 = arith.minimumf %max3A_652, %scan3A_644#5 : vector<16xf32>
    %max3A_657 = arith.maximumf %max3A_652, %scan3A_644#5 : vector<16xf32>
    %min3A_658 = arith.minimumf %max3A_654, %min3A_656 : vector<16xf32>
    %max3A_659 = arith.maximumf %max3A_654, %min3A_656 : vector<16xf32>
    %max3A_660 = arith.maximumf %max3A_655, %min3A_658 : vector<16xf32>
    %min3A_661 = arith.minimumf %max3A_657, %scan3A_644#6 : vector<16xf32>
    %max3A_662 = arith.maximumf %max3A_657, %scan3A_644#6 : vector<16xf32>
    %min3A_663 = arith.minimumf %max3A_659, %min3A_661 : vector<16xf32>
    %max3A_664 = arith.maximumf %max3A_659, %min3A_661 : vector<16xf32>
    %max3A_665 = arith.maximumf %max3A_660, %min3A_663 : vector<16xf32>
    %min3A_666 = arith.minimumf %max3A_662, %scan3A_644#7 : vector<16xf32>
    %max3A_667 = arith.maximumf %max3A_662, %scan3A_644#7 : vector<16xf32>
    %min3A_668 = arith.minimumf %max3A_664, %min3A_666 : vector<16xf32>
    %max3A_669 = arith.maximumf %max3A_664, %min3A_666 : vector<16xf32>
    %max3A_670 = arith.maximumf %max3A_665, %min3A_668 : vector<16xf32>
    %min3A_671 = arith.minimumf %max3A_667, %scan3A_644#8 : vector<16xf32>
    %max3A_672 = arith.maximumf %max3A_667, %scan3A_644#8 : vector<16xf32>
    %min3A_673 = arith.minimumf %max3A_669, %min3A_671 : vector<16xf32>
    %max3A_674 = arith.maximumf %max3A_669, %min3A_671 : vector<16xf32>
    %max3A_675 = arith.maximumf %max3A_670, %min3A_673 : vector<16xf32>
    %min3A_676 = arith.minimumf %max3A_672, %scan3A_644#9 : vector<16xf32>
    %max3A_677 = arith.maximumf %max3A_672, %scan3A_644#9 : vector<16xf32>
    %min3A_678 = arith.minimumf %max3A_674, %min3A_676 : vector<16xf32>
    %max3A_679 = arith.maximumf %max3A_674, %min3A_676 : vector<16xf32>
    %max3A_680 = arith.maximumf %max3A_675, %min3A_678 : vector<16xf32>
    %min3A_681 = arith.minimumf %max3A_677, %scan3A_644#10 : vector<16xf32>
    %max3A_682 = arith.maximumf %max3A_677, %scan3A_644#10 : vector<16xf32>
    %min3A_683 = arith.minimumf %max3A_679, %min3A_681 : vector<16xf32>
    %max3A_684 = arith.maximumf %max3A_679, %min3A_681 : vector<16xf32>
    %max3A_685 = arith.maximumf %max3A_680, %min3A_683 : vector<16xf32>
    %min3A_686 = arith.minimumf %max3A_682, %scan3A_644#11 : vector<16xf32>
    %max3A_687 = arith.maximumf %max3A_682, %scan3A_644#11 : vector<16xf32>
    %min3A_688 = arith.minimumf %max3A_684, %min3A_686 : vector<16xf32>
    %max3A_689 = arith.maximumf %max3A_684, %min3A_686 : vector<16xf32>
    %max3A_690 = arith.maximumf %max3A_685, %min3A_688 : vector<16xf32>
    %min3A_691 = arith.minimumf %max3A_687, %scan3A_644#12 : vector<16xf32>
    %max3A_692 = arith.maximumf %max3A_687, %scan3A_644#12 : vector<16xf32>
    %min3A_693 = arith.minimumf %max3A_689, %min3A_691 : vector<16xf32>
    %max3A_694 = arith.maximumf %max3A_689, %min3A_691 : vector<16xf32>
    %max3A_695 = arith.maximumf %max3A_690, %min3A_693 : vector<16xf32>
    %min3A_696 = arith.minimumf %max3A_692, %scan3A_644#13 : vector<16xf32>
    %max3A_697 = arith.maximumf %max3A_692, %scan3A_644#13 : vector<16xf32>
    %min3A_698 = arith.minimumf %max3A_694, %min3A_696 : vector<16xf32>
    %max3A_699 = arith.maximumf %max3A_694, %min3A_696 : vector<16xf32>
    %max3A_700 = arith.maximumf %max3A_695, %min3A_698 : vector<16xf32>
    %min3A_701 = arith.minimumf %max3A_697, %scan3A_644#14 : vector<16xf32>
    %max3A_702 = arith.maximumf %max3A_697, %scan3A_644#14 : vector<16xf32>
    %min3A_703 = arith.minimumf %max3A_699, %min3A_701 : vector<16xf32>
    %max3A_704 = arith.maximumf %max3A_699, %min3A_701 : vector<16xf32>
    %max3A_705 = arith.maximumf %max3A_700, %min3A_703 : vector<16xf32>
    %min3A_706 = arith.minimumf %max3A_702, %scan3A_644#15 : vector<16xf32>
    %max3A_707 = arith.maximumf %max3A_702, %scan3A_644#15 : vector<16xf32>
    %min3A_708 = arith.minimumf %max3A_704, %min3A_706 : vector<16xf32>
    %max3A_709 = arith.maximumf %max3A_704, %min3A_706 : vector<16xf32>
    %max3A_710 = arith.maximumf %max3A_705, %min3A_708 : vector<16xf32>
    %min3A_711 = arith.minimumf %max3A_707, %scan3A_644#16 : vector<16xf32>
    %max3A_712 = arith.maximumf %max3A_707, %scan3A_644#16 : vector<16xf32>
    %min3A_713 = arith.minimumf %max3A_709, %min3A_711 : vector<16xf32>
    %max3A_714 = arith.maximumf %max3A_709, %min3A_711 : vector<16xf32>
    %max3A_715 = arith.maximumf %max3A_710, %min3A_713 : vector<16xf32>
    %min3A_716 = arith.minimumf %max3A_712, %scan3A_644#17 : vector<16xf32>
    %max3A_717 = arith.maximumf %max3A_712, %scan3A_644#17 : vector<16xf32>
    %min3A_718 = arith.minimumf %max3A_714, %min3A_716 : vector<16xf32>
    %max3A_719 = arith.maximumf %max3A_714, %min3A_716 : vector<16xf32>
    %max3A_720 = arith.maximumf %max3A_715, %min3A_718 : vector<16xf32>
    %min3A_721 = arith.minimumf %max3A_717, %scan3A_644#18 : vector<16xf32>
    %max3A_722 = arith.maximumf %max3A_717, %scan3A_644#18 : vector<16xf32>
    %min3A_723 = arith.minimumf %max3A_719, %min3A_721 : vector<16xf32>
    %max3A_724 = arith.maximumf %max3A_719, %min3A_721 : vector<16xf32>
    %max3A_725 = arith.maximumf %max3A_720, %min3A_723 : vector<16xf32>
    %min3A_726 = arith.minimumf %max3A_722, %scan3A_644#19 : vector<16xf32>
    %max3A_727 = arith.maximumf %max3A_722, %scan3A_644#19 : vector<16xf32>
    %min3A_728 = arith.minimumf %max3A_724, %min3A_726 : vector<16xf32>
    %max3A_729 = arith.maximumf %max3A_724, %min3A_726 : vector<16xf32>
    %max3A_730 = arith.maximumf %max3A_725, %min3A_728 : vector<16xf32>
    %min3A_731 = arith.minimumf %max3A_727, %scan3A_644#20 : vector<16xf32>
    %max3A_732 = arith.maximumf %max3A_727, %scan3A_644#20 : vector<16xf32>
    %min3A_733 = arith.minimumf %max3A_729, %min3A_731 : vector<16xf32>
    %max3A_734 = arith.maximumf %max3A_729, %min3A_731 : vector<16xf32>
    %max3A_735 = arith.maximumf %max3A_730, %min3A_733 : vector<16xf32>
    %min3A_736 = arith.minimumf %max3A_732, %scan3A_644#21 : vector<16xf32>
    %max3A_737 = arith.maximumf %max3A_732, %scan3A_644#21 : vector<16xf32>
    %min3A_738 = arith.minimumf %max3A_734, %min3A_736 : vector<16xf32>
    %max3A_739 = arith.maximumf %max3A_734, %min3A_736 : vector<16xf32>
    %max3A_740 = arith.maximumf %max3A_735, %min3A_738 : vector<16xf32>
    %min3A_741 = arith.minimumf %max3A_737, %scan3A_644#22 : vector<16xf32>
    %max3A_742 = arith.maximumf %max3A_737, %scan3A_644#22 : vector<16xf32>
    %min3A_743 = arith.minimumf %max3A_739, %min3A_741 : vector<16xf32>
    %max3A_744 = arith.maximumf %max3A_739, %min3A_741 : vector<16xf32>
    %max3A_745 = arith.maximumf %max3A_740, %min3A_743 : vector<16xf32>
    %min3A_746 = arith.minimumf %max3A_742, %scan3A_644#23 : vector<16xf32>
    %max3A_747 = arith.maximumf %max3A_742, %scan3A_644#23 : vector<16xf32>
    %min3A_748 = arith.minimumf %max3A_744, %min3A_746 : vector<16xf32>
    %max3A_749 = arith.maximumf %max3A_744, %min3A_746 : vector<16xf32>
    %max3A_750 = arith.maximumf %max3A_745, %min3A_748 : vector<16xf32>
    %get3A_751 = arith.constant 64 : index
    %get3A_752 = tpu.vector_load %arg7[%get3A_751] {strides = array<i32>} : memref<128xi32, #tpu.memory_space<vmem>>, vector<16xi32>,
    %gather3A_753 = tpu.vector_load_idx %arg5[%iota3A, %get3A_752] : memref<16x1009xf32, #tpu.memory_space<vmem>>[vector<16xi32>, vector<16xi32>], vector<16xf32>,
    %eq3A_754 = arith.cmpf oeq, %gather3A_753, %max3A_747 : vector<16xf32>
    %jit3A_755 = arith.constant 1.000000e+00 : f32
    %jit3A_756 = arith.constant 0.000000e+00 : f32
    %broadcast_in_dim3A_757 = vector.broadcast %jit3A_755 : f32 to vector<16xf32>
    %broadcast_in_dim3A_758 = vector.broadcast %jit3A_756 : f32 to vector<16xf32>
    %select_n3A_759 = arith.select %eq3A_754, %broadcast_in_dim3A_757, %broadcast_in_dim3A_758 : vector<16xi1>, vector<16xf32>
    %sub3A_760 = arith.subf %gather3A_753, %max3A_749 : vector<16xf32>
    %neg3A_761 = arith.constant 0.000000e+00 : f32
    %neg3A_762 = vector.broadcast %neg3A_761 : f32 to vector<16xf32>
    %neg3A_763 = arith.subf %neg3A_762, %sub3A_760 : vector<16xf32>
    %sub3A_764 = arith.subf %max3A_747, %max3A_750 : vector<16xf32>
    %add3A_765 = arith.constant 9.99999996E-13 : f32
    %add3A_766 = vector.broadcast %add3A_765 : f32 to vector<16xf32>
    %add3A_767 = arith.addf %sub3A_764, %add3A_766 : vector<16xf32>
    %div3A_768 = arith.divf %neg3A_763, %add3A_767 : vector<16xf32>
    %mul3A_769 = arith.mulf %div3A_768, %select_n3A_759 : vector<16xf32>
    %swap3A_770 = arith.constant 64 : index
    %swap3A_771 = tpu.vector_load %arg8[%swap3A_770] {strides = array<i32>} : memref<128xf32, #tpu.memory_space<vmem>>, vector<16xf32>,
    tpu.vector_store %arg8[%swap3A_770], %mul3A_769 {strides = array<i32>} : memref<128xf32, #tpu.memory_space<vmem>>, vector<16xf32>,
    %add3A_772 = arith.constant 96 : i32
    %add3A_773 = arith.addi %mul3A_2, %add3A_772 : i32
    %dma_start3A_774 = arith.constant 0 : i32
    %dma_start3A_775 = arith.constant 0 : i32
    %dma_start3A_776 = tpu.memref_slice %arg5[%dma_start3A_774, %dma_start3A_775] : memref<16x1009xf32, #tpu.memory_space<vmem>> -> memref<16x1000xf32, #tpu.memory_space<vmem>>
    %dma_start3A_777 = arith.constant 0 : i32
    %dma_start3A_778 = tpu.memref_slice %arg2[%add3A_773, %dma_start3A_777] : memref<4096x1000xf32, #tpu.memory_space<hbm>> -> memref<16x1000xf32, #tpu.memory_space<hbm>>
    %dma_start3A_779 = arith.constant 0 : i32
    %dma_start3A_780 = arith.constant 0 : i32
    %dma_start3A_781 = tpu.memref_slice %arg5[%dma_start3A_779, %dma_start3A_780] : memref<16x1009xf32, #tpu.memory_space<vmem>> -> memref<16x1000xf32, #tpu.memory_space<vmem>>
    %dma_start3A_782 = arith.constant 0 : i32
    %dma_start3A_783 = tpu.memref_slice %arg2[%add3A_773, %dma_start3A_782] : memref<4096x1000xf32, #tpu.memory_space<hbm>> -> memref<16x1000xf32, #tpu.memory_space<hbm>>
    tpu.enqueue_dma source(%dma_start3A_783 : memref<16x1000xf32, #tpu.memory_space<hbm>>) target(%dma_start3A_781 : memref<16x1000xf32, #tpu.memory_space<vmem>>) target_semaphore(%arg9 : memref<!tpu.dma_semaphore, #tpu.memory_space<semaphore_mem>>)
    %dma_wait3A_784 = arith.constant 0 : i32
    %dma_wait3A_785 = arith.constant 0 : i32
    %dma_wait3A_786 = tpu.memref_slice %arg6[%dma_wait3A_784, %dma_wait3A_785] : memref<16x1009xf32, #tpu.memory_space<vmem>> -> memref<16x1000xf32, #tpu.memory_space<vmem>>
    %dma_wait3A_787 = arith.constant 0 : i32
    %dma_wait3A_788 = tpu.memref_slice %arg2[%add3A_619, %dma_wait3A_787] : memref<4096x1000xf32, #tpu.memory_space<hbm>> -> memref<16x1000xf32, #tpu.memory_space<hbm>>
    %dma_wait3A_789 = arith.constant 0 : i32
    %dma_wait3A_790 = arith.constant 0 : i32
    %dma_wait3A_791 = tpu.memref_slice %arg6[%dma_wait3A_789, %dma_wait3A_790] : memref<16x1009xf32, #tpu.memory_space<vmem>> -> memref<16x1000xf32, #tpu.memory_space<vmem>>
    %dma_wait3A_792 = arith.constant 0 : i32
    %dma_wait3A_793 = tpu.memref_slice %arg2[%add3A_619, %dma_wait3A_792] : memref<4096x1000xf32, #tpu.memory_space<hbm>> -> memref<16x1000xf32, #tpu.memory_space<hbm>>
    tpu.wait_dma2 semaphore(%arg10 : memref<!tpu.dma_semaphore, #tpu.memory_space<semaphore_mem>>) src(%dma_wait3A_793 : memref<16x1000xf32, #tpu.memory_space<hbm>>) dst(%dma_wait3A_791 : memref<16x1000xf32, #tpu.memory_space<vmem>>)
    %scan3A_794 = arith.constant 0 : i32
    %scan3A_795 = arith.constant 125 : i32
    %scan3A_796 = arith.addi %scan3A_794, %scan3A_795 : i32
    %scan3A_797 = arith.constant 1 : i32
    %scan3A_798:25 = scf.for %scan3A_1222 = %scan3A_794 to %scan3A_796 step %scan3A_797 iter_args(%scan3A_1223 = %broadcast_in_dim3A_14, %scan3A_1224 = %broadcast_in_dim3A_14, %scan3A_1225 = %broadcast_in_dim3A_14, %scan3A_1226 = %broadcast_in_dim3A_14, %scan3A_1227 = %broadcast_in_dim3A_14, %scan3A_1228 = %broadcast_in_dim3A_14, %scan3A_1229 = %broadcast_in_dim3A_14, %scan3A_1230 = %broadcast_in_dim3A_14, %scan3A_1231 = %broadcast_in_dim3A_14, %scan3A_1232 = %broadcast_in_dim3A_14, %scan3A_1233 = %broadcast_in_dim3A_14, %scan3A_1234 = %broadcast_in_dim3A_14, %scan3A_1235 = %broadcast_in_dim3A_14, %scan3A_1236 = %broadcast_in_dim3A_14, %scan3A_1237 = %broadcast_in_dim3A_14, %scan3A_1238 = %broadcast_in_dim3A_14, %scan3A_1239 = %broadcast_in_dim3A_14, %scan3A_1240 = %broadcast_in_dim3A_14, %scan3A_1241 = %broadcast_in_dim3A_14, %scan3A_1242 = %broadcast_in_dim3A_14, %scan3A_1243 = %broadcast_in_dim3A_14, %scan3A_1244 = %broadcast_in_dim3A_14, %scan3A_1245 = %broadcast_in_dim3A_14, %scan3A_1246 = %broadcast_in_dim3A_14, %scan3A_1247 = %broadcast_in_dim3A_12) -> (vector<16xf32>, vector<16xf32>, vector<16xf32>, vector<16xf32>, vector<16xf32>, vector<16xf32>, vector<16xf32>, vector<16xf32>, vector<16xf32>, vector<16xf32>, vector<16xf32>, vector<16xf32>, vector<16xf32>, vector<16xf32>, vector<16xf32>, vector<16xf32>, vector<16xf32>, vector<16xf32>, vector<16xf32>, vector<16xf32>, vector<16xf32>, vector<16xf32>, vector<16xf32>, vector<16xf32>, vector<16xi32>)  : i32 {
      %gather3A_1248 = tpu.vector_load_idx %arg6[%iota3A, %scan3A_1247] : memref<16x1009xf32, #tpu.memory_space<vmem>>[vector<16xi32>, vector<16xi32>], vector<16xf32>,
      %min3A_1249 = arith.minimumf %scan3A_1223, %gather3A_1248 : vector<16xf32>
      %max3A_1250 = arith.maximumf %scan3A_1223, %gather3A_1248 : vector<16xf32>
      %min3A_1251 = arith.minimumf %scan3A_1224, %min3A_1249 : vector<16xf32>
      %max3A_1252 = arith.maximumf %scan3A_1224, %min3A_1249 : vector<16xf32>
      %max3A_1253 = arith.maximumf %scan3A_1225, %min3A_1251 : vector<16xf32>
      %add3A_1254 = arith.constant 125 : i32
      %add3A_1255 = vector.broadcast %add3A_1254 : i32 to vector<16xi32>
      %add3A_1256 = arith.addi %scan3A_1247, %add3A_1255 : vector<16xi32>
      %gather3A_1257 = tpu.vector_load_idx %arg6[%iota3A, %add3A_1256] : memref<16x1009xf32, #tpu.memory_space<vmem>>[vector<16xi32>, vector<16xi32>], vector<16xf32>,
      %min3A_1258 = arith.minimumf %scan3A_1226, %gather3A_1257 : vector<16xf32>
      %max3A_1259 = arith.maximumf %scan3A_1226, %gather3A_1257 : vector<16xf32>
      %min3A_1260 = arith.minimumf %scan3A_1227, %min3A_1258 : vector<16xf32>
      %max3A_1261 = arith.maximumf %scan3A_1227, %min3A_1258 : vector<16xf32>
      %max3A_1262 = arith.maximumf %scan3A_1228, %min3A_1260 : vector<16xf32>
      %add3A_1263 = arith.constant 250 : i32
      %add3A_1264 = vector.broadcast %add3A_1263 : i32 to vector<16xi32>
      %add3A_1265 = arith.addi %scan3A_1247, %add3A_1264 : vector<16xi32>
      %gather3A_1266 = tpu.vector_load_idx %arg6[%iota3A, %add3A_1265] : memref<16x1009xf32, #tpu.memory_space<vmem>>[vector<16xi32>, vector<16xi32>], vector<16xf32>,
      %min3A_1267 = arith.minimumf %scan3A_1229, %gather3A_1266 : vector<16xf32>
      %max3A_1268 = arith.maximumf %scan3A_1229, %gather3A_1266 : vector<16xf32>
      %min3A_1269 = arith.minimumf %scan3A_1230, %min3A_1267 : vector<16xf32>
      %max3A_1270 = arith.maximumf %scan3A_1230, %min3A_1267 : vector<16xf32>
      %max3A_1271 = arith.maximumf %scan3A_1231, %min3A_1269 : vector<16xf32>
      %add3A_1272 = arith.constant 375 : i32
      %add3A_1273 = vector.broadcast %add3A_1272 : i32 to vector<16xi32>
      %add3A_1274 = arith.addi %scan3A_1247, %add3A_1273 : vector<16xi32>
      %gather3A_1275 = tpu.vector_load_idx %arg6[%iota3A, %add3A_1274] : memref<16x1009xf32, #tpu.memory_space<vmem>>[vector<16xi32>, vector<16xi32>], vector<16xf32>,
      %min3A_1276 = arith.minimumf %scan3A_1232, %gather3A_1275 : vector<16xf32>
      %max3A_1277 = arith.maximumf %scan3A_1232, %gather3A_1275 : vector<16xf32>
      %min3A_1278 = arith.minimumf %scan3A_1233, %min3A_1276 : vector<16xf32>
      %max3A_1279 = arith.maximumf %scan3A_1233, %min3A_1276 : vector<16xf32>
      %max3A_1280 = arith.maximumf %scan3A_1234, %min3A_1278 : vector<16xf32>
      %add3A_1281 = arith.constant 500 : i32
      %add3A_1282 = vector.broadcast %add3A_1281 : i32 to vector<16xi32>
      %add3A_1283 = arith.addi %scan3A_1247, %add3A_1282 : vector<16xi32>
      %gather3A_1284 = tpu.vector_load_idx %arg6[%iota3A, %add3A_1283] : memref<16x1009xf32, #tpu.memory_space<vmem>>[vector<16xi32>, vector<16xi32>], vector<16xf32>,
      %min3A_1285 = arith.minimumf %scan3A_1235, %gather3A_1284 : vector<16xf32>
      %max3A_1286 = arith.maximumf %scan3A_1235, %gather3A_1284 : vector<16xf32>
      %min3A_1287 = arith.minimumf %scan3A_1236, %min3A_1285 : vector<16xf32>
      %max3A_1288 = arith.maximumf %scan3A_1236, %min3A_1285 : vector<16xf32>
      %max3A_1289 = arith.maximumf %scan3A_1237, %min3A_1287 : vector<16xf32>
      %add3A_1290 = arith.constant 625 : i32
      %add3A_1291 = vector.broadcast %add3A_1290 : i32 to vector<16xi32>
      %add3A_1292 = arith.addi %scan3A_1247, %add3A_1291 : vector<16xi32>
      %gather3A_1293 = tpu.vector_load_idx %arg6[%iota3A, %add3A_1292] : memref<16x1009xf32, #tpu.memory_space<vmem>>[vector<16xi32>, vector<16xi32>], vector<16xf32>,
      %min3A_1294 = arith.minimumf %scan3A_1238, %gather3A_1293 : vector<16xf32>
      %max3A_1295 = arith.maximumf %scan3A_1238, %gather3A_1293 : vector<16xf32>
      %min3A_1296 = arith.minimumf %scan3A_1239, %min3A_1294 : vector<16xf32>
      %max3A_1297 = arith.maximumf %scan3A_1239, %min3A_1294 : vector<16xf32>
      %max3A_1298 = arith.maximumf %scan3A_1240, %min3A_1296 : vector<16xf32>
      %add3A_1299 = arith.constant 750 : i32
      %add3A_1300 = vector.broadcast %add3A_1299 : i32 to vector<16xi32>
      %add3A_1301 = arith.addi %scan3A_1247, %add3A_1300 : vector<16xi32>
      %gather3A_1302 = tpu.vector_load_idx %arg6[%iota3A, %add3A_1301] : memref<16x1009xf32, #tpu.memory_space<vmem>>[vector<16xi32>, vector<16xi32>], vector<16xf32>,
      %min3A_1303 = arith.minimumf %scan3A_1241, %gather3A_1302 : vector<16xf32>
      %max3A_1304 = arith.maximumf %scan3A_1241, %gather3A_1302 : vector<16xf32>
      %min3A_1305 = arith.minimumf %scan3A_1242, %min3A_1303 : vector<16xf32>
      %max3A_1306 = arith.maximumf %scan3A_1242, %min3A_1303 : vector<16xf32>
      %max3A_1307 = arith.maximumf %scan3A_1243, %min3A_1305 : vector<16xf32>
      %add3A_1308 = arith.constant 875 : i32
      %add3A_1309 = vector.broadcast %add3A_1308 : i32 to vector<16xi32>
      %add3A_1310 = arith.addi %scan3A_1247, %add3A_1309 : vector<16xi32>
      %gather3A_1311 = tpu.vector_load_idx %arg6[%iota3A, %add3A_1310] : memref<16x1009xf32, #tpu.memory_space<vmem>>[vector<16xi32>, vector<16xi32>], vector<16xf32>,
      %min3A_1312 = arith.minimumf %scan3A_1244, %gather3A_1311 : vector<16xf32>
      %max3A_1313 = arith.maximumf %scan3A_1244, %gather3A_1311 : vector<16xf32>
      %min3A_1314 = arith.minimumf %scan3A_1245, %min3A_1312 : vector<16xf32>
      %max3A_1315 = arith.maximumf %scan3A_1245, %min3A_1312 : vector<16xf32>
      %max3A_1316 = arith.maximumf %scan3A_1246, %min3A_1314 : vector<16xf32>
      %add3A_1317 = arith.constant 1 : i32
      %add3A_1318 = vector.broadcast %add3A_1317 : i32 to vector<16xi32>
      %add3A_1319 = arith.addi %scan3A_1247, %add3A_1318 : vector<16xi32>
      scf.yield %max3A_1250, %max3A_1252, %max3A_1253, %max3A_1259, %max3A_1261, %max3A_1262, %max3A_1268, %max3A_1270, %max3A_1271, %max3A_1277, %max3A_1279, %max3A_1280, %max3A_1286, %max3A_1288, %max3A_1289, %max3A_1295, %max3A_1297, %max3A_1298, %max3A_1304, %max3A_1306, %max3A_1307, %max3A_1313, %max3A_1315, %max3A_1316, %add3A_1319 : vector<16xf32>, vector<16xf32>, vector<16xf32>, vector<16xf32>, vector<16xf32>, vector<16xf32>, vector<16xf32>, vector<16xf32>, vector<16xf32>, vector<16xf32>, vector<16xf32>, vector<16xf32>, vector<16xf32>, vector<16xf32>, vector<16xf32>, vector<16xf32>, vector<16xf32>, vector<16xf32>, vector<16xf32>, vector<16xf32>, vector<16xf32>, vector<16xf32>, vector<16xf32>, vector<16xf32>, vector<16xi32>
    }
    %scan3A_799 = arith.constant 125 : i32
    %min3A_800 = arith.minimumf %scan3A_798#0, %scan3A_798#3 : vector<16xf32>
    %max3A_801 = arith.maximumf %scan3A_798#0, %scan3A_798#3 : vector<16xf32>
    %min3A_802 = arith.minimumf %scan3A_798#1, %min3A_800 : vector<16xf32>
    %max3A_803 = arith.maximumf %scan3A_798#1, %min3A_800 : vector<16xf32>
    %max3A_804 = arith.maximumf %scan3A_798#2, %min3A_802 : vector<16xf32>
    %min3A_805 = arith.minimumf %max3A_801, %scan3A_798#4 : vector<16xf32>
    %max3A_806 = arith.maximumf %max3A_801, %scan3A_798#4 : vector<16xf32>
    %min3A_807 = arith.minimumf %max3A_803, %min3A_805 : vector<16xf32>
    %max3A_808 = arith.maximumf %max3A_803, %min3A_805 : vector<16xf32>
    %max3A_809 = arith.maximumf %max3A_804, %min3A_807 : vector<16xf32>
    %min3A_810 = arith.minimumf %max3A_806, %scan3A_798#5 : vector<16xf32>
    %max3A_811 = arith.maximumf %max3A_806, %scan3A_798#5 : vector<16xf32>
    %min3A_812 = arith.minimumf %max3A_808, %min3A_810 : vector<16xf32>
    %max3A_813 = arith.maximumf %max3A_808, %min3A_810 : vector<16xf32>
    %max3A_814 = arith.maximumf %max3A_809, %min3A_812 : vector<16xf32>
    %min3A_815 = arith.minimumf %max3A_811, %scan3A_798#6 : vector<16xf32>
    %max3A_816 = arith.maximumf %max3A_811, %scan3A_798#6 : vector<16xf32>
    %min3A_817 = arith.minimumf %max3A_813, %min3A_815 : vector<16xf32>
    %max3A_818 = arith.maximumf %max3A_813, %min3A_815 : vector<16xf32>
    %max3A_819 = arith.maximumf %max3A_814, %min3A_817 : vector<16xf32>
    %min3A_820 = arith.minimumf %max3A_816, %scan3A_798#7 : vector<16xf32>
    %max3A_821 = arith.maximumf %max3A_816, %scan3A_798#7 : vector<16xf32>
    %min3A_822 = arith.minimumf %max3A_818, %min3A_820 : vector<16xf32>
    %max3A_823 = arith.maximumf %max3A_818, %min3A_820 : vector<16xf32>
    %max3A_824 = arith.maximumf %max3A_819, %min3A_822 : vector<16xf32>
    %min3A_825 = arith.minimumf %max3A_821, %scan3A_798#8 : vector<16xf32>
    %max3A_826 = arith.maximumf %max3A_821, %scan3A_798#8 : vector<16xf32>
    %min3A_827 = arith.minimumf %max3A_823, %min3A_825 : vector<16xf32>
    %max3A_828 = arith.maximumf %max3A_823, %min3A_825 : vector<16xf32>
    %max3A_829 = arith.maximumf %max3A_824, %min3A_827 : vector<16xf32>
    %min3A_830 = arith.minimumf %max3A_826, %scan3A_798#9 : vector<16xf32>
    %max3A_831 = arith.maximumf %max3A_826, %scan3A_798#9 : vector<16xf32>
    %min3A_832 = arith.minimumf %max3A_828, %min3A_830 : vector<16xf32>
    %max3A_833 = arith.maximumf %max3A_828, %min3A_830 : vector<16xf32>
    %max3A_834 = arith.maximumf %max3A_829, %min3A_832 : vector<16xf32>
    %min3A_835 = arith.minimumf %max3A_831, %scan3A_798#10 : vector<16xf32>
    %max3A_836 = arith.maximumf %max3A_831, %scan3A_798#10 : vector<16xf32>
    %min3A_837 = arith.minimumf %max3A_833, %min3A_835 : vector<16xf32>
    %max3A_838 = arith.maximumf %max3A_833, %min3A_835 : vector<16xf32>
    %max3A_839 = arith.maximumf %max3A_834, %min3A_837 : vector<16xf32>
    %min3A_840 = arith.minimumf %max3A_836, %scan3A_798#11 : vector<16xf32>
    %max3A_841 = arith.maximumf %max3A_836, %scan3A_798#11 : vector<16xf32>
    %min3A_842 = arith.minimumf %max3A_838, %min3A_840 : vector<16xf32>
    %max3A_843 = arith.maximumf %max3A_838, %min3A_840 : vector<16xf32>
    %max3A_844 = arith.maximumf %max3A_839, %min3A_842 : vector<16xf32>
    %min3A_845 = arith.minimumf %max3A_841, %scan3A_798#12 : vector<16xf32>
    %max3A_846 = arith.maximumf %max3A_841, %scan3A_798#12 : vector<16xf32>
    %min3A_847 = arith.minimumf %max3A_843, %min3A_845 : vector<16xf32>
    %max3A_848 = arith.maximumf %max3A_843, %min3A_845 : vector<16xf32>
    %max3A_849 = arith.maximumf %max3A_844, %min3A_847 : vector<16xf32>
    %min3A_850 = arith.minimumf %max3A_846, %scan3A_798#13 : vector<16xf32>
    %max3A_851 = arith.maximumf %max3A_846, %scan3A_798#13 : vector<16xf32>
    %min3A_852 = arith.minimumf %max3A_848, %min3A_850 : vector<16xf32>
    %max3A_853 = arith.maximumf %max3A_848, %min3A_850 : vector<16xf32>
    %max3A_854 = arith.maximumf %max3A_849, %min3A_852 : vector<16xf32>
    %min3A_855 = arith.minimumf %max3A_851, %scan3A_798#14 : vector<16xf32>
    %max3A_856 = arith.maximumf %max3A_851, %scan3A_798#14 : vector<16xf32>
    %min3A_857 = arith.minimumf %max3A_853, %min3A_855 : vector<16xf32>
    %max3A_858 = arith.maximumf %max3A_853, %min3A_855 : vector<16xf32>
    %max3A_859 = arith.maximumf %max3A_854, %min3A_857 : vector<16xf32>
    %min3A_860 = arith.minimumf %max3A_856, %scan3A_798#15 : vector<16xf32>
    %max3A_861 = arith.maximumf %max3A_856, %scan3A_798#15 : vector<16xf32>
    %min3A_862 = arith.minimumf %max3A_858, %min3A_860 : vector<16xf32>
    %max3A_863 = arith.maximumf %max3A_858, %min3A_860 : vector<16xf32>
    %max3A_864 = arith.maximumf %max3A_859, %min3A_862 : vector<16xf32>
    %min3A_865 = arith.minimumf %max3A_861, %scan3A_798#16 : vector<16xf32>
    %max3A_866 = arith.maximumf %max3A_861, %scan3A_798#16 : vector<16xf32>
    %min3A_867 = arith.minimumf %max3A_863, %min3A_865 : vector<16xf32>
    %max3A_868 = arith.maximumf %max3A_863, %min3A_865 : vector<16xf32>
    %max3A_869 = arith.maximumf %max3A_864, %min3A_867 : vector<16xf32>
    %min3A_870 = arith.minimumf %max3A_866, %scan3A_798#17 : vector<16xf32>
    %max3A_871 = arith.maximumf %max3A_866, %scan3A_798#17 : vector<16xf32>
    %min3A_872 = arith.minimumf %max3A_868, %min3A_870 : vector<16xf32>
    %max3A_873 = arith.maximumf %max3A_868, %min3A_870 : vector<16xf32>
    %max3A_874 = arith.maximumf %max3A_869, %min3A_872 : vector<16xf32>
    %min3A_875 = arith.minimumf %max3A_871, %scan3A_798#18 : vector<16xf32>
    %max3A_876 = arith.maximumf %max3A_871, %scan3A_798#18 : vector<16xf32>
    %min3A_877 = arith.minimumf %max3A_873, %min3A_875 : vector<16xf32>
    %max3A_878 = arith.maximumf %max3A_873, %min3A_875 : vector<16xf32>
    %max3A_879 = arith.maximumf %max3A_874, %min3A_877 : vector<16xf32>
    %min3A_880 = arith.minimumf %max3A_876, %scan3A_798#19 : vector<16xf32>
    %max3A_881 = arith.maximumf %max3A_876, %scan3A_798#19 : vector<16xf32>
    %min3A_882 = arith.minimumf %max3A_878, %min3A_880 : vector<16xf32>
    %max3A_883 = arith.maximumf %max3A_878, %min3A_880 : vector<16xf32>
    %max3A_884 = arith.maximumf %max3A_879, %min3A_882 : vector<16xf32>
    %min3A_885 = arith.minimumf %max3A_881, %scan3A_798#20 : vector<16xf32>
    %max3A_886 = arith.maximumf %max3A_881, %scan3A_798#20 : vector<16xf32>
    %min3A_887 = arith.minimumf %max3A_883, %min3A_885 : vector<16xf32>
    %max3A_888 = arith.maximumf %max3A_883, %min3A_885 : vector<16xf32>
    %max3A_889 = arith.maximumf %max3A_884, %min3A_887 : vector<16xf32>
    %min3A_890 = arith.minimumf %max3A_886, %scan3A_798#21 : vector<16xf32>
    %max3A_891 = arith.maximumf %max3A_886, %scan3A_798#21 : vector<16xf32>
    %min3A_892 = arith.minimumf %max3A_888, %min3A_890 : vector<16xf32>
    %max3A_893 = arith.maximumf %max3A_888, %min3A_890 : vector<16xf32>
    %max3A_894 = arith.maximumf %max3A_889, %min3A_892 : vector<16xf32>
    %min3A_895 = arith.minimumf %max3A_891, %scan3A_798#22 : vector<16xf32>
    %max3A_896 = arith.maximumf %max3A_891, %scan3A_798#22 : vector<16xf32>
    %min3A_897 = arith.minimumf %max3A_893, %min3A_895 : vector<16xf32>
    %max3A_898 = arith.maximumf %max3A_893, %min3A_895 : vector<16xf32>
    %max3A_899 = arith.maximumf %max3A_894, %min3A_897 : vector<16xf32>
    %min3A_900 = arith.minimumf %max3A_896, %scan3A_798#23 : vector<16xf32>
    %max3A_901 = arith.maximumf %max3A_896, %scan3A_798#23 : vector<16xf32>
    %min3A_902 = arith.minimumf %max3A_898, %min3A_900 : vector<16xf32>
    %max3A_903 = arith.maximumf %max3A_898, %min3A_900 : vector<16xf32>
    %max3A_904 = arith.maximumf %max3A_899, %min3A_902 : vector<16xf32>
    %get3A_905 = arith.constant 80 : index
    %get3A_906 = tpu.vector_load %arg7[%get3A_905] {strides = array<i32>} : memref<128xi32, #tpu.memory_space<vmem>>, vector<16xi32>,
    %gather3A_907 = tpu.vector_load_idx %arg6[%iota3A, %get3A_906] : memref<16x1009xf32, #tpu.memory_space<vmem>>[vector<16xi32>, vector<16xi32>], vector<16xf32>,
    %eq3A_908 = arith.cmpf oeq, %gather3A_907, %max3A_901 : vector<16xf32>
    %jit3A_909 = arith.constant 1.000000e+00 : f32
    %jit3A_910 = arith.constant 0.000000e+00 : f32
    %broadcast_in_dim3A_911 = vector.broadcast %jit3A_909 : f32 to vector<16xf32>
    %broadcast_in_dim3A_912 = vector.broadcast %jit3A_910 : f32 to vector<16xf32>
    %select_n3A_913 = arith.select %eq3A_908, %broadcast_in_dim3A_911, %broadcast_in_dim3A_912 : vector<16xi1>, vector<16xf32>
    %sub3A_914 = arith.subf %gather3A_907, %max3A_903 : vector<16xf32>
    %neg3A_915 = arith.constant 0.000000e+00 : f32
    %neg3A_916 = vector.broadcast %neg3A_915 : f32 to vector<16xf32>
    %neg3A_917 = arith.subf %neg3A_916, %sub3A_914 : vector<16xf32>
    %sub3A_918 = arith.subf %max3A_901, %max3A_904 : vector<16xf32>
    %add3A_919 = arith.constant 9.99999996E-13 : f32
    %add3A_920 = vector.broadcast %add3A_919 : f32 to vector<16xf32>
    %add3A_921 = arith.addf %sub3A_918, %add3A_920 : vector<16xf32>
    %div3A_922 = arith.divf %neg3A_917, %add3A_921 : vector<16xf32>
    %mul3A_923 = arith.mulf %div3A_922, %select_n3A_913 : vector<16xf32>
    %swap3A_924 = arith.constant 80 : index
    %swap3A_925 = tpu.vector_load %arg8[%swap3A_924] {strides = array<i32>} : memref<128xf32, #tpu.memory_space<vmem>>, vector<16xf32>,
    tpu.vector_store %arg8[%swap3A_924], %mul3A_923 {strides = array<i32>} : memref<128xf32, #tpu.memory_space<vmem>>, vector<16xf32>,
    %add3A_926 = arith.constant 112 : i32
    %add3A_927 = arith.addi %mul3A_2, %add3A_926 : i32
    %dma_start3A_928 = arith.constant 0 : i32
    %dma_start3A_929 = arith.constant 0 : i32
    %dma_start3A_930 = tpu.memref_slice %arg6[%dma_start3A_928, %dma_start3A_929] : memref<16x1009xf32, #tpu.memory_space<vmem>> -> memref<16x1000xf32, #tpu.memory_space<vmem>>
    %dma_start3A_931 = arith.constant 0 : i32
    %dma_start3A_932 = tpu.memref_slice %arg2[%add3A_927, %dma_start3A_931] : memref<4096x1000xf32, #tpu.memory_space<hbm>> -> memref<16x1000xf32, #tpu.memory_space<hbm>>
    %dma_start3A_933 = arith.constant 0 : i32
    %dma_start3A_934 = arith.constant 0 : i32
    %dma_start3A_935 = tpu.memref_slice %arg6[%dma_start3A_933, %dma_start3A_934] : memref<16x1009xf32, #tpu.memory_space<vmem>> -> memref<16x1000xf32, #tpu.memory_space<vmem>>
    %dma_start3A_936 = arith.constant 0 : i32
    %dma_start3A_937 = tpu.memref_slice %arg2[%add3A_927, %dma_start3A_936] : memref<4096x1000xf32, #tpu.memory_space<hbm>> -> memref<16x1000xf32, #tpu.memory_space<hbm>>
    tpu.enqueue_dma source(%dma_start3A_937 : memref<16x1000xf32, #tpu.memory_space<hbm>>) target(%dma_start3A_935 : memref<16x1000xf32, #tpu.memory_space<vmem>>) target_semaphore(%arg10 : memref<!tpu.dma_semaphore, #tpu.memory_space<semaphore_mem>>)
    %dma_wait3A_938 = arith.constant 0 : i32
    %dma_wait3A_939 = arith.constant 0 : i32
    %dma_wait3A_940 = tpu.memref_slice %arg5[%dma_wait3A_938, %dma_wait3A_939] : memref<16x1009xf32, #tpu.memory_space<vmem>> -> memref<16x1000xf32, #tpu.memory_space<vmem>>
    %dma_wait3A_941 = arith.constant 0 : i32
    %dma_wait3A_942 = tpu.memref_slice %arg2[%add3A_773, %dma_wait3A_941] : memref<4096x1000xf32, #tpu.memory_space<hbm>> -> memref<16x1000xf32, #tpu.memory_space<hbm>>
    %dma_wait3A_943 = arith.constant 0 : i32
    %dma_wait3A_944 = arith.constant 0 : i32
    %dma_wait3A_945 = tpu.memref_slice %arg5[%dma_wait3A_943, %dma_wait3A_944] : memref<16x1009xf32, #tpu.memory_space<vmem>> -> memref<16x1000xf32, #tpu.memory_space<vmem>>
    %dma_wait3A_946 = arith.constant 0 : i32
    %dma_wait3A_947 = tpu.memref_slice %arg2[%add3A_773, %dma_wait3A_946] : memref<4096x1000xf32, #tpu.memory_space<hbm>> -> memref<16x1000xf32, #tpu.memory_space<hbm>>
    tpu.wait_dma2 semaphore(%arg9 : memref<!tpu.dma_semaphore, #tpu.memory_space<semaphore_mem>>) src(%dma_wait3A_947 : memref<16x1000xf32, #tpu.memory_space<hbm>>) dst(%dma_wait3A_945 : memref<16x1000xf32, #tpu.memory_space<vmem>>)
    %scan3A_948 = arith.constant 0 : i32
    %scan3A_949 = arith.constant 125 : i32
    %scan3A_950 = arith.addi %scan3A_948, %scan3A_949 : i32
    %scan3A_951 = arith.constant 1 : i32
    %scan3A_952:25 = scf.for %scan3A_1222 = %scan3A_948 to %scan3A_950 step %scan3A_951 iter_args(%scan3A_1223 = %broadcast_in_dim3A_14, %scan3A_1224 = %broadcast_in_dim3A_14, %scan3A_1225 = %broadcast_in_dim3A_14, %scan3A_1226 = %broadcast_in_dim3A_14, %scan3A_1227 = %broadcast_in_dim3A_14, %scan3A_1228 = %broadcast_in_dim3A_14, %scan3A_1229 = %broadcast_in_dim3A_14, %scan3A_1230 = %broadcast_in_dim3A_14, %scan3A_1231 = %broadcast_in_dim3A_14, %scan3A_1232 = %broadcast_in_dim3A_14, %scan3A_1233 = %broadcast_in_dim3A_14, %scan3A_1234 = %broadcast_in_dim3A_14, %scan3A_1235 = %broadcast_in_dim3A_14, %scan3A_1236 = %broadcast_in_dim3A_14, %scan3A_1237 = %broadcast_in_dim3A_14, %scan3A_1238 = %broadcast_in_dim3A_14, %scan3A_1239 = %broadcast_in_dim3A_14, %scan3A_1240 = %broadcast_in_dim3A_14, %scan3A_1241 = %broadcast_in_dim3A_14, %scan3A_1242 = %broadcast_in_dim3A_14, %scan3A_1243 = %broadcast_in_dim3A_14, %scan3A_1244 = %broadcast_in_dim3A_14, %scan3A_1245 = %broadcast_in_dim3A_14, %scan3A_1246 = %broadcast_in_dim3A_14, %scan3A_1247 = %broadcast_in_dim3A_12) -> (vector<16xf32>, vector<16xf32>, vector<16xf32>, vector<16xf32>, vector<16xf32>, vector<16xf32>, vector<16xf32>, vector<16xf32>, vector<16xf32>, vector<16xf32>, vector<16xf32>, vector<16xf32>, vector<16xf32>, vector<16xf32>, vector<16xf32>, vector<16xf32>, vector<16xf32>, vector<16xf32>, vector<16xf32>, vector<16xf32>, vector<16xf32>, vector<16xf32>, vector<16xf32>, vector<16xf32>, vector<16xi32>)  : i32 {
      %gather3A_1248 = tpu.vector_load_idx %arg5[%iota3A, %scan3A_1247] : memref<16x1009xf32, #tpu.memory_space<vmem>>[vector<16xi32>, vector<16xi32>], vector<16xf32>,
      %min3A_1249 = arith.minimumf %scan3A_1223, %gather3A_1248 : vector<16xf32>
      %max3A_1250 = arith.maximumf %scan3A_1223, %gather3A_1248 : vector<16xf32>
      %min3A_1251 = arith.minimumf %scan3A_1224, %min3A_1249 : vector<16xf32>
      %max3A_1252 = arith.maximumf %scan3A_1224, %min3A_1249 : vector<16xf32>
      %max3A_1253 = arith.maximumf %scan3A_1225, %min3A_1251 : vector<16xf32>
      %add3A_1254 = arith.constant 125 : i32
      %add3A_1255 = vector.broadcast %add3A_1254 : i32 to vector<16xi32>
      %add3A_1256 = arith.addi %scan3A_1247, %add3A_1255 : vector<16xi32>
      %gather3A_1257 = tpu.vector_load_idx %arg5[%iota3A, %add3A_1256] : memref<16x1009xf32, #tpu.memory_space<vmem>>[vector<16xi32>, vector<16xi32>], vector<16xf32>,
      %min3A_1258 = arith.minimumf %scan3A_1226, %gather3A_1257 : vector<16xf32>
      %max3A_1259 = arith.maximumf %scan3A_1226, %gather3A_1257 : vector<16xf32>
      %min3A_1260 = arith.minimumf %scan3A_1227, %min3A_1258 : vector<16xf32>
      %max3A_1261 = arith.maximumf %scan3A_1227, %min3A_1258 : vector<16xf32>
      %max3A_1262 = arith.maximumf %scan3A_1228, %min3A_1260 : vector<16xf32>
      %add3A_1263 = arith.constant 250 : i32
      %add3A_1264 = vector.broadcast %add3A_1263 : i32 to vector<16xi32>
      %add3A_1265 = arith.addi %scan3A_1247, %add3A_1264 : vector<16xi32>
      %gather3A_1266 = tpu.vector_load_idx %arg5[%iota3A, %add3A_1265] : memref<16x1009xf32, #tpu.memory_space<vmem>>[vector<16xi32>, vector<16xi32>], vector<16xf32>,
      %min3A_1267 = arith.minimumf %scan3A_1229, %gather3A_1266 : vector<16xf32>
      %max3A_1268 = arith.maximumf %scan3A_1229, %gather3A_1266 : vector<16xf32>
      %min3A_1269 = arith.minimumf %scan3A_1230, %min3A_1267 : vector<16xf32>
      %max3A_1270 = arith.maximumf %scan3A_1230, %min3A_1267 : vector<16xf32>
      %max3A_1271 = arith.maximumf %scan3A_1231, %min3A_1269 : vector<16xf32>
      %add3A_1272 = arith.constant 375 : i32
      %add3A_1273 = vector.broadcast %add3A_1272 : i32 to vector<16xi32>
      %add3A_1274 = arith.addi %scan3A_1247, %add3A_1273 : vector<16xi32>
      %gather3A_1275 = tpu.vector_load_idx %arg5[%iota3A, %add3A_1274] : memref<16x1009xf32, #tpu.memory_space<vmem>>[vector<16xi32>, vector<16xi32>], vector<16xf32>,
      %min3A_1276 = arith.minimumf %scan3A_1232, %gather3A_1275 : vector<16xf32>
      %max3A_1277 = arith.maximumf %scan3A_1232, %gather3A_1275 : vector<16xf32>
      %min3A_1278 = arith.minimumf %scan3A_1233, %min3A_1276 : vector<16xf32>
      %max3A_1279 = arith.maximumf %scan3A_1233, %min3A_1276 : vector<16xf32>
      %max3A_1280 = arith.maximumf %scan3A_1234, %min3A_1278 : vector<16xf32>
      %add3A_1281 = arith.constant 500 : i32
      %add3A_1282 = vector.broadcast %add3A_1281 : i32 to vector<16xi32>
      %add3A_1283 = arith.addi %scan3A_1247, %add3A_1282 : vector<16xi32>
      %gather3A_1284 = tpu.vector_load_idx %arg5[%iota3A, %add3A_1283] : memref<16x1009xf32, #tpu.memory_space<vmem>>[vector<16xi32>, vector<16xi32>], vector<16xf32>,
      %min3A_1285 = arith.minimumf %scan3A_1235, %gather3A_1284 : vector<16xf32>
      %max3A_1286 = arith.maximumf %scan3A_1235, %gather3A_1284 : vector<16xf32>
      %min3A_1287 = arith.minimumf %scan3A_1236, %min3A_1285 : vector<16xf32>
      %max3A_1288 = arith.maximumf %scan3A_1236, %min3A_1285 : vector<16xf32>
      %max3A_1289 = arith.maximumf %scan3A_1237, %min3A_1287 : vector<16xf32>
      %add3A_1290 = arith.constant 625 : i32
      %add3A_1291 = vector.broadcast %add3A_1290 : i32 to vector<16xi32>
      %add3A_1292 = arith.addi %scan3A_1247, %add3A_1291 : vector<16xi32>
      %gather3A_1293 = tpu.vector_load_idx %arg5[%iota3A, %add3A_1292] : memref<16x1009xf32, #tpu.memory_space<vmem>>[vector<16xi32>, vector<16xi32>], vector<16xf32>,
      %min3A_1294 = arith.minimumf %scan3A_1238, %gather3A_1293 : vector<16xf32>
      %max3A_1295 = arith.maximumf %scan3A_1238, %gather3A_1293 : vector<16xf32>
      %min3A_1296 = arith.minimumf %scan3A_1239, %min3A_1294 : vector<16xf32>
      %max3A_1297 = arith.maximumf %scan3A_1239, %min3A_1294 : vector<16xf32>
      %max3A_1298 = arith.maximumf %scan3A_1240, %min3A_1296 : vector<16xf32>
      %add3A_1299 = arith.constant 750 : i32
      %add3A_1300 = vector.broadcast %add3A_1299 : i32 to vector<16xi32>
      %add3A_1301 = arith.addi %scan3A_1247, %add3A_1300 : vector<16xi32>
      %gather3A_1302 = tpu.vector_load_idx %arg5[%iota3A, %add3A_1301] : memref<16x1009xf32, #tpu.memory_space<vmem>>[vector<16xi32>, vector<16xi32>], vector<16xf32>,
      %min3A_1303 = arith.minimumf %scan3A_1241, %gather3A_1302 : vector<16xf32>
      %max3A_1304 = arith.maximumf %scan3A_1241, %gather3A_1302 : vector<16xf32>
      %min3A_1305 = arith.minimumf %scan3A_1242, %min3A_1303 : vector<16xf32>
      %max3A_1306 = arith.maximumf %scan3A_1242, %min3A_1303 : vector<16xf32>
      %max3A_1307 = arith.maximumf %scan3A_1243, %min3A_1305 : vector<16xf32>
      %add3A_1308 = arith.constant 875 : i32
      %add3A_1309 = vector.broadcast %add3A_1308 : i32 to vector<16xi32>
      %add3A_1310 = arith.addi %scan3A_1247, %add3A_1309 : vector<16xi32>
      %gather3A_1311 = tpu.vector_load_idx %arg5[%iota3A, %add3A_1310] : memref<16x1009xf32, #tpu.memory_space<vmem>>[vector<16xi32>, vector<16xi32>], vector<16xf32>,
      %min3A_1312 = arith.minimumf %scan3A_1244, %gather3A_1311 : vector<16xf32>
      %max3A_1313 = arith.maximumf %scan3A_1244, %gather3A_1311 : vector<16xf32>
      %min3A_1314 = arith.minimumf %scan3A_1245, %min3A_1312 : vector<16xf32>
      %max3A_1315 = arith.maximumf %scan3A_1245, %min3A_1312 : vector<16xf32>
      %max3A_1316 = arith.maximumf %scan3A_1246, %min3A_1314 : vector<16xf32>
      %add3A_1317 = arith.constant 1 : i32
      %add3A_1318 = vector.broadcast %add3A_1317 : i32 to vector<16xi32>
      %add3A_1319 = arith.addi %scan3A_1247, %add3A_1318 : vector<16xi32>
      scf.yield %max3A_1250, %max3A_1252, %max3A_1253, %max3A_1259, %max3A_1261, %max3A_1262, %max3A_1268, %max3A_1270, %max3A_1271, %max3A_1277, %max3A_1279, %max3A_1280, %max3A_1286, %max3A_1288, %max3A_1289, %max3A_1295, %max3A_1297, %max3A_1298, %max3A_1304, %max3A_1306, %max3A_1307, %max3A_1313, %max3A_1315, %max3A_1316, %add3A_1319 : vector<16xf32>, vector<16xf32>, vector<16xf32>, vector<16xf32>, vector<16xf32>, vector<16xf32>, vector<16xf32>, vector<16xf32>, vector<16xf32>, vector<16xf32>, vector<16xf32>, vector<16xf32>, vector<16xf32>, vector<16xf32>, vector<16xf32>, vector<16xf32>, vector<16xf32>, vector<16xf32>, vector<16xf32>, vector<16xf32>, vector<16xf32>, vector<16xf32>, vector<16xf32>, vector<16xf32>, vector<16xi32>
    }
    %scan3A_953 = arith.constant 125 : i32
    %min3A_954 = arith.minimumf %scan3A_952#0, %scan3A_952#3 : vector<16xf32>
    %max3A_955 = arith.maximumf %scan3A_952#0, %scan3A_952#3 : vector<16xf32>
    %min3A_956 = arith.minimumf %scan3A_952#1, %min3A_954 : vector<16xf32>
    %max3A_957 = arith.maximumf %scan3A_952#1, %min3A_954 : vector<16xf32>
    %max3A_958 = arith.maximumf %scan3A_952#2, %min3A_956 : vector<16xf32>
    %min3A_959 = arith.minimumf %max3A_955, %scan3A_952#4 : vector<16xf32>
    %max3A_960 = arith.maximumf %max3A_955, %scan3A_952#4 : vector<16xf32>
    %min3A_961 = arith.minimumf %max3A_957, %min3A_959 : vector<16xf32>
    %max3A_962 = arith.maximumf %max3A_957, %min3A_959 : vector<16xf32>
    %max3A_963 = arith.maximumf %max3A_958, %min3A_961 : vector<16xf32>
    %min3A_964 = arith.minimumf %max3A_960, %scan3A_952#5 : vector<16xf32>
    %max3A_965 = arith.maximumf %max3A_960, %scan3A_952#5 : vector<16xf32>
    %min3A_966 = arith.minimumf %max3A_962, %min3A_964 : vector<16xf32>
    %max3A_967 = arith.maximumf %max3A_962, %min3A_964 : vector<16xf32>
    %max3A_968 = arith.maximumf %max3A_963, %min3A_966 : vector<16xf32>
    %min3A_969 = arith.minimumf %max3A_965, %scan3A_952#6 : vector<16xf32>
    %max3A_970 = arith.maximumf %max3A_965, %scan3A_952#6 : vector<16xf32>
    %min3A_971 = arith.minimumf %max3A_967, %min3A_969 : vector<16xf32>
    %max3A_972 = arith.maximumf %max3A_967, %min3A_969 : vector<16xf32>
    %max3A_973 = arith.maximumf %max3A_968, %min3A_971 : vector<16xf32>
    %min3A_974 = arith.minimumf %max3A_970, %scan3A_952#7 : vector<16xf32>
    %max3A_975 = arith.maximumf %max3A_970, %scan3A_952#7 : vector<16xf32>
    %min3A_976 = arith.minimumf %max3A_972, %min3A_974 : vector<16xf32>
    %max3A_977 = arith.maximumf %max3A_972, %min3A_974 : vector<16xf32>
    %max3A_978 = arith.maximumf %max3A_973, %min3A_976 : vector<16xf32>
    %min3A_979 = arith.minimumf %max3A_975, %scan3A_952#8 : vector<16xf32>
    %max3A_980 = arith.maximumf %max3A_975, %scan3A_952#8 : vector<16xf32>
    %min3A_981 = arith.minimumf %max3A_977, %min3A_979 : vector<16xf32>
    %max3A_982 = arith.maximumf %max3A_977, %min3A_979 : vector<16xf32>
    %max3A_983 = arith.maximumf %max3A_978, %min3A_981 : vector<16xf32>
    %min3A_984 = arith.minimumf %max3A_980, %scan3A_952#9 : vector<16xf32>
    %max3A_985 = arith.maximumf %max3A_980, %scan3A_952#9 : vector<16xf32>
    %min3A_986 = arith.minimumf %max3A_982, %min3A_984 : vector<16xf32>
    %max3A_987 = arith.maximumf %max3A_982, %min3A_984 : vector<16xf32>
    %max3A_988 = arith.maximumf %max3A_983, %min3A_986 : vector<16xf32>
    %min3A_989 = arith.minimumf %max3A_985, %scan3A_952#10 : vector<16xf32>
    %max3A_990 = arith.maximumf %max3A_985, %scan3A_952#10 : vector<16xf32>
    %min3A_991 = arith.minimumf %max3A_987, %min3A_989 : vector<16xf32>
    %max3A_992 = arith.maximumf %max3A_987, %min3A_989 : vector<16xf32>
    %max3A_993 = arith.maximumf %max3A_988, %min3A_991 : vector<16xf32>
    %min3A_994 = arith.minimumf %max3A_990, %scan3A_952#11 : vector<16xf32>
    %max3A_995 = arith.maximumf %max3A_990, %scan3A_952#11 : vector<16xf32>
    %min3A_996 = arith.minimumf %max3A_992, %min3A_994 : vector<16xf32>
    %max3A_997 = arith.maximumf %max3A_992, %min3A_994 : vector<16xf32>
    %max3A_998 = arith.maximumf %max3A_993, %min3A_996 : vector<16xf32>
    %min3A_999 = arith.minimumf %max3A_995, %scan3A_952#12 : vector<16xf32>
    %max3A_1000 = arith.maximumf %max3A_995, %scan3A_952#12 : vector<16xf32>
    %min3A_1001 = arith.minimumf %max3A_997, %min3A_999 : vector<16xf32>
    %max3A_1002 = arith.maximumf %max3A_997, %min3A_999 : vector<16xf32>
    %max3A_1003 = arith.maximumf %max3A_998, %min3A_1001 : vector<16xf32>
    %min3A_1004 = arith.minimumf %max3A_1000, %scan3A_952#13 : vector<16xf32>
    %max3A_1005 = arith.maximumf %max3A_1000, %scan3A_952#13 : vector<16xf32>
    %min3A_1006 = arith.minimumf %max3A_1002, %min3A_1004 : vector<16xf32>
    %max3A_1007 = arith.maximumf %max3A_1002, %min3A_1004 : vector<16xf32>
    %max3A_1008 = arith.maximumf %max3A_1003, %min3A_1006 : vector<16xf32>
    %min3A_1009 = arith.minimumf %max3A_1005, %scan3A_952#14 : vector<16xf32>
    %max3A_1010 = arith.maximumf %max3A_1005, %scan3A_952#14 : vector<16xf32>
    %min3A_1011 = arith.minimumf %max3A_1007, %min3A_1009 : vector<16xf32>
    %max3A_1012 = arith.maximumf %max3A_1007, %min3A_1009 : vector<16xf32>
    %max3A_1013 = arith.maximumf %max3A_1008, %min3A_1011 : vector<16xf32>
    %min3A_1014 = arith.minimumf %max3A_1010, %scan3A_952#15 : vector<16xf32>
    %max3A_1015 = arith.maximumf %max3A_1010, %scan3A_952#15 : vector<16xf32>
    %min3A_1016 = arith.minimumf %max3A_1012, %min3A_1014 : vector<16xf32>
    %max3A_1017 = arith.maximumf %max3A_1012, %min3A_1014 : vector<16xf32>
    %max3A_1018 = arith.maximumf %max3A_1013, %min3A_1016 : vector<16xf32>
    %min3A_1019 = arith.minimumf %max3A_1015, %scan3A_952#16 : vector<16xf32>
    %max3A_1020 = arith.maximumf %max3A_1015, %scan3A_952#16 : vector<16xf32>
    %min3A_1021 = arith.minimumf %max3A_1017, %min3A_1019 : vector<16xf32>
    %max3A_1022 = arith.maximumf %max3A_1017, %min3A_1019 : vector<16xf32>
    %max3A_1023 = arith.maximumf %max3A_1018, %min3A_1021 : vector<16xf32>
    %min3A_1024 = arith.minimumf %max3A_1020, %scan3A_952#17 : vector<16xf32>
    %max3A_1025 = arith.maximumf %max3A_1020, %scan3A_952#17 : vector<16xf32>
    %min3A_1026 = arith.minimumf %max3A_1022, %min3A_1024 : vector<16xf32>
    %max3A_1027 = arith.maximumf %max3A_1022, %min3A_1024 : vector<16xf32>
    %max3A_1028 = arith.maximumf %max3A_1023, %min3A_1026 : vector<16xf32>
    %min3A_1029 = arith.minimumf %max3A_1025, %scan3A_952#18 : vector<16xf32>
    %max3A_1030 = arith.maximumf %max3A_1025, %scan3A_952#18 : vector<16xf32>
    %min3A_1031 = arith.minimumf %max3A_1027, %min3A_1029 : vector<16xf32>
    %max3A_1032 = arith.maximumf %max3A_1027, %min3A_1029 : vector<16xf32>
    %max3A_1033 = arith.maximumf %max3A_1028, %min3A_1031 : vector<16xf32>
    %min3A_1034 = arith.minimumf %max3A_1030, %scan3A_952#19 : vector<16xf32>
    %max3A_1035 = arith.maximumf %max3A_1030, %scan3A_952#19 : vector<16xf32>
    %min3A_1036 = arith.minimumf %max3A_1032, %min3A_1034 : vector<16xf32>
    %max3A_1037 = arith.maximumf %max3A_1032, %min3A_1034 : vector<16xf32>
    %max3A_1038 = arith.maximumf %max3A_1033, %min3A_1036 : vector<16xf32>
    %min3A_1039 = arith.minimumf %max3A_1035, %scan3A_952#20 : vector<16xf32>
    %max3A_1040 = arith.maximumf %max3A_1035, %scan3A_952#20 : vector<16xf32>
    %min3A_1041 = arith.minimumf %max3A_1037, %min3A_1039 : vector<16xf32>
    %max3A_1042 = arith.maximumf %max3A_1037, %min3A_1039 : vector<16xf32>
    %max3A_1043 = arith.maximumf %max3A_1038, %min3A_1041 : vector<16xf32>
    %min3A_1044 = arith.minimumf %max3A_1040, %scan3A_952#21 : vector<16xf32>
    %max3A_1045 = arith.maximumf %max3A_1040, %scan3A_952#21 : vector<16xf32>
    %min3A_1046 = arith.minimumf %max3A_1042, %min3A_1044 : vector<16xf32>
    %max3A_1047 = arith.maximumf %max3A_1042, %min3A_1044 : vector<16xf32>
    %max3A_1048 = arith.maximumf %max3A_1043, %min3A_1046 : vector<16xf32>
    %min3A_1049 = arith.minimumf %max3A_1045, %scan3A_952#22 : vector<16xf32>
    %max3A_1050 = arith.maximumf %max3A_1045, %scan3A_952#22 : vector<16xf32>
    %min3A_1051 = arith.minimumf %max3A_1047, %min3A_1049 : vector<16xf32>
    %max3A_1052 = arith.maximumf %max3A_1047, %min3A_1049 : vector<16xf32>
    %max3A_1053 = arith.maximumf %max3A_1048, %min3A_1051 : vector<16xf32>
    %min3A_1054 = arith.minimumf %max3A_1050, %scan3A_952#23 : vector<16xf32>
    %max3A_1055 = arith.maximumf %max3A_1050, %scan3A_952#23 : vector<16xf32>
    %min3A_1056 = arith.minimumf %max3A_1052, %min3A_1054 : vector<16xf32>
    %max3A_1057 = arith.maximumf %max3A_1052, %min3A_1054 : vector<16xf32>
    %max3A_1058 = arith.maximumf %max3A_1053, %min3A_1056 : vector<16xf32>
    %get3A_1059 = arith.constant 96 : index
    %get3A_1060 = tpu.vector_load %arg7[%get3A_1059] {strides = array<i32>} : memref<128xi32, #tpu.memory_space<vmem>>, vector<16xi32>,
    %gather3A_1061 = tpu.vector_load_idx %arg5[%iota3A, %get3A_1060] : memref<16x1009xf32, #tpu.memory_space<vmem>>[vector<16xi32>, vector<16xi32>], vector<16xf32>,
    %eq3A_1062 = arith.cmpf oeq, %gather3A_1061, %max3A_1055 : vector<16xf32>
    %jit3A_1063 = arith.constant 1.000000e+00 : f32
    %jit3A_1064 = arith.constant 0.000000e+00 : f32
    %broadcast_in_dim3A_1065 = vector.broadcast %jit3A_1063 : f32 to vector<16xf32>
    %broadcast_in_dim3A_1066 = vector.broadcast %jit3A_1064 : f32 to vector<16xf32>
    %select_n3A_1067 = arith.select %eq3A_1062, %broadcast_in_dim3A_1065, %broadcast_in_dim3A_1066 : vector<16xi1>, vector<16xf32>
    %sub3A_1068 = arith.subf %gather3A_1061, %max3A_1057 : vector<16xf32>
    %neg3A_1069 = arith.constant 0.000000e+00 : f32
    %neg3A_1070 = vector.broadcast %neg3A_1069 : f32 to vector<16xf32>
    %neg3A_1071 = arith.subf %neg3A_1070, %sub3A_1068 : vector<16xf32>
    %sub3A_1072 = arith.subf %max3A_1055, %max3A_1058 : vector<16xf32>
    %add3A_1073 = arith.constant 9.99999996E-13 : f32
    %add3A_1074 = vector.broadcast %add3A_1073 : f32 to vector<16xf32>
    %add3A_1075 = arith.addf %sub3A_1072, %add3A_1074 : vector<16xf32>
    %div3A_1076 = arith.divf %neg3A_1071, %add3A_1075 : vector<16xf32>
    %mul3A_1077 = arith.mulf %div3A_1076, %select_n3A_1067 : vector<16xf32>
    %swap3A_1078 = arith.constant 96 : index
    %swap3A_1079 = tpu.vector_load %arg8[%swap3A_1078] {strides = array<i32>} : memref<128xf32, #tpu.memory_space<vmem>>, vector<16xf32>,
    tpu.vector_store %arg8[%swap3A_1078], %mul3A_1077 {strides = array<i32>} : memref<128xf32, #tpu.memory_space<vmem>>, vector<16xf32>,
    %dma_wait3A_1080 = arith.constant 0 : i32
    %dma_wait3A_1081 = arith.constant 0 : i32
    %dma_wait3A_1082 = tpu.memref_slice %arg6[%dma_wait3A_1080, %dma_wait3A_1081] : memref<16x1009xf32, #tpu.memory_space<vmem>> -> memref<16x1000xf32, #tpu.memory_space<vmem>>
    %dma_wait3A_1083 = arith.constant 0 : i32
    %dma_wait3A_1084 = tpu.memref_slice %arg2[%add3A_927, %dma_wait3A_1083] : memref<4096x1000xf32, #tpu.memory_space<hbm>> -> memref<16x1000xf32, #tpu.memory_space<hbm>>
    %dma_wait3A_1085 = arith.constant 0 : i32
    %dma_wait3A_1086 = arith.constant 0 : i32
    %dma_wait3A_1087 = tpu.memref_slice %arg6[%dma_wait3A_1085, %dma_wait3A_1086] : memref<16x1009xf32, #tpu.memory_space<vmem>> -> memref<16x1000xf32, #tpu.memory_space<vmem>>
    %dma_wait3A_1088 = arith.constant 0 : i32
    %dma_wait3A_1089 = tpu.memref_slice %arg2[%add3A_927, %dma_wait3A_1088] : memref<4096x1000xf32, #tpu.memory_space<hbm>> -> memref<16x1000xf32, #tpu.memory_space<hbm>>
    tpu.wait_dma2 semaphore(%arg10 : memref<!tpu.dma_semaphore, #tpu.memory_space<semaphore_mem>>) src(%dma_wait3A_1089 : memref<16x1000xf32, #tpu.memory_space<hbm>>) dst(%dma_wait3A_1087 : memref<16x1000xf32, #tpu.memory_space<vmem>>)
    %scan3A_1090 = arith.constant 0 : i32
    %scan3A_1091 = arith.constant 125 : i32
    %scan3A_1092 = arith.addi %scan3A_1090, %scan3A_1091 : i32
    %scan3A_1093 = arith.constant 1 : i32
    %scan3A_1094:25 = scf.for %scan3A_1222 = %scan3A_1090 to %scan3A_1092 step %scan3A_1093 iter_args(%scan3A_1223 = %broadcast_in_dim3A_14, %scan3A_1224 = %broadcast_in_dim3A_14, %scan3A_1225 = %broadcast_in_dim3A_14, %scan3A_1226 = %broadcast_in_dim3A_14, %scan3A_1227 = %broadcast_in_dim3A_14, %scan3A_1228 = %broadcast_in_dim3A_14, %scan3A_1229 = %broadcast_in_dim3A_14, %scan3A_1230 = %broadcast_in_dim3A_14, %scan3A_1231 = %broadcast_in_dim3A_14, %scan3A_1232 = %broadcast_in_dim3A_14, %scan3A_1233 = %broadcast_in_dim3A_14, %scan3A_1234 = %broadcast_in_dim3A_14, %scan3A_1235 = %broadcast_in_dim3A_14, %scan3A_1236 = %broadcast_in_dim3A_14, %scan3A_1237 = %broadcast_in_dim3A_14, %scan3A_1238 = %broadcast_in_dim3A_14, %scan3A_1239 = %broadcast_in_dim3A_14, %scan3A_1240 = %broadcast_in_dim3A_14, %scan3A_1241 = %broadcast_in_dim3A_14, %scan3A_1242 = %broadcast_in_dim3A_14, %scan3A_1243 = %broadcast_in_dim3A_14, %scan3A_1244 = %broadcast_in_dim3A_14, %scan3A_1245 = %broadcast_in_dim3A_14, %scan3A_1246 = %broadcast_in_dim3A_14, %scan3A_1247 = %broadcast_in_dim3A_12) -> (vector<16xf32>, vector<16xf32>, vector<16xf32>, vector<16xf32>, vector<16xf32>, vector<16xf32>, vector<16xf32>, vector<16xf32>, vector<16xf32>, vector<16xf32>, vector<16xf32>, vector<16xf32>, vector<16xf32>, vector<16xf32>, vector<16xf32>, vector<16xf32>, vector<16xf32>, vector<16xf32>, vector<16xf32>, vector<16xf32>, vector<16xf32>, vector<16xf32>, vector<16xf32>, vector<16xf32>, vector<16xi32>)  : i32 {
      %gather3A_1248 = tpu.vector_load_idx %arg6[%iota3A, %scan3A_1247] : memref<16x1009xf32, #tpu.memory_space<vmem>>[vector<16xi32>, vector<16xi32>], vector<16xf32>,
      %min3A_1249 = arith.minimumf %scan3A_1223, %gather3A_1248 : vector<16xf32>
      %max3A_1250 = arith.maximumf %scan3A_1223, %gather3A_1248 : vector<16xf32>
      %min3A_1251 = arith.minimumf %scan3A_1224, %min3A_1249 : vector<16xf32>
      %max3A_1252 = arith.maximumf %scan3A_1224, %min3A_1249 : vector<16xf32>
      %max3A_1253 = arith.maximumf %scan3A_1225, %min3A_1251 : vector<16xf32>
      %add3A_1254 = arith.constant 125 : i32
      %add3A_1255 = vector.broadcast %add3A_1254 : i32 to vector<16xi32>
      %add3A_1256 = arith.addi %scan3A_1247, %add3A_1255 : vector<16xi32>
      %gather3A_1257 = tpu.vector_load_idx %arg6[%iota3A, %add3A_1256] : memref<16x1009xf32, #tpu.memory_space<vmem>>[vector<16xi32>, vector<16xi32>], vector<16xf32>,
      %min3A_1258 = arith.minimumf %scan3A_1226, %gather3A_1257 : vector<16xf32>
      %max3A_1259 = arith.maximumf %scan3A_1226, %gather3A_1257 : vector<16xf32>
      %min3A_1260 = arith.minimumf %scan3A_1227, %min3A_1258 : vector<16xf32>
      %max3A_1261 = arith.maximumf %scan3A_1227, %min3A_1258 : vector<16xf32>
      %max3A_1262 = arith.maximumf %scan3A_1228, %min3A_1260 : vector<16xf32>
      %add3A_1263 = arith.constant 250 : i32
      %add3A_1264 = vector.broadcast %add3A_1263 : i32 to vector<16xi32>
      %add3A_1265 = arith.addi %scan3A_1247, %add3A_1264 : vector<16xi32>
      %gather3A_1266 = tpu.vector_load_idx %arg6[%iota3A, %add3A_1265] : memref<16x1009xf32, #tpu.memory_space<vmem>>[vector<16xi32>, vector<16xi32>], vector<16xf32>,
      %min3A_1267 = arith.minimumf %scan3A_1229, %gather3A_1266 : vector<16xf32>
      %max3A_1268 = arith.maximumf %scan3A_1229, %gather3A_1266 : vector<16xf32>
      %min3A_1269 = arith.minimumf %scan3A_1230, %min3A_1267 : vector<16xf32>
      %max3A_1270 = arith.maximumf %scan3A_1230, %min3A_1267 : vector<16xf32>
      %max3A_1271 = arith.maximumf %scan3A_1231, %min3A_1269 : vector<16xf32>
      %add3A_1272 = arith.constant 375 : i32
      %add3A_1273 = vector.broadcast %add3A_1272 : i32 to vector<16xi32>
      %add3A_1274 = arith.addi %scan3A_1247, %add3A_1273 : vector<16xi32>
      %gather3A_1275 = tpu.vector_load_idx %arg6[%iota3A, %add3A_1274] : memref<16x1009xf32, #tpu.memory_space<vmem>>[vector<16xi32>, vector<16xi32>], vector<16xf32>,
      %min3A_1276 = arith.minimumf %scan3A_1232, %gather3A_1275 : vector<16xf32>
      %max3A_1277 = arith.maximumf %scan3A_1232, %gather3A_1275 : vector<16xf32>
      %min3A_1278 = arith.minimumf %scan3A_1233, %min3A_1276 : vector<16xf32>
      %max3A_1279 = arith.maximumf %scan3A_1233, %min3A_1276 : vector<16xf32>
      %max3A_1280 = arith.maximumf %scan3A_1234, %min3A_1278 : vector<16xf32>
      %add3A_1281 = arith.constant 500 : i32
      %add3A_1282 = vector.broadcast %add3A_1281 : i32 to vector<16xi32>
      %add3A_1283 = arith.addi %scan3A_1247, %add3A_1282 : vector<16xi32>
      %gather3A_1284 = tpu.vector_load_idx %arg6[%iota3A, %add3A_1283] : memref<16x1009xf32, #tpu.memory_space<vmem>>[vector<16xi32>, vector<16xi32>], vector<16xf32>,
      %min3A_1285 = arith.minimumf %scan3A_1235, %gather3A_1284 : vector<16xf32>
      %max3A_1286 = arith.maximumf %scan3A_1235, %gather3A_1284 : vector<16xf32>
      %min3A_1287 = arith.minimumf %scan3A_1236, %min3A_1285 : vector<16xf32>
      %max3A_1288 = arith.maximumf %scan3A_1236, %min3A_1285 : vector<16xf32>
      %max3A_1289 = arith.maximumf %scan3A_1237, %min3A_1287 : vector<16xf32>
      %add3A_1290 = arith.constant 625 : i32
      %add3A_1291 = vector.broadcast %add3A_1290 : i32 to vector<16xi32>
      %add3A_1292 = arith.addi %scan3A_1247, %add3A_1291 : vector<16xi32>
      %gather3A_1293 = tpu.vector_load_idx %arg6[%iota3A, %add3A_1292] : memref<16x1009xf32, #tpu.memory_space<vmem>>[vector<16xi32>, vector<16xi32>], vector<16xf32>,
      %min3A_1294 = arith.minimumf %scan3A_1238, %gather3A_1293 : vector<16xf32>
      %max3A_1295 = arith.maximumf %scan3A_1238, %gather3A_1293 : vector<16xf32>
      %min3A_1296 = arith.minimumf %scan3A_1239, %min3A_1294 : vector<16xf32>
      %max3A_1297 = arith.maximumf %scan3A_1239, %min3A_1294 : vector<16xf32>
      %max3A_1298 = arith.maximumf %scan3A_1240, %min3A_1296 : vector<16xf32>
      %add3A_1299 = arith.constant 750 : i32
      %add3A_1300 = vector.broadcast %add3A_1299 : i32 to vector<16xi32>
      %add3A_1301 = arith.addi %scan3A_1247, %add3A_1300 : vector<16xi32>
      %gather3A_1302 = tpu.vector_load_idx %arg6[%iota3A, %add3A_1301] : memref<16x1009xf32, #tpu.memory_space<vmem>>[vector<16xi32>, vector<16xi32>], vector<16xf32>,
      %min3A_1303 = arith.minimumf %scan3A_1241, %gather3A_1302 : vector<16xf32>
      %max3A_1304 = arith.maximumf %scan3A_1241, %gather3A_1302 : vector<16xf32>
      %min3A_1305 = arith.minimumf %scan3A_1242, %min3A_1303 : vector<16xf32>
      %max3A_1306 = arith.maximumf %scan3A_1242, %min3A_1303 : vector<16xf32>
      %max3A_1307 = arith.maximumf %scan3A_1243, %min3A_1305 : vector<16xf32>
      %add3A_1308 = arith.constant 875 : i32
      %add3A_1309 = vector.broadcast %add3A_1308 : i32 to vector<16xi32>
      %add3A_1310 = arith.addi %scan3A_1247, %add3A_1309 : vector<16xi32>
      %gather3A_1311 = tpu.vector_load_idx %arg6[%iota3A, %add3A_1310] : memref<16x1009xf32, #tpu.memory_space<vmem>>[vector<16xi32>, vector<16xi32>], vector<16xf32>,
      %min3A_1312 = arith.minimumf %scan3A_1244, %gather3A_1311 : vector<16xf32>
      %max3A_1313 = arith.maximumf %scan3A_1244, %gather3A_1311 : vector<16xf32>
      %min3A_1314 = arith.minimumf %scan3A_1245, %min3A_1312 : vector<16xf32>
      %max3A_1315 = arith.maximumf %scan3A_1245, %min3A_1312 : vector<16xf32>
      %max3A_1316 = arith.maximumf %scan3A_1246, %min3A_1314 : vector<16xf32>
      %add3A_1317 = arith.constant 1 : i32
      %add3A_1318 = vector.broadcast %add3A_1317 : i32 to vector<16xi32>
      %add3A_1319 = arith.addi %scan3A_1247, %add3A_1318 : vector<16xi32>
      scf.yield %max3A_1250, %max3A_1252, %max3A_1253, %max3A_1259, %max3A_1261, %max3A_1262, %max3A_1268, %max3A_1270, %max3A_1271, %max3A_1277, %max3A_1279, %max3A_1280, %max3A_1286, %max3A_1288, %max3A_1289, %max3A_1295, %max3A_1297, %max3A_1298, %max3A_1304, %max3A_1306, %max3A_1307, %max3A_1313, %max3A_1315, %max3A_1316, %add3A_1319 : vector<16xf32>, vector<16xf32>, vector<16xf32>, vector<16xf32>, vector<16xf32>, vector<16xf32>, vector<16xf32>, vector<16xf32>, vector<16xf32>, vector<16xf32>, vector<16xf32>, vector<16xf32>, vector<16xf32>, vector<16xf32>, vector<16xf32>, vector<16xf32>, vector<16xf32>, vector<16xf32>, vector<16xf32>, vector<16xf32>, vector<16xf32>, vector<16xf32>, vector<16xf32>, vector<16xf32>, vector<16xi32>
    }
    %scan3A_1095 = arith.constant 125 : i32
    %min3A_1096 = arith.minimumf %scan3A_1094#0, %scan3A_1094#3 : vector<16xf32>
    %max3A_1097 = arith.maximumf %scan3A_1094#0, %scan3A_1094#3 : vector<16xf32>
    %min3A_1098 = arith.minimumf %scan3A_1094#1, %min3A_1096 : vector<16xf32>
    %max3A_1099 = arith.maximumf %scan3A_1094#1, %min3A_1096 : vector<16xf32>
    %max3A_1100 = arith.maximumf %scan3A_1094#2, %min3A_1098 : vector<16xf32>
    %min3A_1101 = arith.minimumf %max3A_1097, %scan3A_1094#4 : vector<16xf32>
    %max3A_1102 = arith.maximumf %max3A_1097, %scan3A_1094#4 : vector<16xf32>
    %min3A_1103 = arith.minimumf %max3A_1099, %min3A_1101 : vector<16xf32>
    %max3A_1104 = arith.maximumf %max3A_1099, %min3A_1101 : vector<16xf32>
    %max3A_1105 = arith.maximumf %max3A_1100, %min3A_1103 : vector<16xf32>
    %min3A_1106 = arith.minimumf %max3A_1102, %scan3A_1094#5 : vector<16xf32>
    %max3A_1107 = arith.maximumf %max3A_1102, %scan3A_1094#5 : vector<16xf32>
    %min3A_1108 = arith.minimumf %max3A_1104, %min3A_1106 : vector<16xf32>
    %max3A_1109 = arith.maximumf %max3A_1104, %min3A_1106 : vector<16xf32>
    %max3A_1110 = arith.maximumf %max3A_1105, %min3A_1108 : vector<16xf32>
    %min3A_1111 = arith.minimumf %max3A_1107, %scan3A_1094#6 : vector<16xf32>
    %max3A_1112 = arith.maximumf %max3A_1107, %scan3A_1094#6 : vector<16xf32>
    %min3A_1113 = arith.minimumf %max3A_1109, %min3A_1111 : vector<16xf32>
    %max3A_1114 = arith.maximumf %max3A_1109, %min3A_1111 : vector<16xf32>
    %max3A_1115 = arith.maximumf %max3A_1110, %min3A_1113 : vector<16xf32>
    %min3A_1116 = arith.minimumf %max3A_1112, %scan3A_1094#7 : vector<16xf32>
    %max3A_1117 = arith.maximumf %max3A_1112, %scan3A_1094#7 : vector<16xf32>
    %min3A_1118 = arith.minimumf %max3A_1114, %min3A_1116 : vector<16xf32>
    %max3A_1119 = arith.maximumf %max3A_1114, %min3A_1116 : vector<16xf32>
    %max3A_1120 = arith.maximumf %max3A_1115, %min3A_1118 : vector<16xf32>
    %min3A_1121 = arith.minimumf %max3A_1117, %scan3A_1094#8 : vector<16xf32>
    %max3A_1122 = arith.maximumf %max3A_1117, %scan3A_1094#8 : vector<16xf32>
    %min3A_1123 = arith.minimumf %max3A_1119, %min3A_1121 : vector<16xf32>
    %max3A_1124 = arith.maximumf %max3A_1119, %min3A_1121 : vector<16xf32>
    %max3A_1125 = arith.maximumf %max3A_1120, %min3A_1123 : vector<16xf32>
    %min3A_1126 = arith.minimumf %max3A_1122, %scan3A_1094#9 : vector<16xf32>
    %max3A_1127 = arith.maximumf %max3A_1122, %scan3A_1094#9 : vector<16xf32>
    %min3A_1128 = arith.minimumf %max3A_1124, %min3A_1126 : vector<16xf32>
    %max3A_1129 = arith.maximumf %max3A_1124, %min3A_1126 : vector<16xf32>
    %max3A_1130 = arith.maximumf %max3A_1125, %min3A_1128 : vector<16xf32>
    %min3A_1131 = arith.minimumf %max3A_1127, %scan3A_1094#10 : vector<16xf32>
    %max3A_1132 = arith.maximumf %max3A_1127, %scan3A_1094#10 : vector<16xf32>
    %min3A_1133 = arith.minimumf %max3A_1129, %min3A_1131 : vector<16xf32>
    %max3A_1134 = arith.maximumf %max3A_1129, %min3A_1131 : vector<16xf32>
    %max3A_1135 = arith.maximumf %max3A_1130, %min3A_1133 : vector<16xf32>
    %min3A_1136 = arith.minimumf %max3A_1132, %scan3A_1094#11 : vector<16xf32>
    %max3A_1137 = arith.maximumf %max3A_1132, %scan3A_1094#11 : vector<16xf32>
    %min3A_1138 = arith.minimumf %max3A_1134, %min3A_1136 : vector<16xf32>
    %max3A_1139 = arith.maximumf %max3A_1134, %min3A_1136 : vector<16xf32>
    %max3A_1140 = arith.maximumf %max3A_1135, %min3A_1138 : vector<16xf32>
    %min3A_1141 = arith.minimumf %max3A_1137, %scan3A_1094#12 : vector<16xf32>
    %max3A_1142 = arith.maximumf %max3A_1137, %scan3A_1094#12 : vector<16xf32>
    %min3A_1143 = arith.minimumf %max3A_1139, %min3A_1141 : vector<16xf32>
    %max3A_1144 = arith.maximumf %max3A_1139, %min3A_1141 : vector<16xf32>
    %max3A_1145 = arith.maximumf %max3A_1140, %min3A_1143 : vector<16xf32>
    %min3A_1146 = arith.minimumf %max3A_1142, %scan3A_1094#13 : vector<16xf32>
    %max3A_1147 = arith.maximumf %max3A_1142, %scan3A_1094#13 : vector<16xf32>
    %min3A_1148 = arith.minimumf %max3A_1144, %min3A_1146 : vector<16xf32>
    %max3A_1149 = arith.maximumf %max3A_1144, %min3A_1146 : vector<16xf32>
    %max3A_1150 = arith.maximumf %max3A_1145, %min3A_1148 : vector<16xf32>
    %min3A_1151 = arith.minimumf %max3A_1147, %scan3A_1094#14 : vector<16xf32>
    %max3A_1152 = arith.maximumf %max3A_1147, %scan3A_1094#14 : vector<16xf32>
    %min3A_1153 = arith.minimumf %max3A_1149, %min3A_1151 : vector<16xf32>
    %max3A_1154 = arith.maximumf %max3A_1149, %min3A_1151 : vector<16xf32>
    %max3A_1155 = arith.maximumf %max3A_1150, %min3A_1153 : vector<16xf32>
    %min3A_1156 = arith.minimumf %max3A_1152, %scan3A_1094#15 : vector<16xf32>
    %max3A_1157 = arith.maximumf %max3A_1152, %scan3A_1094#15 : vector<16xf32>
    %min3A_1158 = arith.minimumf %max3A_1154, %min3A_1156 : vector<16xf32>
    %max3A_1159 = arith.maximumf %max3A_1154, %min3A_1156 : vector<16xf32>
    %max3A_1160 = arith.maximumf %max3A_1155, %min3A_1158 : vector<16xf32>
    %min3A_1161 = arith.minimumf %max3A_1157, %scan3A_1094#16 : vector<16xf32>
    %max3A_1162 = arith.maximumf %max3A_1157, %scan3A_1094#16 : vector<16xf32>
    %min3A_1163 = arith.minimumf %max3A_1159, %min3A_1161 : vector<16xf32>
    %max3A_1164 = arith.maximumf %max3A_1159, %min3A_1161 : vector<16xf32>
    %max3A_1165 = arith.maximumf %max3A_1160, %min3A_1163 : vector<16xf32>
    %min3A_1166 = arith.minimumf %max3A_1162, %scan3A_1094#17 : vector<16xf32>
    %max3A_1167 = arith.maximumf %max3A_1162, %scan3A_1094#17 : vector<16xf32>
    %min3A_1168 = arith.minimumf %max3A_1164, %min3A_1166 : vector<16xf32>
    %max3A_1169 = arith.maximumf %max3A_1164, %min3A_1166 : vector<16xf32>
    %max3A_1170 = arith.maximumf %max3A_1165, %min3A_1168 : vector<16xf32>
    %min3A_1171 = arith.minimumf %max3A_1167, %scan3A_1094#18 : vector<16xf32>
    %max3A_1172 = arith.maximumf %max3A_1167, %scan3A_1094#18 : vector<16xf32>
    %min3A_1173 = arith.minimumf %max3A_1169, %min3A_1171 : vector<16xf32>
    %max3A_1174 = arith.maximumf %max3A_1169, %min3A_1171 : vector<16xf32>
    %max3A_1175 = arith.maximumf %max3A_1170, %min3A_1173 : vector<16xf32>
    %min3A_1176 = arith.minimumf %max3A_1172, %scan3A_1094#19 : vector<16xf32>
    %max3A_1177 = arith.maximumf %max3A_1172, %scan3A_1094#19 : vector<16xf32>
    %min3A_1178 = arith.minimumf %max3A_1174, %min3A_1176 : vector<16xf32>
    %max3A_1179 = arith.maximumf %max3A_1174, %min3A_1176 : vector<16xf32>
    %max3A_1180 = arith.maximumf %max3A_1175, %min3A_1178 : vector<16xf32>
    %min3A_1181 = arith.minimumf %max3A_1177, %scan3A_1094#20 : vector<16xf32>
    %max3A_1182 = arith.maximumf %max3A_1177, %scan3A_1094#20 : vector<16xf32>
    %min3A_1183 = arith.minimumf %max3A_1179, %min3A_1181 : vector<16xf32>
    %max3A_1184 = arith.maximumf %max3A_1179, %min3A_1181 : vector<16xf32>
    %max3A_1185 = arith.maximumf %max3A_1180, %min3A_1183 : vector<16xf32>
    %min3A_1186 = arith.minimumf %max3A_1182, %scan3A_1094#21 : vector<16xf32>
    %max3A_1187 = arith.maximumf %max3A_1182, %scan3A_1094#21 : vector<16xf32>
    %min3A_1188 = arith.minimumf %max3A_1184, %min3A_1186 : vector<16xf32>
    %max3A_1189 = arith.maximumf %max3A_1184, %min3A_1186 : vector<16xf32>
    %max3A_1190 = arith.maximumf %max3A_1185, %min3A_1188 : vector<16xf32>
    %min3A_1191 = arith.minimumf %max3A_1187, %scan3A_1094#22 : vector<16xf32>
    %max3A_1192 = arith.maximumf %max3A_1187, %scan3A_1094#22 : vector<16xf32>
    %min3A_1193 = arith.minimumf %max3A_1189, %min3A_1191 : vector<16xf32>
    %max3A_1194 = arith.maximumf %max3A_1189, %min3A_1191 : vector<16xf32>
    %max3A_1195 = arith.maximumf %max3A_1190, %min3A_1193 : vector<16xf32>
    %min3A_1196 = arith.minimumf %max3A_1192, %scan3A_1094#23 : vector<16xf32>
    %max3A_1197 = arith.maximumf %max3A_1192, %scan3A_1094#23 : vector<16xf32>
    %min3A_1198 = arith.minimumf %max3A_1194, %min3A_1196 : vector<16xf32>
    %max3A_1199 = arith.maximumf %max3A_1194, %min3A_1196 : vector<16xf32>
    %max3A_1200 = arith.maximumf %max3A_1195, %min3A_1198 : vector<16xf32>
    %get3A_1201 = arith.constant 112 : index
    %get3A_1202 = tpu.vector_load %arg7[%get3A_1201] {strides = array<i32>} : memref<128xi32, #tpu.memory_space<vmem>>, vector<16xi32>,
    %gather3A_1203 = tpu.vector_load_idx %arg6[%iota3A, %get3A_1202] : memref<16x1009xf32, #tpu.memory_space<vmem>>[vector<16xi32>, vector<16xi32>], vector<16xf32>,
    %eq3A_1204 = arith.cmpf oeq, %gather3A_1203, %max3A_1197 : vector<16xf32>
    %jit3A_1205 = arith.constant 1.000000e+00 : f32
    %jit3A_1206 = arith.constant 0.000000e+00 : f32
    %broadcast_in_dim3A_1207 = vector.broadcast %jit3A_1205 : f32 to vector<16xf32>
    %broadcast_in_dim3A_1208 = vector.broadcast %jit3A_1206 : f32 to vector<16xf32>
    %select_n3A_1209 = arith.select %eq3A_1204, %broadcast_in_dim3A_1207, %broadcast_in_dim3A_1208 : vector<16xi1>, vector<16xf32>
    %sub3A_1210 = arith.subf %gather3A_1203, %max3A_1199 : vector<16xf32>
    %neg3A_1211 = arith.constant 0.000000e+00 : f32
    %neg3A_1212 = vector.broadcast %neg3A_1211 : f32 to vector<16xf32>
    %neg3A_1213 = arith.subf %neg3A_1212, %sub3A_1210 : vector<16xf32>
    %sub3A_1214 = arith.subf %max3A_1197, %max3A_1200 : vector<16xf32>
    %add3A_1215 = arith.constant 9.99999996E-13 : f32
    %add3A_1216 = vector.broadcast %add3A_1215 : f32 to vector<16xf32>
    %add3A_1217 = arith.addf %sub3A_1214, %add3A_1216 : vector<16xf32>
    %div3A_1218 = arith.divf %neg3A_1213, %add3A_1217 : vector<16xf32>
    %mul3A_1219 = arith.mulf %div3A_1218, %select_n3A_1209 : vector<16xf32>
    %swap3A_1220 = arith.constant 112 : index
    %swap3A_1221 = tpu.vector_load %arg8[%swap3A_1220] {strides = array<i32>} : memref<128xf32, #tpu.memory_space<vmem>>, vector<16xf32>,
    tpu.vector_store %arg8[%swap3A_1220], %mul3A_1219 {strides = array<i32>} : memref<128xf32, #tpu.memory_space<vmem>>, vector<16xf32>,
    "tpu.region"() ({
      %run_scoped3A = tpu.sem_alloc : memref<!tpu.dma_semaphore, #tpu.memory_space<semaphore_mem>>
      %dma_start3A_1222 = tpu.memref_slice %arg4[%mul3A_2] : memref<4096xf32, #tpu.memory_space<hbm>> -> memref<128xf32, #tpu.memory_space<hbm>>
      %dma_start3A_1223 = tpu.memref_slice %arg4[%mul3A_2] : memref<4096xf32, #tpu.memory_space<hbm>> -> memref<128xf32, #tpu.memory_space<hbm>>
      tpu.enqueue_dma source(%arg8 : memref<128xf32, #tpu.memory_space<vmem>>) target(%dma_start3A_1223 : memref<128xf32, #tpu.memory_space<hbm>>) target_semaphore(%run_scoped3A : memref<!tpu.dma_semaphore, #tpu.memory_space<semaphore_mem>>)
      %dma_wait3A_1224 = tpu.memref_slice %arg4[%mul3A_2] : memref<4096xf32, #tpu.memory_space<hbm>> -> memref<128xf32, #tpu.memory_space<hbm>>
      %dma_wait3A_1225 = tpu.memref_slice %arg4[%mul3A_2] : memref<4096xf32, #tpu.memory_space<hbm>> -> memref<128xf32, #tpu.memory_space<hbm>>
      tpu.wait_dma2 semaphore(%run_scoped3A : memref<!tpu.dma_semaphore, #tpu.memory_space<semaphore_mem>>) src(%arg8 : memref<128xf32, #tpu.memory_space<vmem>>) dst(%dma_wait3A_1225 : memref<128xf32, #tpu.memory_space<hbm>>)
      tpu.yield
    }) : () -> ()
    return
  }
}

</mosaic_0001>

<sc_bundles>
// kernel: _redlr.3.cloned.1.call-start
scs
__scs_entry_jumppad:
0x0: {  	(pc) =	sbr.rel $0x88, $3  }
0x1: {  	(tag) =	ssettag $0x0;
	lr =	simm.s32 $0x1  }
0x2: {  	[smem:$0x3F9F] =	sst lr;
	_ =	strace $0xD0000000  }
0x3: {  	_ = 	snop  }
0x4: {  	_ = 	snop  }
0x5: {  	_ = 	snop  }
0x6: {  	_ = 	snop  }
0x7: {  	_ = 	snop  }
__scs_overlays_trampoline_lowered:
0x8: {  	[smem:$0x3FAE] =	sst s0  }
0x9: {  	[smem:$0x3FAF] =	sst s1  }
0xa: {  	[smem:$0x3FB0] =	sst s2  }
0xb: {  	[smem:$0x3FB1] =	sst s3  }
0xc: {  	[smem:$0x3FB2] =	sst s4  }
0xd: {  	[smem:$0x3FB3] =	sst s5  }
0xe: {  	[smem:$0x3FB4] =	sst s6  }
0xf: {  	[smem:$0x3FB5] =	sst s7  }
0x10: {  	[smem:$0x3FB6] =	sst s8  }
0x11: {  	[smem:$0x3FB7] =	sst s9;
	s0 =	simm.s32 @!p0 $0x0  }
0x12: {  	s1 =	sld [smem:$0x3F9D];
	s0 =	simm.s32 @p0 $0x1  }
0x13: {  	[smem:$0x3FB8] =	sst s0;
	s0 =	simm.s32 @!p1 $0x0  }
0x14: {  	s2 =	sld [smem:$0x3F9C];
	s0 =	simm.s32 @p1 $0x1  }
0x15: {  	[smem:$0x3FB9] =	sst s0;
	s0 =	simm.s32 @!p2 $0x0  }
0x16: {  	s3 =	sld [smem:$0x3FDB];
	s0 =	simm.s32 @p2 $0x1  }
0x17: {  	s4 =	simm.s32 $0x1BF5;
	[smem:$0x3FBB] =	sst s0  }
0x18: {  	s0 =	sld [smem:$0x3F9E];
	_ =	swait.ge [sflag:s4], $0x0  }
0x19: {  	s7 =	sld [smem:$0x3F9F]  }
0x1a: {  	s8 =	sadd.s32 $0xFFFFE003, lr  }
0x1b: {  	s9 =	sadd.s32 $0xFFFFFEF7, lr;
	s5 =	simm.s32 $0xFFFFFFFF;
	p2 =	slt.u32 s8, $0xFFFFF086  }
0x1c: {  	p1 =	slt.u32 s9, $0xF7A;
	s5 =	simm.s32 @!p2 $0x0  }
0x1d: {  	s5 =	simm.s32 @p1 $0x1;
	p0 =	seq.s32 s7, s2  }
0x1e: {  	s7 =	smul.u32 @!p0 $0xF7A, s2;
	p2 =	seq.s32 @!p0 s5, $0x0  }
0x1f: {  	s9 =	smul.u32 $0xF7A, s1;
	s8 =	simm.s32 @!p0 $0x1BF5;
	p2 =	por !p2, p0  }
0x20: {  	[sflag:s8] =	ssyncset.s32 @!p0 $0xFFFFF086;
	s6 =	sadd.s32 @!p0 s3, s7;
	s7 =	simm.s32 @!p0 $0x108  }
0x21: {  	s3 =	sadd.s32 s3, s9;
	s6 =	sadd.s32 @!p0 $0x88, s6;
	s7 =	simm.s32 @p2 $0x1082  }
0x22: {  	[simem:s7], [sflag:s8] =	dma.local @!p0 [hbm:s6], $0xF7A  }
0x23: {  	s9 =	sor.u32 $0xD0000000, s2;
	s6 =	simm.s32 $0x108;
	_ =	swait.ge @!p0 [sflag:s8], $0x0  }
0x24: {  	s3 =	sadd.s32 $0x88, s3;
	s6 =	simm.s32 @!p1 $0x1082;
	[sflag:s4] =	ssyncset.s32 $0xFFFFF086  }
0x25: {  	[simem:s6], [sflag:s4] =	dma.local [hbm:s3], $0xF7A  }
0x26: {  	[smem:$0x3F9F] =	sst s1;
	(tag) =	ssettag s2;
	_ =	strace s9  }
0x27: {  	s1 =	sld [smem:$0x3FAF]  }
0x28: {  	s2 =	sld [smem:$0x3FB0]  }
0x29: {  	s4 =	sld [smem:$0x3FB2]  }
0x2a: {  	p0 =	seq.s32 s5, $0x0;
	s5 =	sld [smem:$0x3FB3]  }
0x2b: {  	s6 =	sld [smem:$0x3FB4]  }
0x2c: {  	s7 =	sld [smem:$0x3FB5]  }
0x2d: {  	s3 =	simm.s32 $0x108;
	s8 =	sld [smem:$0x3FB6]  }
0x2e: {  	s3 =	simm.s32 @!p0 $0x1082;
	s9 =	sld [smem:$0x3FB7]  }
0x2f: {  	lr =	sadd.s32 s0, s3;
	s0 =	sld [smem:$0x3FAE]  }
0x30: {  	s3 =	sld [smem:$0x3FB1]  }
0x31: {  	[smem:$0x3FBA] =	sst s10  }
0x32: {  	s10 =	sld [smem:$0x3FB8];
	_ =	sdelay $0x3  }
0x33: {  	p0 =	seq.s32 s10, $0x1;
	s10 =	sld [smem:$0x3FBA];
	_ =	sdelay $0x3  }
0x34: {  	[smem:$0x3FBA] =	sst s10  }
0x35: {  	s10 =	sld [smem:$0x3FB9];
	_ =	sdelay $0x3  }
0x36: {  	p1 =	seq.s32 s10, $0x1;
	s10 =	sld [smem:$0x3FBA];
	_ =	sdelay $0x3  }
0x37: {  	[smem:$0x3FBA] =	sst s10  }
0x38: {  	s10 =	sld [smem:$0x3FBB]  }
0x39: {  	_ = 	snop;
	(pc) =	sbr.ind lr, $3  }
0x3a: {  	_ = 	snop  }
0x3b: {  	_ = 	snop  }
0x3c: {  	p2 =	seq.s32 s10, $0x1;
	s10 =	sld [smem:$0x3FBA]  }
0x3d: {  	_ =	shalt  }
0x3e: {  	_ =	shalt  }
0x3f: {  	_ =	shalt  }
0x40: {  	_ =	shalt  }
0x41: {  	_ =	shalt  }
0x42: {  	_ =	shalt  }
0x43: {  	_ =	shalt  }
0x44: {  	_ =	shalt  }
0x45: {  	_ =	shalt  }
0x46: {  	_ =	shalt  }
0x47: {  	_ =	shalt  }
0x48: {  	_ =	shalt  }
0x49: {  	_ =	shalt  }
0x4a: {  	_ =	shalt  }
0x4b: {  	_ =	shalt  }
0x4c: {  	_ =	shalt  }
0x4d: {  	_ =	shalt  }
0x4e: {  	_ =	shalt  }
0x4f: {  	_ =	shalt  }
0x50: {  	_ =	shalt  }
0x51: {  	_ =	shalt  }
0x52: {  	_ =	shalt  }
0x53: {  	_ =	shalt  }
0x54: {  	_ =	shalt  }
0x55: {  	_ =	shalt  }
0x56: {  	_ =	shalt  }
0x57: {  	_ =	shalt  }
0x58: {  	_ =	shalt  }
0x59: {  	_ =	shalt  }
0x5a: {  	_ =	shalt  }
0x5b: {  	_ =	shalt  }
0x5c: {  	_ =	shalt  }
0x5d: {  	_ =	shalt  }
0x5e: {  	_ =	shalt  }
0x5f: {  	_ =	shalt  }
0x60: {  	_ =	shalt  }
0x61: {  	_ =	shalt  }
0x62: {  	_ =	shalt  }
0x63: {  	_ =	shalt  }
0x64: {  	_ =	shalt  }
0x65: {  	_ =	shalt  }
0x66: {  	_ =	shalt  }
0x67: {  	_ =	shalt  }
0x68: {  	_ =	shalt  }
0x69: {  	_ =	shalt  }
0x6a: {  	_ =	shalt  }
0x6b: {  	_ =	shalt  }
0x6c: {  	_ =	shalt  }
0x6d: {  	_ =	shalt  }
0x6e: {  	_ =	shalt  }
0x6f: {  	_ =	shalt  }
0x70: {  	_ =	shalt  }
0x71: {  	_ =	shalt  }
0x72: {  	_ =	shalt  }
0x73: {  	_ =	shalt  }
0x74: {  	_ =	shalt  }
0x75: {  	_ =	shalt  }
0x76: {  	_ =	shalt  }
0x77: {  	_ =	shalt  }
0x78: {  	_ =	shalt  }
0x79: {  	_ =	shalt  }
0x7a: {  	_ =	shalt  }
0x7b: {  	_ =	shalt  }
0x7c: {  	_ =	shalt  }
0x7d: {  	_ =	shalt  }
0x7e: {  	_ =	shalt  }
0x7f: {  	_ =	shalt  }
0x80: {  	_ =	shalt  }
0x81: {  	_ =	shalt  }
0x82: {  	_ =	shalt  }
0x83: {  	_ =	shalt  }
0x84: {  	_ =	shalt  }
0x85: {  	_ =	shalt  }
0x86: {  	_ =	shalt  }
0x87: {  	_ =	shalt  }
.Lfunc_end0:
.L_simem_size_0:
called_computation_lowered:
.L_overlay_start_0:
0x88: {  	s2 =	sld [smem:$0x3FD9]  }
0x89: {  	s3 =	sld [smem:$0x3FFE];
	_ =	sdelay $0x1  }
0x8a: {  	s1 =	srdreg.scid  }
0x8b: {  	s0 =	sand.u32 $0x1, s1  }
0x8c: {  	s17 =	sshll.u32 s0, $0xA;
	s2 =	sadd.s32 s3, s2  }
0x8d: {  	s2 =	sadd.s32 s2, s17  }
0x8e: {  	[smem:$0x3FC6] =	sst s2  }
0x8f: {  	_ = 	snop  }
0x90: {  	s2 =	sld [smem:$0x3FC8]  }
0x91: {  	s18 =	sld [smem:$0x3FD0];
	(tm) =	ssettm $0x1  }
0x92: {  	s4 =	sld [smem:$0x3FFB];
	_ =	sdelay $0x3  }
0x93: {  	_ =	strace s4  }
0x94: {  	s4 =	sld [smem:$0x3FFC];
	_ =	sdelay $0x3  }
0x95: {  	_ =	strace s4  }
0x96: {  	s4 =	sld [smem:$0x3FFD];
	_ =	sdelay $0x3  }
0x97: {  	_ =	strace s4  }
0x98: {  	_ =	strace $0x8FFFFFFF  }
0x99: {  	s19 =	sld [smem:$0x3FDB];
	_ =	sdelay $0x1  }
0x9a: {  	s5 =	simm.s32 $_scs_section_size  }
0x9b: {  	s6 =	simm.s32 $_size__tile_overlayer_lowered;
	s7 =	simm.s32 $_tile_overlayer_lowered  }
0x9c: {  	s22 =	simm.s32 $0x1BFF;
	s21 =	sshll.u32 s7, $0x1;
	s4 =	sadd.s32 s5, s19  }
0x9d: {  	s8 =	simm.s32 $0x0;
	s20 =	sshll.u32 s6, $0x1;
	s6 =	sadd.s32 s21, s4  }
0x9e: {  	[timem:s8], [sflag:s22] =	dma.local [hbm:s6], s20  }
0x9f: {  	_ =	swait.ge [sflag:s22], s20  }
0xa0: {  	s5 =	ssub.s32 $0x0, s20;
	[sflag:s22] =	ssyncset.done $0x0  }
0xa1: {  	[sflag:s22] =	ssyncadd.s32 s5;
	_ =	sdelay $0x1  }
0xa2: {  	s23 =	simm.s32 $0x1B8B  }
0xa3: {  	_ =	swait.ge [sflag:s23], $0x1  }
0xa4: {  	[sflag:s23] =	ssyncset.done $0x0  }
0xa5: {  	s25 =	simm.s32 $0x1B8E;
	s24 =	sld [smem:$0x3FFE];
	[sflag:s23] =	ssyncadd.s32 $0xFFFFFFFF  }
0xa6: {  	s26 =	simm.s32 $execute0_lowered;
	[smem:$0x3FD2] =	sst s25  }
0xa7: {  	s6 =	sshll.u32 s26, $0x1;
	_ =	strace $0x80000046;
	[dreg:$0x1] =	wrdreg $0xFFFFFFFF  }
0xa8: {  	s28 =	simm.s32 $_size_execute0_lowered;
	s4 =	sadd.s32 s4, s6;
	[dreg:$0x0] =	wrdreg $0x0  }
0xa9: {  	s6 =	sshll.u32 s28, $0x1;
	[dreg:$0x2] =	wrdreg s4  }
0xaa: {  	[dreg:$0x3] =	wrdreg s6  }
0xab: {  	[dreg:$0x4] =	wrdreg $0xC0  }
0xac: {  	_ =	task [dreg:s8], $0x5FFFF  }
0xad: {  	[dreg:$0x1] =	wrdreg $0xFFFFFFFF  }
0xae: {  	[dreg:$0x0] =	wrdreg $0x60  }
0xaf: {  	[dreg:$0x2] =	wrdreg s24  }
0xb0: {  	[dreg:$0x3] =	wrdreg s2  }
0xb1: {  	[dreg:$0x4] =	wrdreg s18  }
0xb2: {  	[dreg:$0x5] =	wrdreg $0x9  }
0xb3: {  	_ =	task.clear_ibuf [dreg:s8], $0x6FFFF;
	_ =	strace $0x90000046  }
0xb4: {  	s29 =	simm.s32 $0x9;
	_ =	strace $0x80000048  }
0xb5: {  	_ =	swait.ge [sflag:s29], $0x1  }
0xb6: {  	[sflag:s29] =	ssyncadd.s32 $0xFFFFFFFF  }
0xb7: {  	_ =	strace $0x90000048  }
0xb8: {  	_ =	sfence  }
0xb9: {  	s30 =	sld [smem:$0x0];
	_ =	sdelay $0x2  }
0xba: {  	s31 =	sshll.u32 s1, $0xD;
	s1 =	sshrl.u32 s1, $0x2  }
0xbb: {  	s3 =	sand.u32 $0x4000, s31;
	s1 =	sadd.s32 s1, s30  }
0xbc: {  	s0 =	sor.u32 s3, s0;
	s1 =	sshll.u32 s1, $0x11  }
0xbd: {  	s0 =	sor.u32 s1, s0  }
0xbe: {  	s0 =	sadd.s32 $0x8F2B, s0  }
0xbf: {  	[sflag:s0] =	ssyncadd.remote.s32 $0x1  }
0xc0: {  	_ =	sfence.sel $0xFFFF  }
0xc1: {  	[dreg:$0x0] =	wrdreg $0xFFFFFFFF;
	(pc) =	sbr.abs _section_cstart, $3  }
0xc2: {  	[dreg:$0x1] =	wrdreg $0xFFFFFFFF  }
0xc3: {  	_ =	task.clear_ibuf [dreg:s8], $0x2FFFF;
	_ =	strace $0x9FFFFFFF  }
0xc4: {  	(tm) =	ssettm $0x7FFFFFFF  }
0xc5: {  	_ =	shalt  }
tec
execute0_lowered:
.L_overlay_start_1:
0x0: {  	(tag) =	ssettag $0x1  }
0x1: {  	s0 =	rddreg [dreg:$0x0]  }
0x2: {  	s1 =	rddreg [dreg:$0x1]  }
0x3: {  	s3 =	rddreg [dreg:$0x2];
	s2 =	srdreg.scid  }
0x4: {  	s5 =	stileid.u32;
	s15 =	simm.s32 $0x3;
	s18 =	simm.s32 $0x4770  }
0x5: {  	s17 =	simm.s32 $0x5750;
	s28 =	simm.s32 $0x6F20;
	s29 =	simm.s32 $0x7318  }
0x6: {  	s30 =	simm.s32 $0x7710;
	s31 =	simm.s32 $0x7B08;
	s14 =	simm.s32 $0x0  }
0x7: {  	s4 =	sand.u32 $0x1, s2;
	s2 =	simm.s32 $0x0;
	s5 =	sshll.u32 s5, $0x8  }
0x8: {  	s0 =	sadd.s32 $0x400, s0;
	s6 =	sshll.u32 s4, $0x7;
	[smem:$0x7FF] =	sst s2  }
0x9: {  	s4 =	ssub.s32 $0x2, s4;
	s5 =	sor.u32 s6, s5;
	_ =	strace $0x80000047  }
0xa: {  	s7 =	sshrl.u32 s4, $0x1;
	s6 =	smul.u32 $0x3E8, s5;
	s13 =	sshrl.u32 s5, $0x3  }
0xb: {  	s8 =	smul.u32 $0x7D, s5;
	s12 =	ssub.s32 s4, s7;
	s1 =	sadd.s32 s1, s13  }
0xc: {  	s20 =	sadd.s32 s3, s13;
	s21 =	smax.u32 s12, $0x1;
	[dreg:$0x4] =	wrdreg s1  }
0xd: {  	s13 =	simm.s32 $0x3F80;
	s19 =	sshrl.u32 s6, $0x3;
	[dreg:$0x5] =	wrdreg s20  }
0xe: {  	s4 =	sadd.s32 s0, s8;
	[dreg:$0x6] =	wrdreg s21;
	s20 =	simm.s32 $0x4B68  }
0xf: {  	s21 =	simm.s32 $0x5F40;
	s1 =	simm.s32 $0x2;
	s0 =	sadd.s32 s0, s19  }
0x10: {  	s22 =	sadd.s32 $0x7D, s4;
	s23 =	sadd.s32 $0xFA, s4;
	s24 =	sadd.s32 $0x177, s4  }
0x11: {  	s25 =	sadd.s32 $0x1F4, s4;
	s26 =	sadd.s32 $0x271, s4;
	[dreg:$0x7] =	wrdreg s22  }
0x12: {  	v0 =	vlaneseq.u32;
	s19 =	simm.s32 $0x5B48;
	s5 =	sadd.s32 $0x7D0, s0;
	[dreg:$0x8] =	wrdreg s23  }
0x13: {  	v0 =	vmul.u32 $0x3F8, v0;
	s6 =	sadd.s32 $0xFA0, s0;
	s7 =	sadd.s32 $0x1770, s0;
	[dreg:$0x9] =	wrdreg s24  }
0x14: {  	s8 =	sadd.s32 $0x1F40, s0;
	s9 =	sadd.s32 $0x2710, s0;
	[dreg:$0xa] =	wrdreg s25  }
0x15: {  	v8 =	vimm.f32 $0.0e+00;
	v1 =	vadd.s32 $0x7D, v0;
	s10 =	sadd.s32 $0x2EE0, s0;
	s11 =	sadd.s32 $0x36B0, s0;
	[dreg:$0xb] =	wrdreg s26  }
0x16: {  	v2 =	vadd.s32 $0xFA, v0;
	v3 =	vadd.s32 $0x177, v0;
	v4 =	vadd.s32 $0x1F4, v0;
	s22 =	simm.s32 $0x4F60;
	s24 =	simm.s32 $0x5358;
	s23 =	simm.s32 $0x6338  }
0x17: {  	v5 =	vadd.s32 $0x271, v0;
	v6 =	vadd.s32 $0x2EE, v0;
	v7 =	vadd.s32 $0x36B, v0;
	s25 =	simm.s32 $0x6730;
	s26 =	simm.s32 $0x6B28;
	s0 =	simm.s32 $0x1  }
.LBB2_1:
0x18: {  	s3 =	rddreg [dreg:$0x4];
	s12 =	simm.s32 $0x7F00  }
0x19: {  	[tilespmem:s12], [sflag:$0x3] =	stream.linear.gather [hbm4b:s3+s2], $0x80, $0x38;
	[tilespmem:$0x8000] =	vst v63  }
0x1a: {  	_ =	swait.ge [sflag:s15], $0x80  }
0x1b: {  	[sflag:s15] =	ssyncset.done $0x0  }
0x1c: {  	[sflag:s15] =	ssyncadd.s32 $0xFFFFFF80  }
0x1d: {  	[tilespmem:s2], [sflag:$0x1] =	stream.linear.gather [hbm4b:s4+s2], $0x3E8, $0x38;
	[tilespmem:$0x8000] =	vst v63  }
0x1e: {  	s12 =	simm.s32 $0x3F8;
	s16 =	rddreg [dreg:$0x7]  }
0x1f: {  	[tilespmem:s12], [sflag:$0x1] =	stream.linear.gather [hbm4b:s16+s2], $0x3E8, $0x38;
	[tilespmem:$0x8000] =	vst v63  }
0x20: {  	s3 =	rddreg [dreg:$0x8];
	s16 =	simm.s32 $0x7F0  }
0x21: {  	[tilespmem:s16], [sflag:$0x1] =	stream.linear.gather [hbm4b:s3+s2], $0x3E8, $0x38;
	[tilespmem:$0x8000] =	vst v63  }
0x22: {  	s3 =	rddreg [dreg:$0x9];
	s16 =	simm.s32 $0xBE8  }
0x23: {  	[tilespmem:s16], [sflag:$0x1] =	stream.linear.gather [hbm4b:s3+s2], $0x3E8, $0x38;
	[tilespmem:$0x8000] =	vst v63  }
0x24: {  	s3 =	rddreg [dreg:$0xa];
	s16 =	simm.s32 $0xFE0  }
0x25: {  	[tilespmem:s16], [sflag:$0x1] =	stream.linear.gather [hbm4b:s3+s2], $0x3E8, $0x38;
	[tilespmem:$0x8000] =	vst v63  }
0x26: {  	s3 =	rddreg [dreg:$0xb];
	s16 =	simm.s32 $0x13D8  }
0x27: {  	[tilespmem:s16], [sflag:$0x1] =	stream.linear.gather [hbm4b:s3+s2], $0x3E8, $0x38;
	[tilespmem:$0x8000] =	vst v63  }
0x28: {  	s3 =	sadd.s32 $0x2EE, s4;
	s16 =	simm.s32 $0x17D0  }
0x29: {  	[tilespmem:s16], [sflag:$0x1] =	stream.linear.gather [hbm4b:s3+s2], $0x3E8, $0x38;
	[tilespmem:$0x8000] =	vst v63  }
0x2a: {  	s3 =	sadd.s32 $0x36B, s4;
	s16 =	simm.s32 $0x1BC8  }
0x2b: {  	[tilespmem:s16], [sflag:$0x1] =	stream.linear.gather [hbm4b:s3+s2], $0x3E8, $0x38;
	[tilespmem:$0x8000] =	vst v63  }
0x2c: {  	s3 =	sadd.s32 $0x3E8, s4;
	s16 =	simm.s32 $0x1FC0  }
0x2d: {  	[tilespmem:s16], [sflag:$0x1] =	stream.linear.gather [hbm4b:s3+s2], $0x3E8, $0x38;
	[tilespmem:$0x8000] =	vst v63  }
0x2e: {  	s3 =	sadd.s32 $0x465, s4;
	s16 =	simm.s32 $0x23B8  }
0x2f: {  	[tilespmem:s16], [sflag:$0x1] =	stream.linear.gather [hbm4b:s3+s2], $0x3E8, $0x38;
	[tilespmem:$0x8000] =	vst v63  }
0x30: {  	s3 =	sadd.s32 $0x4E2, s4;
	s16 =	simm.s32 $0x27B0  }
0x31: {  	[tilespmem:s16], [sflag:$0x1] =	stream.linear.gather [hbm4b:s3+s2], $0x3E8, $0x38;
	[tilespmem:$0x8000] =	vst v63  }
0x32: {  	s3 =	sadd.s32 $0x55F, s4;
	s16 =	simm.s32 $0x2BA8  }
0x33: {  	[tilespmem:s16], [sflag:$0x1] =	stream.linear.gather [hbm4b:s3+s2], $0x3E8, $0x38;
	[tilespmem:$0x8000] =	vst v63  }
0x34: {  	s3 =	sadd.s32 $0x5DC, s4;
	s16 =	simm.s32 $0x2FA0  }
0x35: {  	[tilespmem:s16], [sflag:$0x1] =	stream.linear.gather [hbm4b:s3+s2], $0x3E8, $0x38;
	[tilespmem:$0x8000] =	vst v63  }
0x36: {  	s3 =	sadd.s32 $0x659, s4;
	s16 =	simm.s32 $0x3398  }
0x37: {  	[tilespmem:s16], [sflag:$0x1] =	stream.linear.gather [hbm4b:s3+s2], $0x3E8, $0x38;
	[tilespmem:$0x8000] =	vst v63  }
0x38: {  	s3 =	sadd.s32 $0x6D6, s4;
	s16 =	simm.s32 $0x3790  }
0x39: {  	[tilespmem:s16], [sflag:$0x1] =	stream.linear.gather [hbm4b:s3+s2], $0x3E8, $0x38;
	[tilespmem:$0x8000] =	vst v63  }
0x3a: {  	s3 =	sadd.s32 $0x753, s4;
	s16 =	simm.s32 $0x3B88  }
0x3b: {  	[tilespmem:s16], [sflag:$0x1] =	stream.linear.gather [hbm4b:s3+s2], $0x3E8, $0x38;
	[tilespmem:$0x8000] =	vst v63  }
0x3c: {  	_ = 	snop  }
0x3d: {  	[tilespmem:s13], [sflag:$0x2] =	stream.linear.gather [hbm4b:s5+s2], $0x3E8, $0x38;
	[tilespmem:$0x8000] =	vst v63  }
0x3e: {  	s3 =	sadd.s32 $0x7D, s5;
	s16 =	simm.s32 $0x4378  }
0x3f: {  	[tilespmem:s16], [sflag:$0x2] =	stream.linear.gather [hbm4b:s3+s2], $0x3E8, $0x38;
	[tilespmem:$0x8000] =	vst v63  }
0x40: {  	s16 =	sadd.s32 $0xFA, s5  }
0x41: {  	[tilespmem:s18], [sflag:$0x2] =	stream.linear.gather [hbm4b:s16+s2], $0x3E8, $0x38;
	[tilespmem:$0x8000] =	vst v63  }
0x42: {  	s16 =	sadd.s32 $0x177, s5  }
0x43: {  	[tilespmem:s20], [sflag:$0x2] =	stream.linear.gather [hbm4b:s16+s2], $0x3E8, $0x38;
	[tilespmem:$0x8000] =	vst v63  }
0x44: {  	s16 =	sadd.s32 $0x1F4, s5  }
0x45: {  	[tilespmem:s22], [sflag:$0x2] =	stream.linear.gather [hbm4b:s16+s2], $0x3E8, $0x38;
	[tilespmem:$0x8000] =	vst v63  }
0x46: {  	s16 =	sadd.s32 $0x271, s5  }
0x47: {  	[tilespmem:s24], [sflag:$0x2] =	stream.linear.gather [hbm4b:s16+s2], $0x3E8, $0x38;
	[tilespmem:$0x8000] =	vst v63  }
0x48: {  	s16 =	sadd.s32 $0x2EE, s5  }
0x49: {  	[tilespmem:s17], [sflag:$0x2] =	stream.linear.gather [hbm4b:s16+s2], $0x3E8, $0x38;
	[tilespmem:$0x8000] =	vst v63  }
0x4a: {  	s16 =	sadd.s32 $0x36B, s5  }
0x4b: {  	[tilespmem:s19], [sflag:$0x2] =	stream.linear.gather [hbm4b:s16+s2], $0x3E8, $0x38;
	[tilespmem:$0x8000] =	vst v63  }
0x4c: {  	s16 =	sadd.s32 $0x3E8, s5  }
0x4d: {  	[tilespmem:s21], [sflag:$0x2] =	stream.linear.gather [hbm4b:s16+s2], $0x3E8, $0x38;
	[tilespmem:$0x8000] =	vst v63  }
0x4e: {  	s16 =	sadd.s32 $0x465, s5  }
0x4f: {  	[tilespmem:s23], [sflag:$0x2] =	stream.linear.gather [hbm4b:s16+s2], $0x3E8, $0x38;
	[tilespmem:$0x8000] =	vst v63  }
0x50: {  	s16 =	sadd.s32 $0x4E2, s5  }
0x51: {  	[tilespmem:s25], [sflag:$0x2] =	stream.linear.gather [hbm4b:s16+s2], $0x3E8, $0x38;
	[tilespmem:$0x8000] =	vst v63  }
0x52: {  	s16 =	sadd.s32 $0x55F, s5  }
0x53: {  	[tilespmem:s26], [sflag:$0x2] =	stream.linear.gather [hbm4b:s16+s2], $0x3E8, $0x38;
	[tilespmem:$0x8000] =	vst v63  }
0x54: {  	s16 =	sadd.s32 $0x5DC, s5  }
0x55: {  	[tilespmem:s28], [sflag:$0x2] =	stream.linear.gather [hbm4b:s16+s2], $0x3E8, $0x38;
	[tilespmem:$0x8000] =	vst v63  }
0x56: {  	s16 =	sadd.s32 $0x659, s5  }
0x57: {  	[tilespmem:s29], [sflag:$0x2] =	stream.linear.gather [hbm4b:s16+s2], $0x3E8, $0x38;
	[tilespmem:$0x8000] =	vst v63  }
0x58: {  	s16 =	sadd.s32 $0x6D6, s5  }
0x59: {  	v16 =	vimm.s32 $0x0;
	[tilespmem:s30], [sflag:$0x2] =	stream.linear.gather [hbm4b:s16+s2], $0x3E8, $0x38;
	[tilespmem:$0x8000] =	vst v63  }
0x5a: {  	v21 =	vimm.f32 $-Inf;
	v39 =	vimm.f32 $-Inf;
	v9 =	vadd.s32 v7, v16;
	s16 =	sadd.s32 $0x753, s5  }
0x5b: {  	v34 =	vimm.f32 $-Inf;
	v35 =	vimm.f32 $-Inf;
	v10 =	vadd.s32 v1, v16;
	[tilespmem:s31], [sflag:$0x2] =	stream.linear.gather [hbm4b:s16+s2], $0x3E8, $0x38;
	[tilespmem:$0x8000] =	vst v63  }
0x5c: {  	v36 =	vimm.f32 $-Inf;
	v37 =	vimm.f32 $-Inf;
	v11 =	vadd.s32 v0, v16;
	_ =	swait.ge [sflag:s0], $0x3E80  }
0x5d: {  	v51 =	vimm.f32 $-Inf;
	v32 =	vimm.f32 $-Inf;
	v12 =	vadd.s32 v2, v16;
	[sflag:s0] =	ssyncset.done $0x0  }
0x5e: {  	v33 =	vimm.f32 $-Inf;
	v52 =	vimm.f32 $-Inf;
	v13 =	vadd.s32 v3, v16;
	[sflag:s0] =	ssyncadd.s32 $0xFFFFC180  }
0x5f: {  	v40 =	vimm.f32 $-Inf;
	v41 =	vimm.f32 $-Inf;
	v14 =	vadd.s32 v4, v16;
	v18 =	vld.idx.msk [tilespmem:v9+s2+$0x0], $0xffff  }
0x60: {  	v43 =	vimm.f32 $-Inf;
	v47 =	vimm.f32 $-Inf;
	v22 =	vadd.s32 v6, v16;
	v9 =	vld.idx.msk [tilespmem:v10+s2+$0x0], $0xffff  }
0x61: {  	v49 =	vimm.f32 $-Inf;
	v24 =	vimm.f32 $-Inf;
	v25 =	vimm.f32 $-Inf;
	v10 =	vld.idx.msk [tilespmem:v11+s2+$0x0], $0xffff  }
0x62: {  	v26 =	vimm.f32 $-Inf;
	v27 =	vimm.f32 $-Inf;
	v20 =	vadd.s32 v5, v16;
	v12 =	vld.idx.msk [tilespmem:v12+s2+$0x0], $0xffff  }
0x63: {  	v28 =	vimm.f32 $-Inf;
	v29 =	vimm.f32 $-Inf;
	v31 =	vadd.s32 $0x1, v16;
	v19 =	vld.idx.msk [tilespmem:v13+s2+$0x0], $0xffff  }
0x64: {  	v30 =	vimm.f32 $-Inf;
	v50 =	vadd.s32 v1, v31;
	v48 =	vadd.s32 v2, v31;
	v23 =	vld.idx.msk [tilespmem:v14+s2+$0x0], $0xffff  }
0x65: {  	v54 =	vadd.s32 v7, v31;
	v55 =	vld.idx.msk [tilespmem:v22+s2+$0x0], $0xffff;
	v22 =	vimm.f32 $-Inf;
	v17 =	vmin.f32 v21, v18  }
0x66: {  	v38 =	vmin.f32 v21, v9;
	v15 =	vmax.f32 v21, v9;
	v44 =	vmin.f32 v21, v10  }
0x67: {  	v53 =	vld.idx.msk [tilespmem:v20+s2+$0x0], $0xffff;
	v9 =	vmax.f32 v21, v10;
	v42 =	vmin.f32 v21, v12;
	v12 =	vmax.f32 v21, v12  }
0x68: {  	v45 =	vmin.f32 v21, v19;
	v14 =	vmax.f32 v21, v19;
	v11 =	vmin.f32 v21, v17  }
0x69: {  	v13 =	vmax.f32 v21, v38;
	v10 =	vmax.f32 v21, v11;
	v11 =	vmax.f32 v21, v44  }
0x6a: {  	s3 =	simm.s32 $0x7B;
	v46 =	vmin.f32 v21, v23;
	v16 =	vmax.f32 v21, v23;
	v23 =	vimm.f32 $-Inf;
	v19 =	vmovc v13;
	v20 =	vmovc v11  }
.LBB2_2:
0x6b: {  	p0 =	sne.s32 s3, $0x1;
	v56 =	vadd.s32 v3, v31;
	v57 =	vadd.s32 v4, v31;
	v58 =	vadd.s32 v5, v31  }
0x6c: {  	v59 =	vadd.s32 v0, v31;
	v60 =	vadd.s32 v6, v31;
	v21 =	vmax.f32 v21, v53  }
0x6d: {  	v53 =	vmin.f32 v39, v53;
	v61 =	vmin.f32 v34, v55;
	v34 =	vmax.f32 v34, v55;
	v39 =	vmovc v21  }
0x6e: {  	v35 =	vmax.f32 v35, v42;
	v36 =	vmax.f32 v36, v45;
	v37 =	vmax.f32 v37, v46  }
0x6f: {  	v44 =	vmin.f32 v51, v44;
	v32 =	vmax.f32 v32, v53;
	v33 =	vmax.f32 v33, v61;
	v54 =	vld.idx.msk [tilespmem:v54+s2+$0x0], $0xffff  }
0x70: {  	v38 =	vmin.f32 v52, v38;
	v40 =	vmin.f32 v40, v42;
	v41 =	vmin.f32 v41, v45;
	v50 =	vld.idx.msk [tilespmem:v50+s2+$0x0], $0xffff  }
0x71: {  	v43 =	vmin.f32 v43, v46;
	v45 =	vmin.f32 v47, v53;
	v46 =	vmin.f32 v49, v61;
	v42 =	vld.idx.msk [tilespmem:v59+s2+$0x0], $0xffff  }
0x72: {  	v23 =	vmax.f32 v23, v44;
	v24 =	vmax.f32 v24, v38;
	v25 =	vmax.f32 v25, v40;
	v48 =	vld.idx.msk [tilespmem:v48+s2+$0x0], $0xffff  }
0x73: {  	v26 =	vmax.f32 v26, v41;
	v27 =	vmax.f32 v27, v43;
	v28 =	vmax.f32 v28, v45;
	v51 =	vld.idx.msk [tilespmem:v56+s2+$0x0], $0xffff  }
0x74: {  	v30 =	vmax.f32 v30, v18;
	v29 =	vmax.f32 v29, v46;
	v40 =	vmovc v35;
	v41 =	vmov v36;
	v52 =	vld.idx.msk [tilespmem:v57+s2+$0x0], $0xffff  }
0x75: {  	v22 =	vmax.f32 v22, v17;
	v43 =	vmovc v37;
	v17 =	vmin.f32 v30, v54;
	v18 =	vmov v54;
	v53 =	vld.idx.msk [tilespmem:v58+s2+$0x0], $0xffff  }
0x76: {  	v38 =	vmin.f32 v15, v50;
	v15 =	vmax.f32 v15, v50;
	v45 =	vmin.f32 v22, v17;
	v55 =	vld.idx.msk [tilespmem:v60+s2+$0x0], $0xffff  }
.Ltmp0:
0x77: {  	v47 =	vmovc v32;
	v44 =	vmin.f32 v9, v42;
	v9 =	vmax.f32 v9, v42;
	v10 =	vmax.f32 v10, v45;
	(pc) =	sbr.rel @p0 .LBB2_2-.Ltmp0, $4  }
0x78: {  	v49 =	vmovc v33;
	v11 =	vmax.f32 v11, v44;
	v42 =	vmin.f32 v12, v48;
	v12 =	vmax.f32 v12, v48  }
0x79: {  	v13 =	vmax.f32 v13, v38;
	v45 =	vmin.f32 v14, v51;
	v14 =	vmax.f32 v14, v51;
	v51 =	vmovc v20  }
0x7a: {  	v31 =	vadd.s32 $0x1, v31;
	v20 =	vmovc v11;
	v46 =	vmin.f32 v16, v52;
	v16 =	vmax.f32 v16, v52;
	v52 =	vmovc v19  }
0x7b: {  	s3 =	sadd.s32 $0xFFFFFFFF, s3;
	v54 =	vadd.s32 v7, v31;
	v50 =	vadd.s32 v1, v31;
	v48 =	vadd.s32 v2, v31;
	v19 =	vmovc v13  }
0x7c: {  	v56 =	vadd.s32 v3, v31;
	v57 =	vadd.s32 v4, v31  }
0x7d: {  	v58 =	vadd.s32 v5, v31;
	v59 =	vadd.s32 v0, v31;
	v31 =	vadd.s32 v6, v31  }
0x7e: {  	v21 =	vmax.f32 v21, v53;
	v39 =	vmin.f32 v39, v53;
	v63 =	vmin.f32 v34, v55  }
0x7f: {  	v60 =	vmax.f32 v34, v55;
	v35 =	vmax.f32 v35, v42;
	v36 =	vmax.f32 v36, v45  }
0x80: {  	v37 =	vmax.f32 v37, v46;
	v54 =	vld.idx.msk [tilespmem:v54+s2+$0x0], $0xffff;
	v44 =	vmin.f32 v51, v44;
	v38 =	vmin.f32 v52, v38  }
0x81: {  	v50 =	vld.idx.msk [tilespmem:v50+s2+$0x0], $0xffff;
	v40 =	vmin.f32 v40, v42;
	v41 =	vmin.f32 v41, v45;
	v43 =	vmin.f32 v43, v46  }
0x82: {  	v18 =	vmax.f32 v30, v18;
	v33 =	vmax.f32 v33, v63;
	v62 =	vmin.f32 v49, v63;
	v63 =	vld.idx.msk [tilespmem:v48+s2+$0x0], $0xffff  }
0x83: {  	v17 =	vmax.f32 v22, v17;
	v32 =	vmax.f32 v32, v39;
	v39 =	vmin.f32 v47, v39;
	v61 =	vld.idx.msk [tilespmem:v59+s2+$0x0], $0xffff  }
0x84: {  	v23 =	vmax.f32 v23, v44;
	v24 =	vmax.f32 v24, v38;
	v25 =	vmax.f32 v25, v40;
	v48 =	vld.idx.msk [tilespmem:v56+s2+$0x0], $0xffff  }
0x85: {  	v26 =	vmax.f32 v26, v41;
	v27 =	vmax.f32 v27, v43;
	v28 =	vmax.f32 v28, v39;
	v49 =	vld.idx.msk [tilespmem:v57+s2+$0x0], $0xffff  }
0x86: {  	v29 =	vmax.f32 v29, v62;
	v30 =	vld.idx.msk [tilespmem:v58+s2+$0x0], $0xffff;
	v51 =	vmin.f32 v18, v54;
	v22 =	vmin.f32 v15, v50  }
0x87: {  	v15 =	vmax.f32 v15, v50;
	v31 =	vld.idx.msk [tilespmem:v31+s2+$0x0], $0xffff;
	v18 =	vmax.f32 v18, v54;
	v52 =	vmin.f32 v17, v51  }
0x88: {  	v13 =	vmax.f32 v13, v22;
	v19 =	vmin.f32 v19, v22;
	v17 =	vmax.f32 v17, v51  }
0x89: {  	v19 =	vmax.f32 v24, v19;
	v53 =	vmin.f32 v9, v61;
	v42 =	vmax.f32 v9, v61  }
0x8a: {  	v9 =	vmax.f32 v10, v52;
	v55 =	vmin.f32 v14, v48;
	v14 =	vmax.f32 v14, v48  }
0x8b: {  	v56 =	vmin.f32 v16, v49;
	v16 =	vmax.f32 v16, v49;
	v57 =	vmax.f32 v21, v30  }
0x8c: {  	v21 =	vmin.f32 v21, v30;
	v30 =	vmin.f32 v60, v31;
	v31 =	vmax.f32 v60, v31  }
0x8d: {  	v10 =	vmax.f32 v11, v53;
	v11 =	vmin.f32 v12, v63;
	v12 =	vmax.f32 v12, v63  }
0x8e: {  	v59 =	vmax.f32 v36, v55;
	v60 =	vmax.f32 v37, v56;
	v20 =	vmin.f32 v20, v53  }
0x8f: {  	v61 =	vmax.f32 v32, v21;
	v62 =	vmax.f32 v33, v30;
	v22 =	vmin.f32 v36, v55  }
0x90: {  	v63 =	vmin.f32 v37, v56;
	v21 =	vmin.f32 v32, v21;
	v30 =	vmin.f32 v33, v30  }
0x91: {  	v58 =	vmax.f32 v35, v11;
	v11 =	vmin.f32 v35, v11;
	v20 =	vmax.f32 v23, v20  }
0x92: {  	v22 =	vmax.f32 v26, v22;
	v23 =	vmax.f32 v27, v63;
	v21 =	vmax.f32 v28, v21  }
0x93: {  	v24 =	vmax.f32 v29, v30;
	v11 =	vmax.f32 v25, v11;
	v25 =	vmin.f32 v42, v15  }
0x94: {  	v15 =	vmax.f32 v42, v15;
	v26 =	vmin.f32 v10, v25;
	v10 =	vmax.f32 v10, v25  }
0x95: {  	v25 =	vmin.f32 v15, v13;
	v13 =	vmax.f32 v15, v13;
	v20 =	vmax.f32 v20, v26  }
0x96: {  	v15 =	vmin.f32 v10, v25;
	v10 =	vmax.f32 v10, v25;
	v25 =	vmin.f32 v13, v19  }
0x97: {  	v13 =	vmax.f32 v13, v19;
	v15 =	vmax.f32 v20, v15;
	v19 =	vmin.f32 v10, v25  }
0x98: {  	v10 =	vmax.f32 v10, v25;
	v15 =	vmax.f32 v15, v19;
	v19 =	vmin.f32 v13, v12  }
0x99: {  	v12 =	vmax.f32 v13, v12;
	v13 =	vmin.f32 v10, v19;
	v10 =	vmax.f32 v10, v19  }
0x9a: {  	v13 =	vmax.f32 v15, v13;
	v15 =	vmin.f32 v12, v58;
	v12 =	vmax.f32 v12, v58  }
0x9b: {  	v19 =	vmin.f32 v10, v15;
	v10 =	vmax.f32 v10, v15;
	v15 =	vmin.f32 v12, v11  }
0x9c: {  	v11 =	vmax.f32 v12, v11;
	v13 =	vmax.f32 v13, v19;
	v12 =	vmin.f32 v10, v15  }
0x9d: {  	v10 =	vmax.f32 v10, v15;
	v12 =	vmax.f32 v13, v12;
	v13 =	vmin.f32 v11, v14  }
0x9e: {  	v11 =	vmax.f32 v11, v14;
	v14 =	vmin.f32 v10, v13;
	v10 =	vmax.f32 v10, v13  }
0x9f: {  	v13 =	vmin.f32 v11, v59;
	v11 =	vmax.f32 v11, v59;
	v12 =	vmax.f32 v12, v14  }
0xa0: {  	v14 =	vmin.f32 v10, v13;
	v10 =	vmax.f32 v10, v13;
	v13 =	vmin.f32 v11, v22  }
0xa1: {  	v11 =	vmax.f32 v11, v22;
	v12 =	vmax.f32 v12, v14;
	v14 =	vmin.f32 v10, v13  }
0xa2: {  	v10 =	vmax.f32 v10, v13;
	v13 =	vmin.f32 v11, v16;
	v11 =	vmax.f32 v11, v16  }
0xa3: {  	v12 =	vmax.f32 v12, v14;
	v14 =	vmin.f32 v10, v13;
	v10 =	vmax.f32 v10, v13  }
0xa4: {  	v13 =	vmin.f32 v11, v60;
	v11 =	vmax.f32 v11, v60;
	v12 =	vmax.f32 v12, v14  }
0xa5: {  	v14 =	vmin.f32 v10, v13;
	v10 =	vmax.f32 v10, v13;
	v13 =	vmin.f32 v11, v23  }
0xa6: {  	v11 =	vmax.f32 v11, v23;
	v12 =	vmax.f32 v12, v14;
	v14 =	vmin.f32 v10, v13  }
0xa7: {  	v10 =	vmax.f32 v10, v13;
	v13 =	vmin.f32 v11, v57;
	v11 =	vmax.f32 v11, v57  }
0xa8: {  	v12 =	vmax.f32 v12, v14;
	v14 =	vmin.f32 v10, v13;
	v10 =	vmax.f32 v10, v13  }
0xa9: {  	v13 =	vmin.f32 v11, v61;
	v11 =	vmax.f32 v11, v61;
	v12 =	vmax.f32 v12, v14  }
0xaa: {  	v14 =	vmin.f32 v10, v13;
	v10 =	vmax.f32 v10, v13;
	v13 =	vmin.f32 v11, v21  }
0xab: {  	v11 =	vmax.f32 v11, v21;
	v12 =	vmax.f32 v12, v14;
	v14 =	vmin.f32 v10, v13  }
0xac: {  	v10 =	vmax.f32 v10, v13;
	v13 =	vmin.f32 v11, v31;
	v11 =	vmax.f32 v11, v31  }
0xad: {  	v12 =	vmax.f32 v12, v14;
	v14 =	vmin.f32 v10, v13;
	v10 =	vmax.f32 v10, v13  }
0xae: {  	v13 =	vmin.f32 v11, v62;
	v11 =	vmax.f32 v11, v62;
	v12 =	vmax.f32 v12, v14  }
0xaf: {  	v14 =	vmin.f32 v10, v13;
	v10 =	vmax.f32 v10, v13;
	v13 =	vmin.f32 v11, v24  }
0xb0: {  	v11 =	vmax.f32 v11, v24;
	v12 =	vmax.f32 v12, v14;
	v14 =	vmin.f32 v10, v13  }
0xb1: {  	v10 =	vmax.f32 v10, v13;
	v13 =	vmin.f32 v11, v18;
	v11 =	vmax.f32 v11, v18  }
0xb2: {  	v12 =	vmax.f32 v12, v14;
	v14 =	vmin.f32 v10, v13;
	v10 =	vmax.f32 v10, v13;
	v13 =	vld [tilespmem:$0x7F00]  }
0xb3: {  	v12 =	vmax.f32 v12, v14;
	v14 =	vmin.f32 v11, v17;
	v11 =	vmax.f32 v11, v17  }
0xb4: {  	v15 =	vmin.f32 v10, v14;
	v10 =	vmax.f32 v10, v14;
	v14 =	vmin.f32 v11, v9  }
0xb5: {  	v12 =	vmax.f32 v12, v15;
	v15 =	vmin.f32 v10, v14  }
0xb6: {  	v9 =	vmax.f32 v11, v9;
	v11 =	vmax.f32 v12, v15  }
0xb7: {  	v12 =	vadd.s32 v0, v13;
	v11 =	vsub.f32 v9, v11;
	_ =	sdelay $0x1  }
0xb8: {  	v11 =	vadd.f32 $9.999999960e-13, v11;
	_ =	sdelay $0x1  }
0xb9: {  	(erf) = vrcp.f32 v11  }
0xba: {  	v11 =	vld.idx.msk [tilespmem:v12+s2+$0x0], $0xffff;
	_ =	sdelay $0x3  }
0xbb: {  	v10 =	vmax.f32 v10, v14  }
0xbc: {  	v10 =	vsub.f32 v10, v11;
	_ =	sdelay $0x1  }
0xbd: {  	v10 =	vadd.f32 $0.0e+00, v10  }
0xbe: {  	v12 =	vpop (erf)  }
0xbf: {  	vm0 =	veq.f32 v11, v9;
	v9 =	vmul.f32 v10, v12  }
0xc0: {  	v10 =	vsel vm0, $0x3F800000, v8  }
0xc1: {  	v9 =	vmul.f32 v9, v10;
	_ =	sdelay $0x1  }
0xc2: {  	[tilespmem:$0x7F80] =	vst v9  }
0xc3: {  	[tilespmem:s2], [sflag:$0x1] =	stream.linear.gather [hbm4b:s6+s2], $0x3E8, $0x38;
	[tilespmem:$0x8000] =	vst v63  }
0xc4: {  	s3 =	sadd.s32 $0x7D, s6  }
0xc5: {  	[tilespmem:s12], [sflag:$0x1] =	stream.linear.gather [hbm4b:s3+s2], $0x3E8, $0x38;
	[tilespmem:$0x8000] =	vst v63  }
0xc6: {  	s16 =	simm.s32 $0x7F0;
	s3 =	sadd.s32 $0xFA, s6  }
0xc7: {  	[tilespmem:s16], [sflag:$0x1] =	stream.linear.gather [hbm4b:s3+s2], $0x3E8, $0x38;
	[tilespmem:$0x8000] =	vst v63  }
0xc8: {  	s3 =	sadd.s32 $0x177, s6;
	s16 =	simm.s32 $0xBE8  }
0xc9: {  	[tilespmem:s16], [sflag:$0x1] =	stream.linear.gather [hbm4b:s3+s2], $0x3E8, $0x38;
	[tilespmem:$0x8000] =	vst v63  }
0xca: {  	s3 =	sadd.s32 $0x1F4, s6;
	s16 =	simm.s32 $0xFE0  }
0xcb: {  	[tilespmem:s16], [sflag:$0x1] =	stream.linear.gather [hbm4b:s3+s2], $0x3E8, $0x38;
	[tilespmem:$0x8000] =	vst v63  }
0xcc: {  	s3 =	sadd.s32 $0x271, s6;
	s16 =	simm.s32 $0x13D8  }
0xcd: {  	[tilespmem:s16], [sflag:$0x1] =	stream.linear.gather [hbm4b:s3+s2], $0x3E8, $0x38;
	[tilespmem:$0x8000] =	vst v63  }
0xce: {  	s3 =	sadd.s32 $0x2EE, s6;
	s16 =	simm.s32 $0x17D0  }
0xcf: {  	[tilespmem:s16], [sflag:$0x1] =	stream.linear.gather [hbm4b:s3+s2], $0x3E8, $0x38;
	[tilespmem:$0x8000] =	vst v63  }
0xd0: {  	s3 =	sadd.s32 $0x36B, s6;
	s16 =	simm.s32 $0x1BC8  }
0xd1: {  	[tilespmem:s16], [sflag:$0x1] =	stream.linear.gather [hbm4b:s3+s2], $0x3E8, $0x38;
	[tilespmem:$0x8000] =	vst v63  }
0xd2: {  	s3 =	sadd.s32 $0x3E8, s6;
	s16 =	simm.s32 $0x1FC0  }
0xd3: {  	[tilespmem:s16], [sflag:$0x1] =	stream.linear.gather [hbm4b:s3+s2], $0x3E8, $0x38;
	[tilespmem:$0x8000] =	vst v63  }
0xd4: {  	s3 =	sadd.s32 $0x465, s6;
	s16 =	simm.s32 $0x23B8  }
0xd5: {  	[tilespmem:s16], [sflag:$0x1] =	stream.linear.gather [hbm4b:s3+s2], $0x3E8, $0x38;
	[tilespmem:$0x8000] =	vst v63  }
0xd6: {  	s3 =	sadd.s32 $0x4E2, s6;
	s16 =	simm.s32 $0x27B0  }
0xd7: {  	[tilespmem:s16], [sflag:$0x1] =	stream.linear.gather [hbm4b:s3+s2], $0x3E8, $0x38;
	[tilespmem:$0x8000] =	vst v63  }
0xd8: {  	s3 =	sadd.s32 $0x55F, s6;
	s16 =	simm.s32 $0x2BA8  }
0xd9: {  	[tilespmem:s16], [sflag:$0x1] =	stream.linear.gather [hbm4b:s3+s2], $0x3E8, $0x38;
	[tilespmem:$0x8000] =	vst v63  }
0xda: {  	s3 =	sadd.s32 $0x5DC, s6;
	s16 =	simm.s32 $0x2FA0  }
0xdb: {  	[tilespmem:s16], [sflag:$0x1] =	stream.linear.gather [hbm4b:s3+s2], $0x3E8, $0x38;
	[tilespmem:$0x8000] =	vst v63  }
0xdc: {  	s3 =	sadd.s32 $0x659, s6;
	s16 =	simm.s32 $0x3398  }
0xdd: {  	[tilespmem:s16], [sflag:$0x1] =	stream.linear.gather [hbm4b:s3+s2], $0x3E8, $0x38;
	[tilespmem:$0x8000] =	vst v63  }
0xde: {  	s3 =	sadd.s32 $0x6D6, s6;
	s16 =	simm.s32 $0x3790  }
0xdf: {  	v16 =	vimm.s32 $0x0;
	[tilespmem:s16], [sflag:$0x1] =	stream.linear.gather [hbm4b:s3+s2], $0x3E8, $0x38;
	[tilespmem:$0x8000] =	vst v63  }
0xe0: {  	v34 =	vimm.f32 $-Inf;
	v40 =	vimm.f32 $-Inf;
	v9 =	vadd.s32 v7, v16;
	s3 =	sadd.s32 $0x753, s6;
	s16 =	simm.s32 $0x3B88  }
0xe1: {  	v41 =	vimm.f32 $-Inf;
	v43 =	vimm.f32 $-Inf;
	v10 =	vadd.s32 v1, v16;
	[tilespmem:s16], [sflag:$0x1] =	stream.linear.gather [hbm4b:s3+s2], $0x3E8, $0x38;
	[tilespmem:$0x8000] =	vst v63  }
0xe2: {  	v47 =	vimm.f32 $-Inf;
	v39 =	vimm.f32 $-Inf;
	v11 =	vadd.s32 v0, v16;
	_ =	swait.ge [sflag:s1], $0x3E80  }
0xe3: {  	v51 =	vimm.f32 $-Inf;
	v52 =	vimm.f32 $-Inf;
	v12 =	vadd.s32 v2, v16;
	[sflag:s1] =	ssyncset.done $0x0  }
0xe4: {  	v49 =	vimm.f32 $-Inf;
	v36 =	vimm.f32 $-Inf;
	v13 =	vadd.s32 v3, v16;
	[sflag:s1] =	ssyncadd.s32 $0xFFFFC180  }
0xe5: {  	v37 =	vimm.f32 $-Inf;
	v32 =	vimm.f32 $-Inf;
	v14 =	vadd.s32 v4, v16;
	v18 =	vld.idx.msk [tilespmem:v9+s13+$0x0], $0xffff  }
0xe6: {  	v33 =	vimm.f32 $-Inf;
	v35 =	vimm.f32 $-Inf;
	v22 =	vadd.s32 v6, v16;
	v9 =	vld.idx.msk [tilespmem:v10+s13+$0x0], $0xffff  }
0xe7: {  	v27 =	vimm.f32 $-Inf;
	v28 =	vimm.f32 $-Inf;
	v29 =	vimm.f32 $-Inf;
	v10 =	vld.idx.msk [tilespmem:v11+s13+$0x0], $0xffff  }
0xe8: {  	v30 =	vimm.f32 $-Inf;
	v26 =	vimm.f32 $-Inf;
	v20 =	vadd.s32 v5, v16;
	v12 =	vld.idx.msk [tilespmem:v12+s13+$0x0], $0xffff  }
0xe9: {  	v25 =	vimm.f32 $-Inf;
	v21 =	vimm.f32 $-Inf;
	v31 =	vadd.s32 $0x1, v16;
	v19 =	vld.idx.msk [tilespmem:v13+s13+$0x0], $0xffff  }
0xea: {  	v50 =	vadd.s32 v1, v31;
	v48 =	vadd.s32 v2, v31;
	v54 =	vadd.s32 v7, v31;
	v23 =	vld.idx.msk [tilespmem:v14+s13+$0x0], $0xffff  }
0xeb: {  	v24 =	vimm.f32 $-Inf;
	v55 =	vld.idx.msk [tilespmem:v22+s13+$0x0], $0xffff;
	v22 =	vimm.f32 $-Inf;
	v17 =	vmin.f32 v21, v18  }
0xec: {  	v38 =	vmin.f32 v21, v9;
	v15 =	vmax.f32 v21, v9;
	v44 =	vmin.f32 v21, v10  }
0xed: {  	v53 =	vld.idx.msk [tilespmem:v20+s13+$0x0], $0xffff;
	v9 =	vmax.f32 v21, v10;
	v42 =	vmin.f32 v21, v12;
	v12 =	vmax.f32 v21, v12  }
0xee: {  	v45 =	vmin.f32 v21, v19;
	v14 =	vmax.f32 v21, v19;
	v11 =	vmin.f32 v21, v17  }
0xef: {  	v13 =	vmax.f32 v21, v38;
	v10 =	vmax.f32 v21, v11;
	v11 =	vmax.f32 v21, v44  }
0xf0: {  	s3 =	simm.s32 $0x7B;
	v46 =	vmin.f32 v21, v23;
	v16 =	vmax.f32 v21, v23;
	v23 =	vimm.f32 $-Inf;
	v19 =	vmovc v13;
	v20 =	vmovc v11  }
.LBB2_4:
0xf1: {  	p0 =	sne.s32 s3, $0x1;
	v56 =	vadd.s32 v3, v31;
	v57 =	vadd.s32 v4, v31;
	v58 =	vadd.s32 v5, v31  }
0xf2: {  	v59 =	vadd.s32 v0, v31;
	v60 =	vadd.s32 v6, v31;
	v21 =	vmax.f32 v21, v53  }
0xf3: {  	v53 =	vmin.f32 v39, v53;
	v61 =	vmin.f32 v34, v55;
	v34 =	vmax.f32 v34, v55;
	v39 =	vmovc v21  }
0xf4: {  	v35 =	vmax.f32 v35, v42;
	v36 =	vmax.f32 v36, v45;
	v37 =	vmax.f32 v37, v46  }
0xf5: {  	v44 =	vmin.f32 v51, v44;
	v32 =	vmax.f32 v32, v53;
	v33 =	vmax.f32 v33, v61;
	v54 =	vld.idx.msk [tilespmem:v54+s13+$0x0], $0xffff  }
0xf6: {  	v38 =	vmin.f32 v52, v38;
	v40 =	vmin.f32 v40, v42;
	v41 =	vmin.f32 v41, v45;
	v50 =	vld.idx.msk [tilespmem:v50+s13+$0x0], $0xffff  }
0xf7: {  	v43 =	vmin.f32 v43, v46;
	v45 =	vmin.f32 v47, v53;
	v46 =	vmin.f32 v49, v61;
	v42 =	vld.idx.msk [tilespmem:v59+s13+$0x0], $0xffff  }
0xf8: {  	v23 =	vmax.f32 v23, v44;
	v24 =	vmax.f32 v24, v38;
	v25 =	vmax.f32 v25, v40;
	v48 =	vld.idx.msk [tilespmem:v48+s13+$0x0], $0xffff  }
0xf9: {  	v26 =	vmax.f32 v26, v41;
	v27 =	vmax.f32 v27, v43;
	v28 =	vmax.f32 v28, v45;
	v51 =	vld.idx.msk [tilespmem:v56+s13+$0x0], $0xffff  }
0xfa: {  	v30 =	vmax.f32 v30, v18;
	v29 =	vmax.f32 v29, v46;
	v40 =	vmovc v35;
	v41 =	vmov v36;
	v52 =	vld.idx.msk [tilespmem:v57+s13+$0x0], $0xffff  }
0xfb: {  	v22 =	vmax.f32 v22, v17;
	v43 =	vmovc v37;
	v17 =	vmin.f32 v30, v54;
	v18 =	vmov v54;
	v53 =	vld.idx.msk [tilespmem:v58+s13+$0x0], $0xffff  }
0xfc: {  	v38 =	vmin.f32 v15, v50;
	v15 =	vmax.f32 v15, v50;
	v45 =	vmin.f32 v22, v17;
	v55 =	vld.idx.msk [tilespmem:v60+s13+$0x0], $0xffff  }
.Ltmp1:
0xfd: {  	v47 =	vmovc v32;
	v44 =	vmin.f32 v9, v42;
	v9 =	vmax.f32 v9, v42;
	v10 =	vmax.f32 v10, v45;
	(pc) =	sbr.rel @p0 .LBB2_4-.Ltmp1, $4  }
0xfe: {  	v49 =	vmovc v33;
	v11 =	vmax.f32 v11, v44;
	v42 =	vmin.f32 v12, v48;
	v12 =	vmax.f32 v12, v48  }
0xff: {  	v13 =	vmax.f32 v13, v38;
	v45 =	vmin.f32 v14, v51;
	v14 =	vmax.f32 v14, v51;
	v51 =	vmovc v20  }
0x100: {  	v31 =	vadd.s32 $0x1, v31;
	v20 =	vmovc v11;
	v46 =	vmin.f32 v16, v52;
	v16 =	vmax.f32 v16, v52;
	v52 =	vmovc v19  }
0x101: {  	s3 =	sadd.s32 $0xFFFFFFFF, s3;
	v54 =	vadd.s32 v7, v31;
	v50 =	vadd.s32 v1, v31;
	v48 =	vadd.s32 v2, v31;
	v19 =	vmovc v13  }
0x102: {  	v56 =	vadd.s32 v3, v31;
	v57 =	vadd.s32 v4, v31  }
0x103: {  	v58 =	vadd.s32 v5, v31;
	v59 =	vadd.s32 v0, v31;
	v31 =	vadd.s32 v6, v31  }
0x104: {  	v21 =	vmax.f32 v21, v53;
	v39 =	vmin.f32 v39, v53;
	v63 =	vmin.f32 v34, v55  }
0x105: {  	v60 =	vmax.f32 v34, v55;
	v35 =	vmax.f32 v35, v42;
	v36 =	vmax.f32 v36, v45  }
0x106: {  	v37 =	vmax.f32 v37, v46;
	v54 =	vld.idx.msk [tilespmem:v54+s13+$0x0], $0xffff;
	v44 =	vmin.f32 v51, v44;
	v38 =	vmin.f32 v52, v38  }
0x107: {  	v50 =	vld.idx.msk [tilespmem:v50+s13+$0x0], $0xffff;
	v40 =	vmin.f32 v40, v42;
	v41 =	vmin.f32 v41, v45;
	v43 =	vmin.f32 v43, v46  }
0x108: {  	v18 =	vmax.f32 v30, v18;
	v33 =	vmax.f32 v33, v63;
	v62 =	vmin.f32 v49, v63;
	v63 =	vld.idx.msk [tilespmem:v48+s13+$0x0], $0xffff  }
0x109: {  	v17 =	vmax.f32 v22, v17;
	v32 =	vmax.f32 v32, v39;
	v39 =	vmin.f32 v47, v39;
	v61 =	vld.idx.msk [tilespmem:v59+s13+$0x0], $0xffff  }
0x10a: {  	v23 =	vmax.f32 v23, v44;
	v24 =	vmax.f32 v24, v38;
	v25 =	vmax.f32 v25, v40;
	v48 =	vld.idx.msk [tilespmem:v56+s13+$0x0], $0xffff  }
0x10b: {  	v26 =	vmax.f32 v26, v41;
	v27 =	vmax.f32 v27, v43;
	v28 =	vmax.f32 v28, v39;
	v49 =	vld.idx.msk [tilespmem:v57+s13+$0x0], $0xffff  }
0x10c: {  	v29 =	vmax.f32 v29, v62;
	v30 =	vld.idx.msk [tilespmem:v58+s13+$0x0], $0xffff;
	v51 =	vmin.f32 v18, v54;
	v22 =	vmin.f32 v15, v50  }
0x10d: {  	v15 =	vmax.f32 v15, v50;
	v31 =	vld.idx.msk [tilespmem:v31+s13+$0x0], $0xffff;
	v18 =	vmax.f32 v18, v54;
	v52 =	vmin.f32 v17, v51  }
0x10e: {  	v13 =	vmax.f32 v13, v22;
	v19 =	vmin.f32 v19, v22;
	v17 =	vmax.f32 v17, v51  }
0x10f: {  	v19 =	vmax.f32 v24, v19;
	v53 =	vmin.f32 v9, v61;
	v42 =	vmax.f32 v9, v61  }
0x110: {  	v9 =	vmax.f32 v10, v52;
	v55 =	vmin.f32 v14, v48;
	v14 =	vmax.f32 v14, v48  }
0x111: {  	v56 =	vmin.f32 v16, v49;
	v16 =	vmax.f32 v16, v49;
	v57 =	vmax.f32 v21, v30  }
0x112: {  	v21 =	vmin.f32 v21, v30;
	v30 =	vmin.f32 v60, v31;
	v31 =	vmax.f32 v60, v31  }
0x113: {  	v10 =	vmax.f32 v11, v53;
	v11 =	vmin.f32 v12, v63;
	v12 =	vmax.f32 v12, v63  }
0x114: {  	v59 =	vmax.f32 v36, v55;
	v60 =	vmax.f32 v37, v56;
	v20 =	vmin.f32 v20, v53  }
0x115: {  	v61 =	vmax.f32 v32, v21;
	v62 =	vmax.f32 v33, v30;
	v22 =	vmin.f32 v36, v55  }
0x116: {  	v63 =	vmin.f32 v37, v56;
	v21 =	vmin.f32 v32, v21;
	v30 =	vmin.f32 v33, v30  }
0x117: {  	v58 =	vmax.f32 v35, v11;
	v11 =	vmin.f32 v35, v11;
	v20 =	vmax.f32 v23, v20  }
0x118: {  	v22 =	vmax.f32 v26, v22;
	v23 =	vmax.f32 v27, v63;
	v21 =	vmax.f32 v28, v21  }
0x119: {  	v24 =	vmax.f32 v29, v30;
	v11 =	vmax.f32 v25, v11;
	v25 =	vmin.f32 v42, v15  }
0x11a: {  	v15 =	vmax.f32 v42, v15;
	v26 =	vmin.f32 v10, v25;
	v10 =	vmax.f32 v10, v25  }
0x11b: {  	v25 =	vmin.f32 v15, v13;
	v13 =	vmax.f32 v15, v13;
	v20 =	vmax.f32 v20, v26  }
0x11c: {  	v15 =	vmin.f32 v10, v25;
	v10 =	vmax.f32 v10, v25;
	v25 =	vmin.f32 v13, v19  }
0x11d: {  	v13 =	vmax.f32 v13, v19;
	v15 =	vmax.f32 v20, v15;
	v19 =	vmin.f32 v10, v25  }
0x11e: {  	v10 =	vmax.f32 v10, v25;
	v15 =	vmax.f32 v15, v19;
	v19 =	vmin.f32 v13, v12  }
0x11f: {  	v12 =	vmax.f32 v13, v12;
	v13 =	vmin.f32 v10, v19;
	v10 =	vmax.f32 v10, v19  }
0x120: {  	v13 =	vmax.f32 v15, v13;
	v15 =	vmin.f32 v12, v58;
	v12 =	vmax.f32 v12, v58  }
0x121: {  	v19 =	vmin.f32 v10, v15;
	v10 =	vmax.f32 v10, v15;
	v15 =	vmin.f32 v12, v11  }
0x122: {  	v11 =	vmax.f32 v12, v11;
	v13 =	vmax.f32 v13, v19;
	v12 =	vmin.f32 v10, v15  }
0x123: {  	v10 =	vmax.f32 v10, v15;
	v12 =	vmax.f32 v13, v12;
	v13 =	vmin.f32 v11, v14  }
0x124: {  	v11 =	vmax.f32 v11, v14;
	v14 =	vmin.f32 v10, v13;
	v10 =	vmax.f32 v10, v13  }
0x125: {  	v13 =	vmin.f32 v11, v59;
	v11 =	vmax.f32 v11, v59;
	v12 =	vmax.f32 v12, v14  }
0x126: {  	v14 =	vmin.f32 v10, v13;
	v10 =	vmax.f32 v10, v13;
	v13 =	vmin.f32 v11, v22  }
0x127: {  	v11 =	vmax.f32 v11, v22;
	v12 =	vmax.f32 v12, v14;
	v14 =	vmin.f32 v10, v13  }
0x128: {  	v10 =	vmax.f32 v10, v13;
	v13 =	vmin.f32 v11, v16;
	v11 =	vmax.f32 v11, v16  }
0x129: {  	v12 =	vmax.f32 v12, v14;
	v14 =	vmin.f32 v10, v13;
	v10 =	vmax.f32 v10, v13  }
0x12a: {  	v13 =	vmin.f32 v11, v60;
	v11 =	vmax.f32 v11, v60;
	v12 =	vmax.f32 v12, v14  }
0x12b: {  	v14 =	vmin.f32 v10, v13;
	v10 =	vmax.f32 v10, v13;
	v13 =	vmin.f32 v11, v23  }
0x12c: {  	v11 =	vmax.f32 v11, v23;
	v12 =	vmax.f32 v12, v14;
	v14 =	vmin.f32 v10, v13  }
0x12d: {  	v10 =	vmax.f32 v10, v13;
	v13 =	vmin.f32 v11, v57;
	v11 =	vmax.f32 v11, v57  }
0x12e: {  	v12 =	vmax.f32 v12, v14;
	v14 =	vmin.f32 v10, v13;
	v10 =	vmax.f32 v10, v13  }
0x12f: {  	v13 =	vmin.f32 v11, v61;
	v11 =	vmax.f32 v11, v61;
	v12 =	vmax.f32 v12, v14  }
0x130: {  	v14 =	vmin.f32 v10, v13;
	v10 =	vmax.f32 v10, v13;
	v13 =	vmin.f32 v11, v21  }
0x131: {  	v11 =	vmax.f32 v11, v21;
	v12 =	vmax.f32 v12, v14;
	v14 =	vmin.f32 v10, v13  }
0x132: {  	v10 =	vmax.f32 v10, v13;
	v13 =	vmin.f32 v11, v31;
	v11 =	vmax.f32 v11, v31  }
0x133: {  	v12 =	vmax.f32 v12, v14;
	v14 =	vmin.f32 v10, v13;
	v10 =	vmax.f32 v10, v13  }
0x134: {  	v13 =	vmin.f32 v11, v62;
	v11 =	vmax.f32 v11, v62;
	v12 =	vmax.f32 v12, v14  }
0x135: {  	v14 =	vmin.f32 v10, v13;
	v10 =	vmax.f32 v10, v13;
	v13 =	vmin.f32 v11, v24  }
0x136: {  	v11 =	vmax.f32 v11, v24;
	v12 =	vmax.f32 v12, v14;
	v14 =	vmin.f32 v10, v13  }
0x137: {  	v10 =	vmax.f32 v10, v13;
	v13 =	vmin.f32 v11, v18;
	v11 =	vmax.f32 v11, v18  }
0x138: {  	v12 =	vmax.f32 v12, v14;
	v14 =	vmin.f32 v10, v13;
	v10 =	vmax.f32 v10, v13;
	v13 =	vld [tilespmem:$0x7F10]  }
0x139: {  	v12 =	vmax.f32 v12, v14;
	v14 =	vmin.f32 v11, v17;
	v11 =	vmax.f32 v11, v17  }
0x13a: {  	v15 =	vmin.f32 v10, v14;
	v10 =	vmax.f32 v10, v14;
	v14 =	vmin.f32 v11, v9  }
0x13b: {  	v12 =	vmax.f32 v12, v15;
	v15 =	vmin.f32 v10, v14  }
0x13c: {  	v9 =	vmax.f32 v11, v9;
	v11 =	vmax.f32 v12, v15  }
0x13d: {  	v12 =	vadd.s32 v0, v13;
	v11 =	vsub.f32 v9, v11;
	_ =	sdelay $0x1  }
0x13e: {  	v11 =	vadd.f32 $9.999999960e-13, v11;
	_ =	sdelay $0x1  }
0x13f: {  	(erf) = vrcp.f32 v11  }
0x140: {  	v11 =	vld.idx.msk [tilespmem:v12+s13+$0x0], $0xffff;
	_ =	sdelay $0x3  }
0x141: {  	v10 =	vmax.f32 v10, v14  }
0x142: {  	v10 =	vsub.f32 v10, v11;
	_ =	sdelay $0x1  }
0x143: {  	v10 =	vadd.f32 $0.0e+00, v10  }
0x144: {  	v12 =	vpop (erf)  }
0x145: {  	vm0 =	veq.f32 v11, v9;
	v9 =	vmul.f32 v10, v12  }
0x146: {  	v10 =	vsel vm0, $0x3F800000, v8  }
0x147: {  	v9 =	vmul.f32 v9, v10;
	_ =	sdelay $0x1  }
0x148: {  	[tilespmem:$0x7F90] =	vst v9  }
0x149: {  	[tilespmem:s13], [sflag:$0x2] =	stream.linear.gather [hbm4b:s7+s2], $0x3E8, $0x38;
	[tilespmem:$0x8000] =	vst v63  }
0x14a: {  	s3 =	sadd.s32 $0x7D, s7;
	s16 =	simm.s32 $0x4378  }
0x14b: {  	[tilespmem:s16], [sflag:$0x2] =	stream.linear.gather [hbm4b:s3+s2], $0x3E8, $0x38;
	[tilespmem:$0x8000] =	vst v63  }
0x14c: {  	s16 =	sadd.s32 $0xFA, s7  }
0x14d: {  	[tilespmem:s18], [sflag:$0x2] =	stream.linear.gather [hbm4b:s16+s2], $0x3E8, $0x38;
	[tilespmem:$0x8000] =	vst v63  }
0x14e: {  	s16 =	sadd.s32 $0x177, s7  }
0x14f: {  	[tilespmem:s20], [sflag:$0x2] =	stream.linear.gather [hbm4b:s16+s2], $0x3E8, $0x38;
	[tilespmem:$0x8000] =	vst v63  }
0x150: {  	s16 =	sadd.s32 $0x1F4, s7  }
0x151: {  	[tilespmem:s22], [sflag:$0x2] =	stream.linear.gather [hbm4b:s16+s2], $0x3E8, $0x38;
	[tilespmem:$0x8000] =	vst v63  }
0x152: {  	s16 =	sadd.s32 $0x271, s7  }
0x153: {  	[tilespmem:s24], [sflag:$0x2] =	stream.linear.gather [hbm4b:s16+s2], $0x3E8, $0x38;
	[tilespmem:$0x8000] =	vst v63  }
0x154: {  	s16 =	sadd.s32 $0x2EE, s7  }
0x155: {  	[tilespmem:s17], [sflag:$0x2] =	stream.linear.gather [hbm4b:s16+s2], $0x3E8, $0x38;
	[tilespmem:$0x8000] =	vst v63  }
0x156: {  	s16 =	sadd.s32 $0x36B, s7  }
0x157: {  	[tilespmem:s19], [sflag:$0x2] =	stream.linear.gather [hbm4b:s16+s2], $0x3E8, $0x38;
	[tilespmem:$0x8000] =	vst v63  }
0x158: {  	s16 =	sadd.s32 $0x3E8, s7  }
0x159: {  	[tilespmem:s21], [sflag:$0x2] =	stream.linear.gather [hbm4b:s16+s2], $0x3E8, $0x38;
	[tilespmem:$0x8000] =	vst v63  }
0x15a: {  	s16 =	sadd.s32 $0x465, s7  }
0x15b: {  	[tilespmem:s23], [sflag:$0x2] =	stream.linear.gather [hbm4b:s16+s2], $0x3E8, $0x38;
	[tilespmem:$0x8000] =	vst v63  }
0x15c: {  	s16 =	sadd.s32 $0x4E2, s7  }
0x15d: {  	[tilespmem:s25], [sflag:$0x2] =	stream.linear.gather [hbm4b:s16+s2], $0x3E8, $0x38;
	[tilespmem:$0x8000] =	vst v63  }
0x15e: {  	s16 =	sadd.s32 $0x55F, s7  }
0x15f: {  	[tilespmem:s26], [sflag:$0x2] =	stream.linear.gather [hbm4b:s16+s2], $0x3E8, $0x38;
	[tilespmem:$0x8000] =	vst v63  }
0x160: {  	s16 =	sadd.s32 $0x5DC, s7  }
0x161: {  	[tilespmem:s28], [sflag:$0x2] =	stream.linear.gather [hbm4b:s16+s2], $0x3E8, $0x38;
	[tilespmem:$0x8000] =	vst v63  }
0x162: {  	s16 =	sadd.s32 $0x659, s7  }
0x163: {  	[tilespmem:s29], [sflag:$0x2] =	stream.linear.gather [hbm4b:s16+s2], $0x3E8, $0x38;
	[tilespmem:$0x8000] =	vst v63  }
0x164: {  	s16 =	sadd.s32 $0x6D6, s7  }
0x165: {  	v16 =	vimm.s32 $0x0;
	[tilespmem:s30], [sflag:$0x2] =	stream.linear.gather [hbm4b:s16+s2], $0x3E8, $0x38;
	[tilespmem:$0x8000] =	vst v63  }
0x166: {  	v34 =	vimm.f32 $-Inf;
	v40 =	vimm.f32 $-Inf;
	v9 =	vadd.s32 v7, v16;
	s16 =	sadd.s32 $0x753, s7  }
0x167: {  	v41 =	vimm.f32 $-Inf;
	v43 =	vimm.f32 $-Inf;
	v10 =	vadd.s32 v1, v16;
	[tilespmem:s31], [sflag:$0x2] =	stream.linear.gather [hbm4b:s16+s2], $0x3E8, $0x38;
	[tilespmem:$0x8000] =	vst v63  }
0x168: {  	v47 =	vimm.f32 $-Inf;
	v39 =	vimm.f32 $-Inf;
	v11 =	vadd.s32 v0, v16;
	_ =	swait.ge [sflag:s0], $0x3E80  }
0x169: {  	v51 =	vimm.f32 $-Inf;
	v52 =	vimm.f32 $-Inf;
	v12 =	vadd.s32 v2, v16;
	[sflag:s0] =	ssyncset.done $0x0  }
0x16a: {  	v49 =	vimm.f32 $-Inf;
	v36 =	vimm.f32 $-Inf;
	v13 =	vadd.s32 v3, v16;
	[sflag:s0] =	ssyncadd.s32 $0xFFFFC180  }
0x16b: {  	v37 =	vimm.f32 $-Inf;
	v32 =	vimm.f32 $-Inf;
	v14 =	vadd.s32 v4, v16;
	v18 =	vld.idx.msk [tilespmem:v9+s2+$0x0], $0xffff  }
0x16c: {  	v33 =	vimm.f32 $-Inf;
	v35 =	vimm.f32 $-Inf;
	v22 =	vadd.s32 v6, v16;
	v9 =	vld.idx.msk [tilespmem:v10+s2+$0x0], $0xffff  }
0x16d: {  	v27 =	vimm.f32 $-Inf;
	v28 =	vimm.f32 $-Inf;
	v29 =	vimm.f32 $-Inf;
	v10 =	vld.idx.msk [tilespmem:v11+s2+$0x0], $0xffff  }
0x16e: {  	v30 =	vimm.f32 $-Inf;
	v26 =	vimm.f32 $-Inf;
	v20 =	vadd.s32 v5, v16;
	v12 =	vld.idx.msk [tilespmem:v12+s2+$0x0], $0xffff  }
0x16f: {  	v25 =	vimm.f32 $-Inf;
	v21 =	vimm.f32 $-Inf;
	v31 =	vadd.s32 $0x1, v16;
	v19 =	vld.idx.msk [tilespmem:v13+s2+$0x0], $0xffff  }
0x170: {  	v50 =	vadd.s32 v1, v31;
	v48 =	vadd.s32 v2, v31;
	v54 =	vadd.s32 v7, v31;
	v23 =	vld.idx.msk [tilespmem:v14+s2+$0x0], $0xffff  }
0x171: {  	v24 =	vimm.f32 $-Inf;
	v55 =	vld.idx.msk [tilespmem:v22+s2+$0x0], $0xffff;
	v22 =	vimm.f32 $-Inf;
	v17 =	vmin.f32 v21, v18  }
0x172: {  	v38 =	vmin.f32 v21, v9;
	v15 =	vmax.f32 v21, v9;
	v44 =	vmin.f32 v21, v10  }
0x173: {  	v53 =	vld.idx.msk [tilespmem:v20+s2+$0x0], $0xffff;
	v9 =	vmax.f32 v21, v10;
	v42 =	vmin.f32 v21, v12;
	v12 =	vmax.f32 v21, v12  }
0x174: {  	v45 =	vmin.f32 v21, v19;
	v14 =	vmax.f32 v21, v19;
	v11 =	vmin.f32 v21, v17  }
0x175: {  	v13 =	vmax.f32 v21, v38;
	v10 =	vmax.f32 v21, v11;
	v11 =	vmax.f32 v21, v44  }
0x176: {  	s3 =	simm.s32 $0x7B;
	v46 =	vmin.f32 v21, v23;
	v16 =	vmax.f32 v21, v23;
	v23 =	vimm.f32 $-Inf;
	v19 =	vmovc v13;
	v20 =	vmovc v11  }
.LBB2_6:
0x177: {  	p0 =	sne.s32 s3, $0x1;
	v56 =	vadd.s32 v3, v31;
	v57 =	vadd.s32 v4, v31;
	v58 =	vadd.s32 v5, v31  }
0x178: {  	v59 =	vadd.s32 v0, v31;
	v60 =	vadd.s32 v6, v31;
	v21 =	vmax.f32 v21, v53  }
0x179: {  	v53 =	vmin.f32 v39, v53;
	v61 =	vmin.f32 v34, v55;
	v34 =	vmax.f32 v34, v55;
	v39 =	vmovc v21  }
0x17a: {  	v35 =	vmax.f32 v35, v42;
	v36 =	vmax.f32 v36, v45;
	v37 =	vmax.f32 v37, v46  }
0x17b: {  	v44 =	vmin.f32 v51, v44;
	v32 =	vmax.f32 v32, v53;
	v33 =	vmax.f32 v33, v61;
	v54 =	vld.idx.msk [tilespmem:v54+s2+$0x0], $0xffff  }
0x17c: {  	v38 =	vmin.f32 v52, v38;
	v40 =	vmin.f32 v40, v42;
	v41 =	vmin.f32 v41, v45;
	v50 =	vld.idx.msk [tilespmem:v50+s2+$0x0], $0xffff  }
0x17d: {  	v43 =	vmin.f32 v43, v46;
	v45 =	vmin.f32 v47, v53;
	v46 =	vmin.f32 v49, v61;
	v42 =	vld.idx.msk [tilespmem:v59+s2+$0x0], $0xffff  }
0x17e: {  	v23 =	vmax.f32 v23, v44;
	v24 =	vmax.f32 v24, v38;
	v25 =	vmax.f32 v25, v40;
	v48 =	vld.idx.msk [tilespmem:v48+s2+$0x0], $0xffff  }
0x17f: {  	v26 =	vmax.f32 v26, v41;
	v27 =	vmax.f32 v27, v43;
	v28 =	vmax.f32 v28, v45;
	v51 =	vld.idx.msk [tilespmem:v56+s2+$0x0], $0xffff  }
0x180: {  	v30 =	vmax.f32 v30, v18;
	v29 =	vmax.f32 v29, v46;
	v40 =	vmovc v35;
	v41 =	vmov v36;
	v52 =	vld.idx.msk [tilespmem:v57+s2+$0x0], $0xffff  }
0x181: {  	v22 =	vmax.f32 v22, v17;
	v43 =	vmovc v37;
	v17 =	vmin.f32 v30, v54;
	v18 =	vmov v54;
	v53 =	vld.idx.msk [tilespmem:v58+s2+$0x0], $0xffff  }
0x182: {  	v38 =	vmin.f32 v15, v50;
	v15 =	vmax.f32 v15, v50;
	v45 =	vmin.f32 v22, v17;
	v55 =	vld.idx.msk [tilespmem:v60+s2+$0x0], $0xffff  }
.Ltmp2:
0x183: {  	v47 =	vmovc v32;
	v44 =	vmin.f32 v9, v42;
	v9 =	vmax.f32 v9, v42;
	v10 =	vmax.f32 v10, v45;
	(pc) =	sbr.rel @p0 .LBB2_6-.Ltmp2, $4  }
0x184: {  	v49 =	vmovc v33;
	v11 =	vmax.f32 v11, v44;
	v42 =	vmin.f32 v12, v48;
	v12 =	vmax.f32 v12, v48  }
0x185: {  	v13 =	vmax.f32 v13, v38;
	v45 =	vmin.f32 v14, v51;
	v14 =	vmax.f32 v14, v51;
	v51 =	vmovc v20  }
0x186: {  	v31 =	vadd.s32 $0x1, v31;
	v20 =	vmovc v11;
	v46 =	vmin.f32 v16, v52;
	v16 =	vmax.f32 v16, v52;
	v52 =	vmovc v19  }
0x187: {  	s3 =	sadd.s32 $0xFFFFFFFF, s3;
	v54 =	vadd.s32 v7, v31;
	v50 =	vadd.s32 v1, v31;
	v48 =	vadd.s32 v2, v31;
	v19 =	vmovc v13  }
0x188: {  	v56 =	vadd.s32 v3, v31;
	v57 =	vadd.s32 v4, v31  }
0x189: {  	v58 =	vadd.s32 v5, v31;
	v59 =	vadd.s32 v0, v31;
	v31 =	vadd.s32 v6, v31  }
0x18a: {  	v21 =	vmax.f32 v21, v53;
	v39 =	vmin.f32 v39, v53;
	v63 =	vmin.f32 v34, v55  }
0x18b: {  	v60 =	vmax.f32 v34, v55;
	v35 =	vmax.f32 v35, v42;
	v36 =	vmax.f32 v36, v45  }
0x18c: {  	v37 =	vmax.f32 v37, v46;
	v54 =	vld.idx.msk [tilespmem:v54+s2+$0x0], $0xffff;
	v44 =	vmin.f32 v51, v44;
	v38 =	vmin.f32 v52, v38  }
0x18d: {  	v50 =	vld.idx.msk [tilespmem:v50+s2+$0x0], $0xffff;
	v40 =	vmin.f32 v40, v42;
	v41 =	vmin.f32 v41, v45;
	v43 =	vmin.f32 v43, v46  }
0x18e: {  	v18 =	vmax.f32 v30, v18;
	v33 =	vmax.f32 v33, v63;
	v62 =	vmin.f32 v49, v63;
	v63 =	vld.idx.msk [tilespmem:v48+s2+$0x0], $0xffff  }
0x18f: {  	v17 =	vmax.f32 v22, v17;
	v32 =	vmax.f32 v32, v39;
	v39 =	vmin.f32 v47, v39;
	v61 =	vld.idx.msk [tilespmem:v59+s2+$0x0], $0xffff  }
0x190: {  	v23 =	vmax.f32 v23, v44;
	v24 =	vmax.f32 v24, v38;
	v25 =	vmax.f32 v25, v40;
	v48 =	vld.idx.msk [tilespmem:v56+s2+$0x0], $0xffff  }
0x191: {  	v26 =	vmax.f32 v26, v41;
	v27 =	vmax.f32 v27, v43;
	v28 =	vmax.f32 v28, v39;
	v49 =	vld.idx.msk [tilespmem:v57+s2+$0x0], $0xffff  }
0x192: {  	v29 =	vmax.f32 v29, v62;
	v30 =	vld.idx.msk [tilespmem:v58+s2+$0x0], $0xffff;
	v51 =	vmin.f32 v18, v54;
	v22 =	vmin.f32 v15, v50  }
0x193: {  	v15 =	vmax.f32 v15, v50;
	v31 =	vld.idx.msk [tilespmem:v31+s2+$0x0], $0xffff;
	v18 =	vmax.f32 v18, v54;
	v52 =	vmin.f32 v17, v51  }
0x194: {  	v13 =	vmax.f32 v13, v22;
	v19 =	vmin.f32 v19, v22;
	v17 =	vmax.f32 v17, v51  }
0x195: {  	v19 =	vmax.f32 v24, v19;
	v53 =	vmin.f32 v9, v61;
	v42 =	vmax.f32 v9, v61  }
0x196: {  	v9 =	vmax.f32 v10, v52;
	v55 =	vmin.f32 v14, v48;
	v14 =	vmax.f32 v14, v48  }
0x197: {  	v56 =	vmin.f32 v16, v49;
	v16 =	vmax.f32 v16, v49;
	v57 =	vmax.f32 v21, v30  }
0x198: {  	v21 =	vmin.f32 v21, v30;
	v30 =	vmin.f32 v60, v31;
	v31 =	vmax.f32 v60, v31  }
0x199: {  	v10 =	vmax.f32 v11, v53;
	v11 =	vmin.f32 v12, v63;
	v12 =	vmax.f32 v12, v63  }
0x19a: {  	v59 =	vmax.f32 v36, v55;
	v60 =	vmax.f32 v37, v56;
	v20 =	vmin.f32 v20, v53  }
0x19b: {  	v61 =	vmax.f32 v32, v21;
	v62 =	vmax.f32 v33, v30;
	v22 =	vmin.f32 v36, v55  }
0x19c: {  	v63 =	vmin.f32 v37, v56;
	v21 =	vmin.f32 v32, v21;
	v30 =	vmin.f32 v33, v30  }
0x19d: {  	v58 =	vmax.f32 v35, v11;
	v11 =	vmin.f32 v35, v11;
	v20 =	vmax.f32 v23, v20  }
0x19e: {  	v22 =	vmax.f32 v26, v22;
	v23 =	vmax.f32 v27, v63;
	v21 =	vmax.f32 v28, v21  }
0x19f: {  	v24 =	vmax.f32 v29, v30;
	v11 =	vmax.f32 v25, v11;
	v25 =	vmin.f32 v42, v15  }
0x1a0: {  	v15 =	vmax.f32 v42, v15;
	v26 =	vmin.f32 v10, v25;
	v10 =	vmax.f32 v10, v25  }
0x1a1: {  	v25 =	vmin.f32 v15, v13;
	v13 =	vmax.f32 v15, v13;
	v20 =	vmax.f32 v20, v26  }
0x1a2: {  	v15 =	vmin.f32 v10, v25;
	v10 =	vmax.f32 v10, v25;
	v25 =	vmin.f32 v13, v19  }
0x1a3: {  	v13 =	vmax.f32 v13, v19;
	v15 =	vmax.f32 v20, v15;
	v19 =	vmin.f32 v10, v25  }
0x1a4: {  	v10 =	vmax.f32 v10, v25;
	v15 =	vmax.f32 v15, v19;
	v19 =	vmin.f32 v13, v12  }
0x1a5: {  	v12 =	vmax.f32 v13, v12;
	v13 =	vmin.f32 v10, v19;
	v10 =	vmax.f32 v10, v19  }
0x1a6: {  	v13 =	vmax.f32 v15, v13;
	v15 =	vmin.f32 v12, v58;
	v12 =	vmax.f32 v12, v58  }
0x1a7: {  	v19 =	vmin.f32 v10, v15;
	v10 =	vmax.f32 v10, v15;
	v15 =	vmin.f32 v12, v11  }
0x1a8: {  	v11 =	vmax.f32 v12, v11;
	v13 =	vmax.f32 v13, v19;
	v12 =	vmin.f32 v10, v15  }
0x1a9: {  	v10 =	vmax.f32 v10, v15;
	v12 =	vmax.f32 v13, v12;
	v13 =	vmin.f32 v11, v14  }
0x1aa: {  	v11 =	vmax.f32 v11, v14;
	v14 =	vmin.f32 v10, v13;
	v10 =	vmax.f32 v10, v13  }
0x1ab: {  	v13 =	vmin.f32 v11, v59;
	v11 =	vmax.f32 v11, v59;
	v12 =	vmax.f32 v12, v14  }
0x1ac: {  	v14 =	vmin.f32 v10, v13;
	v10 =	vmax.f32 v10, v13;
	v13 =	vmin.f32 v11, v22  }
0x1ad: {  	v11 =	vmax.f32 v11, v22;
	v12 =	vmax.f32 v12, v14;
	v14 =	vmin.f32 v10, v13  }
0x1ae: {  	v10 =	vmax.f32 v10, v13;
	v13 =	vmin.f32 v11, v16;
	v11 =	vmax.f32 v11, v16  }
0x1af: {  	v12 =	vmax.f32 v12, v14;
	v14 =	vmin.f32 v10, v13;
	v10 =	vmax.f32 v10, v13  }
0x1b0: {  	v13 =	vmin.f32 v11, v60;
	v11 =	vmax.f32 v11, v60;
	v12 =	vmax.f32 v12, v14  }
0x1b1: {  	v14 =	vmin.f32 v10, v13;
	v10 =	vmax.f32 v10, v13;
	v13 =	vmin.f32 v11, v23  }
0x1b2: {  	v11 =	vmax.f32 v11, v23;
	v12 =	vmax.f32 v12, v14;
	v14 =	vmin.f32 v10, v13  }
0x1b3: {  	v10 =	vmax.f32 v10, v13;
	v13 =	vmin.f32 v11, v57;
	v11 =	vmax.f32 v11, v57  }
0x1b4: {  	v12 =	vmax.f32 v12, v14;
	v14 =	vmin.f32 v10, v13;
	v10 =	vmax.f32 v10, v13  }
0x1b5: {  	v13 =	vmin.f32 v11, v61;
	v11 =	vmax.f32 v11, v61;
	v12 =	vmax.f32 v12, v14  }
0x1b6: {  	v14 =	vmin.f32 v10, v13;
	v10 =	vmax.f32 v10, v13;
	v13 =	vmin.f32 v11, v21  }
0x1b7: {  	v11 =	vmax.f32 v11, v21;
	v12 =	vmax.f32 v12, v14;
	v14 =	vmin.f32 v10, v13  }
0x1b8: {  	v10 =	vmax.f32 v10, v13;
	v13 =	vmin.f32 v11, v31;
	v11 =	vmax.f32 v11, v31  }
0x1b9: {  	v12 =	vmax.f32 v12, v14;
	v14 =	vmin.f32 v10, v13;
	v10 =	vmax.f32 v10, v13  }
0x1ba: {  	v13 =	vmin.f32 v11, v62;
	v11 =	vmax.f32 v11, v62;
	v12 =	vmax.f32 v12, v14  }
0x1bb: {  	v14 =	vmin.f32 v10, v13;
	v10 =	vmax.f32 v10, v13;
	v13 =	vmin.f32 v11, v24  }
0x1bc: {  	v11 =	vmax.f32 v11, v24;
	v12 =	vmax.f32 v12, v14;
	v14 =	vmin.f32 v10, v13  }
0x1bd: {  	v10 =	vmax.f32 v10, v13;
	v13 =	vmin.f32 v11, v18;
	v11 =	vmax.f32 v11, v18  }
0x1be: {  	v12 =	vmax.f32 v12, v14;
	v14 =	vmin.f32 v10, v13;
	v10 =	vmax.f32 v10, v13;
	v13 =	vld [tilespmem:$0x7F20]  }
0x1bf: {  	v12 =	vmax.f32 v12, v14;
	v14 =	vmin.f32 v11, v17;
	v11 =	vmax.f32 v11, v17  }
0x1c0: {  	v15 =	vmin.f32 v10, v14;
	v10 =	vmax.f32 v10, v14;
	v14 =	vmin.f32 v11, v9  }
0x1c1: {  	v12 =	vmax.f32 v12, v15;
	v15 =	vmin.f32 v10, v14  }
0x1c2: {  	v9 =	vmax.f32 v11, v9;
	v11 =	vmax.f32 v12, v15  }
0x1c3: {  	v12 =	vadd.s32 v0, v13;
	v11 =	vsub.f32 v9, v11;
	_ =	sdelay $0x1  }
0x1c4: {  	v11 =	vadd.f32 $9.999999960e-13, v11;
	_ =	sdelay $0x1  }
0x1c5: {  	(erf) = vrcp.f32 v11  }
0x1c6: {  	v11 =	vld.idx.msk [tilespmem:v12+s2+$0x0], $0xffff;
	_ =	sdelay $0x3  }
0x1c7: {  	v10 =	vmax.f32 v10, v14  }
0x1c8: {  	v10 =	vsub.f32 v10, v11;
	_ =	sdelay $0x1  }
0x1c9: {  	v10 =	vadd.f32 $0.0e+00, v10  }
0x1ca: {  	v12 =	vpop (erf)  }
0x1cb: {  	vm0 =	veq.f32 v11, v9;
	v9 =	vmul.f32 v10, v12  }
0x1cc: {  	v10 =	vsel vm0, $0x3F800000, v8  }
0x1cd: {  	v9 =	vmul.f32 v9, v10;
	_ =	sdelay $0x1  }
0x1ce: {  	[tilespmem:$0x7FA0] =	vst v9  }
0x1cf: {  	[tilespmem:s2], [sflag:$0x1] =	stream.linear.gather [hbm4b:s8+s2], $0x3E8, $0x38;
	[tilespmem:$0x8000] =	vst v63  }
0x1d0: {  	s3 =	sadd.s32 $0x7D, s8  }
0x1d1: {  	[tilespmem:s12], [sflag:$0x1] =	stream.linear.gather [hbm4b:s3+s2], $0x3E8, $0x38;
	[tilespmem:$0x8000] =	vst v63  }
0x1d2: {  	s16 =	simm.s32 $0x7F0;
	s3 =	sadd.s32 $0xFA, s8  }
0x1d3: {  	[tilespmem:s16], [sflag:$0x1] =	stream.linear.gather [hbm4b:s3+s2], $0x3E8, $0x38;
	[tilespmem:$0x8000] =	vst v63  }
0x1d4: {  	s3 =	sadd.s32 $0x177, s8;
	s16 =	simm.s32 $0xBE8  }
0x1d5: {  	[tilespmem:s16], [sflag:$0x1] =	stream.linear.gather [hbm4b:s3+s2], $0x3E8, $0x38;
	[tilespmem:$0x8000] =	vst v63  }
0x1d6: {  	s3 =	sadd.s32 $0x1F4, s8;
	s16 =	simm.s32 $0xFE0  }
0x1d7: {  	[tilespmem:s16], [sflag:$0x1] =	stream.linear.gather [hbm4b:s3+s2], $0x3E8, $0x38;
	[tilespmem:$0x8000] =	vst v63  }
0x1d8: {  	s3 =	sadd.s32 $0x271, s8;
	s16 =	simm.s32 $0x13D8  }
0x1d9: {  	[tilespmem:s16], [sflag:$0x1] =	stream.linear.gather [hbm4b:s3+s2], $0x3E8, $0x38;
	[tilespmem:$0x8000] =	vst v63  }
0x1da: {  	s3 =	sadd.s32 $0x2EE, s8;
	s16 =	simm.s32 $0x17D0  }
0x1db: {  	[tilespmem:s16], [sflag:$0x1] =	stream.linear.gather [hbm4b:s3+s2], $0x3E8, $0x38;
	[tilespmem:$0x8000] =	vst v63  }
0x1dc: {  	s3 =	sadd.s32 $0x36B, s8;
	s16 =	simm.s32 $0x1BC8  }
0x1dd: {  	[tilespmem:s16], [sflag:$0x1] =	stream.linear.gather [hbm4b:s3+s2], $0x3E8, $0x38;
	[tilespmem:$0x8000] =	vst v63  }
0x1de: {  	s3 =	sadd.s32 $0x3E8, s8;
	s16 =	simm.s32 $0x1FC0  }
0x1df: {  	[tilespmem:s16], [sflag:$0x1] =	stream.linear.gather [hbm4b:s3+s2], $0x3E8, $0x38;
	[tilespmem:$0x8000] =	vst v63  }
0x1e0: {  	s3 =	sadd.s32 $0x465, s8;
	s16 =	simm.s32 $0x23B8  }
0x1e1: {  	[tilespmem:s16], [sflag:$0x1] =	stream.linear.gather [hbm4b:s3+s2], $0x3E8, $0x38;
	[tilespmem:$0x8000] =	vst v63  }
0x1e2: {  	s3 =	sadd.s32 $0x4E2, s8;
	s16 =	simm.s32 $0x27B0  }
0x1e3: {  	[tilespmem:s16], [sflag:$0x1] =	stream.linear.gather [hbm4b:s3+s2], $0x3E8, $0x38;
	[tilespmem:$0x8000] =	vst v63  }
0x1e4: {  	s3 =	sadd.s32 $0x55F, s8;
	s16 =	simm.s32 $0x2BA8  }
0x1e5: {  	[tilespmem:s16], [sflag:$0x1] =	stream.linear.gather [hbm4b:s3+s2], $0x3E8, $0x38;
	[tilespmem:$0x8000] =	vst v63  }
0x1e6: {  	s3 =	sadd.s32 $0x5DC, s8;
	s16 =	simm.s32 $0x2FA0  }
0x1e7: {  	[tilespmem:s16], [sflag:$0x1] =	stream.linear.gather [hbm4b:s3+s2], $0x3E8, $0x38;
	[tilespmem:$0x8000] =	vst v63  }
0x1e8: {  	s3 =	sadd.s32 $0x659, s8;
	s16 =	simm.s32 $0x3398  }
0x1e9: {  	[tilespmem:s16], [sflag:$0x1] =	stream.linear.gather [hbm4b:s3+s2], $0x3E8, $0x38;
	[tilespmem:$0x8000] =	vst v63  }
0x1ea: {  	s3 =	sadd.s32 $0x6D6, s8;
	s16 =	simm.s32 $0x3790  }
0x1eb: {  	v16 =	vimm.s32 $0x0;
	[tilespmem:s16], [sflag:$0x1] =	stream.linear.gather [hbm4b:s3+s2], $0x3E8, $0x38;
	[tilespmem:$0x8000] =	vst v63  }
0x1ec: {  	v34 =	vimm.f32 $-Inf;
	v40 =	vimm.f32 $-Inf;
	v9 =	vadd.s32 v7, v16;
	s3 =	sadd.s32 $0x753, s8;
	s16 =	simm.s32 $0x3B88  }
0x1ed: {  	v41 =	vimm.f32 $-Inf;
	v43 =	vimm.f32 $-Inf;
	v10 =	vadd.s32 v1, v16;
	[tilespmem:s16], [sflag:$0x1] =	stream.linear.gather [hbm4b:s3+s2], $0x3E8, $0x38;
	[tilespmem:$0x8000] =	vst v63  }
0x1ee: {  	v47 =	vimm.f32 $-Inf;
	v39 =	vimm.f32 $-Inf;
	v11 =	vadd.s32 v0, v16;
	_ =	swait.ge [sflag:s1], $0x3E80  }
0x1ef: {  	v51 =	vimm.f32 $-Inf;
	v52 =	vimm.f32 $-Inf;
	v12 =	vadd.s32 v2, v16;
	[sflag:s1] =	ssyncset.done $0x0  }
0x1f0: {  	v49 =	vimm.f32 $-Inf;
	v36 =	vimm.f32 $-Inf;
	v13 =	vadd.s32 v3, v16;
	[sflag:s1] =	ssyncadd.s32 $0xFFFFC180  }
0x1f1: {  	v37 =	vimm.f32 $-Inf;
	v32 =	vimm.f32 $-Inf;
	v14 =	vadd.s32 v4, v16;
	v18 =	vld.idx.msk [tilespmem:v9+s13+$0x0], $0xffff  }
0x1f2: {  	v33 =	vimm.f32 $-Inf;
	v35 =	vimm.f32 $-Inf;
	v22 =	vadd.s32 v6, v16;
	v9 =	vld.idx.msk [tilespmem:v10+s13+$0x0], $0xffff  }
0x1f3: {  	v27 =	vimm.f32 $-Inf;
	v28 =	vimm.f32 $-Inf;
	v29 =	vimm.f32 $-Inf;
	v10 =	vld.idx.msk [tilespmem:v11+s13+$0x0], $0xffff  }
0x1f4: {  	v30 =	vimm.f32 $-Inf;
	v26 =	vimm.f32 $-Inf;
	v20 =	vadd.s32 v5, v16;
	v12 =	vld.idx.msk [tilespmem:v12+s13+$0x0], $0xffff  }
0x1f5: {  	v25 =	vimm.f32 $-Inf;
	v21 =	vimm.f32 $-Inf;
	v31 =	vadd.s32 $0x1, v16;
	v19 =	vld.idx.msk [tilespmem:v13+s13+$0x0], $0xffff  }
0x1f6: {  	v50 =	vadd.s32 v1, v31;
	v48 =	vadd.s32 v2, v31;
	v54 =	vadd.s32 v7, v31;
	v23 =	vld.idx.msk [tilespmem:v14+s13+$0x0], $0xffff  }
0x1f7: {  	v24 =	vimm.f32 $-Inf;
	v55 =	vld.idx.msk [tilespmem:v22+s13+$0x0], $0xffff;
	v22 =	vimm.f32 $-Inf;
	v17 =	vmin.f32 v21, v18  }
0x1f8: {  	v38 =	vmin.f32 v21, v9;
	v15 =	vmax.f32 v21, v9;
	v44 =	vmin.f32 v21, v10  }
0x1f9: {  	v53 =	vld.idx.msk [tilespmem:v20+s13+$0x0], $0xffff;
	v9 =	vmax.f32 v21, v10;
	v42 =	vmin.f32 v21, v12;
	v12 =	vmax.f32 v21, v12  }
0x1fa: {  	v45 =	vmin.f32 v21, v19;
	v14 =	vmax.f32 v21, v19;
	v11 =	vmin.f32 v21, v17  }
0x1fb: {  	v13 =	vmax.f32 v21, v38;
	v10 =	vmax.f32 v21, v11;
	v11 =	vmax.f32 v21, v44  }
0x1fc: {  	s3 =	simm.s32 $0x7B;
	v46 =	vmin.f32 v21, v23;
	v16 =	vmax.f32 v21, v23;
	v23 =	vimm.f32 $-Inf;
	v19 =	vmovc v13;
	v20 =	vmovc v11  }
.LBB2_8:
0x1fd: {  	p0 =	sne.s32 s3, $0x1;
	v56 =	vadd.s32 v3, v31;
	v57 =	vadd.s32 v4, v31;
	v58 =	vadd.s32 v5, v31  }
0x1fe: {  	v59 =	vadd.s32 v0, v31;
	v60 =	vadd.s32 v6, v31;
	v21 =	vmax.f32 v21, v53  }
0x1ff: {  	v53 =	vmin.f32 v39, v53;
	v61 =	vmin.f32 v34, v55;
	v34 =	vmax.f32 v34, v55;
	v39 =	vmovc v21  }
0x200: {  	v35 =	vmax.f32 v35, v42;
	v36 =	vmax.f32 v36, v45;
	v37 =	vmax.f32 v37, v46  }
0x201: {  	v44 =	vmin.f32 v51, v44;
	v32 =	vmax.f32 v32, v53;
	v33 =	vmax.f32 v33, v61;
	v54 =	vld.idx.msk [tilespmem:v54+s13+$0x0], $0xffff  }
0x202: {  	v38 =	vmin.f32 v52, v38;
	v40 =	vmin.f32 v40, v42;
	v41 =	vmin.f32 v41, v45;
	v50 =	vld.idx.msk [tilespmem:v50+s13+$0x0], $0xffff  }
0x203: {  	v43 =	vmin.f32 v43, v46;
	v45 =	vmin.f32 v47, v53;
	v46 =	vmin.f32 v49, v61;
	v42 =	vld.idx.msk [tilespmem:v59+s13+$0x0], $0xffff  }
0x204: {  	v23 =	vmax.f32 v23, v44;
	v24 =	vmax.f32 v24, v38;
	v25 =	vmax.f32 v25, v40;
	v48 =	vld.idx.msk [tilespmem:v48+s13+$0x0], $0xffff  }
0x205: {  	v26 =	vmax.f32 v26, v41;
	v27 =	vmax.f32 v27, v43;
	v28 =	vmax.f32 v28, v45;
	v51 =	vld.idx.msk [tilespmem:v56+s13+$0x0], $0xffff  }
0x206: {  	v30 =	vmax.f32 v30, v18;
	v29 =	vmax.f32 v29, v46;
	v40 =	vmovc v35;
	v41 =	vmov v36;
	v52 =	vld.idx.msk [tilespmem:v57+s13+$0x0], $0xffff  }
0x207: {  	v22 =	vmax.f32 v22, v17;
	v43 =	vmovc v37;
	v17 =	vmin.f32 v30, v54;
	v18 =	vmov v54;
	v53 =	vld.idx.msk [tilespmem:v58+s13+$0x0], $0xffff  }
0x208: {  	v38 =	vmin.f32 v15, v50;
	v15 =	vmax.f32 v15, v50;
	v45 =	vmin.f32 v22, v17;
	v55 =	vld.idx.msk [tilespmem:v60+s13+$0x0], $0xffff  }
.Ltmp3:
0x209: {  	v47 =	vmovc v32;
	v44 =	vmin.f32 v9, v42;
	v9 =	vmax.f32 v9, v42;
	v10 =	vmax.f32 v10, v45;
	(pc) =	sbr.rel @p0 .LBB2_8-.Ltmp3, $4  }
0x20a: {  	v49 =	vmovc v33;
	v11 =	vmax.f32 v11, v44;
	v42 =	vmin.f32 v12, v48;
	v12 =	vmax.f32 v12, v48  }
0x20b: {  	v13 =	vmax.f32 v13, v38;
	v45 =	vmin.f32 v14, v51;
	v14 =	vmax.f32 v14, v51;
	v51 =	vmovc v20  }
0x20c: {  	v31 =	vadd.s32 $0x1, v31;
	v20 =	vmovc v11;
	v46 =	vmin.f32 v16, v52;
	v16 =	vmax.f32 v16, v52;
	v52 =	vmovc v19  }
0x20d: {  	s3 =	sadd.s32 $0xFFFFFFFF, s3;
	v54 =	vadd.s32 v7, v31;
	v50 =	vadd.s32 v1, v31;
	v48 =	vadd.s32 v2, v31;
	v19 =	vmovc v13  }
0x20e: {  	v56 =	vadd.s32 v3, v31;
	v57 =	vadd.s32 v4, v31  }
0x20f: {  	v58 =	vadd.s32 v5, v31;
	v59 =	vadd.s32 v0, v31;
	v31 =	vadd.s32 v6, v31  }
0x210: {  	v21 =	vmax.f32 v21, v53;
	v39 =	vmin.f32 v39, v53;
	v63 =	vmin.f32 v34, v55  }
0x211: {  	v60 =	vmax.f32 v34, v55;
	v35 =	vmax.f32 v35, v42;
	v36 =	vmax.f32 v36, v45  }
0x212: {  	v37 =	vmax.f32 v37, v46;
	v54 =	vld.idx.msk [tilespmem:v54+s13+$0x0], $0xffff;
	v44 =	vmin.f32 v51, v44;
	v38 =	vmin.f32 v52, v38  }
0x213: {  	v50 =	vld.idx.msk [tilespmem:v50+s13+$0x0], $0xffff;
	v40 =	vmin.f32 v40, v42;
	v41 =	vmin.f32 v41, v45;
	v43 =	vmin.f32 v43, v46  }
0x214: {  	v18 =	vmax.f32 v30, v18;
	v33 =	vmax.f32 v33, v63;
	v62 =	vmin.f32 v49, v63;
	v63 =	vld.idx.msk [tilespmem:v48+s13+$0x0], $0xffff  }
0x215: {  	v17 =	vmax.f32 v22, v17;
	v32 =	vmax.f32 v32, v39;
	v39 =	vmin.f32 v47, v39;
	v61 =	vld.idx.msk [tilespmem:v59+s13+$0x0], $0xffff  }
0x216: {  	v23 =	vmax.f32 v23, v44;
	v24 =	vmax.f32 v24, v38;
	v25 =	vmax.f32 v25, v40;
	v48 =	vld.idx.msk [tilespmem:v56+s13+$0x0], $0xffff  }
0x217: {  	v26 =	vmax.f32 v26, v41;
	v27 =	vmax.f32 v27, v43;
	v28 =	vmax.f32 v28, v39;
	v49 =	vld.idx.msk [tilespmem:v57+s13+$0x0], $0xffff  }
0x218: {  	v29 =	vmax.f32 v29, v62;
	v30 =	vld.idx.msk [tilespmem:v58+s13+$0x0], $0xffff;
	v51 =	vmin.f32 v18, v54;
	v22 =	vmin.f32 v15, v50  }
0x219: {  	v15 =	vmax.f32 v15, v50;
	v31 =	vld.idx.msk [tilespmem:v31+s13+$0x0], $0xffff;
	v18 =	vmax.f32 v18, v54;
	v52 =	vmin.f32 v17, v51  }
0x21a: {  	v13 =	vmax.f32 v13, v22;
	v19 =	vmin.f32 v19, v22;
	v17 =	vmax.f32 v17, v51  }
0x21b: {  	v19 =	vmax.f32 v24, v19;
	v53 =	vmin.f32 v9, v61;
	v42 =	vmax.f32 v9, v61  }
0x21c: {  	v9 =	vmax.f32 v10, v52;
	v55 =	vmin.f32 v14, v48;
	v14 =	vmax.f32 v14, v48  }
0x21d: {  	v56 =	vmin.f32 v16, v49;
	v16 =	vmax.f32 v16, v49;
	v57 =	vmax.f32 v21, v30  }
0x21e: {  	v21 =	vmin.f32 v21, v30;
	v30 =	vmin.f32 v60, v31;
	v31 =	vmax.f32 v60, v31  }
0x21f: {  	v10 =	vmax.f32 v11, v53;
	v11 =	vmin.f32 v12, v63;
	v12 =	vmax.f32 v12, v63  }
0x220: {  	v59 =	vmax.f32 v36, v55;
	v60 =	vmax.f32 v37, v56;
	v20 =	vmin.f32 v20, v53  }
0x221: {  	v61 =	vmax.f32 v32, v21;
	v62 =	vmax.f32 v33, v30;
	v22 =	vmin.f32 v36, v55  }
0x222: {  	v63 =	vmin.f32 v37, v56;
	v21 =	vmin.f32 v32, v21;
	v30 =	vmin.f32 v33, v30  }
0x223: {  	v58 =	vmax.f32 v35, v11;
	v11 =	vmin.f32 v35, v11;
	v20 =	vmax.f32 v23, v20  }
0x224: {  	v22 =	vmax.f32 v26, v22;
	v23 =	vmax.f32 v27, v63;
	v21 =	vmax.f32 v28, v21  }
0x225: {  	v24 =	vmax.f32 v29, v30;
	v11 =	vmax.f32 v25, v11;
	v25 =	vmin.f32 v42, v15  }
0x226: {  	v15 =	vmax.f32 v42, v15;
	v26 =	vmin.f32 v10, v25;
	v10 =	vmax.f32 v10, v25  }
0x227: {  	v25 =	vmin.f32 v15, v13;
	v13 =	vmax.f32 v15, v13;
	v20 =	vmax.f32 v20, v26  }
0x228: {  	v15 =	vmin.f32 v10, v25;
	v10 =	vmax.f32 v10, v25;
	v25 =	vmin.f32 v13, v19  }
0x229: {  	v13 =	vmax.f32 v13, v19;
	v15 =	vmax.f32 v20, v15;
	v19 =	vmin.f32 v10, v25  }
0x22a: {  	v10 =	vmax.f32 v10, v25;
	v15 =	vmax.f32 v15, v19;
	v19 =	vmin.f32 v13, v12  }
0x22b: {  	v12 =	vmax.f32 v13, v12;
	v13 =	vmin.f32 v10, v19;
	v10 =	vmax.f32 v10, v19  }
0x22c: {  	v13 =	vmax.f32 v15, v13;
	v15 =	vmin.f32 v12, v58;
	v12 =	vmax.f32 v12, v58  }
0x22d: {  	v19 =	vmin.f32 v10, v15;
	v10 =	vmax.f32 v10, v15;
	v15 =	vmin.f32 v12, v11  }
0x22e: {  	v11 =	vmax.f32 v12, v11;
	v13 =	vmax.f32 v13, v19;
	v12 =	vmin.f32 v10, v15  }
0x22f: {  	v10 =	vmax.f32 v10, v15;
	v12 =	vmax.f32 v13, v12;
	v13 =	vmin.f32 v11, v14  }
0x230: {  	v11 =	vmax.f32 v11, v14;
	v14 =	vmin.f32 v10, v13;
	v10 =	vmax.f32 v10, v13  }
0x231: {  	v13 =	vmin.f32 v11, v59;
	v11 =	vmax.f32 v11, v59;
	v12 =	vmax.f32 v12, v14  }
0x232: {  	v14 =	vmin.f32 v10, v13;
	v10 =	vmax.f32 v10, v13;
	v13 =	vmin.f32 v11, v22  }
0x233: {  	v11 =	vmax.f32 v11, v22;
	v12 =	vmax.f32 v12, v14;
	v14 =	vmin.f32 v10, v13  }
0x234: {  	v10 =	vmax.f32 v10, v13;
	v13 =	vmin.f32 v11, v16;
	v11 =	vmax.f32 v11, v16  }
0x235: {  	v12 =	vmax.f32 v12, v14;
	v14 =	vmin.f32 v10, v13;
	v10 =	vmax.f32 v10, v13  }
0x236: {  	v13 =	vmin.f32 v11, v60;
	v11 =	vmax.f32 v11, v60;
	v12 =	vmax.f32 v12, v14  }
0x237: {  	v14 =	vmin.f32 v10, v13;
	v10 =	vmax.f32 v10, v13;
	v13 =	vmin.f32 v11, v23  }
0x238: {  	v11 =	vmax.f32 v11, v23;
	v12 =	vmax.f32 v12, v14;
	v14 =	vmin.f32 v10, v13  }
0x239: {  	v10 =	vmax.f32 v10, v13;
	v13 =	vmin.f32 v11, v57;
	v11 =	vmax.f32 v11, v57  }
0x23a: {  	v12 =	vmax.f32 v12, v14;
	v14 =	vmin.f32 v10, v13;
	v10 =	vmax.f32 v10, v13  }
0x23b: {  	v13 =	vmin.f32 v11, v61;
	v11 =	vmax.f32 v11, v61;
	v12 =	vmax.f32 v12, v14  }
0x23c: {  	v14 =	vmin.f32 v10, v13;
	v10 =	vmax.f32 v10, v13;
	v13 =	vmin.f32 v11, v21  }
0x23d: {  	v11 =	vmax.f32 v11, v21;
	v12 =	vmax.f32 v12, v14;
	v14 =	vmin.f32 v10, v13  }
0x23e: {  	v10 =	vmax.f32 v10, v13;
	v13 =	vmin.f32 v11, v31;
	v11 =	vmax.f32 v11, v31  }
0x23f: {  	v12 =	vmax.f32 v12, v14;
	v14 =	vmin.f32 v10, v13;
	v10 =	vmax.f32 v10, v13  }
0x240: {  	v13 =	vmin.f32 v11, v62;
	v11 =	vmax.f32 v11, v62;
	v12 =	vmax.f32 v12, v14  }
0x241: {  	v14 =	vmin.f32 v10, v13;
	v10 =	vmax.f32 v10, v13;
	v13 =	vmin.f32 v11, v24  }
0x242: {  	v11 =	vmax.f32 v11, v24;
	v12 =	vmax.f32 v12, v14;
	v14 =	vmin.f32 v10, v13  }
0x243: {  	v10 =	vmax.f32 v10, v13;
	v13 =	vmin.f32 v11, v18;
	v11 =	vmax.f32 v11, v18  }
0x244: {  	v12 =	vmax.f32 v12, v14;
	v14 =	vmin.f32 v10, v13;
	v10 =	vmax.f32 v10, v13;
	v13 =	vld [tilespmem:$0x7F30]  }
0x245: {  	v12 =	vmax.f32 v12, v14;
	v14 =	vmin.f32 v11, v17;
	v11 =	vmax.f32 v11, v17  }
0x246: {  	v15 =	vmin.f32 v10, v14;
	v10 =	vmax.f32 v10, v14;
	v14 =	vmin.f32 v11, v9  }
0x247: {  	v12 =	vmax.f32 v12, v15;
	v15 =	vmin.f32 v10, v14  }
0x248: {  	v9 =	vmax.f32 v11, v9;
	v11 =	vmax.f32 v12, v15  }
0x249: {  	v12 =	vadd.s32 v0, v13;
	v11 =	vsub.f32 v9, v11;
	_ =	sdelay $0x1  }
0x24a: {  	v11 =	vadd.f32 $9.999999960e-13, v11;
	_ =	sdelay $0x1  }
0x24b: {  	(erf) = vrcp.f32 v11  }
0x24c: {  	v11 =	vld.idx.msk [tilespmem:v12+s13+$0x0], $0xffff;
	_ =	sdelay $0x3  }
0x24d: {  	v10 =	vmax.f32 v10, v14  }
0x24e: {  	v10 =	vsub.f32 v10, v11;
	_ =	sdelay $0x1  }
0x24f: {  	v10 =	vadd.f32 $0.0e+00, v10  }
0x250: {  	v12 =	vpop (erf)  }
0x251: {  	vm0 =	veq.f32 v11, v9;
	v9 =	vmul.f32 v10, v12  }
0x252: {  	v10 =	vsel vm0, $0x3F800000, v8  }
0x253: {  	v9 =	vmul.f32 v9, v10;
	_ =	sdelay $0x1  }
0x254: {  	[tilespmem:$0x7FB0] =	vst v9  }
0x255: {  	[tilespmem:s13], [sflag:$0x2] =	stream.linear.gather [hbm4b:s9+s2], $0x3E8, $0x38;
	[tilespmem:$0x8000] =	vst v63  }
0x256: {  	s3 =	sadd.s32 $0x7D, s9;
	s16 =	simm.s32 $0x4378  }
0x257: {  	[tilespmem:s16], [sflag:$0x2] =	stream.linear.gather [hbm4b:s3+s2], $0x3E8, $0x38;
	[tilespmem:$0x8000] =	vst v63  }
0x258: {  	s16 =	sadd.s32 $0xFA, s9  }
0x259: {  	[tilespmem:s18], [sflag:$0x2] =	stream.linear.gather [hbm4b:s16+s2], $0x3E8, $0x38;
	[tilespmem:$0x8000] =	vst v63  }
0x25a: {  	s16 =	sadd.s32 $0x177, s9  }
0x25b: {  	[tilespmem:s20], [sflag:$0x2] =	stream.linear.gather [hbm4b:s16+s2], $0x3E8, $0x38;
	[tilespmem:$0x8000] =	vst v63  }
0x25c: {  	s16 =	sadd.s32 $0x1F4, s9  }
0x25d: {  	[tilespmem:s22], [sflag:$0x2] =	stream.linear.gather [hbm4b:s16+s2], $0x3E8, $0x38;
	[tilespmem:$0x8000] =	vst v63  }
0x25e: {  	s16 =	sadd.s32 $0x271, s9  }
0x25f: {  	[tilespmem:s24], [sflag:$0x2] =	stream.linear.gather [hbm4b:s16+s2], $0x3E8, $0x38;
	[tilespmem:$0x8000] =	vst v63  }
0x260: {  	s16 =	sadd.s32 $0x2EE, s9  }
0x261: {  	[tilespmem:s17], [sflag:$0x2] =	stream.linear.gather [hbm4b:s16+s2], $0x3E8, $0x38;
	[tilespmem:$0x8000] =	vst v63  }
0x262: {  	s16 =	sadd.s32 $0x36B, s9  }
0x263: {  	[tilespmem:s19], [sflag:$0x2] =	stream.linear.gather [hbm4b:s16+s2], $0x3E8, $0x38;
	[tilespmem:$0x8000] =	vst v63  }
0x264: {  	s16 =	sadd.s32 $0x3E8, s9  }
0x265: {  	[tilespmem:s21], [sflag:$0x2] =	stream.linear.gather [hbm4b:s16+s2], $0x3E8, $0x38;
	[tilespmem:$0x8000] =	vst v63  }
0x266: {  	s16 =	sadd.s32 $0x465, s9  }
0x267: {  	[tilespmem:s23], [sflag:$0x2] =	stream.linear.gather [hbm4b:s16+s2], $0x3E8, $0x38;
	[tilespmem:$0x8000] =	vst v63  }
0x268: {  	s16 =	sadd.s32 $0x4E2, s9  }
0x269: {  	[tilespmem:s25], [sflag:$0x2] =	stream.linear.gather [hbm4b:s16+s2], $0x3E8, $0x38;
	[tilespmem:$0x8000] =	vst v63  }
0x26a: {  	s16 =	sadd.s32 $0x55F, s9  }
0x26b: {  	[tilespmem:s26], [sflag:$0x2] =	stream.linear.gather [hbm4b:s16+s2], $0x3E8, $0x38;
	[tilespmem:$0x8000] =	vst v63  }
0x26c: {  	s16 =	sadd.s32 $0x5DC, s9  }
0x26d: {  	[tilespmem:s28], [sflag:$0x2] =	stream.linear.gather [hbm4b:s16+s2], $0x3E8, $0x38;
	[tilespmem:$0x8000] =	vst v63  }
0x26e: {  	s16 =	sadd.s32 $0x659, s9  }
0x26f: {  	[tilespmem:s29], [sflag:$0x2] =	stream.linear.gather [hbm4b:s16+s2], $0x3E8, $0x38;
	[tilespmem:$0x8000] =	vst v63  }
0x270: {  	s16 =	sadd.s32 $0x6D6, s9  }
0x271: {  	v16 =	vimm.s32 $0x0;
	[tilespmem:s30], [sflag:$0x2] =	stream.linear.gather [hbm4b:s16+s2], $0x3E8, $0x38;
	[tilespmem:$0x8000] =	vst v63  }
0x272: {  	v34 =	vimm.f32 $-Inf;
	v40 =	vimm.f32 $-Inf;
	v9 =	vadd.s32 v7, v16;
	s16 =	sadd.s32 $0x753, s9  }
0x273: {  	v41 =	vimm.f32 $-Inf;
	v43 =	vimm.f32 $-Inf;
	v10 =	vadd.s32 v1, v16;
	[tilespmem:s31], [sflag:$0x2] =	stream.linear.gather [hbm4b:s16+s2], $0x3E8, $0x38;
	[tilespmem:$0x8000] =	vst v63  }
0x274: {  	v47 =	vimm.f32 $-Inf;
	v39 =	vimm.f32 $-Inf;
	v11 =	vadd.s32 v0, v16;
	_ =	swait.ge [sflag:s0], $0x3E80  }
0x275: {  	v51 =	vimm.f32 $-Inf;
	v52 =	vimm.f32 $-Inf;
	v12 =	vadd.s32 v2, v16;
	[sflag:s0] =	ssyncset.done $0x0  }
0x276: {  	v49 =	vimm.f32 $-Inf;
	v36 =	vimm.f32 $-Inf;
	v13 =	vadd.s32 v3, v16;
	[sflag:s0] =	ssyncadd.s32 $0xFFFFC180  }
0x277: {  	v37 =	vimm.f32 $-Inf;
	v32 =	vimm.f32 $-Inf;
	v14 =	vadd.s32 v4, v16;
	v18 =	vld.idx.msk [tilespmem:v9+s2+$0x0], $0xffff  }
0x278: {  	v33 =	vimm.f32 $-Inf;
	v35 =	vimm.f32 $-Inf;
	v22 =	vadd.s32 v6, v16;
	v9 =	vld.idx.msk [tilespmem:v10+s2+$0x0], $0xffff  }
0x279: {  	v27 =	vimm.f32 $-Inf;
	v28 =	vimm.f32 $-Inf;
	v29 =	vimm.f32 $-Inf;
	v10 =	vld.idx.msk [tilespmem:v11+s2+$0x0], $0xffff  }
0x27a: {  	v30 =	vimm.f32 $-Inf;
	v26 =	vimm.f32 $-Inf;
	v20 =	vadd.s32 v5, v16;
	v12 =	vld.idx.msk [tilespmem:v12+s2+$0x0], $0xffff  }
0x27b: {  	v25 =	vimm.f32 $-Inf;
	v21 =	vimm.f32 $-Inf;
	v31 =	vadd.s32 $0x1, v16;
	v19 =	vld.idx.msk [tilespmem:v13+s2+$0x0], $0xffff  }
0x27c: {  	v50 =	vadd.s32 v1, v31;
	v48 =	vadd.s32 v2, v31;
	v54 =	vadd.s32 v7, v31;
	v23 =	vld.idx.msk [tilespmem:v14+s2+$0x0], $0xffff  }
0x27d: {  	v24 =	vimm.f32 $-Inf;
	v55 =	vld.idx.msk [tilespmem:v22+s2+$0x0], $0xffff;
	v22 =	vimm.f32 $-Inf;
	v17 =	vmin.f32 v21, v18  }
0x27e: {  	v38 =	vmin.f32 v21, v9;
	v15 =	vmax.f32 v21, v9;
	v44 =	vmin.f32 v21, v10  }
0x27f: {  	v53 =	vld.idx.msk [tilespmem:v20+s2+$0x0], $0xffff;
	v9 =	vmax.f32 v21, v10;
	v42 =	vmin.f32 v21, v12;
	v12 =	vmax.f32 v21, v12  }
0x280: {  	v45 =	vmin.f32 v21, v19;
	v14 =	vmax.f32 v21, v19;
	v11 =	vmin.f32 v21, v17  }
0x281: {  	v13 =	vmax.f32 v21, v38;
	v10 =	vmax.f32 v21, v11;
	v11 =	vmax.f32 v21, v44  }
0x282: {  	s3 =	simm.s32 $0x7B;
	v46 =	vmin.f32 v21, v23;
	v16 =	vmax.f32 v21, v23;
	v23 =	vimm.f32 $-Inf;
	v19 =	vmovc v13;
	v20 =	vmovc v11  }
.LBB2_10:
0x283: {  	p0 =	sne.s32 s3, $0x1;
	v56 =	vadd.s32 v3, v31;
	v57 =	vadd.s32 v4, v31;
	v58 =	vadd.s32 v5, v31  }
0x284: {  	v59 =	vadd.s32 v0, v31;
	v60 =	vadd.s32 v6, v31;
	v21 =	vmax.f32 v21, v53  }
0x285: {  	v53 =	vmin.f32 v39, v53;
	v61 =	vmin.f32 v34, v55;
	v34 =	vmax.f32 v34, v55;
	v39 =	vmovc v21  }
0x286: {  	v35 =	vmax.f32 v35, v42;
	v36 =	vmax.f32 v36, v45;
	v37 =	vmax.f32 v37, v46  }
0x287: {  	v44 =	vmin.f32 v51, v44;
	v32 =	vmax.f32 v32, v53;
	v33 =	vmax.f32 v33, v61;
	v54 =	vld.idx.msk [tilespmem:v54+s2+$0x0], $0xffff  }
0x288: {  	v38 =	vmin.f32 v52, v38;
	v40 =	vmin.f32 v40, v42;
	v41 =	vmin.f32 v41, v45;
	v50 =	vld.idx.msk [tilespmem:v50+s2+$0x0], $0xffff  }
0x289: {  	v43 =	vmin.f32 v43, v46;
	v45 =	vmin.f32 v47, v53;
	v46 =	vmin.f32 v49, v61;
	v42 =	vld.idx.msk [tilespmem:v59+s2+$0x0], $0xffff  }
0x28a: {  	v23 =	vmax.f32 v23, v44;
	v24 =	vmax.f32 v24, v38;
	v25 =	vmax.f32 v25, v40;
	v48 =	vld.idx.msk [tilespmem:v48+s2+$0x0], $0xffff  }
0x28b: {  	v26 =	vmax.f32 v26, v41;
	v27 =	vmax.f32 v27, v43;
	v28 =	vmax.f32 v28, v45;
	v51 =	vld.idx.msk [tilespmem:v56+s2+$0x0], $0xffff  }
0x28c: {  	v30 =	vmax.f32 v30, v18;
	v29 =	vmax.f32 v29, v46;
	v40 =	vmovc v35;
	v41 =	vmov v36;
	v52 =	vld.idx.msk [tilespmem:v57+s2+$0x0], $0xffff  }
0x28d: {  	v22 =	vmax.f32 v22, v17;
	v43 =	vmovc v37;
	v17 =	vmin.f32 v30, v54;
	v18 =	vmov v54;
	v53 =	vld.idx.msk [tilespmem:v58+s2+$0x0], $0xffff  }
0x28e: {  	v38 =	vmin.f32 v15, v50;
	v15 =	vmax.f32 v15, v50;
	v45 =	vmin.f32 v22, v17;
	v55 =	vld.idx.msk [tilespmem:v60+s2+$0x0], $0xffff  }
.Ltmp4:
0x28f: {  	v47 =	vmovc v32;
	v44 =	vmin.f32 v9, v42;
	v9 =	vmax.f32 v9, v42;
	v10 =	vmax.f32 v10, v45;
	(pc) =	sbr.rel @p0 .LBB2_10-.Ltmp4, $4  }
0x290: {  	v49 =	vmovc v33;
	v11 =	vmax.f32 v11, v44;
	v42 =	vmin.f32 v12, v48;
	v12 =	vmax.f32 v12, v48  }
0x291: {  	v13 =	vmax.f32 v13, v38;
	v45 =	vmin.f32 v14, v51;
	v14 =	vmax.f32 v14, v51;
	v51 =	vmovc v20  }
0x292: {  	v31 =	vadd.s32 $0x1, v31;
	v20 =	vmovc v11;
	v46 =	vmin.f32 v16, v52;
	v16 =	vmax.f32 v16, v52;
	v52 =	vmovc v19  }
0x293: {  	s3 =	sadd.s32 $0xFFFFFFFF, s3;
	v54 =	vadd.s32 v7, v31;
	v50 =	vadd.s32 v1, v31;
	v48 =	vadd.s32 v2, v31;
	v19 =	vmovc v13  }
0x294: {  	v56 =	vadd.s32 v3, v31;
	v57 =	vadd.s32 v4, v31  }
0x295: {  	v58 =	vadd.s32 v5, v31;
	v59 =	vadd.s32 v0, v31;
	v31 =	vadd.s32 v6, v31  }
0x296: {  	v21 =	vmax.f32 v21, v53;
	v39 =	vmin.f32 v39, v53;
	v63 =	vmin.f32 v34, v55  }
0x297: {  	v60 =	vmax.f32 v34, v55;
	v35 =	vmax.f32 v35, v42;
	v36 =	vmax.f32 v36, v45  }
0x298: {  	v37 =	vmax.f32 v37, v46;
	v54 =	vld.idx.msk [tilespmem:v54+s2+$0x0], $0xffff;
	v44 =	vmin.f32 v51, v44;
	v38 =	vmin.f32 v52, v38  }
0x299: {  	v50 =	vld.idx.msk [tilespmem:v50+s2+$0x0], $0xffff;
	v40 =	vmin.f32 v40, v42;
	v41 =	vmin.f32 v41, v45;
	v43 =	vmin.f32 v43, v46  }
0x29a: {  	v18 =	vmax.f32 v30, v18;
	v33 =	vmax.f32 v33, v63;
	v62 =	vmin.f32 v49, v63;
	v63 =	vld.idx.msk [tilespmem:v48+s2+$0x0], $0xffff  }
0x29b: {  	v17 =	vmax.f32 v22, v17;
	v32 =	vmax.f32 v32, v39;
	v39 =	vmin.f32 v47, v39;
	v61 =	vld.idx.msk [tilespmem:v59+s2+$0x0], $0xffff  }
0x29c: {  	v23 =	vmax.f32 v23, v44;
	v24 =	vmax.f32 v24, v38;
	v25 =	vmax.f32 v25, v40;
	v48 =	vld.idx.msk [tilespmem:v56+s2+$0x0], $0xffff  }
0x29d: {  	v26 =	vmax.f32 v26, v41;
	v27 =	vmax.f32 v27, v43;
	v28 =	vmax.f32 v28, v39;
	v49 =	vld.idx.msk [tilespmem:v57+s2+$0x0], $0xffff  }
0x29e: {  	v29 =	vmax.f32 v29, v62;
	v30 =	vld.idx.msk [tilespmem:v58+s2+$0x0], $0xffff;
	v51 =	vmin.f32 v18, v54;
	v22 =	vmin.f32 v15, v50  }
0x29f: {  	v15 =	vmax.f32 v15, v50;
	v31 =	vld.idx.msk [tilespmem:v31+s2+$0x0], $0xffff;
	v18 =	vmax.f32 v18, v54;
	v52 =	vmin.f32 v17, v51  }
0x2a0: {  	v13 =	vmax.f32 v13, v22;
	v19 =	vmin.f32 v19, v22;
	v17 =	vmax.f32 v17, v51  }
0x2a1: {  	v19 =	vmax.f32 v24, v19;
	v53 =	vmin.f32 v9, v61;
	v42 =	vmax.f32 v9, v61  }
0x2a2: {  	v9 =	vmax.f32 v10, v52;
	v55 =	vmin.f32 v14, v48;
	v14 =	vmax.f32 v14, v48  }
0x2a3: {  	v56 =	vmin.f32 v16, v49;
	v16 =	vmax.f32 v16, v49;
	v57 =	vmax.f32 v21, v30  }
0x2a4: {  	v21 =	vmin.f32 v21, v30;
	v30 =	vmin.f32 v60, v31;
	v31 =	vmax.f32 v60, v31  }
0x2a5: {  	v10 =	vmax.f32 v11, v53;
	v11 =	vmin.f32 v12, v63;
	v12 =	vmax.f32 v12, v63  }
0x2a6: {  	v59 =	vmax.f32 v36, v55;
	v60 =	vmax.f32 v37, v56;
	v20 =	vmin.f32 v20, v53  }
0x2a7: {  	v61 =	vmax.f32 v32, v21;
	v62 =	vmax.f32 v33, v30;
	v22 =	vmin.f32 v36, v55  }
0x2a8: {  	v63 =	vmin.f32 v37, v56;
	v21 =	vmin.f32 v32, v21;
	v30 =	vmin.f32 v33, v30  }
0x2a9: {  	v58 =	vmax.f32 v35, v11;
	v11 =	vmin.f32 v35, v11;
	v20 =	vmax.f32 v23, v20  }
0x2aa: {  	v22 =	vmax.f32 v26, v22;
	v23 =	vmax.f32 v27, v63;
	v21 =	vmax.f32 v28, v21  }
0x2ab: {  	v24 =	vmax.f32 v29, v30;
	v11 =	vmax.f32 v25, v11;
	v25 =	vmin.f32 v42, v15  }
0x2ac: {  	v15 =	vmax.f32 v42, v15;
	v26 =	vmin.f32 v10, v25;
	v10 =	vmax.f32 v10, v25  }
0x2ad: {  	v25 =	vmin.f32 v15, v13;
	v13 =	vmax.f32 v15, v13;
	v20 =	vmax.f32 v20, v26  }
0x2ae: {  	v15 =	vmin.f32 v10, v25;
	v10 =	vmax.f32 v10, v25;
	v25 =	vmin.f32 v13, v19  }
0x2af: {  	v13 =	vmax.f32 v13, v19;
	v15 =	vmax.f32 v20, v15;
	v19 =	vmin.f32 v10, v25  }
0x2b0: {  	v10 =	vmax.f32 v10, v25;
	v15 =	vmax.f32 v15, v19;
	v19 =	vmin.f32 v13, v12  }
0x2b1: {  	v12 =	vmax.f32 v13, v12;
	v13 =	vmin.f32 v10, v19;
	v10 =	vmax.f32 v10, v19  }
0x2b2: {  	v13 =	vmax.f32 v15, v13;
	v15 =	vmin.f32 v12, v58;
	v12 =	vmax.f32 v12, v58  }
0x2b3: {  	v19 =	vmin.f32 v10, v15;
	v10 =	vmax.f32 v10, v15;
	v15 =	vmin.f32 v12, v11  }
0x2b4: {  	v11 =	vmax.f32 v12, v11;
	v13 =	vmax.f32 v13, v19;
	v12 =	vmin.f32 v10, v15  }
0x2b5: {  	v10 =	vmax.f32 v10, v15;
	v12 =	vmax.f32 v13, v12;
	v13 =	vmin.f32 v11, v14  }
0x2b6: {  	v11 =	vmax.f32 v11, v14;
	v14 =	vmin.f32 v10, v13;
	v10 =	vmax.f32 v10, v13  }
0x2b7: {  	v13 =	vmin.f32 v11, v59;
	v11 =	vmax.f32 v11, v59;
	v12 =	vmax.f32 v12, v14  }
0x2b8: {  	v14 =	vmin.f32 v10, v13;
	v10 =	vmax.f32 v10, v13;
	v13 =	vmin.f32 v11, v22  }
0x2b9: {  	v11 =	vmax.f32 v11, v22;
	v12 =	vmax.f32 v12, v14;
	v14 =	vmin.f32 v10, v13  }
0x2ba: {  	v10 =	vmax.f32 v10, v13;
	v13 =	vmin.f32 v11, v16;
	v11 =	vmax.f32 v11, v16  }
0x2bb: {  	v12 =	vmax.f32 v12, v14;
	v14 =	vmin.f32 v10, v13;
	v10 =	vmax.f32 v10, v13  }
0x2bc: {  	v13 =	vmin.f32 v11, v60;
	v11 =	vmax.f32 v11, v60;
	v12 =	vmax.f32 v12, v14  }
0x2bd: {  	v14 =	vmin.f32 v10, v13;
	v10 =	vmax.f32 v10, v13;
	v13 =	vmin.f32 v11, v23  }
0x2be: {  	v11 =	vmax.f32 v11, v23;
	v12 =	vmax.f32 v12, v14;
	v14 =	vmin.f32 v10, v13  }
0x2bf: {  	v10 =	vmax.f32 v10, v13;
	v13 =	vmin.f32 v11, v57;
	v11 =	vmax.f32 v11, v57  }
0x2c0: {  	v12 =	vmax.f32 v12, v14;
	v14 =	vmin.f32 v10, v13;
	v10 =	vmax.f32 v10, v13  }
0x2c1: {  	v13 =	vmin.f32 v11, v61;
	v11 =	vmax.f32 v11, v61;
	v12 =	vmax.f32 v12, v14  }
0x2c2: {  	v14 =	vmin.f32 v10, v13;
	v10 =	vmax.f32 v10, v13;
	v13 =	vmin.f32 v11, v21  }
0x2c3: {  	v11 =	vmax.f32 v11, v21;
	v12 =	vmax.f32 v12, v14;
	v14 =	vmin.f32 v10, v13  }
0x2c4: {  	v10 =	vmax.f32 v10, v13;
	v13 =	vmin.f32 v11, v31;
	v11 =	vmax.f32 v11, v31  }
0x2c5: {  	v12 =	vmax.f32 v12, v14;
	v14 =	vmin.f32 v10, v13;
	v10 =	vmax.f32 v10, v13  }
0x2c6: {  	v13 =	vmin.f32 v11, v62;
	v11 =	vmax.f32 v11, v62;
	v12 =	vmax.f32 v12, v14  }
0x2c7: {  	v14 =	vmin.f32 v10, v13;
	v10 =	vmax.f32 v10, v13;
	v13 =	vmin.f32 v11, v24  }
0x2c8: {  	v11 =	vmax.f32 v11, v24;
	v12 =	vmax.f32 v12, v14;
	v14 =	vmin.f32 v10, v13  }
0x2c9: {  	v10 =	vmax.f32 v10, v13;
	v13 =	vmin.f32 v11, v18;
	v11 =	vmax.f32 v11, v18  }
0x2ca: {  	v12 =	vmax.f32 v12, v14;
	v14 =	vmin.f32 v10, v13;
	v10 =	vmax.f32 v10, v13;
	v13 =	vld [tilespmem:$0x7F40]  }
0x2cb: {  	v12 =	vmax.f32 v12, v14;
	v14 =	vmin.f32 v11, v17;
	v11 =	vmax.f32 v11, v17  }
0x2cc: {  	v15 =	vmin.f32 v10, v14;
	v10 =	vmax.f32 v10, v14;
	v14 =	vmin.f32 v11, v9  }
0x2cd: {  	v12 =	vmax.f32 v12, v15;
	v15 =	vmin.f32 v10, v14  }
0x2ce: {  	v9 =	vmax.f32 v11, v9;
	v11 =	vmax.f32 v12, v15  }
0x2cf: {  	v12 =	vadd.s32 v0, v13;
	v11 =	vsub.f32 v9, v11;
	_ =	sdelay $0x1  }
0x2d0: {  	v11 =	vadd.f32 $9.999999960e-13, v11;
	_ =	sdelay $0x1  }
0x2d1: {  	(erf) = vrcp.f32 v11  }
0x2d2: {  	v11 =	vld.idx.msk [tilespmem:v12+s2+$0x0], $0xffff;
	_ =	sdelay $0x3  }
0x2d3: {  	v10 =	vmax.f32 v10, v14  }
0x2d4: {  	v10 =	vsub.f32 v10, v11;
	_ =	sdelay $0x1  }
0x2d5: {  	v10 =	vadd.f32 $0.0e+00, v10  }
0x2d6: {  	v12 =	vpop (erf)  }
0x2d7: {  	vm0 =	veq.f32 v11, v9;
	v9 =	vmul.f32 v10, v12  }
0x2d8: {  	v10 =	vsel vm0, $0x3F800000, v8  }
0x2d9: {  	v9 =	vmul.f32 v9, v10;
	_ =	sdelay $0x1  }
0x2da: {  	[tilespmem:$0x7FC0] =	vst v9  }
0x2db: {  	[tilespmem:s2], [sflag:$0x1] =	stream.linear.gather [hbm4b:s10+s2], $0x3E8, $0x38;
	[tilespmem:$0x8000] =	vst v63  }
0x2dc: {  	s3 =	sadd.s32 $0x7D, s10  }
0x2dd: {  	[tilespmem:s12], [sflag:$0x1] =	stream.linear.gather [hbm4b:s3+s2], $0x3E8, $0x38;
	[tilespmem:$0x8000] =	vst v63  }
0x2de: {  	s16 =	simm.s32 $0x7F0;
	s12 =	sadd.s32 $0xFA, s10  }
0x2df: {  	[tilespmem:s16], [sflag:$0x1] =	stream.linear.gather [hbm4b:s12+s2], $0x3E8, $0x38;
	[tilespmem:$0x8000] =	vst v63  }
0x2e0: {  	s12 =	sadd.s32 $0x177, s10;
	s16 =	simm.s32 $0xBE8  }
0x2e1: {  	[tilespmem:s16], [sflag:$0x1] =	stream.linear.gather [hbm4b:s12+s2], $0x3E8, $0x38;
	[tilespmem:$0x8000] =	vst v63  }
0x2e2: {  	s12 =	sadd.s32 $0x1F4, s10;
	s16 =	simm.s32 $0xFE0  }
0x2e3: {  	[tilespmem:s16], [sflag:$0x1] =	stream.linear.gather [hbm4b:s12+s2], $0x3E8, $0x38;
	[tilespmem:$0x8000] =	vst v63  }
0x2e4: {  	s12 =	sadd.s32 $0x271, s10;
	s16 =	simm.s32 $0x13D8  }
0x2e5: {  	[tilespmem:s16], [sflag:$0x1] =	stream.linear.gather [hbm4b:s12+s2], $0x3E8, $0x38;
	[tilespmem:$0x8000] =	vst v63  }
0x2e6: {  	s12 =	sadd.s32 $0x2EE, s10;
	s16 =	simm.s32 $0x17D0  }
0x2e7: {  	[tilespmem:s16], [sflag:$0x1] =	stream.linear.gather [hbm4b:s12+s2], $0x3E8, $0x38;
	[tilespmem:$0x8000] =	vst v63  }
0x2e8: {  	s12 =	sadd.s32 $0x36B, s10;
	s16 =	simm.s32 $0x1BC8  }
0x2e9: {  	[tilespmem:s16], [sflag:$0x1] =	stream.linear.gather [hbm4b:s12+s2], $0x3E8, $0x38;
	[tilespmem:$0x8000] =	vst v63  }
0x2ea: {  	s12 =	sadd.s32 $0x3E8, s10;
	s16 =	simm.s32 $0x1FC0  }
0x2eb: {  	[tilespmem:s16], [sflag:$0x1] =	stream.linear.gather [hbm4b:s12+s2], $0x3E8, $0x38;
	[tilespmem:$0x8000] =	vst v63  }
0x2ec: {  	s12 =	sadd.s32 $0x465, s10;
	s16 =	simm.s32 $0x23B8  }
0x2ed: {  	[tilespmem:s16], [sflag:$0x1] =	stream.linear.gather [hbm4b:s12+s2], $0x3E8, $0x38;
	[tilespmem:$0x8000] =	vst v63  }
0x2ee: {  	s12 =	sadd.s32 $0x4E2, s10;
	s16 =	simm.s32 $0x27B0  }
0x2ef: {  	[tilespmem:s16], [sflag:$0x1] =	stream.linear.gather [hbm4b:s12+s2], $0x3E8, $0x38;
	[tilespmem:$0x8000] =	vst v63  }
0x2f0: {  	s12 =	sadd.s32 $0x55F, s10;
	s16 =	simm.s32 $0x2BA8  }
0x2f1: {  	[tilespmem:s16], [sflag:$0x1] =	stream.linear.gather [hbm4b:s12+s2], $0x3E8, $0x38;
	[tilespmem:$0x8000] =	vst v63  }
0x2f2: {  	s12 =	sadd.s32 $0x5DC, s10;
	s16 =	simm.s32 $0x2FA0  }
0x2f3: {  	[tilespmem:s16], [sflag:$0x1] =	stream.linear.gather [hbm4b:s12+s2], $0x3E8, $0x38;
	[tilespmem:$0x8000] =	vst v63  }
0x2f4: {  	s12 =	sadd.s32 $0x659, s10;
	s16 =	simm.s32 $0x3398  }
0x2f5: {  	[tilespmem:s16], [sflag:$0x1] =	stream.linear.gather [hbm4b:s12+s2], $0x3E8, $0x38;
	[tilespmem:$0x8000] =	vst v63  }
0x2f6: {  	s12 =	sadd.s32 $0x6D6, s10;
	s16 =	simm.s32 $0x3790  }
0x2f7: {  	v16 =	vimm.s32 $0x0;
	[tilespmem:s16], [sflag:$0x1] =	stream.linear.gather [hbm4b:s12+s2], $0x3E8, $0x38;
	[tilespmem:$0x8000] =	vst v63  }
0x2f8: {  	v34 =	vimm.f32 $-Inf;
	v40 =	vimm.f32 $-Inf;
	v9 =	vadd.s32 v7, v16;
	s12 =	sadd.s32 $0x753, s10;
	s16 =	simm.s32 $0x3B88  }
0x2f9: {  	v41 =	vimm.f32 $-Inf;
	v43 =	vimm.f32 $-Inf;
	v10 =	vadd.s32 v1, v16;
	[tilespmem:s16], [sflag:$0x1] =	stream.linear.gather [hbm4b:s12+s2], $0x3E8, $0x38;
	[tilespmem:$0x8000] =	vst v63  }
0x2fa: {  	v47 =	vimm.f32 $-Inf;
	v39 =	vimm.f32 $-Inf;
	v11 =	vadd.s32 v0, v16;
	_ =	swait.ge [sflag:s1], $0x3E80  }
0x2fb: {  	v51 =	vimm.f32 $-Inf;
	v52 =	vimm.f32 $-Inf;
	v12 =	vadd.s32 v2, v16;
	[sflag:s1] =	ssyncset.done $0x0  }
0x2fc: {  	v49 =	vimm.f32 $-Inf;
	v36 =	vimm.f32 $-Inf;
	v13 =	vadd.s32 v3, v16;
	[sflag:s1] =	ssyncadd.s32 $0xFFFFC180  }
0x2fd: {  	v37 =	vimm.f32 $-Inf;
	v32 =	vimm.f32 $-Inf;
	v14 =	vadd.s32 v4, v16;
	v18 =	vld.idx.msk [tilespmem:v9+s13+$0x0], $0xffff  }
0x2fe: {  	v33 =	vimm.f32 $-Inf;
	v35 =	vimm.f32 $-Inf;
	v22 =	vadd.s32 v6, v16;
	v9 =	vld.idx.msk [tilespmem:v10+s13+$0x0], $0xffff  }
0x2ff: {  	v27 =	vimm.f32 $-Inf;
	v28 =	vimm.f32 $-Inf;
	v29 =	vimm.f32 $-Inf;
	v10 =	vld.idx.msk [tilespmem:v11+s13+$0x0], $0xffff  }
0x300: {  	v30 =	vimm.f32 $-Inf;
	v26 =	vimm.f32 $-Inf;
	v20 =	vadd.s32 v5, v16;
	v12 =	vld.idx.msk [tilespmem:v12+s13+$0x0], $0xffff  }
0x301: {  	v25 =	vimm.f32 $-Inf;
	v21 =	vimm.f32 $-Inf;
	v31 =	vadd.s32 $0x1, v16;
	v19 =	vld.idx.msk [tilespmem:v13+s13+$0x0], $0xffff  }
0x302: {  	v50 =	vadd.s32 v1, v31;
	v48 =	vadd.s32 v2, v31;
	v54 =	vadd.s32 v7, v31;
	v23 =	vld.idx.msk [tilespmem:v14+s13+$0x0], $0xffff  }
0x303: {  	v24 =	vimm.f32 $-Inf;
	v55 =	vld.idx.msk [tilespmem:v22+s13+$0x0], $0xffff;
	v22 =	vimm.f32 $-Inf;
	v17 =	vmin.f32 v21, v18  }
0x304: {  	v38 =	vmin.f32 v21, v9;
	v15 =	vmax.f32 v21, v9;
	v44 =	vmin.f32 v21, v10  }
0x305: {  	v53 =	vld.idx.msk [tilespmem:v20+s13+$0x0], $0xffff;
	v9 =	vmax.f32 v21, v10;
	v42 =	vmin.f32 v21, v12;
	v12 =	vmax.f32 v21, v12  }
0x306: {  	v45 =	vmin.f32 v21, v19;
	v14 =	vmax.f32 v21, v19;
	v11 =	vmin.f32 v21, v17  }
0x307: {  	v13 =	vmax.f32 v21, v38;
	v10 =	vmax.f32 v21, v11;
	v11 =	vmax.f32 v21, v44  }
0x308: {  	s3 =	simm.s32 $0x7B;
	v46 =	vmin.f32 v21, v23;
	v16 =	vmax.f32 v21, v23;
	v23 =	vimm.f32 $-Inf;
	v19 =	vmovc v13;
	v20 =	vmovc v11  }
.LBB2_12:
0x309: {  	p0 =	sne.s32 s3, $0x1;
	v56 =	vadd.s32 v3, v31;
	v57 =	vadd.s32 v4, v31;
	v58 =	vadd.s32 v5, v31  }
0x30a: {  	v59 =	vadd.s32 v0, v31;
	v60 =	vadd.s32 v6, v31;
	v21 =	vmax.f32 v21, v53  }
0x30b: {  	v53 =	vmin.f32 v39, v53;
	v61 =	vmin.f32 v34, v55;
	v34 =	vmax.f32 v34, v55;
	v39 =	vmovc v21  }
0x30c: {  	v35 =	vmax.f32 v35, v42;
	v36 =	vmax.f32 v36, v45;
	v37 =	vmax.f32 v37, v46  }
0x30d: {  	v44 =	vmin.f32 v51, v44;
	v32 =	vmax.f32 v32, v53;
	v33 =	vmax.f32 v33, v61;
	v54 =	vld.idx.msk [tilespmem:v54+s13+$0x0], $0xffff  }
0x30e: {  	v38 =	vmin.f32 v52, v38;
	v40 =	vmin.f32 v40, v42;
	v41 =	vmin.f32 v41, v45;
	v50 =	vld.idx.msk [tilespmem:v50+s13+$0x0], $0xffff  }
0x30f: {  	v43 =	vmin.f32 v43, v46;
	v45 =	vmin.f32 v47, v53;
	v46 =	vmin.f32 v49, v61;
	v42 =	vld.idx.msk [tilespmem:v59+s13+$0x0], $0xffff  }
0x310: {  	v23 =	vmax.f32 v23, v44;
	v24 =	vmax.f32 v24, v38;
	v25 =	vmax.f32 v25, v40;
	v48 =	vld.idx.msk [tilespmem:v48+s13+$0x0], $0xffff  }
0x311: {  	v26 =	vmax.f32 v26, v41;
	v27 =	vmax.f32 v27, v43;
	v28 =	vmax.f32 v28, v45;
	v51 =	vld.idx.msk [tilespmem:v56+s13+$0x0], $0xffff  }
0x312: {  	v30 =	vmax.f32 v30, v18;
	v29 =	vmax.f32 v29, v46;
	v40 =	vmovc v35;
	v41 =	vmov v36;
	v52 =	vld.idx.msk [tilespmem:v57+s13+$0x0], $0xffff  }
0x313: {  	v22 =	vmax.f32 v22, v17;
	v43 =	vmovc v37;
	v17 =	vmin.f32 v30, v54;
	v18 =	vmov v54;
	v53 =	vld.idx.msk [tilespmem:v58+s13+$0x0], $0xffff  }
0x314: {  	v38 =	vmin.f32 v15, v50;
	v15 =	vmax.f32 v15, v50;
	v45 =	vmin.f32 v22, v17;
	v55 =	vld.idx.msk [tilespmem:v60+s13+$0x0], $0xffff  }
.Ltmp5:
0x315: {  	v47 =	vmovc v32;
	v44 =	vmin.f32 v9, v42;
	v9 =	vmax.f32 v9, v42;
	v10 =	vmax.f32 v10, v45;
	(pc) =	sbr.rel @p0 .LBB2_12-.Ltmp5, $4  }
0x316: {  	v49 =	vmovc v33;
	v11 =	vmax.f32 v11, v44;
	v42 =	vmin.f32 v12, v48;
	v12 =	vmax.f32 v12, v48  }
0x317: {  	v13 =	vmax.f32 v13, v38;
	v45 =	vmin.f32 v14, v51;
	v14 =	vmax.f32 v14, v51;
	v51 =	vmovc v20  }
0x318: {  	v31 =	vadd.s32 $0x1, v31;
	v20 =	vmovc v11;
	v46 =	vmin.f32 v16, v52;
	v16 =	vmax.f32 v16, v52;
	v52 =	vmovc v19  }
0x319: {  	s3 =	sadd.s32 $0xFFFFFFFF, s3;
	v54 =	vadd.s32 v7, v31;
	v50 =	vadd.s32 v1, v31;
	v48 =	vadd.s32 v2, v31;
	v19 =	vmovc v13  }
0x31a: {  	v56 =	vadd.s32 v3, v31;
	v57 =	vadd.s32 v4, v31  }
0x31b: {  	v58 =	vadd.s32 v5, v31;
	v59 =	vadd.s32 v0, v31;
	v31 =	vadd.s32 v6, v31  }
0x31c: {  	v21 =	vmax.f32 v21, v53;
	v39 =	vmin.f32 v39, v53;
	v63 =	vmin.f32 v34, v55  }
0x31d: {  	v60 =	vmax.f32 v34, v55;
	v35 =	vmax.f32 v35, v42;
	v36 =	vmax.f32 v36, v45  }
0x31e: {  	v37 =	vmax.f32 v37, v46;
	v54 =	vld.idx.msk [tilespmem:v54+s13+$0x0], $0xffff;
	v44 =	vmin.f32 v51, v44;
	v38 =	vmin.f32 v52, v38  }
0x31f: {  	v50 =	vld.idx.msk [tilespmem:v50+s13+$0x0], $0xffff;
	v40 =	vmin.f32 v40, v42;
	v41 =	vmin.f32 v41, v45;
	v43 =	vmin.f32 v43, v46  }
0x320: {  	v18 =	vmax.f32 v30, v18;
	v33 =	vmax.f32 v33, v63;
	v62 =	vmin.f32 v49, v63;
	v63 =	vld.idx.msk [tilespmem:v48+s13+$0x0], $0xffff  }
0x321: {  	v17 =	vmax.f32 v22, v17;
	v32 =	vmax.f32 v32, v39;
	v39 =	vmin.f32 v47, v39;
	v61 =	vld.idx.msk [tilespmem:v59+s13+$0x0], $0xffff  }
0x322: {  	v23 =	vmax.f32 v23, v44;
	v24 =	vmax.f32 v24, v38;
	v25 =	vmax.f32 v25, v40;
	v48 =	vld.idx.msk [tilespmem:v56+s13+$0x0], $0xffff  }
0x323: {  	v26 =	vmax.f32 v26, v41;
	v27 =	vmax.f32 v27, v43;
	v28 =	vmax.f32 v28, v39;
	v49 =	vld.idx.msk [tilespmem:v57+s13+$0x0], $0xffff  }
0x324: {  	v29 =	vmax.f32 v29, v62;
	v30 =	vld.idx.msk [tilespmem:v58+s13+$0x0], $0xffff;
	v51 =	vmin.f32 v18, v54;
	v22 =	vmin.f32 v15, v50  }
0x325: {  	v15 =	vmax.f32 v15, v50;
	v31 =	vld.idx.msk [tilespmem:v31+s13+$0x0], $0xffff;
	v18 =	vmax.f32 v18, v54;
	v52 =	vmin.f32 v17, v51  }
0x326: {  	v13 =	vmax.f32 v13, v22;
	v19 =	vmin.f32 v19, v22;
	v17 =	vmax.f32 v17, v51  }
0x327: {  	v19 =	vmax.f32 v24, v19;
	v53 =	vmin.f32 v9, v61;
	v42 =	vmax.f32 v9, v61  }
0x328: {  	v9 =	vmax.f32 v10, v52;
	v55 =	vmin.f32 v14, v48;
	v14 =	vmax.f32 v14, v48  }
0x329: {  	v56 =	vmin.f32 v16, v49;
	v16 =	vmax.f32 v16, v49;
	v57 =	vmax.f32 v21, v30  }
0x32a: {  	v21 =	vmin.f32 v21, v30;
	v30 =	vmin.f32 v60, v31;
	v31 =	vmax.f32 v60, v31  }
0x32b: {  	v10 =	vmax.f32 v11, v53;
	v11 =	vmin.f32 v12, v63;
	v12 =	vmax.f32 v12, v63  }
0x32c: {  	v59 =	vmax.f32 v36, v55;
	v60 =	vmax.f32 v37, v56;
	v20 =	vmin.f32 v20, v53  }
0x32d: {  	v61 =	vmax.f32 v32, v21;
	v62 =	vmax.f32 v33, v30;
	v22 =	vmin.f32 v36, v55  }
0x32e: {  	v63 =	vmin.f32 v37, v56;
	v21 =	vmin.f32 v32, v21;
	v30 =	vmin.f32 v33, v30  }
0x32f: {  	v58 =	vmax.f32 v35, v11;
	v11 =	vmin.f32 v35, v11;
	v20 =	vmax.f32 v23, v20  }
0x330: {  	v22 =	vmax.f32 v26, v22;
	v23 =	vmax.f32 v27, v63;
	v21 =	vmax.f32 v28, v21  }
0x331: {  	v24 =	vmax.f32 v29, v30;
	v11 =	vmax.f32 v25, v11;
	v25 =	vmin.f32 v42, v15  }
0x332: {  	v15 =	vmax.f32 v42, v15;
	v26 =	vmin.f32 v10, v25;
	v10 =	vmax.f32 v10, v25  }
0x333: {  	v25 =	vmin.f32 v15, v13;
	v13 =	vmax.f32 v15, v13;
	v20 =	vmax.f32 v20, v26  }
0x334: {  	v15 =	vmin.f32 v10, v25;
	v10 =	vmax.f32 v10, v25;
	v25 =	vmin.f32 v13, v19  }
0x335: {  	v13 =	vmax.f32 v13, v19;
	v15 =	vmax.f32 v20, v15;
	v19 =	vmin.f32 v10, v25  }
0x336: {  	v10 =	vmax.f32 v10, v25;
	v15 =	vmax.f32 v15, v19;
	v19 =	vmin.f32 v13, v12  }
0x337: {  	v12 =	vmax.f32 v13, v12;
	v13 =	vmin.f32 v10, v19;
	v10 =	vmax.f32 v10, v19  }
0x338: {  	v13 =	vmax.f32 v15, v13;
	v15 =	vmin.f32 v12, v58;
	v12 =	vmax.f32 v12, v58  }
0x339: {  	v19 =	vmin.f32 v10, v15;
	v10 =	vmax.f32 v10, v15;
	v15 =	vmin.f32 v12, v11  }
0x33a: {  	v11 =	vmax.f32 v12, v11;
	v13 =	vmax.f32 v13, v19;
	v12 =	vmin.f32 v10, v15  }
0x33b: {  	v10 =	vmax.f32 v10, v15;
	v12 =	vmax.f32 v13, v12;
	v13 =	vmin.f32 v11, v14  }
0x33c: {  	v11 =	vmax.f32 v11, v14;
	v14 =	vmin.f32 v10, v13;
	v10 =	vmax.f32 v10, v13  }
0x33d: {  	v13 =	vmin.f32 v11, v59;
	v11 =	vmax.f32 v11, v59;
	v12 =	vmax.f32 v12, v14  }
0x33e: {  	v14 =	vmin.f32 v10, v13;
	v10 =	vmax.f32 v10, v13;
	v13 =	vmin.f32 v11, v22  }
0x33f: {  	v11 =	vmax.f32 v11, v22;
	v12 =	vmax.f32 v12, v14;
	v14 =	vmin.f32 v10, v13  }
0x340: {  	v10 =	vmax.f32 v10, v13;
	v13 =	vmin.f32 v11, v16;
	v11 =	vmax.f32 v11, v16  }
0x341: {  	v12 =	vmax.f32 v12, v14;
	v14 =	vmin.f32 v10, v13;
	v10 =	vmax.f32 v10, v13  }
0x342: {  	v13 =	vmin.f32 v11, v60;
	v11 =	vmax.f32 v11, v60;
	v12 =	vmax.f32 v12, v14  }
0x343: {  	v14 =	vmin.f32 v10, v13;
	v10 =	vmax.f32 v10, v13;
	v13 =	vmin.f32 v11, v23  }
0x344: {  	v11 =	vmax.f32 v11, v23;
	v12 =	vmax.f32 v12, v14;
	v14 =	vmin.f32 v10, v13  }
0x345: {  	v10 =	vmax.f32 v10, v13;
	v13 =	vmin.f32 v11, v57;
	v11 =	vmax.f32 v11, v57  }
0x346: {  	v12 =	vmax.f32 v12, v14;
	v14 =	vmin.f32 v10, v13;
	v10 =	vmax.f32 v10, v13  }
0x347: {  	v13 =	vmin.f32 v11, v61;
	v11 =	vmax.f32 v11, v61;
	v12 =	vmax.f32 v12, v14  }
0x348: {  	v14 =	vmin.f32 v10, v13;
	v10 =	vmax.f32 v10, v13;
	v13 =	vmin.f32 v11, v21  }
0x349: {  	v11 =	vmax.f32 v11, v21;
	v12 =	vmax.f32 v12, v14;
	v14 =	vmin.f32 v10, v13  }
0x34a: {  	v10 =	vmax.f32 v10, v13;
	v13 =	vmin.f32 v11, v31;
	v11 =	vmax.f32 v11, v31  }
0x34b: {  	v12 =	vmax.f32 v12, v14;
	v14 =	vmin.f32 v10, v13;
	v10 =	vmax.f32 v10, v13  }
0x34c: {  	v13 =	vmin.f32 v11, v62;
	v11 =	vmax.f32 v11, v62;
	v12 =	vmax.f32 v12, v14  }
0x34d: {  	v14 =	vmin.f32 v10, v13;
	v10 =	vmax.f32 v10, v13;
	v13 =	vmin.f32 v11, v24  }
0x34e: {  	v11 =	vmax.f32 v11, v24;
	v12 =	vmax.f32 v12, v14;
	v14 =	vmin.f32 v10, v13  }
0x34f: {  	v10 =	vmax.f32 v10, v13;
	v13 =	vmin.f32 v11, v18;
	v11 =	vmax.f32 v11, v18  }
0x350: {  	v12 =	vmax.f32 v12, v14;
	v14 =	vmin.f32 v10, v13;
	v10 =	vmax.f32 v10, v13;
	v13 =	vld [tilespmem:$0x7F50]  }
0x351: {  	v12 =	vmax.f32 v12, v14;
	v14 =	vmin.f32 v11, v17;
	v11 =	vmax.f32 v11, v17  }
0x352: {  	v15 =	vmin.f32 v10, v14;
	v10 =	vmax.f32 v10, v14;
	v14 =	vmin.f32 v11, v9  }
0x353: {  	v12 =	vmax.f32 v12, v15;
	v15 =	vmin.f32 v10, v14  }
0x354: {  	v9 =	vmax.f32 v11, v9;
	v11 =	vmax.f32 v12, v15  }
0x355: {  	v12 =	vadd.s32 v0, v13;
	v11 =	vsub.f32 v9, v11;
	_ =	sdelay $0x1  }
0x356: {  	v11 =	vadd.f32 $9.999999960e-13, v11;
	_ =	sdelay $0x1  }
0x357: {  	(erf) = vrcp.f32 v11  }
0x358: {  	v11 =	vld.idx.msk [tilespmem:v12+s13+$0x0], $0xffff;
	_ =	sdelay $0x3  }
0x359: {  	v10 =	vmax.f32 v10, v14  }
0x35a: {  	v10 =	vsub.f32 v10, v11;
	_ =	sdelay $0x1  }
0x35b: {  	v10 =	vadd.f32 $0.0e+00, v10  }
0x35c: {  	v12 =	vpop (erf)  }
0x35d: {  	vm0 =	veq.f32 v11, v9;
	v9 =	vmul.f32 v10, v12  }
0x35e: {  	v10 =	vsel vm0, $0x3F800000, v8  }
0x35f: {  	v9 =	vmul.f32 v9, v10;
	_ =	sdelay $0x1  }
0x360: {  	[tilespmem:$0x7FD0] =	vst v9  }
0x361: {  	[tilespmem:s13], [sflag:$0x2] =	stream.linear.gather [hbm4b:s11+s2], $0x3E8, $0x38;
	[tilespmem:$0x8000] =	vst v63  }
0x362: {  	s3 =	sadd.s32 $0x7D, s11;
	s12 =	simm.s32 $0x4378  }
0x363: {  	[tilespmem:s12], [sflag:$0x2] =	stream.linear.gather [hbm4b:s3+s2], $0x3E8, $0x38;
	[tilespmem:$0x8000] =	vst v63  }
0x364: {  	s12 =	sadd.s32 $0xFA, s11  }
0x365: {  	[tilespmem:s18], [sflag:$0x2] =	stream.linear.gather [hbm4b:s12+s2], $0x3E8, $0x38;
	[tilespmem:$0x8000] =	vst v63  }
0x366: {  	s16 =	sadd.s32 $0x177, s11  }
0x367: {  	[tilespmem:s20], [sflag:$0x2] =	stream.linear.gather [hbm4b:s16+s2], $0x3E8, $0x38;
	[tilespmem:$0x8000] =	vst v63  }
0x368: {  	s12 =	sadd.s32 $0x1F4, s11  }
0x369: {  	[tilespmem:s22], [sflag:$0x2] =	stream.linear.gather [hbm4b:s12+s2], $0x3E8, $0x38;
	[tilespmem:$0x8000] =	vst v63  }
0x36a: {  	s16 =	sadd.s32 $0x271, s11  }
0x36b: {  	[tilespmem:s24], [sflag:$0x2] =	stream.linear.gather [hbm4b:s16+s2], $0x3E8, $0x38;
	[tilespmem:$0x8000] =	vst v63  }
0x36c: {  	s12 =	sadd.s32 $0x2EE, s11  }
0x36d: {  	[tilespmem:s17], [sflag:$0x2] =	stream.linear.gather [hbm4b:s12+s2], $0x3E8, $0x38;
	[tilespmem:$0x8000] =	vst v63  }
0x36e: {  	s16 =	sadd.s32 $0x36B, s11  }
0x36f: {  	[tilespmem:s19], [sflag:$0x2] =	stream.linear.gather [hbm4b:s16+s2], $0x3E8, $0x38;
	[tilespmem:$0x8000] =	vst v63  }
0x370: {  	s12 =	sadd.s32 $0x3E8, s11  }
0x371: {  	[tilespmem:s21], [sflag:$0x2] =	stream.linear.gather [hbm4b:s12+s2], $0x3E8, $0x38;
	[tilespmem:$0x8000] =	vst v63  }
0x372: {  	s16 =	sadd.s32 $0x465, s11  }
0x373: {  	[tilespmem:s23], [sflag:$0x2] =	stream.linear.gather [hbm4b:s16+s2], $0x3E8, $0x38;
	[tilespmem:$0x8000] =	vst v63  }
0x374: {  	s12 =	sadd.s32 $0x4E2, s11  }
0x375: {  	[tilespmem:s25], [sflag:$0x2] =	stream.linear.gather [hbm4b:s12+s2], $0x3E8, $0x38;
	[tilespmem:$0x8000] =	vst v63  }
0x376: {  	s16 =	sadd.s32 $0x55F, s11  }
0x377: {  	[tilespmem:s26], [sflag:$0x2] =	stream.linear.gather [hbm4b:s16+s2], $0x3E8, $0x38;
	[tilespmem:$0x8000] =	vst v63  }
0x378: {  	s12 =	sadd.s32 $0x5DC, s11  }
0x379: {  	[tilespmem:s28], [sflag:$0x2] =	stream.linear.gather [hbm4b:s12+s2], $0x3E8, $0x38;
	[tilespmem:$0x8000] =	vst v63  }
0x37a: {  	s16 =	sadd.s32 $0x659, s11  }
0x37b: {  	[tilespmem:s29], [sflag:$0x2] =	stream.linear.gather [hbm4b:s16+s2], $0x3E8, $0x38;
	[tilespmem:$0x8000] =	vst v63  }
0x37c: {  	s12 =	sadd.s32 $0x6D6, s11  }
0x37d: {  	v16 =	vimm.s32 $0x0;
	[tilespmem:s30], [sflag:$0x2] =	stream.linear.gather [hbm4b:s12+s2], $0x3E8, $0x38;
	[tilespmem:$0x8000] =	vst v63  }
0x37e: {  	v34 =	vimm.f32 $-Inf;
	v40 =	vimm.f32 $-Inf;
	v9 =	vadd.s32 v7, v16;
	s16 =	sadd.s32 $0x753, s11  }
0x37f: {  	v41 =	vimm.f32 $-Inf;
	v43 =	vimm.f32 $-Inf;
	v10 =	vadd.s32 v1, v16;
	[tilespmem:s31], [sflag:$0x2] =	stream.linear.gather [hbm4b:s16+s2], $0x3E8, $0x38;
	[tilespmem:$0x8000] =	vst v63  }
0x380: {  	v47 =	vimm.f32 $-Inf;
	v39 =	vimm.f32 $-Inf;
	v11 =	vadd.s32 v0, v16;
	_ =	swait.ge [sflag:s0], $0x3E80  }
0x381: {  	v51 =	vimm.f32 $-Inf;
	v52 =	vimm.f32 $-Inf;
	v12 =	vadd.s32 v2, v16;
	[sflag:s0] =	ssyncset.done $0x0  }
0x382: {  	v49 =	vimm.f32 $-Inf;
	v36 =	vimm.f32 $-Inf;
	v13 =	vadd.s32 v3, v16;
	[sflag:s0] =	ssyncadd.s32 $0xFFFFC180  }
0x383: {  	v37 =	vimm.f32 $-Inf;
	v32 =	vimm.f32 $-Inf;
	v14 =	vadd.s32 v4, v16;
	v18 =	vld.idx.msk [tilespmem:v9+s2+$0x0], $0xffff  }
0x384: {  	v33 =	vimm.f32 $-Inf;
	v35 =	vimm.f32 $-Inf;
	v22 =	vadd.s32 v6, v16;
	v9 =	vld.idx.msk [tilespmem:v10+s2+$0x0], $0xffff  }
0x385: {  	v27 =	vimm.f32 $-Inf;
	v28 =	vimm.f32 $-Inf;
	v29 =	vimm.f32 $-Inf;
	v10 =	vld.idx.msk [tilespmem:v11+s2+$0x0], $0xffff  }
0x386: {  	v30 =	vimm.f32 $-Inf;
	v26 =	vimm.f32 $-Inf;
	v20 =	vadd.s32 v5, v16;
	v12 =	vld.idx.msk [tilespmem:v12+s2+$0x0], $0xffff  }
0x387: {  	v25 =	vimm.f32 $-Inf;
	v21 =	vimm.f32 $-Inf;
	v31 =	vadd.s32 $0x1, v16;
	v19 =	vld.idx.msk [tilespmem:v13+s2+$0x0], $0xffff  }
0x388: {  	v50 =	vadd.s32 v1, v31;
	v48 =	vadd.s32 v2, v31;
	v54 =	vadd.s32 v7, v31;
	v23 =	vld.idx.msk [tilespmem:v14+s2+$0x0], $0xffff  }
0x389: {  	v24 =	vimm.f32 $-Inf;
	v55 =	vld.idx.msk [tilespmem:v22+s2+$0x0], $0xffff;
	v22 =	vimm.f32 $-Inf;
	v17 =	vmin.f32 v21, v18  }
0x38a: {  	v38 =	vmin.f32 v21, v9;
	v15 =	vmax.f32 v21, v9;
	v44 =	vmin.f32 v21, v10  }
0x38b: {  	v53 =	vld.idx.msk [tilespmem:v20+s2+$0x0], $0xffff;
	v9 =	vmax.f32 v21, v10;
	v42 =	vmin.f32 v21, v12;
	v12 =	vmax.f32 v21, v12  }
0x38c: {  	v45 =	vmin.f32 v21, v19;
	v14 =	vmax.f32 v21, v19;
	v11 =	vmin.f32 v21, v17  }
0x38d: {  	v13 =	vmax.f32 v21, v38;
	v10 =	vmax.f32 v21, v11;
	v11 =	vmax.f32 v21, v44  }
0x38e: {  	s3 =	simm.s32 $0x7B;
	v46 =	vmin.f32 v21, v23;
	v16 =	vmax.f32 v21, v23;
	v23 =	vimm.f32 $-Inf;
	v19 =	vmovc v13;
	v20 =	vmovc v11  }
.LBB2_14:
0x38f: {  	p0 =	sne.s32 s3, $0x1;
	v56 =	vadd.s32 v3, v31;
	v57 =	vadd.s32 v4, v31;
	v58 =	vadd.s32 v5, v31  }
0x390: {  	v59 =	vadd.s32 v0, v31;
	v60 =	vadd.s32 v6, v31;
	v21 =	vmax.f32 v21, v53  }
0x391: {  	v53 =	vmin.f32 v39, v53;
	v61 =	vmin.f32 v34, v55;
	v34 =	vmax.f32 v34, v55;
	v39 =	vmovc v21  }
0x392: {  	v35 =	vmax.f32 v35, v42;
	v36 =	vmax.f32 v36, v45;
	v37 =	vmax.f32 v37, v46  }
0x393: {  	v44 =	vmin.f32 v51, v44;
	v32 =	vmax.f32 v32, v53;
	v33 =	vmax.f32 v33, v61;
	v54 =	vld.idx.msk [tilespmem:v54+s2+$0x0], $0xffff  }
0x394: {  	v38 =	vmin.f32 v52, v38;
	v40 =	vmin.f32 v40, v42;
	v41 =	vmin.f32 v41, v45;
	v50 =	vld.idx.msk [tilespmem:v50+s2+$0x0], $0xffff  }
0x395: {  	v43 =	vmin.f32 v43, v46;
	v45 =	vmin.f32 v47, v53;
	v46 =	vmin.f32 v49, v61;
	v42 =	vld.idx.msk [tilespmem:v59+s2+$0x0], $0xffff  }
0x396: {  	v23 =	vmax.f32 v23, v44;
	v24 =	vmax.f32 v24, v38;
	v25 =	vmax.f32 v25, v40;
	v48 =	vld.idx.msk [tilespmem:v48+s2+$0x0], $0xffff  }
0x397: {  	v26 =	vmax.f32 v26, v41;
	v27 =	vmax.f32 v27, v43;
	v28 =	vmax.f32 v28, v45;
	v51 =	vld.idx.msk [tilespmem:v56+s2+$0x0], $0xffff  }
0x398: {  	v30 =	vmax.f32 v30, v18;
	v29 =	vmax.f32 v29, v46;
	v40 =	vmovc v35;
	v41 =	vmov v36;
	v52 =	vld.idx.msk [tilespmem:v57+s2+$0x0], $0xffff  }
0x399: {  	v22 =	vmax.f32 v22, v17;
	v43 =	vmovc v37;
	v17 =	vmin.f32 v30, v54;
	v18 =	vmov v54;
	v53 =	vld.idx.msk [tilespmem:v58+s2+$0x0], $0xffff  }
0x39a: {  	v38 =	vmin.f32 v15, v50;
	v15 =	vmax.f32 v15, v50;
	v45 =	vmin.f32 v22, v17;
	v55 =	vld.idx.msk [tilespmem:v60+s2+$0x0], $0xffff  }
.Ltmp6:
0x39b: {  	v47 =	vmovc v32;
	v44 =	vmin.f32 v9, v42;
	v9 =	vmax.f32 v9, v42;
	v10 =	vmax.f32 v10, v45;
	(pc) =	sbr.rel @p0 .LBB2_14-.Ltmp6, $4  }
0x39c: {  	v49 =	vmovc v33;
	v11 =	vmax.f32 v11, v44;
	v42 =	vmin.f32 v12, v48;
	v12 =	vmax.f32 v12, v48  }
0x39d: {  	v13 =	vmax.f32 v13, v38;
	v45 =	vmin.f32 v14, v51;
	v14 =	vmax.f32 v14, v51;
	v51 =	vmovc v20  }
0x39e: {  	v31 =	vadd.s32 $0x1, v31;
	v20 =	vmovc v11;
	v46 =	vmin.f32 v16, v52;
	v16 =	vmax.f32 v16, v52;
	v52 =	vmovc v19  }
0x39f: {  	s3 =	sadd.s32 $0xFFFFFFFF, s3;
	v54 =	vadd.s32 v7, v31;
	v50 =	vadd.s32 v1, v31;
	v48 =	vadd.s32 v2, v31;
	v19 =	vmovc v13  }
0x3a0: {  	v56 =	vadd.s32 v3, v31;
	v57 =	vadd.s32 v4, v31  }
0x3a1: {  	v58 =	vadd.s32 v5, v31;
	v59 =	vadd.s32 v0, v31;
	v31 =	vadd.s32 v6, v31  }
0x3a2: {  	v21 =	vmax.f32 v21, v53;
	v39 =	vmin.f32 v39, v53;
	v63 =	vmin.f32 v34, v55  }
0x3a3: {  	v60 =	vmax.f32 v34, v55;
	v35 =	vmax.f32 v35, v42;
	v36 =	vmax.f32 v36, v45  }
0x3a4: {  	v37 =	vmax.f32 v37, v46;
	v54 =	vld.idx.msk [tilespmem:v54+s2+$0x0], $0xffff;
	v44 =	vmin.f32 v51, v44;
	v38 =	vmin.f32 v52, v38  }
0x3a5: {  	v50 =	vld.idx.msk [tilespmem:v50+s2+$0x0], $0xffff;
	v40 =	vmin.f32 v40, v42;
	v41 =	vmin.f32 v41, v45;
	v43 =	vmin.f32 v43, v46  }
0x3a6: {  	v18 =	vmax.f32 v30, v18;
	v33 =	vmax.f32 v33, v63;
	v62 =	vmin.f32 v49, v63;
	v63 =	vld.idx.msk [tilespmem:v48+s2+$0x0], $0xffff  }
0x3a7: {  	v17 =	vmax.f32 v22, v17;
	v32 =	vmax.f32 v32, v39;
	v39 =	vmin.f32 v47, v39;
	v61 =	vld.idx.msk [tilespmem:v59+s2+$0x0], $0xffff  }
0x3a8: {  	v23 =	vmax.f32 v23, v44;
	v24 =	vmax.f32 v24, v38;
	v25 =	vmax.f32 v25, v40;
	v48 =	vld.idx.msk [tilespmem:v56+s2+$0x0], $0xffff  }
0x3a9: {  	v26 =	vmax.f32 v26, v41;
	v27 =	vmax.f32 v27, v43;
	v28 =	vmax.f32 v28, v39;
	v49 =	vld.idx.msk [tilespmem:v57+s2+$0x0], $0xffff  }
0x3aa: {  	v29 =	vmax.f32 v29, v62;
	v30 =	vld.idx.msk [tilespmem:v58+s2+$0x0], $0xffff;
	v51 =	vmin.f32 v18, v54;
	v22 =	vmin.f32 v15, v50  }
0x3ab: {  	v15 =	vmax.f32 v15, v50;
	v31 =	vld.idx.msk [tilespmem:v31+s2+$0x0], $0xffff;
	v18 =	vmax.f32 v18, v54;
	v52 =	vmin.f32 v17, v51  }
0x3ac: {  	v13 =	vmax.f32 v13, v22;
	v19 =	vmin.f32 v19, v22;
	v17 =	vmax.f32 v17, v51  }
0x3ad: {  	v19 =	vmax.f32 v24, v19;
	v53 =	vmin.f32 v9, v61;
	v42 =	vmax.f32 v9, v61  }
0x3ae: {  	v9 =	vmax.f32 v10, v52;
	v55 =	vmin.f32 v14, v48;
	v14 =	vmax.f32 v14, v48  }
0x3af: {  	v56 =	vmin.f32 v16, v49;
	v16 =	vmax.f32 v16, v49;
	v57 =	vmax.f32 v21, v30  }
0x3b0: {  	v21 =	vmin.f32 v21, v30;
	v30 =	vmin.f32 v60, v31;
	v31 =	vmax.f32 v60, v31  }
0x3b1: {  	v10 =	vmax.f32 v11, v53;
	v11 =	vmin.f32 v12, v63;
	v12 =	vmax.f32 v12, v63  }
0x3b2: {  	v59 =	vmax.f32 v36, v55;
	v60 =	vmax.f32 v37, v56;
	v20 =	vmin.f32 v20, v53  }
0x3b3: {  	v61 =	vmax.f32 v32, v21;
	v62 =	vmax.f32 v33, v30;
	v22 =	vmin.f32 v36, v55  }
0x3b4: {  	v63 =	vmin.f32 v37, v56;
	v21 =	vmin.f32 v32, v21;
	v30 =	vmin.f32 v33, v30  }
0x3b5: {  	v58 =	vmax.f32 v35, v11;
	v11 =	vmin.f32 v35, v11;
	v20 =	vmax.f32 v23, v20  }
0x3b6: {  	v22 =	vmax.f32 v26, v22;
	v23 =	vmax.f32 v27, v63;
	v21 =	vmax.f32 v28, v21  }
0x3b7: {  	v24 =	vmax.f32 v29, v30;
	v11 =	vmax.f32 v25, v11;
	v25 =	vmin.f32 v42, v15  }
0x3b8: {  	v15 =	vmax.f32 v42, v15;
	v26 =	vmin.f32 v10, v25;
	v10 =	vmax.f32 v10, v25  }
0x3b9: {  	v25 =	vmin.f32 v15, v13;
	v13 =	vmax.f32 v15, v13;
	v20 =	vmax.f32 v20, v26  }
0x3ba: {  	v15 =	vmin.f32 v10, v25;
	v10 =	vmax.f32 v10, v25;
	v25 =	vmin.f32 v13, v19  }
0x3bb: {  	v13 =	vmax.f32 v13, v19;
	v15 =	vmax.f32 v20, v15;
	v19 =	vmin.f32 v10, v25  }
0x3bc: {  	v10 =	vmax.f32 v10, v25;
	v15 =	vmax.f32 v15, v19;
	v19 =	vmin.f32 v13, v12  }
0x3bd: {  	v12 =	vmax.f32 v13, v12;
	v13 =	vmin.f32 v10, v19;
	v10 =	vmax.f32 v10, v19  }
0x3be: {  	v13 =	vmax.f32 v15, v13;
	v15 =	vmin.f32 v12, v58;
	v12 =	vmax.f32 v12, v58  }
0x3bf: {  	v19 =	vmin.f32 v10, v15;
	v10 =	vmax.f32 v10, v15;
	v15 =	vmin.f32 v12, v11  }
0x3c0: {  	v11 =	vmax.f32 v12, v11;
	v13 =	vmax.f32 v13, v19;
	v12 =	vmin.f32 v10, v15  }
0x3c1: {  	v10 =	vmax.f32 v10, v15;
	v12 =	vmax.f32 v13, v12;
	v13 =	vmin.f32 v11, v14  }
0x3c2: {  	v11 =	vmax.f32 v11, v14;
	v14 =	vmin.f32 v10, v13;
	v10 =	vmax.f32 v10, v13  }
0x3c3: {  	v13 =	vmin.f32 v11, v59;
	v11 =	vmax.f32 v11, v59;
	v12 =	vmax.f32 v12, v14  }
0x3c4: {  	v14 =	vmin.f32 v10, v13;
	v10 =	vmax.f32 v10, v13;
	v13 =	vmin.f32 v11, v22  }
0x3c5: {  	v11 =	vmax.f32 v11, v22;
	v12 =	vmax.f32 v12, v14;
	v14 =	vmin.f32 v10, v13  }
0x3c6: {  	v10 =	vmax.f32 v10, v13;
	v13 =	vmin.f32 v11, v16;
	v11 =	vmax.f32 v11, v16  }
0x3c7: {  	v12 =	vmax.f32 v12, v14;
	v14 =	vmin.f32 v10, v13;
	v10 =	vmax.f32 v10, v13  }
0x3c8: {  	v13 =	vmin.f32 v11, v60;
	v11 =	vmax.f32 v11, v60;
	v12 =	vmax.f32 v12, v14  }
0x3c9: {  	v14 =	vmin.f32 v10, v13;
	v10 =	vmax.f32 v10, v13;
	v13 =	vmin.f32 v11, v23  }
0x3ca: {  	v11 =	vmax.f32 v11, v23;
	v12 =	vmax.f32 v12, v14;
	v14 =	vmin.f32 v10, v13  }
0x3cb: {  	v10 =	vmax.f32 v10, v13;
	v13 =	vmin.f32 v11, v57;
	v11 =	vmax.f32 v11, v57  }
0x3cc: {  	v12 =	vmax.f32 v12, v14;
	v14 =	vmin.f32 v10, v13;
	v10 =	vmax.f32 v10, v13  }
0x3cd: {  	v13 =	vmin.f32 v11, v61;
	v11 =	vmax.f32 v11, v61;
	v12 =	vmax.f32 v12, v14  }
0x3ce: {  	v14 =	vmin.f32 v10, v13;
	v10 =	vmax.f32 v10, v13;
	v13 =	vmin.f32 v11, v21  }
0x3cf: {  	v11 =	vmax.f32 v11, v21;
	v12 =	vmax.f32 v12, v14;
	v14 =	vmin.f32 v10, v13  }
0x3d0: {  	v10 =	vmax.f32 v10, v13;
	v13 =	vmin.f32 v11, v31;
	v11 =	vmax.f32 v11, v31  }
0x3d1: {  	v12 =	vmax.f32 v12, v14;
	v14 =	vmin.f32 v10, v13;
	v10 =	vmax.f32 v10, v13  }
0x3d2: {  	v13 =	vmin.f32 v11, v62;
	v11 =	vmax.f32 v11, v62;
	v12 =	vmax.f32 v12, v14  }
0x3d3: {  	v14 =	vmin.f32 v10, v13;
	v10 =	vmax.f32 v10, v13;
	v13 =	vmin.f32 v11, v24  }
0x3d4: {  	v11 =	vmax.f32 v11, v24;
	v12 =	vmax.f32 v12, v14;
	v14 =	vmin.f32 v10, v13  }
0x3d5: {  	v10 =	vmax.f32 v10, v13;
	v13 =	vmin.f32 v11, v18;
	v11 =	vmax.f32 v11, v18  }
0x3d6: {  	v12 =	vmax.f32 v12, v14;
	v14 =	vmin.f32 v10, v13;
	v10 =	vmax.f32 v10, v13;
	v13 =	vld [tilespmem:$0x7F60]  }
0x3d7: {  	v12 =	vmax.f32 v12, v14;
	v14 =	vmin.f32 v11, v17;
	v11 =	vmax.f32 v11, v17  }
0x3d8: {  	v15 =	vmin.f32 v10, v14;
	v10 =	vmax.f32 v10, v14;
	v14 =	vmin.f32 v11, v9  }
0x3d9: {  	v12 =	vmax.f32 v12, v15;
	v15 =	vmin.f32 v10, v14  }
0x3da: {  	v9 =	vmax.f32 v11, v9;
	v11 =	vmax.f32 v12, v15  }
0x3db: {  	v12 =	vadd.s32 v0, v13;
	v11 =	vsub.f32 v9, v11;
	_ =	sdelay $0x1  }
0x3dc: {  	v11 =	vadd.f32 $9.999999960e-13, v11;
	_ =	sdelay $0x1  }
0x3dd: {  	(erf) = vrcp.f32 v11  }
0x3de: {  	v11 =	vld.idx.msk [tilespmem:v12+s2+$0x0], $0xffff;
	_ =	sdelay $0x3  }
0x3df: {  	v10 =	vmax.f32 v10, v14  }
0x3e0: {  	v10 =	vsub.f32 v10, v11;
	_ =	sdelay $0x1  }
0x3e1: {  	v10 =	vadd.f32 $0.0e+00, v10  }
0x3e2: {  	v12 =	vpop (erf)  }
0x3e3: {  	vm0 =	veq.f32 v11, v9;
	v9 =	vmul.f32 v10, v12  }
0x3e4: {  	v10 =	vsel vm0, $0x3F800000, v8  }
0x3e5: {  	v16 =	vimm.s32 $0x0;
	v9 =	vmul.f32 v9, v10  }
0x3e6: {  	v10 =	vadd.s32 v7, v16  }
0x3e7: {  	v34 =	vimm.f32 $-Inf;
	v11 =	vadd.s32 v0, v16;
	[tilespmem:$0x7FE0] =	vst v9  }
0x3e8: {  	v40 =	vimm.f32 $-Inf;
	v41 =	vimm.f32 $-Inf;
	v12 =	vadd.s32 v2, v16;
	_ =	swait.ge [sflag:s1], $0x3E80  }
0x3e9: {  	v43 =	vimm.f32 $-Inf;
	v47 =	vimm.f32 $-Inf;
	v13 =	vadd.s32 v3, v16;
	[sflag:s1] =	ssyncset.done $0x0  }
0x3ea: {  	v39 =	vimm.f32 $-Inf;
	v51 =	vimm.f32 $-Inf;
	v9 =	vadd.s32 v1, v16;
	[sflag:s1] =	ssyncadd.s32 $0xFFFFC180  }
0x3eb: {  	v52 =	vimm.f32 $-Inf;
	v49 =	vimm.f32 $-Inf;
	v36 =	vimm.f32 $-Inf;
	v18 =	vld.idx.msk [tilespmem:v10+s13+$0x0], $0xffff  }
0x3ec: {  	v37 =	vimm.f32 $-Inf;
	v32 =	vimm.f32 $-Inf;
	v14 =	vadd.s32 v4, v16;
	v10 =	vld.idx.msk [tilespmem:v11+s13+$0x0], $0xffff  }
0x3ed: {  	v33 =	vimm.f32 $-Inf;
	v35 =	vimm.f32 $-Inf;
	v22 =	vadd.s32 v6, v16;
	v12 =	vld.idx.msk [tilespmem:v12+s13+$0x0], $0xffff  }
0x3ee: {  	v27 =	vimm.f32 $-Inf;
	v28 =	vimm.f32 $-Inf;
	v29 =	vimm.f32 $-Inf;
	v19 =	vld.idx.msk [tilespmem:v13+s13+$0x0], $0xffff  }
0x3ef: {  	v30 =	vimm.f32 $-Inf;
	v26 =	vimm.f32 $-Inf;
	v20 =	vadd.s32 v5, v16;
	v9 =	vld.idx.msk [tilespmem:v9+s13+$0x0], $0xffff  }
0x3f0: {  	v25 =	vimm.f32 $-Inf;
	v21 =	vimm.f32 $-Inf;
	v31 =	vadd.s32 $0x1, v16  }
0x3f1: {  	v50 =	vadd.s32 v1, v31;
	v48 =	vadd.s32 v2, v31;
	v54 =	vadd.s32 v7, v31;
	v23 =	vld.idx.msk [tilespmem:v14+s13+$0x0], $0xffff  }
0x3f2: {  	v24 =	vimm.f32 $-Inf;
	v55 =	vld.idx.msk [tilespmem:v22+s13+$0x0], $0xffff;
	v22 =	vimm.f32 $-Inf;
	v17 =	vmin.f32 v21, v18  }
0x3f3: {  	v44 =	vmin.f32 v21, v10;
	v42 =	vmin.f32 v21, v12;
	v12 =	vmax.f32 v21, v12  }
0x3f4: {  	v53 =	vld.idx.msk [tilespmem:v20+s13+$0x0], $0xffff;
	v45 =	vmin.f32 v21, v19;
	v14 =	vmax.f32 v21, v19;
	v38 =	vmin.f32 v21, v9  }
0x3f5: {  	v15 =	vmax.f32 v21, v9;
	v11 =	vmin.f32 v21, v17;
	v9 =	vmax.f32 v21, v10  }
0x3f6: {  	v10 =	vmax.f32 v21, v11;
	v11 =	vmax.f32 v21, v44;
	v13 =	vmax.f32 v21, v38  }
0x3f7: {  	s3 =	simm.s32 $0x7B;
	v46 =	vmin.f32 v21, v23;
	v16 =	vmax.f32 v21, v23;
	v23 =	vimm.f32 $-Inf;
	v20 =	vmovc v11;
	v19 =	vmovc v13  }
.LBB2_16:
0x3f8: {  	p0 =	sne.s32 s3, $0x1;
	v56 =	vadd.s32 v3, v31;
	v57 =	vadd.s32 v4, v31;
	v58 =	vadd.s32 v5, v31  }
0x3f9: {  	v59 =	vadd.s32 v0, v31;
	v60 =	vadd.s32 v6, v31;
	v21 =	vmax.f32 v21, v53  }
0x3fa: {  	v53 =	vmin.f32 v39, v53;
	v61 =	vmin.f32 v34, v55;
	v34 =	vmax.f32 v34, v55;
	v39 =	vmovc v21  }
0x3fb: {  	v35 =	vmax.f32 v35, v42;
	v36 =	vmax.f32 v36, v45;
	v37 =	vmax.f32 v37, v46  }
0x3fc: {  	v44 =	vmin.f32 v51, v44;
	v32 =	vmax.f32 v32, v53;
	v33 =	vmax.f32 v33, v61;
	v54 =	vld.idx.msk [tilespmem:v54+s13+$0x0], $0xffff  }
0x3fd: {  	v38 =	vmin.f32 v52, v38;
	v40 =	vmin.f32 v40, v42;
	v41 =	vmin.f32 v41, v45;
	v50 =	vld.idx.msk [tilespmem:v50+s13+$0x0], $0xffff  }
0x3fe: {  	v43 =	vmin.f32 v43, v46;
	v45 =	vmin.f32 v47, v53;
	v46 =	vmin.f32 v49, v61;
	v42 =	vld.idx.msk [tilespmem:v59+s13+$0x0], $0xffff  }
0x3ff: {  	v23 =	vmax.f32 v23, v44;
	v24 =	vmax.f32 v24, v38;
	v25 =	vmax.f32 v25, v40;
	v48 =	vld.idx.msk [tilespmem:v48+s13+$0x0], $0xffff  }
0x400: {  	v26 =	vmax.f32 v26, v41;
	v27 =	vmax.f32 v27, v43;
	v28 =	vmax.f32 v28, v45;
	v51 =	vld.idx.msk [tilespmem:v56+s13+$0x0], $0xffff  }
0x401: {  	v30 =	vmax.f32 v30, v18;
	v29 =	vmax.f32 v29, v46;
	v40 =	vmovc v35;
	v41 =	vmov v36;
	v52 =	vld.idx.msk [tilespmem:v57+s13+$0x0], $0xffff  }
0x402: {  	v22 =	vmax.f32 v22, v17;
	v43 =	vmovc v37;
	v17 =	vmin.f32 v30, v54;
	v18 =	vmov v54;
	v53 =	vld.idx.msk [tilespmem:v58+s13+$0x0], $0xffff  }
0x403: {  	v38 =	vmin.f32 v15, v50;
	v15 =	vmax.f32 v15, v50;
	v45 =	vmin.f32 v22, v17;
	v55 =	vld.idx.msk [tilespmem:v60+s13+$0x0], $0xffff  }
.Ltmp7:
0x404: {  	v47 =	vmovc v32;
	v44 =	vmin.f32 v9, v42;
	v9 =	vmax.f32 v9, v42;
	v10 =	vmax.f32 v10, v45;
	(pc) =	sbr.rel @p0 .LBB2_16-.Ltmp7, $4  }
0x405: {  	v49 =	vmovc v33;
	v11 =	vmax.f32 v11, v44;
	v42 =	vmin.f32 v12, v48;
	v12 =	vmax.f32 v12, v48  }
0x406: {  	v13 =	vmax.f32 v13, v38;
	v45 =	vmin.f32 v14, v51;
	v14 =	vmax.f32 v14, v51;
	v51 =	vmovc v20  }
0x407: {  	v31 =	vadd.s32 $0x1, v31;
	v20 =	vmovc v11;
	v46 =	vmin.f32 v16, v52;
	v16 =	vmax.f32 v16, v52;
	v52 =	vmovc v19  }
0x408: {  	s3 =	sadd.s32 $0xFFFFFFFF, s3;
	v54 =	vadd.s32 v7, v31;
	v50 =	vadd.s32 v1, v31;
	v48 =	vadd.s32 v2, v31;
	v19 =	vmovc v13  }
0x409: {  	v56 =	vadd.s32 v3, v31;
	v57 =	vadd.s32 v4, v31  }
0x40a: {  	v58 =	vadd.s32 v5, v31;
	v59 =	vadd.s32 v0, v31;
	v61 =	vadd.s32 v6, v31  }
0x40b: {  	v21 =	vmax.f32 v21, v53;
	v39 =	vmin.f32 v39, v53;
	v62 =	vmin.f32 v34, v55  }
0x40c: {  	v34 =	vmax.f32 v34, v55;
	v35 =	vmax.f32 v35, v42;
	v36 =	vmax.f32 v36, v45  }
0x40d: {  	v37 =	vmax.f32 v37, v46;
	v54 =	vld.idx.msk [tilespmem:v54+s13+$0x0], $0xffff;
	v44 =	vmin.f32 v51, v44;
	v38 =	vmin.f32 v52, v38  }
0x40e: {  	v50 =	vld.idx.msk [tilespmem:v50+s13+$0x0], $0xffff;
	v40 =	vmin.f32 v40, v42;
	v41 =	vmin.f32 v41, v45;
	v43 =	vmin.f32 v43, v46  }
0x40f: {  	v18 =	vmax.f32 v30, v18;
	v17 =	vmax.f32 v22, v17;
	v32 =	vmax.f32 v32, v39  }
0x410: {  	v33 =	vmax.f32 v33, v62;
	v39 =	vmin.f32 v47, v39;
	v49 =	vmin.f32 v49, v62;
	v63 =	vld.idx.msk [tilespmem:v59+s13+$0x0], $0xffff  }
0x411: {  	v23 =	vmax.f32 v23, v44;
	v24 =	vmax.f32 v24, v38;
	v25 =	vmax.f32 v25, v40;
	v52 =	vld.idx.msk [tilespmem:v56+s13+$0x0], $0xffff  }
0x412: {  	v26 =	vmax.f32 v26, v41;
	v27 =	vmax.f32 v27, v43;
	v28 =	vmax.f32 v28, v39;
	v53 =	vld.idx.msk [tilespmem:v57+s13+$0x0], $0xffff  }
0x413: {  	v29 =	vmax.f32 v29, v49;
	v55 =	vld.idx.msk [tilespmem:v58+s13+$0x0], $0xffff;
	v56 =	vmin.f32 v18, v54;
	v57 =	vmin.f32 v15, v50  }
0x414: {  	v58 =	vmax.f32 v15, v50;
	v31 =	vld.idx.msk [tilespmem:v61+s13+$0x0], $0xffff;
	v18 =	vmax.f32 v18, v54;
	v59 =	vmin.f32 v17, v56  }
0x415: {  	v51 =	vld.idx.msk [tilespmem:v48+s13+$0x0], $0xffff;
	v13 =	vmax.f32 v13, v57;
	v19 =	vmin.f32 v19, v57;
	v17 =	vmax.f32 v17, v56  }
0x416: {  	v19 =	vmax.f32 v24, v19;
	v60 =	vmin.f32 v9, v63;
	v42 =	vmax.f32 v9, v63  }
0x417: {  	v9 =	vmax.f32 v10, v59;
	v61 =	vmin.f32 v14, v52;
	v14 =	vmax.f32 v14, v52  }
0x418: {  	v62 =	vmin.f32 v16, v53;
	v16 =	vmax.f32 v16, v53;
	v39 =	vmax.f32 v21, v55  }
0x419: {  	v21 =	vmin.f32 v21, v55;
	v63 =	vmin.f32 v34, v31;
	v31 =	vmax.f32 v34, v31  }
0x41a: {  	v10 =	vmax.f32 v11, v60;
	v11 =	vmin.f32 v12, v51;
	v12 =	vmax.f32 v12, v51  }
0x41b: {  	v48 =	vmax.f32 v36, v61;
	v49 =	vmax.f32 v37, v62;
	v20 =	vmin.f32 v20, v60  }
0x41c: {  	v50 =	vmax.f32 v32, v21;
	v46 =	vmax.f32 v33, v63;
	v51 =	vmin.f32 v36, v61  }
0x41d: {  	v52 =	vmin.f32 v37, v62;
	v21 =	vmin.f32 v32, v21;
	v30 =	vmin.f32 v33, v63  }
0x41e: {  	v55 =	vmin.f32 v42, v58;
	v15 =	vmax.f32 v42, v58;
	v34 =	vmax.f32 v35, v11  }
0x41f: {  	v11 =	vmin.f32 v35, v11;
	v20 =	vmax.f32 v23, v20;
	v22 =	vmax.f32 v26, v51  }
0x420: {  	v53 =	vmax.f32 v27, v52;
	v21 =	vmax.f32 v28, v21;
	v24 =	vmax.f32 v29, v30  }
0x421: {  	v56 =	vmin.f32 v10, v55;
	v10 =	vmax.f32 v10, v55;
	v57 =	vmin.f32 v15, v13  }
0x422: {  	v13 =	vmax.f32 v15, v13;
	v11 =	vmax.f32 v25, v11;
	v20 =	vmax.f32 v20, v56  }
0x423: {  	v58 =	vmin.f32 v10, v57;
	v10 =	vmax.f32 v10, v57;
	v59 =	vmin.f32 v13, v19  }
0x424: {  	v13 =	vmax.f32 v13, v19;
	v15 =	vmax.f32 v20, v58;
	v60 =	vmin.f32 v10, v59  }
0x425: {  	v10 =	vmax.f32 v10, v59;
	v61 =	vmin.f32 v13, v12;
	v12 =	vmax.f32 v13, v12  }
0x426: {  	v15 =	vmax.f32 v15, v60;
	v62 =	vmin.f32 v10, v61;
	v10 =	vmax.f32 v10, v61  }
0x427: {  	v63 =	vmin.f32 v12, v34;
	v12 =	vmax.f32 v12, v34;
	v13 =	vmax.f32 v15, v62  }
0x428: {  	v19 =	vmin.f32 v10, v63;
	v10 =	vmax.f32 v10, v63;
	v25 =	vmin.f32 v12, v11  }
0x429: {  	v11 =	vmax.f32 v12, v11;
	v13 =	vmax.f32 v13, v19;
	v26 =	vmin.f32 v10, v25  }
0x42a: {  	v10 =	vmax.f32 v10, v25;
	v27 =	vmin.f32 v11, v14;
	v11 =	vmax.f32 v11, v14  }
0x42b: {  	v12 =	vmax.f32 v13, v26;
	v28 =	vmin.f32 v10, v27;
	v10 =	vmax.f32 v10, v27  }
0x42c: {  	v29 =	vmin.f32 v11, v48;
	v11 =	vmax.f32 v11, v48;
	v12 =	vmax.f32 v12, v28  }
0x42d: {  	v30 =	vmin.f32 v10, v29;
	v10 =	vmax.f32 v10, v29;
	v32 =	vmin.f32 v11, v22  }
0x42e: {  	v11 =	vmax.f32 v11, v22;
	v12 =	vmax.f32 v12, v30;
	v33 =	vmin.f32 v10, v32  }
0x42f: {  	v10 =	vmax.f32 v10, v32;
	v34 =	vmin.f32 v11, v16;
	v11 =	vmax.f32 v11, v16  }
0x430: {  	v12 =	vmax.f32 v12, v33;
	v35 =	vmin.f32 v10, v34;
	v10 =	vmax.f32 v10, v34  }
0x431: {  	v36 =	vmin.f32 v11, v49;
	v11 =	vmax.f32 v11, v49;
	v12 =	vmax.f32 v12, v35  }
0x432: {  	v37 =	vmin.f32 v10, v36;
	v10 =	vmax.f32 v10, v36;
	v38 =	vmin.f32 v11, v53  }
0x433: {  	v11 =	vmax.f32 v11, v53;
	v12 =	vmax.f32 v12, v37;
	v40 =	vmin.f32 v10, v38  }
0x434: {  	v10 =	vmax.f32 v10, v38;
	v41 =	vmin.f32 v11, v39;
	v11 =	vmax.f32 v11, v39  }
0x435: {  	v12 =	vmax.f32 v12, v40;
	v42 =	vmin.f32 v10, v41;
	v10 =	vmax.f32 v10, v41  }
0x436: {  	v44 =	vmin.f32 v11, v50;
	v11 =	vmax.f32 v11, v50;
	v12 =	vmax.f32 v12, v42  }
0x437: {  	v45 =	vmin.f32 v10, v44;
	v10 =	vmax.f32 v10, v44;
	v47 =	vmin.f32 v11, v21  }
0x438: {  	v11 =	vmax.f32 v11, v21;
	v12 =	vmax.f32 v12, v45;
	v48 =	vmin.f32 v10, v47  }
0x439: {  	v10 =	vmax.f32 v10, v47;
	v49 =	vmin.f32 v11, v31;
	v11 =	vmax.f32 v11, v31  }
0x43a: {  	v12 =	vmax.f32 v12, v48;
	v50 =	vmin.f32 v10, v49;
	v10 =	vmax.f32 v10, v49  }
0x43b: {  	v51 =	vmin.f32 v11, v46;
	v11 =	vmax.f32 v11, v46;
	v12 =	vmax.f32 v12, v50  }
0x43c: {  	v52 =	vmin.f32 v10, v51;
	v10 =	vmax.f32 v10, v51;
	v53 =	vmin.f32 v11, v24  }
0x43d: {  	v11 =	vmax.f32 v11, v24;
	v12 =	vmax.f32 v12, v52;
	v54 =	vmin.f32 v10, v53  }
0x43e: {  	v10 =	vmax.f32 v10, v53;
	v55 =	vmin.f32 v11, v18;
	v11 =	vmax.f32 v11, v18  }
0x43f: {  	v57 =	vld [tilespmem:$0x7F70];
	v12 =	vmax.f32 v12, v54;
	v56 =	vmin.f32 v10, v55;
	v10 =	vmax.f32 v10, v55  }
0x440: {  	v58 =	vmin.f32 v11, v17;
	v11 =	vmax.f32 v11, v17;
	v12 =	vmax.f32 v12, v56  }
0x441: {  	v59 =	vmin.f32 v10, v58;
	v10 =	vmax.f32 v10, v58;
	v60 =	vmin.f32 v11, v9  }
0x442: {  	v12 =	vmax.f32 v12, v59;
	v61 =	vmin.f32 v10, v60  }
0x443: {  	v9 =	vmax.f32 v11, v9;
	v11 =	vmax.f32 v12, v61  }
0x444: {  	v62 =	vadd.s32 v0, v57;
	v11 =	vsub.f32 v9, v11;
	_ =	sdelay $0x1  }
0x445: {  	v11 =	vadd.f32 $9.999999960e-13, v11;
	_ =	sdelay $0x1  }
0x446: {  	(erf) = vrcp.f32 v11  }
0x447: {  	v11 =	vld.idx.msk [tilespmem:v62+s13+$0x0], $0xffff;
	_ =	sdelay $0x3  }
0x448: {  	v10 =	vmax.f32 v10, v60  }
0x449: {  	v10 =	vsub.f32 v10, v11;
	_ =	sdelay $0x1  }
0x44a: {  	v10 =	vadd.f32 $0.0e+00, v10  }
0x44b: {  	v63 =	vpop (erf)  }
0x44c: {  	vm0 =	veq.f32 v11, v9;
	v9 =	vmul.f32 v10, v63  }
0x44d: {  	v10 =	vsel vm0, $0x3F800000, v8  }
0x44e: {  	v9 =	vmul.f32 v9, v10;
	_ =	sdelay $0x1  }
0x44f: {  	s3 =	rddreg [dreg:$0x5];
	s12 =	simm.s32 $0x7F80;
	[tilespmem:$0x7FF0] =	vst v9  }
0x450: {  	[hbm4b:s3+s2] =	stream.linear.scatter [tilespmem:s12], [sflag:$0x3], $0x80, $0x38;
	[tilespmem:$0x8000] =	vst v63  }
0x451: {  	_ =	swait.ge [sflag:s15], $0x80  }
0x452: {  	s14 =	sadd.s32 $0x1, s14;
	s16 =	rddreg [dreg:$0x6]  }
0x453: {  	p0 =	sne.s32 s14, s16  }
.Ltmp8:
0x454: {  	_ = 	snop;
	(pc) =	sbr.rel @p0 .LBB2_1-.Ltmp8, $3  }
0x455: {  	_ =	sdelay $0x1  }
0x456: {  	[sflag:s15] =	ssyncset.done $0x0  }
0x457: {  	[sflag:s15] =	ssyncadd.s32 $0xFFFFFF80  }
0x458: {  	_ =	sfence.sel $0x180000  }
0x459: {  	[bflag:$0x0] =	sbarrier.arrive $0xFFFF  }
0x45a: {  	_ =	strace $0x90000047  }
0x45b: {  	s0 =	stileid.u32;
	[bflag:$0x2] =	sbarrier.arrive $0xFFFF  }
0x45c: {  	p0 =	sne.s32 s0, $0x0;
	s0 =	rddreg [dreg:$0x3]  }
0x45d: {  	s0 =	sadd.s32 @!p0 $0x100000, s0  }
0x45e: {  	[sflag:s0] =	ssyncadd.tile.s32 @!p0 $0x1;
	_ =	shalt  }
.Lfunc_end2:
_tile_overlayer_lowered:
.L_overlay_start_2:
0x45f: {  	(tag) =	ssettag $0x2  }
0x460: {  	s0 =	rddreg [dreg:$0x0];
	s2 =	stileid.u32  }
0x461: {  	s1 =	rddreg [dreg:$0x1];
	p0 =	sne.s32 s2, $0x0  }
0x462: {  	s3 =	rddreg [dreg:$0x2];
	[bflag:$0x3] =	sbarrier.arrive $0xFFFF;
	s2 =	simm.s32 @!p0 $0x1C03  }
0x463: {  	[timem:s3], [sflag:s2] =	dma.local @!p0 [hbm:s0], s1  }
0x464: {  	s0 =	simm.s32 @!p0 $0x3  }
0x465: {  	_ =	swait.ge @!p0 [sflag:s0], s1  }
0x466: {  	s1 =	ssub.s32 @!p0 $0x0, s1;
	[sflag:s0] =	ssyncset.done @!p0 $0x0  }
0x467: {  	[sflag:s0] =	ssyncadd.s32 @!p0 s1  }
0x468: {  	[bflag:$0x3] =	sbarrier.arrive $0xFFFF  }
0x469: {  	_ =	shalt  }

</sc_bundles>
